<compile_context>
chip_gen: v7x
topology: tpu7x:2x2x1
jax: 0.10.2.dev20260603
libtpu: 0.0.44.dev20260713+nightly
codegen_flags: <defaults>
</compile_context>

<pallas_src>
import functools
import jax
import jax.numpy as jnp
from jax import lax
from jax.experimental import pallas as pl
from jax.experimental.pallas import tpu as pltpu
from jax.experimental.pallas import tpu_sc as plsc

EPS = 1e-6
BN_EPS = 1e-5
NEG_SLOPE = 0.2
K = 20
B, N = 4, 1024
BN_ = B * N
BNK = B * N * K
RB = 128
PA = 32
RG = PA * K



def _knn_body(x_ref, o_ref):
    b = pl.program_id(0)
    ib = pl.program_id(1)
    x = x_ref[...]
    rows = x_ref[pl.ds(ib * RB, RB), :]
    E = lax.dot_general(rows.astype(jnp.bfloat16), x.astype(jnp.bfloat16),
                        (((1,), (1,)), ((), ())),
                        preferred_element_type=jnp.float32)
    xx = jnp.sum(x * x, axis=1)
    xxr = jnp.sum(rows * rows, axis=1)
    dist = 2.0 * E - xxr[:, None]
    dist = dist - xx[None, :]
    iota = lax.broadcasted_iota(jnp.int32, (RB, N), 1)
    sel = []
    for _ in range(K):
        m = jnp.max(dist, axis=1, keepdims=True)
        cand = jnp.where(dist == m, iota, N)
        am = jnp.min(cand, axis=1, keepdims=True)
        sel.append(am)
        dist = jnp.where(iota == am, -jnp.inf, dist)
    o_ref[...] = jnp.concatenate(sel, axis=1) + b * N


def _knn_idx(X_nd):
    C = X_nd.shape[2]
    return pl.pallas_call(
        _knn_body,
        grid=(B, N // RB),
        in_specs=[pl.BlockSpec((None, N, C), lambda b, i: (b, 0, 0))],
        out_specs=pl.BlockSpec((None, RB, K), lambda b, i: (b, i, 0)),
        out_shape=jax.ShapeDtypeStruct((B, N, K), jnp.int32),
    )(X_nd)



def _sc_gather(table, gidx, Cg, chunk=160):
    info = plsc.get_sparse_core_info()
    NC, NS = info.num_cores, info.num_subcores
    NW = NC * NS
    per_w = BNK // NW
    nch = per_w // chunk
    mesh = plsc.VectorSubcoreMesh(core_axis_name="c", subcore_axis_name="s")

    @functools.partial(
        pl.kernel, mesh=mesh,
        out_type=jax.ShapeDtypeStruct((BNK, Cg), jnp.float32),
        scratch_types=[
            pltpu.VMEM((per_w,), jnp.int32),
            pltpu.VMEM((chunk, Cg), jnp.float32),
            pltpu.VMEM((chunk, Cg), jnp.float32),
            pltpu.SemaphoreType.DMA,
            pltpu.SemaphoreType.DMA,
        ],
    )
    def k(table_hbm, gidx_hbm, out_hbm, idx_v, rows0_v, rows1_v, sem0, sem1):
        wid = lax.axis_index("s") * NC + lax.axis_index("c")
        base = wid * per_w
        pltpu.sync_copy(gidx_hbm.at[pl.ds(base, per_w)], idx_v)
        rows = (rows0_v, rows1_v)
        sems = (sem0, sem1)

        pltpu.async_copy(table_hbm.at[idx_v.at[pl.ds(0, chunk)]], rows0_v, sem0)

        def body(i, carry):
            for par in range(2):
                @pl.when(i % 2 == par)
                def _():
                    @pl.when(i + 1 < nch)
                    def _():
                        pltpu.async_copy(
                            table_hbm.at[idx_v.at[pl.ds((i + 1) * chunk, chunk)]],
                            rows[1 - par], sems[1 - par])
                    pltpu.make_async_copy(table_hbm.at[idx_v.at[pl.ds(i * chunk, chunk)]],
                                          rows[par], sems[par]).wait()
                    pltpu.sync_copy(rows[par], out_hbm.at[pl.ds(base + i * chunk, chunk)])
            return carry

        lax.fori_loop(0, nch, body, 0)

    return k(table, gidx)



def _passA_body(g_ref, c_ref, wdt_ref, pd_ref, st_ref, *, nd):
    r = pl.program_id(0)
    Cf = 3 * nd
    g = g_ref[...]
    c = c_ref[...]
    crep = jnp.repeat(c, K, axis=0)
    fn = g[:, :Cf] - crep
    wdt = wdt_ref[...]
    fcats = []
    for j in range(3):
        fnj = fn[:, j * nd:(j + 1) * nd]
        cj = crep[:, j * nd:(j + 1) * nd]
        fcats.append(jnp.concatenate([fnj, cj], axis=1))
    fcat = jnp.concatenate(fcats, axis=0).astype(jnp.bfloat16)
    pdj = lax.dot_general(fcat, wdt, (((1,), (0,)), ((), ())),
                          preferred_element_type=jnp.float32)
    ps = [pdj[j * RG:(j + 1) * RG, :64] for j in range(3)]
    ds = [pdj[j * RG:(j + 1) * RG, 64:] for j in range(3)]
    norm = jnp.sqrt(ps[0] * ps[0] + ps[1] * ps[1] + ps[2] * ps[2]) + EPS
    s1 = jnp.sum(norm, axis=0)
    s2 = jnp.sum(norm * norm, axis=0)
    st = jnp.stack([s1, s2], axis=0)

    @pl.when(r == 0)
    def _():
        st_ref[...] = jnp.zeros_like(st_ref)

    st_ref[...] += st
    pd_ref[...] = jnp.concatenate(ps + ds, axis=1)


def _passA(G, Xj, WDt, nd):
    Cg = G.shape[1]
    Cf = 3 * nd
    grid = (BNK // RG,)
    return pl.pallas_call(
        functools.partial(_passA_body, nd=nd),
        grid=grid,
        in_specs=[
            pl.BlockSpec((RG, Cg), lambda r: (r, 0)),
            pl.BlockSpec((PA, Cf), lambda r: (r, 0)),
            pl.BlockSpec((2 * nd, 128), lambda r: (0, 0)),
        ],
        out_specs=[
            pl.BlockSpec((RG, 384), lambda r: (r, 0)),
            pl.BlockSpec((2, 64), lambda r: (0, 0)),
        ],
        out_shape=[
            jax.ShapeDtypeStruct((BNK, 384), jnp.float32),
            jax.ShapeDtypeStruct((2, 64), jnp.float32),
        ],
    )(G, Xj, WDt)



def _passB_body(pd_ref, st_ref, g_ref, b_ref, o_ref):
    pd = pd_ref[...]
    st = st_ref[...]
    gm = g_ref[...]
    bt = b_ref[...]
    Mf = jnp.float32(BNK)
    mu = st[0:1, :] / Mf
    var = st[1:2, :] / Mf - mu * mu
    p = [pd[:, j * 64:(j + 1) * 64] for j in range(3)]
    d = [pd[:, 192 + j * 64:192 + (j + 1) * 64] for j in range(3)]
    norm = jnp.sqrt(p[0] * p[0] + p[1] * p[1] + p[2] * p[2]) + EPS
    norm_bn = (norm - mu) / jnp.sqrt(var + BN_EPS) * gm + bt
    pbn = [(p[j] / norm) * norm_bn for j in range(3)]
    dot = pbn[0] * d[0] + pbn[1] * d[1] + pbn[2] * d[2]
    dsq = d[0] * d[0] + d[1] * d[1] + d[2] * d[2]
    mask = (dot >= 0).astype(jnp.float32)
    rr = dot / (dsq + EPS)
    outs = []
    for j in range(3):
        oj = NEG_SLOPE * pbn[j] + (1.0 - NEG_SLOPE) * (
            mask * pbn[j] + (1.0 - mask) * (pbn[j] - rr * d[j]))
        outs.append(jnp.mean(oj.reshape(PA, K, 64), axis=1))
    o_ref[...] = jnp.concatenate(outs, axis=1)


def _passB(PD, stats, g, b):
    grid = (BNK // RG,)
    return pl.pallas_call(
        _passB_body,
        grid=grid,
        in_specs=[
            pl.BlockSpec((RG, 384), lambda r: (r, 0)),
            pl.BlockSpec((2, 64), lambda r: (0, 0)),
            pl.BlockSpec((1, 64), lambda r: (0, 0)),
            pl.BlockSpec((1, 64), lambda r: (0, 0)),
        ],
        out_specs=pl.BlockSpec((PA, 192), lambda r: (r, 0)),
        out_shape=jax.ShapeDtypeStruct((BN_, 192), jnp.float32),
    )(PD, stats, g.reshape(1, 64), b.reshape(1, 64))



RF = 512


def _finalA_body(x1_ref, x2_ref, x3_ref, x4_ref, wt_ref, dt_ref, p_ref, dv_ref, st_ref):
    r = pl.program_id(0)
    xs = [x1_ref[...], x2_ref[...], x3_ref[...], x4_ref[...]]
    wt = wt_ref[...]
    dt = dt_ref[...]
    ps, dvs = [], []
    for j in range(3):
        xc = jnp.concatenate([x[:, j * 64:(j + 1) * 64] for x in xs], axis=1)
        xc = xc.astype(jnp.bfloat16)
        ps.append(lax.dot_general(xc, wt, (((1,), (0,)), ((), ())),
                                  preferred_element_type=jnp.float32))
        dvs.append(lax.dot_general(xc, dt, (((1,), (0,)), ((), ())),
                                   preferred_element_type=jnp.float32))
    norm = jnp.sqrt(ps[0] * ps[0] + ps[1] * ps[1] + ps[2] * ps[2]) + EPS
    s1 = jnp.sum(norm, axis=0)
    s2 = jnp.sum(norm * norm, axis=0)
    st = jnp.stack([s1, s2], axis=0)

    @pl.when(r == 0)
    def _():
        st_ref[...] = jnp.zeros_like(st_ref)

    st_ref[...] += st
    p_ref[...] = jnp.concatenate(ps, axis=1)
    dv_ref[...] = jnp.concatenate(dvs, axis=1)


def _finalB_body(p_ref, dv_ref, st_ref, g_ref, b_ref, o_ref):
    r = pl.program_id(0)
    pf = p_ref[...]
    dv = dv_ref[...]
    st = st_ref[...]
    gm = g_ref[...]
    bt = b_ref[...]
    Mf = jnp.float32(BN_)
    mu = st[0:1, :] / Mf
    var = st[1:2, :] / Mf - mu * mu
    p = [pf[:, j * 128:(j + 1) * 128] for j in range(3)]
    d = [dv[:, j * 8:j * 8 + 1] for j in range(3)]
    norm = jnp.sqrt(p[0] * p[0] + p[1] * p[1] + p[2] * p[2]) + EPS
    norm_bn = (norm - mu) / jnp.sqrt(var + BN_EPS) * gm + bt
    pbn = [(p[j] / norm) * norm_bn for j in range(3)]
    dot = pbn[0] * d[0] + pbn[1] * d[1] + pbn[2] * d[2]
    dsq = d[0] * d[0] + d[1] * d[1] + d[2] * d[2]
    mask = (dot >= 0).astype(jnp.float32)
    rr = dot / (dsq + EPS)
    outs = []
    for j in range(3):
        oj = NEG_SLOPE * pbn[j] + (1.0 - NEG_SLOPE) * (
            mask * pbn[j] + (1.0 - mask) * (pbn[j] - rr * d[j]))
        outs.append(jnp.sum(oj, axis=0, keepdims=True) * (1.0 / N))
    o = jnp.concatenate(outs, axis=0)

    nb = N // RF

    @pl.when(r % nb == 0)
    def _():
        o_ref[...] = jnp.zeros_like(o_ref)

    o_ref[...] += o


def _final(x1, x2, x3, x4, Wct, Dct, gc, bc):
    grid = (BN_ // RF,)
    nb = N // RF
    PF, DV, ST = pl.pallas_call(
        _finalA_body,
        grid=grid,
        in_specs=[pl.BlockSpec((RF, 192), lambda r: (r, 0))] * 4 + [
            pl.BlockSpec((256, 128), lambda r: (0, 0)),
            pl.BlockSpec((256, 8), lambda r: (0, 0)),
        ],
        out_specs=[
            pl.BlockSpec((RF, 384), lambda r: (r, 0)),
            pl.BlockSpec((RF, 24), lambda r: (r, 0)),
            pl.BlockSpec((2, 128), lambda r: (0, 0)),
        ],
        out_shape=[
            jax.ShapeDtypeStruct((BN_, 384), jnp.float32),
            jax.ShapeDtypeStruct((BN_, 24), jnp.float32),
            jax.ShapeDtypeStruct((2, 128), jnp.float32),
        ],
    )(x1, x2, x3, x4, Wct, Dct)
    out = pl.pallas_call(
        _finalB_body,
        grid=grid,
        in_specs=[
            pl.BlockSpec((RF, 384), lambda r: (r, 0)),
            pl.BlockSpec((RF, 24), lambda r: (r, 0)),
            pl.BlockSpec((2, 128), lambda r: (0, 0)),
            pl.BlockSpec((1, 128), lambda r: (0, 0)),
            pl.BlockSpec((1, 128), lambda r: (0, 0)),
        ],
        out_specs=pl.BlockSpec((None, 3, 128), lambda r: (r // nb, 0, 0)),
        out_shape=jax.ShapeDtypeStruct((B, 3, 128), jnp.float32),
    )(PF, DV, ST, gc.reshape(1, 128), bc.reshape(1, 128))
    return out



def _layer(X_nd, Xj, table, W, D, g, b, nd):
    idx = _knn_idx(X_nd).reshape(BNK)
    G = _sc_gather(table, idx, table.shape[1])
    WDt = jnp.concatenate([W.T, D.T], axis=1).astype(jnp.bfloat16)
    PD, stats = _passA(G, Xj, WDt, nd)
    Xn_j = _passB(PD, stats, g, b)
    return Xn_j


def kernel(x, W1, D1, g1, b1, W2, D2, g2, b2, W3, D3, g3, b3, W4, D4, g4, b4, Wc, Dc, gc, bc):
    X1_nd = x
    X1j = x.reshape(BN_, 3)
    t1 = jnp.pad(X1j, ((0, 0), (0, 125)))
    x1 = _layer(X1_nd, X1j, t1, W1, D1, g1, b1, 1)

    def prep(Xj):
        X_nd = Xj.reshape(BN_, 3, 64).transpose(0, 2, 1).reshape(B, N, 192)
        tab = jnp.pad(Xj, ((0, 0), (0, 64)))
        return X_nd, tab

    X_nd, tab = prep(x1)
    x2 = _layer(X_nd, x1, tab, W2, D2, g2, b2, 64)
    X_nd, tab = prep(x2)
    x3 = _layer(X_nd, x2, tab, W3, D3, g3, b3, 64)
    X_nd, tab = prep(x3)
    x4 = _layer(X_nd, x3, tab, W4, D4, g4, b4, 64)

    Wct = Wc.T.astype(jnp.bfloat16)
    Dct = jnp.pad(Dc.T, ((0, 0), (0, 7))).astype(jnp.bfloat16)
    out = _final(x1, x2, x3, x4, Wct, Dct, gc, bc)
    return jnp.transpose(out, (0, 2, 1))

# --- scband reference (transcript-rebuilt; emitter-appended) ---
"""Pipeline reference for scband-vnn-dgcnn-37795712205046 (READ-ONLY COPY).

The authoritative reference and input builder live on the scoring server;
editing this copy changes nothing except your own understanding.
"""

import jax, jax.numpy as jnp
import numpy as np

EPS = 1e-6
BN_EPS = 1e-5
NEG_SLOPE = 0.2
K = 20


def knn(x, k):
    # x: [B, C, N]
    inner = -2.0 * jnp.einsum('bcn,bcm->bnm', x, x)
    xx = jnp.sum(x * x, axis=1)
    pairwise = -xx[:, :, None] - inner - xx[:, None, :]
    _, idx = jax.lax.top_k(pairwise, k)
    return idx  # [B, N, k]


def get_graph_feature(x, k):
    # x: [B, nd, 3, N]  (vector-neuron features)
    B, nd, _, N = x.shape
    xf = x.reshape(B, nd * 3, N)
    idx = knn(xf, k)
    xt = jnp.transpose(xf, (0, 2, 1))  # [B, N, nd*3]
    feature = jax.vmap(lambda xb, ib: xb[ib])(xt, idx)  # [B, N, k, nd*3]
    feature = feature.reshape(B, N, k, nd, 3)
    xc = xt.reshape(B, N, 1, nd, 3)
    xcb = jnp.broadcast_to(xc, (B, N, k, nd, 3))
    feature = jnp.concatenate([feature - xcb, xcb], axis=3)  # [B, N, k, 2nd, 3]
    return jnp.transpose(feature, (0, 3, 4, 1, 2))  # [B, 2nd, 3, N, k]


def vn_batchnorm(p, gamma, beta):
    # BatchNorm over the vector norms (torch training-mode batch stats, gamma=1/beta=0 semantics preserved)
    norm = jnp.sqrt(jnp.sum(p * p, axis=2)) + EPS  # [B, C, ...]
    axes = (0,) + tuple(range(2, norm.ndim))
    mean = jnp.mean(norm, axis=axes, keepdims=True)
    var = jnp.mean((norm - mean) ** 2, axis=axes, keepdims=True)
    shape = (1, gamma.shape[0]) + (1,) * (norm.ndim - 2)
    norm_bn = (norm - mean) / jnp.sqrt(var + BN_EPS) * gamma.reshape(shape) + beta.reshape(shape)
    return p / norm[:, :, None] * norm_bn[:, :, None]


def vn_linear_leaky_relu(x, W_feat, W_dir, gamma, beta):
    # x: [B, C_in, 3, ...]
    p = jnp.einsum('oi,bi...->bo...', W_feat, x)
    p = vn_batchnorm(p, gamma, beta)
    d = jnp.einsum('oi,bi...->bo...', W_dir, x)
    dotprod = jnp.sum(p * d, axis=2, keepdims=True)
    mask = (dotprod >= 0).astype(p.dtype)
    d_norm_sq = jnp.sum(d * d, axis=2, keepdims=True)
    return NEG_SLOPE * p + (1.0 - NEG_SLOPE) * (mask * p + (1.0 - mask) * (p - (dotprod / (d_norm_sq + EPS)) * d))


def setup_inputs(seed: int = 0):
    key = jax.random.key(seed)
    ks = jax.random.split(key, 12)
    B, N = 4, 1024
    hidden, c_dim = 64, 128
    def lin(k, o, i):
        return jax.random.normal(k, (o, i), dtype=jnp.float32) * (1.0 / np.sqrt(i))
    inp = {}
    inp['x'] = jax.random.normal(ks[0], (B, N, 3), dtype=jnp.float32)
    inp['W1'] = lin(ks[1], hidden, 2);           inp['D1'] = lin(ks[2], hidden, 2)
    inp['g1'] = jnp.ones((hidden,), jnp.float32); inp['b1'] = jnp.zeros((hidden,), jnp.float32)
    inp['W2'] = lin(ks[3], hidden, hidden * 2);  inp['D2'] = lin(ks[4], hidden, hidden * 2)
    inp['g2'] = jnp.ones((hidden,), jnp.float32); inp['b2'] = jnp.zeros((hidden,), jnp.float32)
    inp['W3'] = lin(ks[5], hidden, hidden * 2);  inp['D3'] = lin(ks[6], hidden, hidden * 2)
    inp['g3'] = jnp.ones((hidden,), jnp.float32); inp['b3'] = jnp.zeros((hidden,), jnp.float32)
    inp['W4'] = lin(ks[7], hidden, hidden * 2);  inp['D4'] = lin(ks[8], hidden, hidden * 2)
    inp['g4'] = jnp.ones((hidden,), jnp.float32); inp['b4'] = jnp.zeros((hidden,), jnp.float32)
    inp['Wc'] = lin(ks[9], c_dim, hidden * 4);   inp['Dc'] = lin(ks[10], 1, hidden * 4)  # share_nonlinearity=True
    inp['gc'] = jnp.ones((c_dim,), jnp.float32); inp['bc'] = jnp.zeros((c_dim,), jnp.float32)
    return inp


def reference(x, W1, D1, g1, b1, W2, D2, g2, b2, W3, D3, g3, b3, W4, D4, g4, b4, Wc, Dc, gc, bc):
    # x: [B, N, 3] -> unsqueeze(1).transpose(2,3) -> [B, 1, 3, N]
    xv = jnp.transpose(x[:, None, :, :], (0, 1, 3, 2))
    f = get_graph_feature(xv, K)
    f = vn_linear_leaky_relu(f, W1, D1, g1, b1)
    x1 = jnp.mean(f, axis=-1)
    f = get_graph_feature(x1, K)
    f = vn_linear_leaky_relu(f, W2, D2, g2, b2)
    x2 = jnp.mean(f, axis=-1)
    f = get_graph_feature(x2, K)
    f = vn_linear_leaky_relu(f, W3, D3, g3, b3)
    x3 = jnp.mean(f, axis=-1)
    f = get_graph_feature(x3, K)
    f = vn_linear_leaky_relu(f, W4, D4, g4, b4)
    x4 = jnp.mean(f, axis=-1)
    xc = jnp.concatenate([x1, x2, x3, x4], axis=1)  # [B, 256, 3, N]
    out = vn_linear_leaky_relu(xc, Wc, Dc, gc, bc)  # [B, 128, 3, N]
    return jnp.mean(out, axis=-1)  # [B, 128, 3]

if __name__ == "__main__":
    import jax
    _d = setup_inputs()
    print(jax.jit(kernel)(*tuple(_d.values())))

</pallas_src>

<mosaic_0001>
#map = affine_map<(d0, d1) -> (0, 0)>
#map1 = affine_map<(d0, d1) -> (0)>
module attributes {stable_mosaic.version = 14 : i64} {
  func.func @k(%arg0: i32, %arg1: i32, %arg2: memref<4096x256xf32, #tpu.memory_space<hbm>>, %arg3: memref<81920xi32, #tpu.memory_space<hbm>>, %arg4: memref<81920x256xf32, #tpu.memory_space<hbm>>, %arg5: memref<2560xi32, #tpu.memory_space<vmem>>, %arg6: memref<160x256xf32, #tpu.memory_space<vmem>>, %arg7: memref<160x256xf32, #tpu.memory_space<vmem>>, %arg8: memref<!tpu.dma_semaphore, #tpu.memory_space<semaphore_mem>>, %arg9: memref<!tpu.dma_semaphore, #tpu.memory_space<semaphore_mem>>) attributes {dimension_semantics = [#tpu.dimension_semantics<core_parallel>, #tpu.dimension_semantics<subcore_parallel>], iteration_bounds = array<i64: 2, 16>, scalar_prefetch = 0 : i64, scratch_operands = 5 : i64, tpu.core_type = #tpu.core_type<sc_vector_subcore>, window_params = [{transform_indices = #map}, {transform_indices = #map1}, {transform_indices = #map}]} {
    %mul3A = arith.constant 2 : i32
    %mul3A_0 = arith.muli %arg1, %mul3A : i32
    %add3A = arith.addi %mul3A_0, %arg0 : i32
    %mul3A_1 = arith.constant 2560 : i32
    %mul3A_2 = arith.muli %add3A, %mul3A_1 : i32
    "tpu.region"() ({
      %run_scoped3A = tpu.sem_alloc : memref<!tpu.dma_semaphore, #tpu.memory_space<semaphore_mem>>
      %dma_start3A_12 = tpu.memref_slice %arg3[%mul3A_2] : memref<81920xi32, #tpu.memory_space<hbm>> -> memref<2560xi32, #tpu.memory_space<hbm>>
      %dma_start3A_13 = tpu.memref_slice %arg3[%mul3A_2] : memref<81920xi32, #tpu.memory_space<hbm>> -> memref<2560xi32, #tpu.memory_space<hbm>>
      tpu.enqueue_dma source(%dma_start3A_13 : memref<2560xi32, #tpu.memory_space<hbm>>) target(%arg5 : memref<2560xi32, #tpu.memory_space<vmem>>) target_semaphore(%run_scoped3A : memref<!tpu.dma_semaphore, #tpu.memory_space<semaphore_mem>>)
      %dma_wait3A = tpu.memref_slice %arg3[%mul3A_2] : memref<81920xi32, #tpu.memory_space<hbm>> -> memref<2560xi32, #tpu.memory_space<hbm>>
      %dma_wait3A_14 = tpu.memref_slice %arg3[%mul3A_2] : memref<81920xi32, #tpu.memory_space<hbm>> -> memref<2560xi32, #tpu.memory_space<hbm>>
      tpu.wait_dma2 semaphore(%run_scoped3A : memref<!tpu.dma_semaphore, #tpu.memory_space<semaphore_mem>>) src(%dma_wait3A_14 : memref<2560xi32, #tpu.memory_space<hbm>>) dst(%arg5 : memref<2560xi32, #tpu.memory_space<vmem>>)
      tpu.yield
    }) : () -> ()
    %dma_start3A = arith.constant 0 : i32
    %dma_start3A_3 = tpu.memref_slice %arg5[%dma_start3A] : memref<2560xi32, #tpu.memory_space<vmem>> -> memref<160xi32, #tpu.memory_space<vmem>>
    %dma_start3A_4 = arith.constant 0 : i32
    %dma_start3A_5 = arith.constant 0 : i32
    %dma_start3A_6 = tpu.memref_slice %arg2[%dma_start3A_4, %dma_start3A_5] : memref<4096x256xf32, #tpu.memory_space<hbm>> -> memref<4096x256xf32, #tpu.memory_space<hbm>>
    tpu.enqueue_indirect_dma source(%dma_start3A_6 : memref<4096x256xf32, #tpu.memory_space<hbm>>) target(%arg6 : memref<160x256xf32, #tpu.memory_space<vmem>>) offsets(%dma_start3A_3 : memref<160xi32, #tpu.memory_space<vmem>>) semaphore(%arg8 : memref<!tpu.dma_semaphore, #tpu.memory_space<semaphore_mem>>)
    %scan3A = arith.constant 0 : i32
    %scan3A_7 = arith.constant 0 : i32
    %scan3A_8 = arith.constant 16 : i32
    %scan3A_9 = arith.addi %scan3A_7, %scan3A_8 : i32
    %scan3A_10 = arith.constant 1 : i32
    scf.for %scan3A_12 = %scan3A_7 to %scan3A_9 step %scan3A_10  : i32 {
      %jit3A = arith.constant 2 : i32
      %eq3A = arith.constant 0 : i32
      %eq3A_13 = arith.cmpi eq, %jit3A, %eq3A : i32
      %jit3A_14 = arith.constant 1 : i32
      %select_n3A = arith.select %eq3A_13, %jit3A_14, %jit3A : i32
      %rem3A = arith.remsi %scan3A_12, %select_n3A : i32
      %ne3A = arith.constant 0 : i32
      %ne3A_15 = arith.cmpi ne, %rem3A, %ne3A : i32
      %lt3A = arith.constant 0 : i32
      %lt3A_16 = arith.cmpi slt, %rem3A, %lt3A : i32
      %lt3A_17 = arith.constant 0 : i32
      %lt3A_18 = arith.cmpi slt, %select_n3A, %lt3A_17 : i32
      %ne3A_19 = arith.xori %lt3A_16, %lt3A_18 : i1
      %and3A = arith.andi %ne3A_19, %ne3A_15 : i1
      %add3A_20 = arith.addi %rem3A, %select_n3A : i32
      %select_n3A_21 = arith.select %and3A, %add3A_20, %rem3A : i32
      %eq3A_22 = arith.constant 0 : i32
      %eq3A_23 = arith.cmpi eq, %select_n3A_21, %eq3A_22 : i32
      %convert_element_type3A = arith.extui %eq3A_23 : i1 to i32
      %cond3A = arith.constant 0 : i32
      %cond3A_24 = arith.cmpi ne, %convert_element_type3A, %cond3A : i32
      scf.if %cond3A_24 {
        %add3A_46 = arith.constant 1 : i32
        %add3A_47 = arith.addi %scan3A_12, %add3A_46 : i32
        %lt3A_48 = arith.constant 16 : i32
        %lt3A_49 = arith.cmpi slt, %add3A_47, %lt3A_48 : i32
        %convert_element_type3A_50 = arith.extui %lt3A_49 : i1 to i32
        %cond3A_51 = arith.constant 0 : i32
        %cond3A_52 = arith.cmpi ne, %convert_element_type3A_50, %cond3A_51 : i32
        scf.if %cond3A_52 {
          %add3A_61 = arith.constant 1 : i32
          %add3A_62 = arith.addi %scan3A_12, %add3A_61 : i32
          %mul3A_63 = arith.constant 160 : i32
          %mul3A_64 = arith.muli %add3A_62, %mul3A_63 : i32
          %dma_start3A_65 = tpu.memref_slice %arg5[%mul3A_64] : memref<2560xi32, #tpu.memory_space<vmem>> -> memref<160xi32, #tpu.memory_space<vmem>>
          %dma_start3A_66 = arith.constant 0 : i32
          %dma_start3A_67 = arith.constant 0 : i32
          %dma_start3A_68 = tpu.memref_slice %arg2[%dma_start3A_66, %dma_start3A_67] : memref<4096x256xf32, #tpu.memory_space<hbm>> -> memref<4096x256xf32, #tpu.memory_space<hbm>>
          tpu.enqueue_indirect_dma source(%dma_start3A_68 : memref<4096x256xf32, #tpu.memory_space<hbm>>) target(%arg7 : memref<160x256xf32, #tpu.memory_space<vmem>>) offsets(%dma_start3A_65 : memref<160xi32, #tpu.memory_space<vmem>>) semaphore(%arg9 : memref<!tpu.dma_semaphore, #tpu.memory_space<semaphore_mem>>)
        } else {
        }
        %mul3A_53 = arith.constant 160 : i32
        %mul3A_54 = arith.muli %scan3A_12, %mul3A_53 : i32
        %dma_wait3A = tpu.memref_slice %arg5[%mul3A_54] : memref<2560xi32, #tpu.memory_space<vmem>> -> memref<160xi32, #tpu.memory_space<vmem>>
        %dma_wait3A_55 = arith.constant 0 : i32
        %dma_wait3A_56 = arith.constant 0 : i32
        %dma_wait3A_57 = tpu.memref_slice %arg2[%dma_wait3A_55, %dma_wait3A_56] : memref<4096x256xf32, #tpu.memory_space<hbm>> -> memref<4096x256xf32, #tpu.memory_space<hbm>>
        tpu.wait_indirect_dma semaphore(%arg8 : memref<!tpu.dma_semaphore, #tpu.memory_space<semaphore_mem>>) src(%dma_wait3A_57 : memref<4096x256xf32, #tpu.memory_space<hbm>>) dst(%arg6 : memref<160x256xf32, #tpu.memory_space<vmem>>)
        %mul3A_58 = arith.constant 160 : i32
        %mul3A_59 = arith.muli %scan3A_12, %mul3A_58 : i32
        %add3A_60 = arith.addi %mul3A_2, %mul3A_59 : i32
        "tpu.region"() ({
          %run_scoped3A = tpu.sem_alloc : memref<!tpu.dma_semaphore, #tpu.memory_space<semaphore_mem>>
          %dma_start3A_61 = arith.constant 0 : i32
          %dma_start3A_62 = tpu.memref_slice %arg4[%add3A_60, %dma_start3A_61] : memref<81920x256xf32, #tpu.memory_space<hbm>> -> memref<160x256xf32, #tpu.memory_space<hbm>>
          %dma_start3A_63 = arith.constant 0 : i32
          %dma_start3A_64 = tpu.memref_slice %arg4[%add3A_60, %dma_start3A_63] : memref<81920x256xf32, #tpu.memory_space<hbm>> -> memref<160x256xf32, #tpu.memory_space<hbm>>
          tpu.enqueue_dma source(%arg6 : memref<160x256xf32, #tpu.memory_space<vmem>>) target(%dma_start3A_64 : memref<160x256xf32, #tpu.memory_space<hbm>>) target_semaphore(%run_scoped3A : memref<!tpu.dma_semaphore, #tpu.memory_space<semaphore_mem>>)
          %dma_wait3A_65 = arith.constant 0 : i32
          %dma_wait3A_66 = tpu.memref_slice %arg4[%add3A_60, %dma_wait3A_65] : memref<81920x256xf32, #tpu.memory_space<hbm>> -> memref<160x256xf32, #tpu.memory_space<hbm>>
          %dma_wait3A_67 = arith.constant 0 : i32
          %dma_wait3A_68 = tpu.memref_slice %arg4[%add3A_60, %dma_wait3A_67] : memref<81920x256xf32, #tpu.memory_space<hbm>> -> memref<160x256xf32, #tpu.memory_space<hbm>>
          tpu.wait_dma2 semaphore(%run_scoped3A : memref<!tpu.dma_semaphore, #tpu.memory_space<semaphore_mem>>) src(%arg6 : memref<160x256xf32, #tpu.memory_space<vmem>>) dst(%dma_wait3A_68 : memref<160x256xf32, #tpu.memory_space<hbm>>)
          tpu.yield
        }) : () -> ()
      } else {
      }
      %jit3A_25 = arith.constant 2 : i32
      %eq3A_26 = arith.constant 0 : i32
      %eq3A_27 = arith.cmpi eq, %jit3A_25, %eq3A_26 : i32
      %jit3A_28 = arith.constant 1 : i32
      %select_n3A_29 = arith.select %eq3A_27, %jit3A_28, %jit3A_25 : i32
      %rem3A_30 = arith.remsi %scan3A_12, %select_n3A_29 : i32
      %ne3A_31 = arith.constant 0 : i32
      %ne3A_32 = arith.cmpi ne, %rem3A_30, %ne3A_31 : i32
      %lt3A_33 = arith.constant 0 : i32
      %lt3A_34 = arith.cmpi slt, %rem3A_30, %lt3A_33 : i32
      %lt3A_35 = arith.constant 0 : i32
      %lt3A_36 = arith.cmpi slt, %select_n3A_29, %lt3A_35 : i32
      %ne3A_37 = arith.xori %lt3A_34, %lt3A_36 : i1
      %and3A_38 = arith.andi %ne3A_37, %ne3A_32 : i1
      %add3A_39 = arith.addi %rem3A_30, %select_n3A_29 : i32
      %select_n3A_40 = arith.select %and3A_38, %add3A_39, %rem3A_30 : i32
      %eq3A_41 = arith.constant 1 : i32
      %eq3A_42 = arith.cmpi eq, %select_n3A_40, %eq3A_41 : i32
      %convert_element_type3A_43 = arith.extui %eq3A_42 : i1 to i32
      %cond3A_44 = arith.constant 0 : i32
      %cond3A_45 = arith.cmpi ne, %convert_element_type3A_43, %cond3A_44 : i32
      scf.if %cond3A_45 {
        %add3A_46 = arith.constant 1 : i32
        %add3A_47 = arith.addi %scan3A_12, %add3A_46 : i32
        %lt3A_48 = arith.constant 16 : i32
        %lt3A_49 = arith.cmpi slt, %add3A_47, %lt3A_48 : i32
        %convert_element_type3A_50 = arith.extui %lt3A_49 : i1 to i32
        %cond3A_51 = arith.constant 0 : i32
        %cond3A_52 = arith.cmpi ne, %convert_element_type3A_50, %cond3A_51 : i32
        scf.if %cond3A_52 {
          %add3A_61 = arith.constant 1 : i32
          %add3A_62 = arith.addi %scan3A_12, %add3A_61 : i32
          %mul3A_63 = arith.constant 160 : i32
          %mul3A_64 = arith.muli %add3A_62, %mul3A_63 : i32
          %dma_start3A_65 = tpu.memref_slice %arg5[%mul3A_64] : memref<2560xi32, #tpu.memory_space<vmem>> -> memref<160xi32, #tpu.memory_space<vmem>>
          %dma_start3A_66 = arith.constant 0 : i32
          %dma_start3A_67 = arith.constant 0 : i32
          %dma_start3A_68 = tpu.memref_slice %arg2[%dma_start3A_66, %dma_start3A_67] : memref<4096x256xf32, #tpu.memory_space<hbm>> -> memref<4096x256xf32, #tpu.memory_space<hbm>>
          tpu.enqueue_indirect_dma source(%dma_start3A_68 : memref<4096x256xf32, #tpu.memory_space<hbm>>) target(%arg6 : memref<160x256xf32, #tpu.memory_space<vmem>>) offsets(%dma_start3A_65 : memref<160xi32, #tpu.memory_space<vmem>>) semaphore(%arg8 : memref<!tpu.dma_semaphore, #tpu.memory_space<semaphore_mem>>)
        } else {
        }
        %mul3A_53 = arith.constant 160 : i32
        %mul3A_54 = arith.muli %scan3A_12, %mul3A_53 : i32
        %dma_wait3A = tpu.memref_slice %arg5[%mul3A_54] : memref<2560xi32, #tpu.memory_space<vmem>> -> memref<160xi32, #tpu.memory_space<vmem>>
        %dma_wait3A_55 = arith.constant 0 : i32
        %dma_wait3A_56 = arith.constant 0 : i32
        %dma_wait3A_57 = tpu.memref_slice %arg2[%dma_wait3A_55, %dma_wait3A_56] : memref<4096x256xf32, #tpu.memory_space<hbm>> -> memref<4096x256xf32, #tpu.memory_space<hbm>>
        tpu.wait_indirect_dma semaphore(%arg9 : memref<!tpu.dma_semaphore, #tpu.memory_space<semaphore_mem>>) src(%dma_wait3A_57 : memref<4096x256xf32, #tpu.memory_space<hbm>>) dst(%arg7 : memref<160x256xf32, #tpu.memory_space<vmem>>)
        %mul3A_58 = arith.constant 160 : i32
        %mul3A_59 = arith.muli %scan3A_12, %mul3A_58 : i32
        %add3A_60 = arith.addi %mul3A_2, %mul3A_59 : i32
        "tpu.region"() ({
          %run_scoped3A = tpu.sem_alloc : memref<!tpu.dma_semaphore, #tpu.memory_space<semaphore_mem>>
          %dma_start3A_61 = arith.constant 0 : i32
          %dma_start3A_62 = tpu.memref_slice %arg4[%add3A_60, %dma_start3A_61] : memref<81920x256xf32, #tpu.memory_space<hbm>> -> memref<160x256xf32, #tpu.memory_space<hbm>>
          %dma_start3A_63 = arith.constant 0 : i32
          %dma_start3A_64 = tpu.memref_slice %arg4[%add3A_60, %dma_start3A_63] : memref<81920x256xf32, #tpu.memory_space<hbm>> -> memref<160x256xf32, #tpu.memory_space<hbm>>
          tpu.enqueue_dma source(%arg7 : memref<160x256xf32, #tpu.memory_space<vmem>>) target(%dma_start3A_64 : memref<160x256xf32, #tpu.memory_space<hbm>>) target_semaphore(%run_scoped3A : memref<!tpu.dma_semaphore, #tpu.memory_space<semaphore_mem>>)
          %dma_wait3A_65 = arith.constant 0 : i32
          %dma_wait3A_66 = tpu.memref_slice %arg4[%add3A_60, %dma_wait3A_65] : memref<81920x256xf32, #tpu.memory_space<hbm>> -> memref<160x256xf32, #tpu.memory_space<hbm>>
          %dma_wait3A_67 = arith.constant 0 : i32
          %dma_wait3A_68 = tpu.memref_slice %arg4[%add3A_60, %dma_wait3A_67] : memref<81920x256xf32, #tpu.memory_space<hbm>> -> memref<160x256xf32, #tpu.memory_space<hbm>>
          tpu.wait_dma2 semaphore(%run_scoped3A : memref<!tpu.dma_semaphore, #tpu.memory_space<semaphore_mem>>) src(%arg7 : memref<160x256xf32, #tpu.memory_space<vmem>>) dst(%dma_wait3A_68 : memref<160x256xf32, #tpu.memory_space<hbm>>)
          tpu.yield
        }) : () -> ()
      } else {
      }
    }
    %scan3A_11 = arith.constant 16 : i32
    return
  }
}

#map = affine_map<(d0, d1) -> (0, 0)>
#map1 = affine_map<(d0, d1) -> (0)>
module attributes {stable_mosaic.version = 14 : i64} {
  func.func @k(%arg0: i32, %arg1: i32, %arg2: memref<4096x128xf32, #tpu.memory_space<hbm>>, %arg3: memref<81920xi32, #tpu.memory_space<hbm>>, %arg4: memref<81920x128xf32, #tpu.memory_space<hbm>>, %arg5: memref<2560xi32, #tpu.memory_space<vmem>>, %arg6: memref<160x128xf32, #tpu.memory_space<vmem>>, %arg7: memref<160x128xf32, #tpu.memory_space<vmem>>, %arg8: memref<!tpu.dma_semaphore, #tpu.memory_space<semaphore_mem>>, %arg9: memref<!tpu.dma_semaphore, #tpu.memory_space<semaphore_mem>>) attributes {dimension_semantics = [#tpu.dimension_semantics<core_parallel>, #tpu.dimension_semantics<subcore_parallel>], iteration_bounds = array<i64: 2, 16>, scalar_prefetch = 0 : i64, scratch_operands = 5 : i64, tpu.core_type = #tpu.core_type<sc_vector_subcore>, window_params = [{transform_indices = #map}, {transform_indices = #map1}, {transform_indices = #map}]} {
    %mul3A = arith.constant 2 : i32
    %mul3A_0 = arith.muli %arg1, %mul3A : i32
    %add3A = arith.addi %mul3A_0, %arg0 : i32
    %mul3A_1 = arith.constant 2560 : i32
    %mul3A_2 = arith.muli %add3A, %mul3A_1 : i32
    "tpu.region"() ({
      %run_scoped3A = tpu.sem_alloc : memref<!tpu.dma_semaphore, #tpu.memory_space<semaphore_mem>>
      %dma_start3A_12 = tpu.memref_slice %arg3[%mul3A_2] : memref<81920xi32, #tpu.memory_space<hbm>> -> memref<2560xi32, #tpu.memory_space<hbm>>
      %dma_start3A_13 = tpu.memref_slice %arg3[%mul3A_2] : memref<81920xi32, #tpu.memory_space<hbm>> -> memref<2560xi32, #tpu.memory_space<hbm>>
      tpu.enqueue_dma source(%dma_start3A_13 : memref<2560xi32, #tpu.memory_space<hbm>>) target(%arg5 : memref<2560xi32, #tpu.memory_space<vmem>>) target_semaphore(%run_scoped3A : memref<!tpu.dma_semaphore, #tpu.memory_space<semaphore_mem>>)
      %dma_wait3A = tpu.memref_slice %arg3[%mul3A_2] : memref<81920xi32, #tpu.memory_space<hbm>> -> memref<2560xi32, #tpu.memory_space<hbm>>
      %dma_wait3A_14 = tpu.memref_slice %arg3[%mul3A_2] : memref<81920xi32, #tpu.memory_space<hbm>> -> memref<2560xi32, #tpu.memory_space<hbm>>
      tpu.wait_dma2 semaphore(%run_scoped3A : memref<!tpu.dma_semaphore, #tpu.memory_space<semaphore_mem>>) src(%dma_wait3A_14 : memref<2560xi32, #tpu.memory_space<hbm>>) dst(%arg5 : memref<2560xi32, #tpu.memory_space<vmem>>)
      tpu.yield
    }) : () -> ()
    %dma_start3A = arith.constant 0 : i32
    %dma_start3A_3 = tpu.memref_slice %arg5[%dma_start3A] : memref<2560xi32, #tpu.memory_space<vmem>> -> memref<160xi32, #tpu.memory_space<vmem>>
    %dma_start3A_4 = arith.constant 0 : i32
    %dma_start3A_5 = arith.constant 0 : i32
    %dma_start3A_6 = tpu.memref_slice %arg2[%dma_start3A_4, %dma_start3A_5] : memref<4096x128xf32, #tpu.memory_space<hbm>> -> memref<4096x128xf32, #tpu.memory_space<hbm>>
    tpu.enqueue_indirect_dma source(%dma_start3A_6 : memref<4096x128xf32, #tpu.memory_space<hbm>>) target(%arg6 : memref<160x128xf32, #tpu.memory_space<vmem>>) offsets(%dma_start3A_3 : memref<160xi32, #tpu.memory_space<vmem>>) semaphore(%arg8 : memref<!tpu.dma_semaphore, #tpu.memory_space<semaphore_mem>>)
    %scan3A = arith.constant 0 : i32
    %scan3A_7 = arith.constant 0 : i32
    %scan3A_8 = arith.constant 16 : i32
    %scan3A_9 = arith.addi %scan3A_7, %scan3A_8 : i32
    %scan3A_10 = arith.constant 1 : i32
    scf.for %scan3A_12 = %scan3A_7 to %scan3A_9 step %scan3A_10  : i32 {
      %jit3A = arith.constant 2 : i32
      %eq3A = arith.constant 0 : i32
      %eq3A_13 = arith.cmpi eq, %jit3A, %eq3A : i32
      %jit3A_14 = arith.constant 1 : i32
      %select_n3A = arith.select %eq3A_13, %jit3A_14, %jit3A : i32
      %rem3A = arith.remsi %scan3A_12, %select_n3A : i32
      %ne3A = arith.constant 0 : i32
      %ne3A_15 = arith.cmpi ne, %rem3A, %ne3A : i32
      %lt3A = arith.constant 0 : i32
      %lt3A_16 = arith.cmpi slt, %rem3A, %lt3A : i32
      %lt3A_17 = arith.constant 0 : i32
      %lt3A_18 = arith.cmpi slt, %select_n3A, %lt3A_17 : i32
      %ne3A_19 = arith.xori %lt3A_16, %lt3A_18 : i1
      %and3A = arith.andi %ne3A_19, %ne3A_15 : i1
      %add3A_20 = arith.addi %rem3A, %select_n3A : i32
      %select_n3A_21 = arith.select %and3A, %add3A_20, %rem3A : i32
      %eq3A_22 = arith.constant 0 : i32
      %eq3A_23 = arith.cmpi eq, %select_n3A_21, %eq3A_22 : i32
      %convert_element_type3A = arith.extui %eq3A_23 : i1 to i32
      %cond3A = arith.constant 0 : i32
      %cond3A_24 = arith.cmpi ne, %convert_element_type3A, %cond3A : i32
      scf.if %cond3A_24 {
        %add3A_46 = arith.constant 1 : i32
        %add3A_47 = arith.addi %scan3A_12, %add3A_46 : i32
        %lt3A_48 = arith.constant 16 : i32
        %lt3A_49 = arith.cmpi slt, %add3A_47, %lt3A_48 : i32
        %convert_element_type3A_50 = arith.extui %lt3A_49 : i1 to i32
        %cond3A_51 = arith.constant 0 : i32
        %cond3A_52 = arith.cmpi ne, %convert_element_type3A_50, %cond3A_51 : i32
        scf.if %cond3A_52 {
          %add3A_61 = arith.constant 1 : i32
          %add3A_62 = arith.addi %scan3A_12, %add3A_61 : i32
          %mul3A_63 = arith.constant 160 : i32
          %mul3A_64 = arith.muli %add3A_62, %mul3A_63 : i32
          %dma_start3A_65 = tpu.memref_slice %arg5[%mul3A_64] : memref<2560xi32, #tpu.memory_space<vmem>> -> memref<160xi32, #tpu.memory_space<vmem>>
          %dma_start3A_66 = arith.constant 0 : i32
          %dma_start3A_67 = arith.constant 0 : i32
          %dma_start3A_68 = tpu.memref_slice %arg2[%dma_start3A_66, %dma_start3A_67] : memref<4096x128xf32, #tpu.memory_space<hbm>> -> memref<4096x128xf32, #tpu.memory_space<hbm>>
          tpu.enqueue_indirect_dma source(%dma_start3A_68 : memref<4096x128xf32, #tpu.memory_space<hbm>>) target(%arg7 : memref<160x128xf32, #tpu.memory_space<vmem>>) offsets(%dma_start3A_65 : memref<160xi32, #tpu.memory_space<vmem>>) semaphore(%arg9 : memref<!tpu.dma_semaphore, #tpu.memory_space<semaphore_mem>>)
        } else {
        }
        %mul3A_53 = arith.constant 160 : i32
        %mul3A_54 = arith.muli %scan3A_12, %mul3A_53 : i32
        %dma_wait3A = tpu.memref_slice %arg5[%mul3A_54] : memref<2560xi32, #tpu.memory_space<vmem>> -> memref<160xi32, #tpu.memory_space<vmem>>
        %dma_wait3A_55 = arith.constant 0 : i32
        %dma_wait3A_56 = arith.constant 0 : i32
        %dma_wait3A_57 = tpu.memref_slice %arg2[%dma_wait3A_55, %dma_wait3A_56] : memref<4096x128xf32, #tpu.memory_space<hbm>> -> memref<4096x128xf32, #tpu.memory_space<hbm>>
        tpu.wait_indirect_dma semaphore(%arg8 : memref<!tpu.dma_semaphore, #tpu.memory_space<semaphore_mem>>) src(%dma_wait3A_57 : memref<4096x128xf32, #tpu.memory_space<hbm>>) dst(%arg6 : memref<160x128xf32, #tpu.memory_space<vmem>>)
        %mul3A_58 = arith.constant 160 : i32
        %mul3A_59 = arith.muli %scan3A_12, %mul3A_58 : i32
        %add3A_60 = arith.addi %mul3A_2, %mul3A_59 : i32
        "tpu.region"() ({
          %run_scoped3A = tpu.sem_alloc : memref<!tpu.dma_semaphore, #tpu.memory_space<semaphore_mem>>
          %dma_start3A_61 = arith.constant 0 : i32
          %dma_start3A_62 = tpu.memref_slice %arg4[%add3A_60, %dma_start3A_61] : memref<81920x128xf32, #tpu.memory_space<hbm>> -> memref<160x128xf32, #tpu.memory_space<hbm>>
          %dma_start3A_63 = arith.constant 0 : i32
          %dma_start3A_64 = tpu.memref_slice %arg4[%add3A_60, %dma_start3A_63] : memref<81920x128xf32, #tpu.memory_space<hbm>> -> memref<160x128xf32, #tpu.memory_space<hbm>>
          tpu.enqueue_dma source(%arg6 : memref<160x128xf32, #tpu.memory_space<vmem>>) target(%dma_start3A_64 : memref<160x128xf32, #tpu.memory_space<hbm>>) target_semaphore(%run_scoped3A : memref<!tpu.dma_semaphore, #tpu.memory_space<semaphore_mem>>)
          %dma_wait3A_65 = arith.constant 0 : i32
          %dma_wait3A_66 = tpu.memref_slice %arg4[%add3A_60, %dma_wait3A_65] : memref<81920x128xf32, #tpu.memory_space<hbm>> -> memref<160x128xf32, #tpu.memory_space<hbm>>
          %dma_wait3A_67 = arith.constant 0 : i32
          %dma_wait3A_68 = tpu.memref_slice %arg4[%add3A_60, %dma_wait3A_67] : memref<81920x128xf32, #tpu.memory_space<hbm>> -> memref<160x128xf32, #tpu.memory_space<hbm>>
          tpu.wait_dma2 semaphore(%run_scoped3A : memref<!tpu.dma_semaphore, #tpu.memory_space<semaphore_mem>>) src(%arg6 : memref<160x128xf32, #tpu.memory_space<vmem>>) dst(%dma_wait3A_68 : memref<160x128xf32, #tpu.memory_space<hbm>>)
          tpu.yield
        }) : () -> ()
      } else {
      }
      %jit3A_25 = arith.constant 2 : i32
      %eq3A_26 = arith.constant 0 : i32
      %eq3A_27 = arith.cmpi eq, %jit3A_25, %eq3A_26 : i32
      %jit3A_28 = arith.constant 1 : i32
      %select_n3A_29 = arith.select %eq3A_27, %jit3A_28, %jit3A_25 : i32
      %rem3A_30 = arith.remsi %scan3A_12, %select_n3A_29 : i32
      %ne3A_31 = arith.constant 0 : i32
      %ne3A_32 = arith.cmpi ne, %rem3A_30, %ne3A_31 : i32
      %lt3A_33 = arith.constant 0 : i32
      %lt3A_34 = arith.cmpi slt, %rem3A_30, %lt3A_33 : i32
      %lt3A_35 = arith.constant 0 : i32
      %lt3A_36 = arith.cmpi slt, %select_n3A_29, %lt3A_35 : i32
      %ne3A_37 = arith.xori %lt3A_34, %lt3A_36 : i1
      %and3A_38 = arith.andi %ne3A_37, %ne3A_32 : i1
      %add3A_39 = arith.addi %rem3A_30, %select_n3A_29 : i32
      %select_n3A_40 = arith.select %and3A_38, %add3A_39, %rem3A_30 : i32
      %eq3A_41 = arith.constant 1 : i32
      %eq3A_42 = arith.cmpi eq, %select_n3A_40, %eq3A_41 : i32
      %convert_element_type3A_43 = arith.extui %eq3A_42 : i1 to i32
      %cond3A_44 = arith.constant 0 : i32
      %cond3A_45 = arith.cmpi ne, %convert_element_type3A_43, %cond3A_44 : i32
      scf.if %cond3A_45 {
        %add3A_46 = arith.constant 1 : i32
        %add3A_47 = arith.addi %scan3A_12, %add3A_46 : i32
        %lt3A_48 = arith.constant 16 : i32
        %lt3A_49 = arith.cmpi slt, %add3A_47, %lt3A_48 : i32
        %convert_element_type3A_50 = arith.extui %lt3A_49 : i1 to i32
        %cond3A_51 = arith.constant 0 : i32
        %cond3A_52 = arith.cmpi ne, %convert_element_type3A_50, %cond3A_51 : i32
        scf.if %cond3A_52 {
          %add3A_61 = arith.constant 1 : i32
          %add3A_62 = arith.addi %scan3A_12, %add3A_61 : i32
          %mul3A_63 = arith.constant 160 : i32
          %mul3A_64 = arith.muli %add3A_62, %mul3A_63 : i32
          %dma_start3A_65 = tpu.memref_slice %arg5[%mul3A_64] : memref<2560xi32, #tpu.memory_space<vmem>> -> memref<160xi32, #tpu.memory_space<vmem>>
          %dma_start3A_66 = arith.constant 0 : i32
          %dma_start3A_67 = arith.constant 0 : i32
          %dma_start3A_68 = tpu.memref_slice %arg2[%dma_start3A_66, %dma_start3A_67] : memref<4096x128xf32, #tpu.memory_space<hbm>> -> memref<4096x128xf32, #tpu.memory_space<hbm>>
          tpu.enqueue_indirect_dma source(%dma_start3A_68 : memref<4096x128xf32, #tpu.memory_space<hbm>>) target(%arg6 : memref<160x128xf32, #tpu.memory_space<vmem>>) offsets(%dma_start3A_65 : memref<160xi32, #tpu.memory_space<vmem>>) semaphore(%arg8 : memref<!tpu.dma_semaphore, #tpu.memory_space<semaphore_mem>>)
        } else {
        }
        %mul3A_53 = arith.constant 160 : i32
        %mul3A_54 = arith.muli %scan3A_12, %mul3A_53 : i32
        %dma_wait3A = tpu.memref_slice %arg5[%mul3A_54] : memref<2560xi32, #tpu.memory_space<vmem>> -> memref<160xi32, #tpu.memory_space<vmem>>
        %dma_wait3A_55 = arith.constant 0 : i32
        %dma_wait3A_56 = arith.constant 0 : i32
        %dma_wait3A_57 = tpu.memref_slice %arg2[%dma_wait3A_55, %dma_wait3A_56] : memref<4096x128xf32, #tpu.memory_space<hbm>> -> memref<4096x128xf32, #tpu.memory_space<hbm>>
        tpu.wait_indirect_dma semaphore(%arg9 : memref<!tpu.dma_semaphore, #tpu.memory_space<semaphore_mem>>) src(%dma_wait3A_57 : memref<4096x128xf32, #tpu.memory_space<hbm>>) dst(%arg7 : memref<160x128xf32, #tpu.memory_space<vmem>>)
        %mul3A_58 = arith.constant 160 : i32
        %mul3A_59 = arith.muli %scan3A_12, %mul3A_58 : i32
        %add3A_60 = arith.addi %mul3A_2, %mul3A_59 : i32
        "tpu.region"() ({
          %run_scoped3A = tpu.sem_alloc : memref<!tpu.dma_semaphore, #tpu.memory_space<semaphore_mem>>
          %dma_start3A_61 = arith.constant 0 : i32
          %dma_start3A_62 = tpu.memref_slice %arg4[%add3A_60, %dma_start3A_61] : memref<81920x128xf32, #tpu.memory_space<hbm>> -> memref<160x128xf32, #tpu.memory_space<hbm>>
          %dma_start3A_63 = arith.constant 0 : i32
          %dma_start3A_64 = tpu.memref_slice %arg4[%add3A_60, %dma_start3A_63] : memref<81920x128xf32, #tpu.memory_space<hbm>> -> memref<160x128xf32, #tpu.memory_space<hbm>>
          tpu.enqueue_dma source(%arg7 : memref<160x128xf32, #tpu.memory_space<vmem>>) target(%dma_start3A_64 : memref<160x128xf32, #tpu.memory_space<hbm>>) target_semaphore(%run_scoped3A : memref<!tpu.dma_semaphore, #tpu.memory_space<semaphore_mem>>)
          %dma_wait3A_65 = arith.constant 0 : i32
          %dma_wait3A_66 = tpu.memref_slice %arg4[%add3A_60, %dma_wait3A_65] : memref<81920x128xf32, #tpu.memory_space<hbm>> -> memref<160x128xf32, #tpu.memory_space<hbm>>
          %dma_wait3A_67 = arith.constant 0 : i32
          %dma_wait3A_68 = tpu.memref_slice %arg4[%add3A_60, %dma_wait3A_67] : memref<81920x128xf32, #tpu.memory_space<hbm>> -> memref<160x128xf32, #tpu.memory_space<hbm>>
          tpu.wait_dma2 semaphore(%run_scoped3A : memref<!tpu.dma_semaphore, #tpu.memory_space<semaphore_mem>>) src(%arg7 : memref<160x128xf32, #tpu.memory_space<vmem>>) dst(%dma_wait3A_68 : memref<160x128xf32, #tpu.memory_space<hbm>>)
          tpu.yield
        }) : () -> ()
      } else {
      }
    }
    %scan3A_11 = arith.constant 16 : i32
    return
  }
}

#map = affine_map<(d0, d1) -> (0, 0)>
#map1 = affine_map<(d0, d1) -> (0)>
module attributes {stable_mosaic.version = 14 : i64} {
  func.func @k(%arg0: i32, %arg1: i32, %arg2: memref<4096x256xf32, #tpu.memory_space<hbm>>, %arg3: memref<81920xi32, #tpu.memory_space<hbm>>, %arg4: memref<81920x256xf32, #tpu.memory_space<hbm>>, %arg5: memref<2560xi32, #tpu.memory_space<vmem>>, %arg6: memref<160x256xf32, #tpu.memory_space<vmem>>, %arg7: memref<160x256xf32, #tpu.memory_space<vmem>>, %arg8: memref<!tpu.dma_semaphore, #tpu.memory_space<semaphore_mem>>, %arg9: memref<!tpu.dma_semaphore, #tpu.memory_space<semaphore_mem>>) attributes {dimension_semantics = [#tpu.dimension_semantics<core_parallel>, #tpu.dimension_semantics<subcore_parallel>], iteration_bounds = array<i64: 2, 16>, scalar_prefetch = 0 : i64, scratch_operands = 5 : i64, tpu.core_type = #tpu.core_type<sc_vector_subcore>, window_params = [{transform_indices = #map}, {transform_indices = #map1}, {transform_indices = #map}]} {
    %mul3A = arith.constant 2 : i32
    %mul3A_0 = arith.muli %arg1, %mul3A : i32
    %add3A = arith.addi %mul3A_0, %arg0 : i32
    %mul3A_1 = arith.constant 2560 : i32
    %mul3A_2 = arith.muli %add3A, %mul3A_1 : i32
    "tpu.region"() ({
      %run_scoped3A = tpu.sem_alloc : memref<!tpu.dma_semaphore, #tpu.memory_space<semaphore_mem>>
      %dma_start3A_12 = tpu.memref_slice %arg3[%mul3A_2] : memref<81920xi32, #tpu.memory_space<hbm>> -> memref<2560xi32, #tpu.memory_space<hbm>>
      %dma_start3A_13 = tpu.memref_slice %arg3[%mul3A_2] : memref<81920xi32, #tpu.memory_space<hbm>> -> memref<2560xi32, #tpu.memory_space<hbm>>
      tpu.enqueue_dma source(%dma_start3A_13 : memref<2560xi32, #tpu.memory_space<hbm>>) target(%arg5 : memref<2560xi32, #tpu.memory_space<vmem>>) target_semaphore(%run_scoped3A : memref<!tpu.dma_semaphore, #tpu.memory_space<semaphore_mem>>)
      %dma_wait3A = tpu.memref_slice %arg3[%mul3A_2] : memref<81920xi32, #tpu.memory_space<hbm>> -> memref<2560xi32, #tpu.memory_space<hbm>>
      %dma_wait3A_14 = tpu.memref_slice %arg3[%mul3A_2] : memref<81920xi32, #tpu.memory_space<hbm>> -> memref<2560xi32, #tpu.memory_space<hbm>>
      tpu.wait_dma2 semaphore(%run_scoped3A : memref<!tpu.dma_semaphore, #tpu.memory_space<semaphore_mem>>) src(%dma_wait3A_14 : memref<2560xi32, #tpu.memory_space<hbm>>) dst(%arg5 : memref<2560xi32, #tpu.memory_space<vmem>>)
      tpu.yield
    }) : () -> ()
    %dma_start3A = arith.constant 0 : i32
    %dma_start3A_3 = tpu.memref_slice %arg5[%dma_start3A] : memref<2560xi32, #tpu.memory_space<vmem>> -> memref<160xi32, #tpu.memory_space<vmem>>
    %dma_start3A_4 = arith.constant 0 : i32
    %dma_start3A_5 = arith.constant 0 : i32
    %dma_start3A_6 = tpu.memref_slice %arg2[%dma_start3A_4, %dma_start3A_5] : memref<4096x256xf32, #tpu.memory_space<hbm>> -> memref<4096x256xf32, #tpu.memory_space<hbm>>
    tpu.enqueue_indirect_dma source(%dma_start3A_6 : memref<4096x256xf32, #tpu.memory_space<hbm>>) target(%arg6 : memref<160x256xf32, #tpu.memory_space<vmem>>) offsets(%dma_start3A_3 : memref<160xi32, #tpu.memory_space<vmem>>) semaphore(%arg8 : memref<!tpu.dma_semaphore, #tpu.memory_space<semaphore_mem>>)
    %scan3A = arith.constant 0 : i32
    %scan3A_7 = arith.constant 0 : i32
    %scan3A_8 = arith.constant 16 : i32
    %scan3A_9 = arith.addi %scan3A_7, %scan3A_8 : i32
    %scan3A_10 = arith.constant 1 : i32
    scf.for %scan3A_12 = %scan3A_7 to %scan3A_9 step %scan3A_10  : i32 {
      %jit3A = arith.constant 2 : i32
      %eq3A = arith.constant 0 : i32
      %eq3A_13 = arith.cmpi eq, %jit3A, %eq3A : i32
      %jit3A_14 = arith.constant 1 : i32
      %select_n3A = arith.select %eq3A_13, %jit3A_14, %jit3A : i32
      %rem3A = arith.remsi %scan3A_12, %select_n3A : i32
      %ne3A = arith.constant 0 : i32
      %ne3A_15 = arith.cmpi ne, %rem3A, %ne3A : i32
      %lt3A = arith.constant 0 : i32
      %lt3A_16 = arith.cmpi slt, %rem3A, %lt3A : i32
      %lt3A_17 = arith.constant 0 : i32
      %lt3A_18 = arith.cmpi slt, %select_n3A, %lt3A_17 : i32
      %ne3A_19 = arith.xori %lt3A_16, %lt3A_18 : i1
      %and3A = arith.andi %ne3A_19, %ne3A_15 : i1
      %add3A_20 = arith.addi %rem3A, %select_n3A : i32
      %select_n3A_21 = arith.select %and3A, %add3A_20, %rem3A : i32
      %eq3A_22 = arith.constant 0 : i32
      %eq3A_23 = arith.cmpi eq, %select_n3A_21, %eq3A_22 : i32
      %convert_element_type3A = arith.extui %eq3A_23 : i1 to i32
      %cond3A = arith.constant 0 : i32
      %cond3A_24 = arith.cmpi ne, %convert_element_type3A, %cond3A : i32
      scf.if %cond3A_24 {
        %add3A_46 = arith.constant 1 : i32
        %add3A_47 = arith.addi %scan3A_12, %add3A_46 : i32
        %lt3A_48 = arith.constant 16 : i32
        %lt3A_49 = arith.cmpi slt, %add3A_47, %lt3A_48 : i32
        %convert_element_type3A_50 = arith.extui %lt3A_49 : i1 to i32
        %cond3A_51 = arith.constant 0 : i32
        %cond3A_52 = arith.cmpi ne, %convert_element_type3A_50, %cond3A_51 : i32
        scf.if %cond3A_52 {
          %add3A_61 = arith.constant 1 : i32
          %add3A_62 = arith.addi %scan3A_12, %add3A_61 : i32
          %mul3A_63 = arith.constant 160 : i32
          %mul3A_64 = arith.muli %add3A_62, %mul3A_63 : i32
          %dma_start3A_65 = tpu.memref_slice %arg5[%mul3A_64] : memref<2560xi32, #tpu.memory_space<vmem>> -> memref<160xi32, #tpu.memory_space<vmem>>
          %dma_start3A_66 = arith.constant 0 : i32
          %dma_start3A_67 = arith.constant 0 : i32
          %dma_start3A_68 = tpu.memref_slice %arg2[%dma_start3A_66, %dma_start3A_67] : memref<4096x256xf32, #tpu.memory_space<hbm>> -> memref<4096x256xf32, #tpu.memory_space<hbm>>
          tpu.enqueue_indirect_dma source(%dma_start3A_68 : memref<4096x256xf32, #tpu.memory_space<hbm>>) target(%arg7 : memref<160x256xf32, #tpu.memory_space<vmem>>) offsets(%dma_start3A_65 : memref<160xi32, #tpu.memory_space<vmem>>) semaphore(%arg9 : memref<!tpu.dma_semaphore, #tpu.memory_space<semaphore_mem>>)
        } else {
        }
        %mul3A_53 = arith.constant 160 : i32
        %mul3A_54 = arith.muli %scan3A_12, %mul3A_53 : i32
        %dma_wait3A = tpu.memref_slice %arg5[%mul3A_54] : memref<2560xi32, #tpu.memory_space<vmem>> -> memref<160xi32, #tpu.memory_space<vmem>>
        %dma_wait3A_55 = arith.constant 0 : i32
        %dma_wait3A_56 = arith.constant 0 : i32
        %dma_wait3A_57 = tpu.memref_slice %arg2[%dma_wait3A_55, %dma_wait3A_56] : memref<4096x256xf32, #tpu.memory_space<hbm>> -> memref<4096x256xf32, #tpu.memory_space<hbm>>
        tpu.wait_indirect_dma semaphore(%arg8 : memref<!tpu.dma_semaphore, #tpu.memory_space<semaphore_mem>>) src(%dma_wait3A_57 : memref<4096x256xf32, #tpu.memory_space<hbm>>) dst(%arg6 : memref<160x256xf32, #tpu.memory_space<vmem>>)
        %mul3A_58 = arith.constant 160 : i32
        %mul3A_59 = arith.muli %scan3A_12, %mul3A_58 : i32
        %add3A_60 = arith.addi %mul3A_2, %mul3A_59 : i32
        "tpu.region"() ({
          %run_scoped3A = tpu.sem_alloc : memref<!tpu.dma_semaphore, #tpu.memory_space<semaphore_mem>>
          %dma_start3A_61 = arith.constant 0 : i32
          %dma_start3A_62 = tpu.memref_slice %arg4[%add3A_60, %dma_start3A_61] : memref<81920x256xf32, #tpu.memory_space<hbm>> -> memref<160x256xf32, #tpu.memory_space<hbm>>
          %dma_start3A_63 = arith.constant 0 : i32
          %dma_start3A_64 = tpu.memref_slice %arg4[%add3A_60, %dma_start3A_63] : memref<81920x256xf32, #tpu.memory_space<hbm>> -> memref<160x256xf32, #tpu.memory_space<hbm>>
          tpu.enqueue_dma source(%arg6 : memref<160x256xf32, #tpu.memory_space<vmem>>) target(%dma_start3A_64 : memref<160x256xf32, #tpu.memory_space<hbm>>) target_semaphore(%run_scoped3A : memref<!tpu.dma_semaphore, #tpu.memory_space<semaphore_mem>>)
          %dma_wait3A_65 = arith.constant 0 : i32
          %dma_wait3A_66 = tpu.memref_slice %arg4[%add3A_60, %dma_wait3A_65] : memref<81920x256xf32, #tpu.memory_space<hbm>> -> memref<160x256xf32, #tpu.memory_space<hbm>>
          %dma_wait3A_67 = arith.constant 0 : i32
          %dma_wait3A_68 = tpu.memref_slice %arg4[%add3A_60, %dma_wait3A_67] : memref<81920x256xf32, #tpu.memory_space<hbm>> -> memref<160x256xf32, #tpu.memory_space<hbm>>
          tpu.wait_dma2 semaphore(%run_scoped3A : memref<!tpu.dma_semaphore, #tpu.memory_space<semaphore_mem>>) src(%arg6 : memref<160x256xf32, #tpu.memory_space<vmem>>) dst(%dma_wait3A_68 : memref<160x256xf32, #tpu.memory_space<hbm>>)
          tpu.yield
        }) : () -> ()
      } else {
      }
      %jit3A_25 = arith.constant 2 : i32
      %eq3A_26 = arith.constant 0 : i32
      %eq3A_27 = arith.cmpi eq, %jit3A_25, %eq3A_26 : i32
      %jit3A_28 = arith.constant 1 : i32
      %select_n3A_29 = arith.select %eq3A_27, %jit3A_28, %jit3A_25 : i32
      %rem3A_30 = arith.remsi %scan3A_12, %select_n3A_29 : i32
      %ne3A_31 = arith.constant 0 : i32
      %ne3A_32 = arith.cmpi ne, %rem3A_30, %ne3A_31 : i32
      %lt3A_33 = arith.constant 0 : i32
      %lt3A_34 = arith.cmpi slt, %rem3A_30, %lt3A_33 : i32
      %lt3A_35 = arith.constant 0 : i32
      %lt3A_36 = arith.cmpi slt, %select_n3A_29, %lt3A_35 : i32
      %ne3A_37 = arith.xori %lt3A_34, %lt3A_36 : i1
      %and3A_38 = arith.andi %ne3A_37, %ne3A_32 : i1
      %add3A_39 = arith.addi %rem3A_30, %select_n3A_29 : i32
      %select_n3A_40 = arith.select %and3A_38, %add3A_39, %rem3A_30 : i32
      %eq3A_41 = arith.constant 1 : i32
      %eq3A_42 = arith.cmpi eq, %select_n3A_40, %eq3A_41 : i32
      %convert_element_type3A_43 = arith.extui %eq3A_42 : i1 to i32
      %cond3A_44 = arith.constant 0 : i32
      %cond3A_45 = arith.cmpi ne, %convert_element_type3A_43, %cond3A_44 : i32
      scf.if %cond3A_45 {
        %add3A_46 = arith.constant 1 : i32
        %add3A_47 = arith.addi %scan3A_12, %add3A_46 : i32
        %lt3A_48 = arith.constant 16 : i32
        %lt3A_49 = arith.cmpi slt, %add3A_47, %lt3A_48 : i32
        %convert_element_type3A_50 = arith.extui %lt3A_49 : i1 to i32
        %cond3A_51 = arith.constant 0 : i32
        %cond3A_52 = arith.cmpi ne, %convert_element_type3A_50, %cond3A_51 : i32
        scf.if %cond3A_52 {
          %add3A_61 = arith.constant 1 : i32
          %add3A_62 = arith.addi %scan3A_12, %add3A_61 : i32
          %mul3A_63 = arith.constant 160 : i32
          %mul3A_64 = arith.muli %add3A_62, %mul3A_63 : i32
          %dma_start3A_65 = tpu.memref_slice %arg5[%mul3A_64] : memref<2560xi32, #tpu.memory_space<vmem>> -> memref<160xi32, #tpu.memory_space<vmem>>
          %dma_start3A_66 = arith.constant 0 : i32
          %dma_start3A_67 = arith.constant 0 : i32
          %dma_start3A_68 = tpu.memref_slice %arg2[%dma_start3A_66, %dma_start3A_67] : memref<4096x256xf32, #tpu.memory_space<hbm>> -> memref<4096x256xf32, #tpu.memory_space<hbm>>
          tpu.enqueue_indirect_dma source(%dma_start3A_68 : memref<4096x256xf32, #tpu.memory_space<hbm>>) target(%arg6 : memref<160x256xf32, #tpu.memory_space<vmem>>) offsets(%dma_start3A_65 : memref<160xi32, #tpu.memory_space<vmem>>) semaphore(%arg8 : memref<!tpu.dma_semaphore, #tpu.memory_space<semaphore_mem>>)
        } else {
        }
        %mul3A_53 = arith.constant 160 : i32
        %mul3A_54 = arith.muli %scan3A_12, %mul3A_53 : i32
        %dma_wait3A = tpu.memref_slice %arg5[%mul3A_54] : memref<2560xi32, #tpu.memory_space<vmem>> -> memref<160xi32, #tpu.memory_space<vmem>>
        %dma_wait3A_55 = arith.constant 0 : i32
        %dma_wait3A_56 = arith.constant 0 : i32
        %dma_wait3A_57 = tpu.memref_slice %arg2[%dma_wait3A_55, %dma_wait3A_56] : memref<4096x256xf32, #tpu.memory_space<hbm>> -> memref<4096x256xf32, #tpu.memory_space<hbm>>
        tpu.wait_indirect_dma semaphore(%arg9 : memref<!tpu.dma_semaphore, #tpu.memory_space<semaphore_mem>>) src(%dma_wait3A_57 : memref<4096x256xf32, #tpu.memory_space<hbm>>) dst(%arg7 : memref<160x256xf32, #tpu.memory_space<vmem>>)
        %mul3A_58 = arith.constant 160 : i32
        %mul3A_59 = arith.muli %scan3A_12, %mul3A_58 : i32
        %add3A_60 = arith.addi %mul3A_2, %mul3A_59 : i32
        "tpu.region"() ({
          %run_scoped3A = tpu.sem_alloc : memref<!tpu.dma_semaphore, #tpu.memory_space<semaphore_mem>>
          %dma_start3A_61 = arith.constant 0 : i32
          %dma_start3A_62 = tpu.memref_slice %arg4[%add3A_60, %dma_start3A_61] : memref<81920x256xf32, #tpu.memory_space<hbm>> -> memref<160x256xf32, #tpu.memory_space<hbm>>
          %dma_start3A_63 = arith.constant 0 : i32
          %dma_start3A_64 = tpu.memref_slice %arg4[%add3A_60, %dma_start3A_63] : memref<81920x256xf32, #tpu.memory_space<hbm>> -> memref<160x256xf32, #tpu.memory_space<hbm>>
          tpu.enqueue_dma source(%arg7 : memref<160x256xf32, #tpu.memory_space<vmem>>) target(%dma_start3A_64 : memref<160x256xf32, #tpu.memory_space<hbm>>) target_semaphore(%run_scoped3A : memref<!tpu.dma_semaphore, #tpu.memory_space<semaphore_mem>>)
          %dma_wait3A_65 = arith.constant 0 : i32
          %dma_wait3A_66 = tpu.memref_slice %arg4[%add3A_60, %dma_wait3A_65] : memref<81920x256xf32, #tpu.memory_space<hbm>> -> memref<160x256xf32, #tpu.memory_space<hbm>>
          %dma_wait3A_67 = arith.constant 0 : i32
          %dma_wait3A_68 = tpu.memref_slice %arg4[%add3A_60, %dma_wait3A_67] : memref<81920x256xf32, #tpu.memory_space<hbm>> -> memref<160x256xf32, #tpu.memory_space<hbm>>
          tpu.wait_dma2 semaphore(%run_scoped3A : memref<!tpu.dma_semaphore, #tpu.memory_space<semaphore_mem>>) src(%arg7 : memref<160x256xf32, #tpu.memory_space<vmem>>) dst(%dma_wait3A_68 : memref<160x256xf32, #tpu.memory_space<hbm>>)
          tpu.yield
        }) : () -> ()
      } else {
      }
    }
    %scan3A_11 = arith.constant 16 : i32
    return
  }
}

#map = affine_map<(d0, d1) -> (0, 0)>
#map1 = affine_map<(d0, d1) -> (0)>
module attributes {stable_mosaic.version = 14 : i64} {
  func.func @k(%arg0: i32, %arg1: i32, %arg2: memref<4096x256xf32, #tpu.memory_space<hbm>>, %arg3: memref<81920xi32, #tpu.memory_space<hbm>>, %arg4: memref<81920x256xf32, #tpu.memory_space<hbm>>, %arg5: memref<2560xi32, #tpu.memory_space<vmem>>, %arg6: memref<160x256xf32, #tpu.memory_space<vmem>>, %arg7: memref<160x256xf32, #tpu.memory_space<vmem>>, %arg8: memref<!tpu.dma_semaphore, #tpu.memory_space<semaphore_mem>>, %arg9: memref<!tpu.dma_semaphore, #tpu.memory_space<semaphore_mem>>) attributes {dimension_semantics = [#tpu.dimension_semantics<core_parallel>, #tpu.dimension_semantics<subcore_parallel>], iteration_bounds = array<i64: 2, 16>, scalar_prefetch = 0 : i64, scratch_operands = 5 : i64, tpu.core_type = #tpu.core_type<sc_vector_subcore>, window_params = [{transform_indices = #map}, {transform_indices = #map1}, {transform_indices = #map}]} {
    %mul3A = arith.constant 2 : i32
    %mul3A_0 = arith.muli %arg1, %mul3A : i32
    %add3A = arith.addi %mul3A_0, %arg0 : i32
    %mul3A_1 = arith.constant 2560 : i32
    %mul3A_2 = arith.muli %add3A, %mul3A_1 : i32
    "tpu.region"() ({
      %run_scoped3A = tpu.sem_alloc : memref<!tpu.dma_semaphore, #tpu.memory_space<semaphore_mem>>
      %dma_start3A_12 = tpu.memref_slice %arg3[%mul3A_2] : memref<81920xi32, #tpu.memory_space<hbm>> -> memref<2560xi32, #tpu.memory_space<hbm>>
      %dma_start3A_13 = tpu.memref_slice %arg3[%mul3A_2] : memref<81920xi32, #tpu.memory_space<hbm>> -> memref<2560xi32, #tpu.memory_space<hbm>>
      tpu.enqueue_dma source(%dma_start3A_13 : memref<2560xi32, #tpu.memory_space<hbm>>) target(%arg5 : memref<2560xi32, #tpu.memory_space<vmem>>) target_semaphore(%run_scoped3A : memref<!tpu.dma_semaphore, #tpu.memory_space<semaphore_mem>>)
      %dma_wait3A = tpu.memref_slice %arg3[%mul3A_2] : memref<81920xi32, #tpu.memory_space<hbm>> -> memref<2560xi32, #tpu.memory_space<hbm>>
      %dma_wait3A_14 = tpu.memref_slice %arg3[%mul3A_2] : memref<81920xi32, #tpu.memory_space<hbm>> -> memref<2560xi32, #tpu.memory_space<hbm>>
      tpu.wait_dma2 semaphore(%run_scoped3A : memref<!tpu.dma_semaphore, #tpu.memory_space<semaphore_mem>>) src(%dma_wait3A_14 : memref<2560xi32, #tpu.memory_space<hbm>>) dst(%arg5 : memref<2560xi32, #tpu.memory_space<vmem>>)
      tpu.yield
    }) : () -> ()
    %dma_start3A = arith.constant 0 : i32
    %dma_start3A_3 = tpu.memref_slice %arg5[%dma_start3A] : memref<2560xi32, #tpu.memory_space<vmem>> -> memref<160xi32, #tpu.memory_space<vmem>>
    %dma_start3A_4 = arith.constant 0 : i32
    %dma_start3A_5 = arith.constant 0 : i32
    %dma_start3A_6 = tpu.memref_slice %arg2[%dma_start3A_4, %dma_start3A_5] : memref<4096x256xf32, #tpu.memory_space<hbm>> -> memref<4096x256xf32, #tpu.memory_space<hbm>>
    tpu.enqueue_indirect_dma source(%dma_start3A_6 : memref<4096x256xf32, #tpu.memory_space<hbm>>) target(%arg6 : memref<160x256xf32, #tpu.memory_space<vmem>>) offsets(%dma_start3A_3 : memref<160xi32, #tpu.memory_space<vmem>>) semaphore(%arg8 : memref<!tpu.dma_semaphore, #tpu.memory_space<semaphore_mem>>)
    %scan3A = arith.constant 0 : i32
    %scan3A_7 = arith.constant 0 : i32
    %scan3A_8 = arith.constant 16 : i32
    %scan3A_9 = arith.addi %scan3A_7, %scan3A_8 : i32
    %scan3A_10 = arith.constant 1 : i32
    scf.for %scan3A_12 = %scan3A_7 to %scan3A_9 step %scan3A_10  : i32 {
      %jit3A = arith.constant 2 : i32
      %eq3A = arith.constant 0 : i32
      %eq3A_13 = arith.cmpi eq, %jit3A, %eq3A : i32
      %jit3A_14 = arith.constant 1 : i32
      %select_n3A = arith.select %eq3A_13, %jit3A_14, %jit3A : i32
      %rem3A = arith.remsi %scan3A_12, %select_n3A : i32
      %ne3A = arith.constant 0 : i32
      %ne3A_15 = arith.cmpi ne, %rem3A, %ne3A : i32
      %lt3A = arith.constant 0 : i32
      %lt3A_16 = arith.cmpi slt, %rem3A, %lt3A : i32
      %lt3A_17 = arith.constant 0 : i32
      %lt3A_18 = arith.cmpi slt, %select_n3A, %lt3A_17 : i32
      %ne3A_19 = arith.xori %lt3A_16, %lt3A_18 : i1
      %and3A = arith.andi %ne3A_19, %ne3A_15 : i1
      %add3A_20 = arith.addi %rem3A, %select_n3A : i32
      %select_n3A_21 = arith.select %and3A, %add3A_20, %rem3A : i32
      %eq3A_22 = arith.constant 0 : i32
      %eq3A_23 = arith.cmpi eq, %select_n3A_21, %eq3A_22 : i32
      %convert_element_type3A = arith.extui %eq3A_23 : i1 to i32
      %cond3A = arith.constant 0 : i32
      %cond3A_24 = arith.cmpi ne, %convert_element_type3A, %cond3A : i32
      scf.if %cond3A_24 {
        %add3A_46 = arith.constant 1 : i32
        %add3A_47 = arith.addi %scan3A_12, %add3A_46 : i32
        %lt3A_48 = arith.constant 16 : i32
        %lt3A_49 = arith.cmpi slt, %add3A_47, %lt3A_48 : i32
        %convert_element_type3A_50 = arith.extui %lt3A_49 : i1 to i32
        %cond3A_51 = arith.constant 0 : i32
        %cond3A_52 = arith.cmpi ne, %convert_element_type3A_50, %cond3A_51 : i32
        scf.if %cond3A_52 {
          %add3A_61 = arith.constant 1 : i32
          %add3A_62 = arith.addi %scan3A_12, %add3A_61 : i32
          %mul3A_63 = arith.constant 160 : i32
          %mul3A_64 = arith.muli %add3A_62, %mul3A_63 : i32
          %dma_start3A_65 = tpu.memref_slice %arg5[%mul3A_64] : memref<2560xi32, #tpu.memory_space<vmem>> -> memref<160xi32, #tpu.memory_space<vmem>>
          %dma_start3A_66 = arith.constant 0 : i32
          %dma_start3A_67 = arith.constant 0 : i32
          %dma_start3A_68 = tpu.memref_slice %arg2[%dma_start3A_66, %dma_start3A_67] : memref<4096x256xf32, #tpu.memory_space<hbm>> -> memref<4096x256xf32, #tpu.memory_space<hbm>>
          tpu.enqueue_indirect_dma source(%dma_start3A_68 : memref<4096x256xf32, #tpu.memory_space<hbm>>) target(%arg7 : memref<160x256xf32, #tpu.memory_space<vmem>>) offsets(%dma_start3A_65 : memref<160xi32, #tpu.memory_space<vmem>>) semaphore(%arg9 : memref<!tpu.dma_semaphore, #tpu.memory_space<semaphore_mem>>)
        } else {
        }
        %mul3A_53 = arith.constant 160 : i32
        %mul3A_54 = arith.muli %scan3A_12, %mul3A_53 : i32
        %dma_wait3A = tpu.memref_slice %arg5[%mul3A_54] : memref<2560xi32, #tpu.memory_space<vmem>> -> memref<160xi32, #tpu.memory_space<vmem>>
        %dma_wait3A_55 = arith.constant 0 : i32
        %dma_wait3A_56 = arith.constant 0 : i32
        %dma_wait3A_57 = tpu.memref_slice %arg2[%dma_wait3A_55, %dma_wait3A_56] : memref<4096x256xf32, #tpu.memory_space<hbm>> -> memref<4096x256xf32, #tpu.memory_space<hbm>>
        tpu.wait_indirect_dma semaphore(%arg8 : memref<!tpu.dma_semaphore, #tpu.memory_space<semaphore_mem>>) src(%dma_wait3A_57 : memref<4096x256xf32, #tpu.memory_space<hbm>>) dst(%arg6 : memref<160x256xf32, #tpu.memory_space<vmem>>)
        %mul3A_58 = arith.constant 160 : i32
        %mul3A_59 = arith.muli %scan3A_12, %mul3A_58 : i32
        %add3A_60 = arith.addi %mul3A_2, %mul3A_59 : i32
        "tpu.region"() ({
          %run_scoped3A = tpu.sem_alloc : memref<!tpu.dma_semaphore, #tpu.memory_space<semaphore_mem>>
          %dma_start3A_61 = arith.constant 0 : i32
          %dma_start3A_62 = tpu.memref_slice %arg4[%add3A_60, %dma_start3A_61] : memref<81920x256xf32, #tpu.memory_space<hbm>> -> memref<160x256xf32, #tpu.memory_space<hbm>>
          %dma_start3A_63 = arith.constant 0 : i32
          %dma_start3A_64 = tpu.memref_slice %arg4[%add3A_60, %dma_start3A_63] : memref<81920x256xf32, #tpu.memory_space<hbm>> -> memref<160x256xf32, #tpu.memory_space<hbm>>
          tpu.enqueue_dma source(%arg6 : memref<160x256xf32, #tpu.memory_space<vmem>>) target(%dma_start3A_64 : memref<160x256xf32, #tpu.memory_space<hbm>>) target_semaphore(%run_scoped3A : memref<!tpu.dma_semaphore, #tpu.memory_space<semaphore_mem>>)
          %dma_wait3A_65 = arith.constant 0 : i32
          %dma_wait3A_66 = tpu.memref_slice %arg4[%add3A_60, %dma_wait3A_65] : memref<81920x256xf32, #tpu.memory_space<hbm>> -> memref<160x256xf32, #tpu.memory_space<hbm>>
          %dma_wait3A_67 = arith.constant 0 : i32
          %dma_wait3A_68 = tpu.memref_slice %arg4[%add3A_60, %dma_wait3A_67] : memref<81920x256xf32, #tpu.memory_space<hbm>> -> memref<160x256xf32, #tpu.memory_space<hbm>>
          tpu.wait_dma2 semaphore(%run_scoped3A : memref<!tpu.dma_semaphore, #tpu.memory_space<semaphore_mem>>) src(%arg6 : memref<160x256xf32, #tpu.memory_space<vmem>>) dst(%dma_wait3A_68 : memref<160x256xf32, #tpu.memory_space<hbm>>)
          tpu.yield
        }) : () -> ()
      } else {
      }
      %jit3A_25 = arith.constant 2 : i32
      %eq3A_26 = arith.constant 0 : i32
      %eq3A_27 = arith.cmpi eq, %jit3A_25, %eq3A_26 : i32
      %jit3A_28 = arith.constant 1 : i32
      %select_n3A_29 = arith.select %eq3A_27, %jit3A_28, %jit3A_25 : i32
      %rem3A_30 = arith.remsi %scan3A_12, %select_n3A_29 : i32
      %ne3A_31 = arith.constant 0 : i32
      %ne3A_32 = arith.cmpi ne, %rem3A_30, %ne3A_31 : i32
      %lt3A_33 = arith.constant 0 : i32
      %lt3A_34 = arith.cmpi slt, %rem3A_30, %lt3A_33 : i32
      %lt3A_35 = arith.constant 0 : i32
      %lt3A_36 = arith.cmpi slt, %select_n3A_29, %lt3A_35 : i32
      %ne3A_37 = arith.xori %lt3A_34, %lt3A_36 : i1
      %and3A_38 = arith.andi %ne3A_37, %ne3A_32 : i1
      %add3A_39 = arith.addi %rem3A_30, %select_n3A_29 : i32
      %select_n3A_40 = arith.select %and3A_38, %add3A_39, %rem3A_30 : i32
      %eq3A_41 = arith.constant 1 : i32
      %eq3A_42 = arith.cmpi eq, %select_n3A_40, %eq3A_41 : i32
      %convert_element_type3A_43 = arith.extui %eq3A_42 : i1 to i32
      %cond3A_44 = arith.constant 0 : i32
      %cond3A_45 = arith.cmpi ne, %convert_element_type3A_43, %cond3A_44 : i32
      scf.if %cond3A_45 {
        %add3A_46 = arith.constant 1 : i32
        %add3A_47 = arith.addi %scan3A_12, %add3A_46 : i32
        %lt3A_48 = arith.constant 16 : i32
        %lt3A_49 = arith.cmpi slt, %add3A_47, %lt3A_48 : i32
        %convert_element_type3A_50 = arith.extui %lt3A_49 : i1 to i32
        %cond3A_51 = arith.constant 0 : i32
        %cond3A_52 = arith.cmpi ne, %convert_element_type3A_50, %cond3A_51 : i32
        scf.if %cond3A_52 {
          %add3A_61 = arith.constant 1 : i32
          %add3A_62 = arith.addi %scan3A_12, %add3A_61 : i32
          %mul3A_63 = arith.constant 160 : i32
          %mul3A_64 = arith.muli %add3A_62, %mul3A_63 : i32
          %dma_start3A_65 = tpu.memref_slice %arg5[%mul3A_64] : memref<2560xi32, #tpu.memory_space<vmem>> -> memref<160xi32, #tpu.memory_space<vmem>>
          %dma_start3A_66 = arith.constant 0 : i32
          %dma_start3A_67 = arith.constant 0 : i32
          %dma_start3A_68 = tpu.memref_slice %arg2[%dma_start3A_66, %dma_start3A_67] : memref<4096x256xf32, #tpu.memory_space<hbm>> -> memref<4096x256xf32, #tpu.memory_space<hbm>>
          tpu.enqueue_indirect_dma source(%dma_start3A_68 : memref<4096x256xf32, #tpu.memory_space<hbm>>) target(%arg6 : memref<160x256xf32, #tpu.memory_space<vmem>>) offsets(%dma_start3A_65 : memref<160xi32, #tpu.memory_space<vmem>>) semaphore(%arg8 : memref<!tpu.dma_semaphore, #tpu.memory_space<semaphore_mem>>)
        } else {
        }
        %mul3A_53 = arith.constant 160 : i32
        %mul3A_54 = arith.muli %scan3A_12, %mul3A_53 : i32
        %dma_wait3A = tpu.memref_slice %arg5[%mul3A_54] : memref<2560xi32, #tpu.memory_space<vmem>> -> memref<160xi32, #tpu.memory_space<vmem>>
        %dma_wait3A_55 = arith.constant 0 : i32
        %dma_wait3A_56 = arith.constant 0 : i32
        %dma_wait3A_57 = tpu.memref_slice %arg2[%dma_wait3A_55, %dma_wait3A_56] : memref<4096x256xf32, #tpu.memory_space<hbm>> -> memref<4096x256xf32, #tpu.memory_space<hbm>>
        tpu.wait_indirect_dma semaphore(%arg9 : memref<!tpu.dma_semaphore, #tpu.memory_space<semaphore_mem>>) src(%dma_wait3A_57 : memref<4096x256xf32, #tpu.memory_space<hbm>>) dst(%arg7 : memref<160x256xf32, #tpu.memory_space<vmem>>)
        %mul3A_58 = arith.constant 160 : i32
        %mul3A_59 = arith.muli %scan3A_12, %mul3A_58 : i32
        %add3A_60 = arith.addi %mul3A_2, %mul3A_59 : i32
        "tpu.region"() ({
          %run_scoped3A = tpu.sem_alloc : memref<!tpu.dma_semaphore, #tpu.memory_space<semaphore_mem>>
          %dma_start3A_61 = arith.constant 0 : i32
          %dma_start3A_62 = tpu.memref_slice %arg4[%add3A_60, %dma_start3A_61] : memref<81920x256xf32, #tpu.memory_space<hbm>> -> memref<160x256xf32, #tpu.memory_space<hbm>>
          %dma_start3A_63 = arith.constant 0 : i32
          %dma_start3A_64 = tpu.memref_slice %arg4[%add3A_60, %dma_start3A_63] : memref<81920x256xf32, #tpu.memory_space<hbm>> -> memref<160x256xf32, #tpu.memory_space<hbm>>
          tpu.enqueue_dma source(%arg7 : memref<160x256xf32, #tpu.memory_space<vmem>>) target(%dma_start3A_64 : memref<160x256xf32, #tpu.memory_space<hbm>>) target_semaphore(%run_scoped3A : memref<!tpu.dma_semaphore, #tpu.memory_space<semaphore_mem>>)
          %dma_wait3A_65 = arith.constant 0 : i32
          %dma_wait3A_66 = tpu.memref_slice %arg4[%add3A_60, %dma_wait3A_65] : memref<81920x256xf32, #tpu.memory_space<hbm>> -> memref<160x256xf32, #tpu.memory_space<hbm>>
          %dma_wait3A_67 = arith.constant 0 : i32
          %dma_wait3A_68 = tpu.memref_slice %arg4[%add3A_60, %dma_wait3A_67] : memref<81920x256xf32, #tpu.memory_space<hbm>> -> memref<160x256xf32, #tpu.memory_space<hbm>>
          tpu.wait_dma2 semaphore(%run_scoped3A : memref<!tpu.dma_semaphore, #tpu.memory_space<semaphore_mem>>) src(%arg7 : memref<160x256xf32, #tpu.memory_space<vmem>>) dst(%dma_wait3A_68 : memref<160x256xf32, #tpu.memory_space<hbm>>)
          tpu.yield
        }) : () -> ()
      } else {
      }
    }
    %scan3A_11 = arith.constant 16 : i32
    return
  }
}

module attributes {stable_mosaic.version = 14 : i64} {
  func.func @_knn_body(%arg0: i32, %arg1: i32, %arg2: memref<1x1024x3xf32, #tpu.memory_space<vmem>>, %arg3: memref<1x128x20xi32, #tpu.memory_space<vmem>>) attributes {dimension_semantics = [#tpu.dimension_semantics<arbitrary>, #tpu.dimension_semantics<arbitrary>], iteration_bounds = array<i64: 4, 8>, scalar_prefetch = 0 : i64, scratch_operands = 0 : i64, tpu.core_type = #tpu.core_type<tc>, window_params = [{transform_indices = @transform_0, window_bounds = array<i64: 1, 1024, 3>}, {transform_indices = @transform_1, window_bounds = array<i64: 1, 128, 20>}]} {
    %get3A = arith.constant 0 : index
    %get3A_0 = arith.constant 0 : index
    %get3A_1 = arith.constant 0 : index
    %get3A_2 = vector.load %arg2[%get3A, %get3A_0, %get3A_1] : memref<1x1024x3xf32, #tpu.memory_space<vmem>>, vector<1x1024x3xf32>
    %get3A_3 = vector.shape_cast %get3A_2 : vector<1x1024x3xf32> to vector<1024x3xf32>
    %mul3A = arith.constant 128 : i32
    %mul3A_4 = arith.muli %arg1, %mul3A : i32
    %get3A_5 = arith.constant 0 : index
    %get3A_6 = arith.index_cast %mul3A_4 : i32 to index
    %get3A_7 = arith.constant 0 : index
    %get3A_8 = vector.load %arg2[%get3A_5, %get3A_6, %get3A_7] : memref<1x1024x3xf32, #tpu.memory_space<vmem>>, vector<1x128x3xf32>
    %get3A_9 = vector.shape_cast %get3A_8 : vector<1x128x3xf32> to vector<128x3xf32>
    %convert_element_type3A = arith.truncf %get3A_9 : vector<128x3xf32> to vector<128x3xbf16>
    %convert_element_type3A_10 = arith.truncf %get3A_3 : vector<1024x3xf32> to vector<1024x3xbf16>
    %dot_general3A = arith.constant dense<0.000000e+00> : vector<128x1024xf32>
    %dot_general3A_11 = tpu.matmul %convert_element_type3A, %convert_element_type3A_10, %dot_general3A {dimension_numbers = #tpu.dot_dimension_numbers<[1], [1], [0], [0], [0, 0, 1, 0], [], []>, transpose_lhs_hint = false} : vector<128x3xbf16>, vector<1024x3xbf16>, vector<128x1024xf32> -> vector<128x1024xf32>
    %mul3A_12 = arith.mulf %get3A_3, %get3A_3 : vector<1024x3xf32>
    %reduce_sum3A = arith.constant dense<0.000000e+00> : vector<1024xf32>
    %reduce_sum3A_13 = vector.multi_reduction <add>, %mul3A_12, %reduce_sum3A [1] : vector<1024x3xf32> to vector<1024xf32>
    %mul3A_14 = arith.mulf %get3A_9, %get3A_9 : vector<128x3xf32>
    %reduce_sum3A_15 = arith.constant dense<0.000000e+00> : vector<128xf32>
    %reduce_sum3A_16 = vector.multi_reduction <add>, %mul3A_14, %reduce_sum3A_15 [1] : vector<128x3xf32> to vector<128xf32>
    %mul3A_17 = arith.constant 2.000000e+00 : f32
    %mul3A_18 = vector.broadcast %mul3A_17 : f32 to vector<128x1024xf32>
    %mul3A_19 = arith.mulf %mul3A_18, %dot_general3A_11 : vector<128x1024xf32>
    %broadcast_in_dim3A = vector.shape_cast %reduce_sum3A_16 : vector<128xf32> to vector<128x1xf32>
    %sub3A = vector.broadcast %broadcast_in_dim3A : vector<128x1xf32> to vector<128x1024xf32>
    %sub3A_20 = arith.subf %mul3A_19, %sub3A : vector<128x1024xf32>
    %broadcast_in_dim3A_21 = vector.shape_cast %reduce_sum3A_13 : vector<1024xf32> to vector<1x1024xf32>
    %sub3A_22 = vector.broadcast %broadcast_in_dim3A_21 : vector<1x1024xf32> to vector<128x1024xf32>
    %sub3A_23 = arith.subf %sub3A_20, %sub3A_22 : vector<128x1024xf32>
    %iota3A = tpu.iota {dimensions = array<i32: 1>} : vector<128x1024xi32>
    %reduce_max3A = arith.constant dense<0xFF800000> : vector<128xf32>
    %reduce_max3A_24 = vector.multi_reduction <maximumf>, %sub3A_23, %reduce_max3A [1] : vector<128x1024xf32> to vector<128xf32>
    %broadcast_in_dim3A_25 = vector.shape_cast %reduce_max3A_24 : vector<128xf32> to vector<128x1xf32>
    %eq3A = vector.broadcast %broadcast_in_dim3A_25 : vector<128x1xf32> to vector<128x1024xf32>
    %eq3A_26 = arith.cmpf oeq, %sub3A_23, %eq3A : vector<128x1024xf32>
    %jit3A = arith.constant 1024 : i32
    %broadcast_in_dim3A_27 = vector.broadcast %jit3A : i32 to vector<128x1024xi32>
    %select_n3A = arith.select %eq3A_26, %iota3A, %broadcast_in_dim3A_27 : vector<128x1024xi1>, vector<128x1024xi32>
    %reduce_min3A = arith.constant dense<2147483647> : vector<128xi32>
    %reduce_min3A_28 = vector.multi_reduction <minsi>, %select_n3A, %reduce_min3A [1] : vector<128x1024xi32> to vector<128xi32>
    %broadcast_in_dim3A_29 = vector.shape_cast %reduce_min3A_28 : vector<128xi32> to vector<128x1xi32>
    %eq3A_30 = vector.broadcast %broadcast_in_dim3A_29 : vector<128x1xi32> to vector<128x1024xi32>
    %eq3A_31 = arith.cmpi eq, %iota3A, %eq3A_30 : vector<128x1024xi32>
    %jit3A_32 = arith.constant 0xFF800000 : f32
    %broadcast_in_dim3A_33 = vector.broadcast %jit3A_32 : f32 to vector<128x1024xf32>
    %select_n3A_34 = arith.select %eq3A_31, %broadcast_in_dim3A_33, %sub3A_23 : vector<128x1024xi1>, vector<128x1024xf32>
    %reduce_max3A_35 = arith.constant dense<0xFF800000> : vector<128xf32>
    %reduce_max3A_36 = vector.multi_reduction <maximumf>, %select_n3A_34, %reduce_max3A_35 [1] : vector<128x1024xf32> to vector<128xf32>
    %broadcast_in_dim3A_37 = vector.shape_cast %reduce_max3A_36 : vector<128xf32> to vector<128x1xf32>
    %eq3A_38 = vector.broadcast %broadcast_in_dim3A_37 : vector<128x1xf32> to vector<128x1024xf32>
    %eq3A_39 = arith.cmpf oeq, %select_n3A_34, %eq3A_38 : vector<128x1024xf32>
    %jit3A_40 = arith.constant 1024 : i32
    %broadcast_in_dim3A_41 = vector.broadcast %jit3A_40 : i32 to vector<128x1024xi32>
    %select_n3A_42 = arith.select %eq3A_39, %iota3A, %broadcast_in_dim3A_41 : vector<128x1024xi1>, vector<128x1024xi32>
    %reduce_min3A_43 = arith.constant dense<2147483647> : vector<128xi32>
    %reduce_min3A_44 = vector.multi_reduction <minsi>, %select_n3A_42, %reduce_min3A_43 [1] : vector<128x1024xi32> to vector<128xi32>
    %broadcast_in_dim3A_45 = vector.shape_cast %reduce_min3A_44 : vector<128xi32> to vector<128x1xi32>
    %eq3A_46 = vector.broadcast %broadcast_in_dim3A_45 : vector<128x1xi32> to vector<128x1024xi32>
    %eq3A_47 = arith.cmpi eq, %iota3A, %eq3A_46 : vector<128x1024xi32>
    %jit3A_48 = arith.constant 0xFF800000 : f32
    %broadcast_in_dim3A_49 = vector.broadcast %jit3A_48 : f32 to vector<128x1024xf32>
    %select_n3A_50 = arith.select %eq3A_47, %broadcast_in_dim3A_49, %select_n3A_34 : vector<128x1024xi1>, vector<128x1024xf32>
    %reduce_max3A_51 = arith.constant dense<0xFF800000> : vector<128xf32>
    %reduce_max3A_52 = vector.multi_reduction <maximumf>, %select_n3A_50, %reduce_max3A_51 [1] : vector<128x1024xf32> to vector<128xf32>
    %broadcast_in_dim3A_53 = vector.shape_cast %reduce_max3A_52 : vector<128xf32> to vector<128x1xf32>
    %eq3A_54 = vector.broadcast %broadcast_in_dim3A_53 : vector<128x1xf32> to vector<128x1024xf32>
    %eq3A_55 = arith.cmpf oeq, %select_n3A_50, %eq3A_54 : vector<128x1024xf32>
    %jit3A_56 = arith.constant 1024 : i32
    %broadcast_in_dim3A_57 = vector.broadcast %jit3A_56 : i32 to vector<128x1024xi32>
    %select_n3A_58 = arith.select %eq3A_55, %iota3A, %broadcast_in_dim3A_57 : vector<128x1024xi1>, vector<128x1024xi32>
    %reduce_min3A_59 = arith.constant dense<2147483647> : vector<128xi32>
    %reduce_min3A_60 = vector.multi_reduction <minsi>, %select_n3A_58, %reduce_min3A_59 [1] : vector<128x1024xi32> to vector<128xi32>
    %broadcast_in_dim3A_61 = vector.shape_cast %reduce_min3A_60 : vector<128xi32> to vector<128x1xi32>
    %eq3A_62 = vector.broadcast %broadcast_in_dim3A_61 : vector<128x1xi32> to vector<128x1024xi32>
    %eq3A_63 = arith.cmpi eq, %iota3A, %eq3A_62 : vector<128x1024xi32>
    %jit3A_64 = arith.constant 0xFF800000 : f32
    %broadcast_in_dim3A_65 = vector.broadcast %jit3A_64 : f32 to vector<128x1024xf32>
    %select_n3A_66 = arith.select %eq3A_63, %broadcast_in_dim3A_65, %select_n3A_50 : vector<128x1024xi1>, vector<128x1024xf32>
    %reduce_max3A_67 = arith.constant dense<0xFF800000> : vector<128xf32>
    %reduce_max3A_68 = vector.multi_reduction <maximumf>, %select_n3A_66, %reduce_max3A_67 [1] : vector<128x1024xf32> to vector<128xf32>
    %broadcast_in_dim3A_69 = vector.shape_cast %reduce_max3A_68 : vector<128xf32> to vector<128x1xf32>
    %eq3A_70 = vector.broadcast %broadcast_in_dim3A_69 : vector<128x1xf32> to vector<128x1024xf32>
    %eq3A_71 = arith.cmpf oeq, %select_n3A_66, %eq3A_70 : vector<128x1024xf32>
    %jit3A_72 = arith.constant 1024 : i32
    %broadcast_in_dim3A_73 = vector.broadcast %jit3A_72 : i32 to vector<128x1024xi32>
    %select_n3A_74 = arith.select %eq3A_71, %iota3A, %broadcast_in_dim3A_73 : vector<128x1024xi1>, vector<128x1024xi32>
    %reduce_min3A_75 = arith.constant dense<2147483647> : vector<128xi32>
    %reduce_min3A_76 = vector.multi_reduction <minsi>, %select_n3A_74, %reduce_min3A_75 [1] : vector<128x1024xi32> to vector<128xi32>
    %broadcast_in_dim3A_77 = vector.shape_cast %reduce_min3A_76 : vector<128xi32> to vector<128x1xi32>
    %eq3A_78 = vector.broadcast %broadcast_in_dim3A_77 : vector<128x1xi32> to vector<128x1024xi32>
    %eq3A_79 = arith.cmpi eq, %iota3A, %eq3A_78 : vector<128x1024xi32>
    %jit3A_80 = arith.constant 0xFF800000 : f32
    %broadcast_in_dim3A_81 = vector.broadcast %jit3A_80 : f32 to vector<128x1024xf32>
    %select_n3A_82 = arith.select %eq3A_79, %broadcast_in_dim3A_81, %select_n3A_66 : vector<128x1024xi1>, vector<128x1024xf32>
    %reduce_max3A_83 = arith.constant dense<0xFF800000> : vector<128xf32>
    %reduce_max3A_84 = vector.multi_reduction <maximumf>, %select_n3A_82, %reduce_max3A_83 [1] : vector<128x1024xf32> to vector<128xf32>
    %broadcast_in_dim3A_85 = vector.shape_cast %reduce_max3A_84 : vector<128xf32> to vector<128x1xf32>
    %eq3A_86 = vector.broadcast %broadcast_in_dim3A_85 : vector<128x1xf32> to vector<128x1024xf32>
    %eq3A_87 = arith.cmpf oeq, %select_n3A_82, %eq3A_86 : vector<128x1024xf32>
    %jit3A_88 = arith.constant 1024 : i32
    %broadcast_in_dim3A_89 = vector.broadcast %jit3A_88 : i32 to vector<128x1024xi32>
    %select_n3A_90 = arith.select %eq3A_87, %iota3A, %broadcast_in_dim3A_89 : vector<128x1024xi1>, vector<128x1024xi32>
    %reduce_min3A_91 = arith.constant dense<2147483647> : vector<128xi32>
    %reduce_min3A_92 = vector.multi_reduction <minsi>, %select_n3A_90, %reduce_min3A_91 [1] : vector<128x1024xi32> to vector<128xi32>
    %broadcast_in_dim3A_93 = vector.shape_cast %reduce_min3A_92 : vector<128xi32> to vector<128x1xi32>
    %eq3A_94 = vector.broadcast %broadcast_in_dim3A_93 : vector<128x1xi32> to vector<128x1024xi32>
    %eq3A_95 = arith.cmpi eq, %iota3A, %eq3A_94 : vector<128x1024xi32>
    %jit3A_96 = arith.constant 0xFF800000 : f32
    %broadcast_in_dim3A_97 = vector.broadcast %jit3A_96 : f32 to vector<128x1024xf32>
    %select_n3A_98 = arith.select %eq3A_95, %broadcast_in_dim3A_97, %select_n3A_82 : vector<128x1024xi1>, vector<128x1024xf32>
    %reduce_max3A_99 = arith.constant dense<0xFF800000> : vector<128xf32>
    %reduce_max3A_100 = vector.multi_reduction <maximumf>, %select_n3A_98, %reduce_max3A_99 [1] : vector<128x1024xf32> to vector<128xf32>
    %broadcast_in_dim3A_101 = vector.shape_cast %reduce_max3A_100 : vector<128xf32> to vector<128x1xf32>
    %eq3A_102 = vector.broadcast %broadcast_in_dim3A_101 : vector<128x1xf32> to vector<128x1024xf32>
    %eq3A_103 = arith.cmpf oeq, %select_n3A_98, %eq3A_102 : vector<128x1024xf32>
    %jit3A_104 = arith.constant 1024 : i32
    %broadcast_in_dim3A_105 = vector.broadcast %jit3A_104 : i32 to vector<128x1024xi32>
    %select_n3A_106 = arith.select %eq3A_103, %iota3A, %broadcast_in_dim3A_105 : vector<128x1024xi1>, vector<128x1024xi32>
    %reduce_min3A_107 = arith.constant dense<2147483647> : vector<128xi32>
    %reduce_min3A_108 = vector.multi_reduction <minsi>, %select_n3A_106, %reduce_min3A_107 [1] : vector<128x1024xi32> to vector<128xi32>
    %broadcast_in_dim3A_109 = vector.shape_cast %reduce_min3A_108 : vector<128xi32> to vector<128x1xi32>
    %eq3A_110 = vector.broadcast %broadcast_in_dim3A_109 : vector<128x1xi32> to vector<128x1024xi32>
    %eq3A_111 = arith.cmpi eq, %iota3A, %eq3A_110 : vector<128x1024xi32>
    %jit3A_112 = arith.constant 0xFF800000 : f32
    %broadcast_in_dim3A_113 = vector.broadcast %jit3A_112 : f32 to vector<128x1024xf32>
    %select_n3A_114 = arith.select %eq3A_111, %broadcast_in_dim3A_113, %select_n3A_98 : vector<128x1024xi1>, vector<128x1024xf32>
    %reduce_max3A_115 = arith.constant dense<0xFF800000> : vector<128xf32>
    %reduce_max3A_116 = vector.multi_reduction <maximumf>, %select_n3A_114, %reduce_max3A_115 [1] : vector<128x1024xf32> to vector<128xf32>
    %broadcast_in_dim3A_117 = vector.shape_cast %reduce_max3A_116 : vector<128xf32> to vector<128x1xf32>
    %eq3A_118 = vector.broadcast %broadcast_in_dim3A_117 : vector<128x1xf32> to vector<128x1024xf32>
    %eq3A_119 = arith.cmpf oeq, %select_n3A_114, %eq3A_118 : vector<128x1024xf32>
    %jit3A_120 = arith.constant 1024 : i32
    %broadcast_in_dim3A_121 = vector.broadcast %jit3A_120 : i32 to vector<128x1024xi32>
    %select_n3A_122 = arith.select %eq3A_119, %iota3A, %broadcast_in_dim3A_121 : vector<128x1024xi1>, vector<128x1024xi32>
    %reduce_min3A_123 = arith.constant dense<2147483647> : vector<128xi32>
    %reduce_min3A_124 = vector.multi_reduction <minsi>, %select_n3A_122, %reduce_min3A_123 [1] : vector<128x1024xi32> to vector<128xi32>
    %broadcast_in_dim3A_125 = vector.shape_cast %reduce_min3A_124 : vector<128xi32> to vector<128x1xi32>
    %eq3A_126 = vector.broadcast %broadcast_in_dim3A_125 : vector<128x1xi32> to vector<128x1024xi32>
    %eq3A_127 = arith.cmpi eq, %iota3A, %eq3A_126 : vector<128x1024xi32>
    %jit3A_128 = arith.constant 0xFF800000 : f32
    %broadcast_in_dim3A_129 = vector.broadcast %jit3A_128 : f32 to vector<128x1024xf32>
    %select_n3A_130 = arith.select %eq3A_127, %broadcast_in_dim3A_129, %select_n3A_114 : vector<128x1024xi1>, vector<128x1024xf32>
    %reduce_max3A_131 = arith.constant dense<0xFF800000> : vector<128xf32>
    %reduce_max3A_132 = vector.multi_reduction <maximumf>, %select_n3A_130, %reduce_max3A_131 [1] : vector<128x1024xf32> to vector<128xf32>
    %broadcast_in_dim3A_133 = vector.shape_cast %reduce_max3A_132 : vector<128xf32> to vector<128x1xf32>
    %eq3A_134 = vector.broadcast %broadcast_in_dim3A_133 : vector<128x1xf32> to vector<128x1024xf32>
    %eq3A_135 = arith.cmpf oeq, %select_n3A_130, %eq3A_134 : vector<128x1024xf32>
    %jit3A_136 = arith.constant 1024 : i32
    %broadcast_in_dim3A_137 = vector.broadcast %jit3A_136 : i32 to vector<128x1024xi32>
    %select_n3A_138 = arith.select %eq3A_135, %iota3A, %broadcast_in_dim3A_137 : vector<128x1024xi1>, vector<128x1024xi32>
    %reduce_min3A_139 = arith.constant dense<2147483647> : vector<128xi32>
    %reduce_min3A_140 = vector.multi_reduction <minsi>, %select_n3A_138, %reduce_min3A_139 [1] : vector<128x1024xi32> to vector<128xi32>
    %broadcast_in_dim3A_141 = vector.shape_cast %reduce_min3A_140 : vector<128xi32> to vector<128x1xi32>
    %eq3A_142 = vector.broadcast %broadcast_in_dim3A_141 : vector<128x1xi32> to vector<128x1024xi32>
    %eq3A_143 = arith.cmpi eq, %iota3A, %eq3A_142 : vector<128x1024xi32>
    %jit3A_144 = arith.constant 0xFF800000 : f32
    %broadcast_in_dim3A_145 = vector.broadcast %jit3A_144 : f32 to vector<128x1024xf32>
    %select_n3A_146 = arith.select %eq3A_143, %broadcast_in_dim3A_145, %select_n3A_130 : vector<128x1024xi1>, vector<128x1024xf32>
    %reduce_max3A_147 = arith.constant dense<0xFF800000> : vector<128xf32>
    %reduce_max3A_148 = vector.multi_reduction <maximumf>, %select_n3A_146, %reduce_max3A_147 [1] : vector<128x1024xf32> to vector<128xf32>
    %broadcast_in_dim3A_149 = vector.shape_cast %reduce_max3A_148 : vector<128xf32> to vector<128x1xf32>
    %eq3A_150 = vector.broadcast %broadcast_in_dim3A_149 : vector<128x1xf32> to vector<128x1024xf32>
    %eq3A_151 = arith.cmpf oeq, %select_n3A_146, %eq3A_150 : vector<128x1024xf32>
    %jit3A_152 = arith.constant 1024 : i32
    %broadcast_in_dim3A_153 = vector.broadcast %jit3A_152 : i32 to vector<128x1024xi32>
    %select_n3A_154 = arith.select %eq3A_151, %iota3A, %broadcast_in_dim3A_153 : vector<128x1024xi1>, vector<128x1024xi32>
    %reduce_min3A_155 = arith.constant dense<2147483647> : vector<128xi32>
    %reduce_min3A_156 = vector.multi_reduction <minsi>, %select_n3A_154, %reduce_min3A_155 [1] : vector<128x1024xi32> to vector<128xi32>
    %broadcast_in_dim3A_157 = vector.shape_cast %reduce_min3A_156 : vector<128xi32> to vector<128x1xi32>
    %eq3A_158 = vector.broadcast %broadcast_in_dim3A_157 : vector<128x1xi32> to vector<128x1024xi32>
    %eq3A_159 = arith.cmpi eq, %iota3A, %eq3A_158 : vector<128x1024xi32>
    %jit3A_160 = arith.constant 0xFF800000 : f32
    %broadcast_in_dim3A_161 = vector.broadcast %jit3A_160 : f32 to vector<128x1024xf32>
    %select_n3A_162 = arith.select %eq3A_159, %broadcast_in_dim3A_161, %select_n3A_146 : vector<128x1024xi1>, vector<128x1024xf32>
    %reduce_max3A_163 = arith.constant dense<0xFF800000> : vector<128xf32>
    %reduce_max3A_164 = vector.multi_reduction <maximumf>, %select_n3A_162, %reduce_max3A_163 [1] : vector<128x1024xf32> to vector<128xf32>
    %broadcast_in_dim3A_165 = vector.shape_cast %reduce_max3A_164 : vector<128xf32> to vector<128x1xf32>
    %eq3A_166 = vector.broadcast %broadcast_in_dim3A_165 : vector<128x1xf32> to vector<128x1024xf32>
    %eq3A_167 = arith.cmpf oeq, %select_n3A_162, %eq3A_166 : vector<128x1024xf32>
    %jit3A_168 = arith.constant 1024 : i32
    %broadcast_in_dim3A_169 = vector.broadcast %jit3A_168 : i32 to vector<128x1024xi32>
    %select_n3A_170 = arith.select %eq3A_167, %iota3A, %broadcast_in_dim3A_169 : vector<128x1024xi1>, vector<128x1024xi32>
    %reduce_min3A_171 = arith.constant dense<2147483647> : vector<128xi32>
    %reduce_min3A_172 = vector.multi_reduction <minsi>, %select_n3A_170, %reduce_min3A_171 [1] : vector<128x1024xi32> to vector<128xi32>
    %broadcast_in_dim3A_173 = vector.shape_cast %reduce_min3A_172 : vector<128xi32> to vector<128x1xi32>
    %eq3A_174 = vector.broadcast %broadcast_in_dim3A_173 : vector<128x1xi32> to vector<128x1024xi32>
    %eq3A_175 = arith.cmpi eq, %iota3A, %eq3A_174 : vector<128x1024xi32>
    %jit3A_176 = arith.constant 0xFF800000 : f32
    %broadcast_in_dim3A_177 = vector.broadcast %jit3A_176 : f32 to vector<128x1024xf32>
    %select_n3A_178 = arith.select %eq3A_175, %broadcast_in_dim3A_177, %select_n3A_162 : vector<128x1024xi1>, vector<128x1024xf32>
    %reduce_max3A_179 = arith.constant dense<0xFF800000> : vector<128xf32>
    %reduce_max3A_180 = vector.multi_reduction <maximumf>, %select_n3A_178, %reduce_max3A_179 [1] : vector<128x1024xf32> to vector<128xf32>
    %broadcast_in_dim3A_181 = vector.shape_cast %reduce_max3A_180 : vector<128xf32> to vector<128x1xf32>
    %eq3A_182 = vector.broadcast %broadcast_in_dim3A_181 : vector<128x1xf32> to vector<128x1024xf32>
    %eq3A_183 = arith.cmpf oeq, %select_n3A_178, %eq3A_182 : vector<128x1024xf32>
    %jit3A_184 = arith.constant 1024 : i32
    %broadcast_in_dim3A_185 = vector.broadcast %jit3A_184 : i32 to vector<128x1024xi32>
    %select_n3A_186 = arith.select %eq3A_183, %iota3A, %broadcast_in_dim3A_185 : vector<128x1024xi1>, vector<128x1024xi32>
    %reduce_min3A_187 = arith.constant dense<2147483647> : vector<128xi32>
    %reduce_min3A_188 = vector.multi_reduction <minsi>, %select_n3A_186, %reduce_min3A_187 [1] : vector<128x1024xi32> to vector<128xi32>
    %broadcast_in_dim3A_189 = vector.shape_cast %reduce_min3A_188 : vector<128xi32> to vector<128x1xi32>
    %eq3A_190 = vector.broadcast %broadcast_in_dim3A_189 : vector<128x1xi32> to vector<128x1024xi32>
    %eq3A_191 = arith.cmpi eq, %iota3A, %eq3A_190 : vector<128x1024xi32>
    %jit3A_192 = arith.constant 0xFF800000 : f32
    %broadcast_in_dim3A_193 = vector.broadcast %jit3A_192 : f32 to vector<128x1024xf32>
    %select_n3A_194 = arith.select %eq3A_191, %broadcast_in_dim3A_193, %select_n3A_178 : vector<128x1024xi1>, vector<128x1024xf32>
    %reduce_max3A_195 = arith.constant dense<0xFF800000> : vector<128xf32>
    %reduce_max3A_196 = vector.multi_reduction <maximumf>, %select_n3A_194, %reduce_max3A_195 [1] : vector<128x1024xf32> to vector<128xf32>
    %broadcast_in_dim3A_197 = vector.shape_cast %reduce_max3A_196 : vector<128xf32> to vector<128x1xf32>
    %eq3A_198 = vector.broadcast %broadcast_in_dim3A_197 : vector<128x1xf32> to vector<128x1024xf32>
    %eq3A_199 = arith.cmpf oeq, %select_n3A_194, %eq3A_198 : vector<128x1024xf32>
    %jit3A_200 = arith.constant 1024 : i32
    %broadcast_in_dim3A_201 = vector.broadcast %jit3A_200 : i32 to vector<128x1024xi32>
    %select_n3A_202 = arith.select %eq3A_199, %iota3A, %broadcast_in_dim3A_201 : vector<128x1024xi1>, vector<128x1024xi32>
    %reduce_min3A_203 = arith.constant dense<2147483647> : vector<128xi32>
    %reduce_min3A_204 = vector.multi_reduction <minsi>, %select_n3A_202, %reduce_min3A_203 [1] : vector<128x1024xi32> to vector<128xi32>
    %broadcast_in_dim3A_205 = vector.shape_cast %reduce_min3A_204 : vector<128xi32> to vector<128x1xi32>
    %eq3A_206 = vector.broadcast %broadcast_in_dim3A_205 : vector<128x1xi32> to vector<128x1024xi32>
    %eq3A_207 = arith.cmpi eq, %iota3A, %eq3A_206 : vector<128x1024xi32>
    %jit3A_208 = arith.constant 0xFF800000 : f32
    %broadcast_in_dim3A_209 = vector.broadcast %jit3A_208 : f32 to vector<128x1024xf32>
    %select_n3A_210 = arith.select %eq3A_207, %broadcast_in_dim3A_209, %select_n3A_194 : vector<128x1024xi1>, vector<128x1024xf32>
    %reduce_max3A_211 = arith.constant dense<0xFF800000> : vector<128xf32>
    %reduce_max3A_212 = vector.multi_reduction <maximumf>, %select_n3A_210, %reduce_max3A_211 [1] : vector<128x1024xf32> to vector<128xf32>
    %broadcast_in_dim3A_213 = vector.shape_cast %reduce_max3A_212 : vector<128xf32> to vector<128x1xf32>
    %eq3A_214 = vector.broadcast %broadcast_in_dim3A_213 : vector<128x1xf32> to vector<128x1024xf32>
    %eq3A_215 = arith.cmpf oeq, %select_n3A_210, %eq3A_214 : vector<128x1024xf32>
    %jit3A_216 = arith.constant 1024 : i32
    %broadcast_in_dim3A_217 = vector.broadcast %jit3A_216 : i32 to vector<128x1024xi32>
    %select_n3A_218 = arith.select %eq3A_215, %iota3A, %broadcast_in_dim3A_217 : vector<128x1024xi1>, vector<128x1024xi32>
    %reduce_min3A_219 = arith.constant dense<2147483647> : vector<128xi32>
    %reduce_min3A_220 = vector.multi_reduction <minsi>, %select_n3A_218, %reduce_min3A_219 [1] : vector<128x1024xi32> to vector<128xi32>
    %broadcast_in_dim3A_221 = vector.shape_cast %reduce_min3A_220 : vector<128xi32> to vector<128x1xi32>
    %eq3A_222 = vector.broadcast %broadcast_in_dim3A_221 : vector<128x1xi32> to vector<128x1024xi32>
    %eq3A_223 = arith.cmpi eq, %iota3A, %eq3A_222 : vector<128x1024xi32>
    %jit3A_224 = arith.constant 0xFF800000 : f32
    %broadcast_in_dim3A_225 = vector.broadcast %jit3A_224 : f32 to vector<128x1024xf32>
    %select_n3A_226 = arith.select %eq3A_223, %broadcast_in_dim3A_225, %select_n3A_210 : vector<128x1024xi1>, vector<128x1024xf32>
    %reduce_max3A_227 = arith.constant dense<0xFF800000> : vector<128xf32>
    %reduce_max3A_228 = vector.multi_reduction <maximumf>, %select_n3A_226, %reduce_max3A_227 [1] : vector<128x1024xf32> to vector<128xf32>
    %broadcast_in_dim3A_229 = vector.shape_cast %reduce_max3A_228 : vector<128xf32> to vector<128x1xf32>
    %eq3A_230 = vector.broadcast %broadcast_in_dim3A_229 : vector<128x1xf32> to vector<128x1024xf32>
    %eq3A_231 = arith.cmpf oeq, %select_n3A_226, %eq3A_230 : vector<128x1024xf32>
    %jit3A_232 = arith.constant 1024 : i32
    %broadcast_in_dim3A_233 = vector.broadcast %jit3A_232 : i32 to vector<128x1024xi32>
    %select_n3A_234 = arith.select %eq3A_231, %iota3A, %broadcast_in_dim3A_233 : vector<128x1024xi1>, vector<128x1024xi32>
    %reduce_min3A_235 = arith.constant dense<2147483647> : vector<128xi32>
    %reduce_min3A_236 = vector.multi_reduction <minsi>, %select_n3A_234, %reduce_min3A_235 [1] : vector<128x1024xi32> to vector<128xi32>
    %broadcast_in_dim3A_237 = vector.shape_cast %reduce_min3A_236 : vector<128xi32> to vector<128x1xi32>
    %eq3A_238 = vector.broadcast %broadcast_in_dim3A_237 : vector<128x1xi32> to vector<128x1024xi32>
    %eq3A_239 = arith.cmpi eq, %iota3A, %eq3A_238 : vector<128x1024xi32>
    %jit3A_240 = arith.constant 0xFF800000 : f32
    %broadcast_in_dim3A_241 = vector.broadcast %jit3A_240 : f32 to vector<128x1024xf32>
    %select_n3A_242 = arith.select %eq3A_239, %broadcast_in_dim3A_241, %select_n3A_226 : vector<128x1024xi1>, vector<128x1024xf32>
    %reduce_max3A_243 = arith.constant dense<0xFF800000> : vector<128xf32>
    %reduce_max3A_244 = vector.multi_reduction <maximumf>, %select_n3A_242, %reduce_max3A_243 [1] : vector<128x1024xf32> to vector<128xf32>
    %broadcast_in_dim3A_245 = vector.shape_cast %reduce_max3A_244 : vector<128xf32> to vector<128x1xf32>
    %eq3A_246 = vector.broadcast %broadcast_in_dim3A_245 : vector<128x1xf32> to vector<128x1024xf32>
    %eq3A_247 = arith.cmpf oeq, %select_n3A_242, %eq3A_246 : vector<128x1024xf32>
    %jit3A_248 = arith.constant 1024 : i32
    %broadcast_in_dim3A_249 = vector.broadcast %jit3A_248 : i32 to vector<128x1024xi32>
    %select_n3A_250 = arith.select %eq3A_247, %iota3A, %broadcast_in_dim3A_249 : vector<128x1024xi1>, vector<128x1024xi32>
    %reduce_min3A_251 = arith.constant dense<2147483647> : vector<128xi32>
    %reduce_min3A_252 = vector.multi_reduction <minsi>, %select_n3A_250, %reduce_min3A_251 [1] : vector<128x1024xi32> to vector<128xi32>
    %broadcast_in_dim3A_253 = vector.shape_cast %reduce_min3A_252 : vector<128xi32> to vector<128x1xi32>
    %eq3A_254 = vector.broadcast %broadcast_in_dim3A_253 : vector<128x1xi32> to vector<128x1024xi32>
    %eq3A_255 = arith.cmpi eq, %iota3A, %eq3A_254 : vector<128x1024xi32>
    %jit3A_256 = arith.constant 0xFF800000 : f32
    %broadcast_in_dim3A_257 = vector.broadcast %jit3A_256 : f32 to vector<128x1024xf32>
    %select_n3A_258 = arith.select %eq3A_255, %broadcast_in_dim3A_257, %select_n3A_242 : vector<128x1024xi1>, vector<128x1024xf32>
    %reduce_max3A_259 = arith.constant dense<0xFF800000> : vector<128xf32>
    %reduce_max3A_260 = vector.multi_reduction <maximumf>, %select_n3A_258, %reduce_max3A_259 [1] : vector<128x1024xf32> to vector<128xf32>
    %broadcast_in_dim3A_261 = vector.shape_cast %reduce_max3A_260 : vector<128xf32> to vector<128x1xf32>
    %eq3A_262 = vector.broadcast %broadcast_in_dim3A_261 : vector<128x1xf32> to vector<128x1024xf32>
    %eq3A_263 = arith.cmpf oeq, %select_n3A_258, %eq3A_262 : vector<128x1024xf32>
    %jit3A_264 = arith.constant 1024 : i32
    %broadcast_in_dim3A_265 = vector.broadcast %jit3A_264 : i32 to vector<128x1024xi32>
    %select_n3A_266 = arith.select %eq3A_263, %iota3A, %broadcast_in_dim3A_265 : vector<128x1024xi1>, vector<128x1024xi32>
    %reduce_min3A_267 = arith.constant dense<2147483647> : vector<128xi32>
    %reduce_min3A_268 = vector.multi_reduction <minsi>, %select_n3A_266, %reduce_min3A_267 [1] : vector<128x1024xi32> to vector<128xi32>
    %broadcast_in_dim3A_269 = vector.shape_cast %reduce_min3A_268 : vector<128xi32> to vector<128x1xi32>
    %eq3A_270 = vector.broadcast %broadcast_in_dim3A_269 : vector<128x1xi32> to vector<128x1024xi32>
    %eq3A_271 = arith.cmpi eq, %iota3A, %eq3A_270 : vector<128x1024xi32>
    %jit3A_272 = arith.constant 0xFF800000 : f32
    %broadcast_in_dim3A_273 = vector.broadcast %jit3A_272 : f32 to vector<128x1024xf32>
    %select_n3A_274 = arith.select %eq3A_271, %broadcast_in_dim3A_273, %select_n3A_258 : vector<128x1024xi1>, vector<128x1024xf32>
    %reduce_max3A_275 = arith.constant dense<0xFF800000> : vector<128xf32>
    %reduce_max3A_276 = vector.multi_reduction <maximumf>, %select_n3A_274, %reduce_max3A_275 [1] : vector<128x1024xf32> to vector<128xf32>
    %broadcast_in_dim3A_277 = vector.shape_cast %reduce_max3A_276 : vector<128xf32> to vector<128x1xf32>
    %eq3A_278 = vector.broadcast %broadcast_in_dim3A_277 : vector<128x1xf32> to vector<128x1024xf32>
    %eq3A_279 = arith.cmpf oeq, %select_n3A_274, %eq3A_278 : vector<128x1024xf32>
    %jit3A_280 = arith.constant 1024 : i32
    %broadcast_in_dim3A_281 = vector.broadcast %jit3A_280 : i32 to vector<128x1024xi32>
    %select_n3A_282 = arith.select %eq3A_279, %iota3A, %broadcast_in_dim3A_281 : vector<128x1024xi1>, vector<128x1024xi32>
    %reduce_min3A_283 = arith.constant dense<2147483647> : vector<128xi32>
    %reduce_min3A_284 = vector.multi_reduction <minsi>, %select_n3A_282, %reduce_min3A_283 [1] : vector<128x1024xi32> to vector<128xi32>
    %broadcast_in_dim3A_285 = vector.shape_cast %reduce_min3A_284 : vector<128xi32> to vector<128x1xi32>
    %eq3A_286 = vector.broadcast %broadcast_in_dim3A_285 : vector<128x1xi32> to vector<128x1024xi32>
    %eq3A_287 = arith.cmpi eq, %iota3A, %eq3A_286 : vector<128x1024xi32>
    %jit3A_288 = arith.constant 0xFF800000 : f32
    %broadcast_in_dim3A_289 = vector.broadcast %jit3A_288 : f32 to vector<128x1024xf32>
    %select_n3A_290 = arith.select %eq3A_287, %broadcast_in_dim3A_289, %select_n3A_274 : vector<128x1024xi1>, vector<128x1024xf32>
    %reduce_max3A_291 = arith.constant dense<0xFF800000> : vector<128xf32>
    %reduce_max3A_292 = vector.multi_reduction <maximumf>, %select_n3A_290, %reduce_max3A_291 [1] : vector<128x1024xf32> to vector<128xf32>
    %broadcast_in_dim3A_293 = vector.shape_cast %reduce_max3A_292 : vector<128xf32> to vector<128x1xf32>
    %eq3A_294 = vector.broadcast %broadcast_in_dim3A_293 : vector<128x1xf32> to vector<128x1024xf32>
    %eq3A_295 = arith.cmpf oeq, %select_n3A_290, %eq3A_294 : vector<128x1024xf32>
    %jit3A_296 = arith.constant 1024 : i32
    %broadcast_in_dim3A_297 = vector.broadcast %jit3A_296 : i32 to vector<128x1024xi32>
    %select_n3A_298 = arith.select %eq3A_295, %iota3A, %broadcast_in_dim3A_297 : vector<128x1024xi1>, vector<128x1024xi32>
    %reduce_min3A_299 = arith.constant dense<2147483647> : vector<128xi32>
    %reduce_min3A_300 = vector.multi_reduction <minsi>, %select_n3A_298, %reduce_min3A_299 [1] : vector<128x1024xi32> to vector<128xi32>
    %broadcast_in_dim3A_301 = vector.shape_cast %reduce_min3A_300 : vector<128xi32> to vector<128x1xi32>
    %eq3A_302 = vector.broadcast %broadcast_in_dim3A_301 : vector<128x1xi32> to vector<128x1024xi32>
    %eq3A_303 = arith.cmpi eq, %iota3A, %eq3A_302 : vector<128x1024xi32>
    %jit3A_304 = arith.constant 0xFF800000 : f32
    %broadcast_in_dim3A_305 = vector.broadcast %jit3A_304 : f32 to vector<128x1024xf32>
    %select_n3A_306 = arith.select %eq3A_303, %broadcast_in_dim3A_305, %select_n3A_290 : vector<128x1024xi1>, vector<128x1024xf32>
    %reduce_max3A_307 = arith.constant dense<0xFF800000> : vector<128xf32>
    %reduce_max3A_308 = vector.multi_reduction <maximumf>, %select_n3A_306, %reduce_max3A_307 [1] : vector<128x1024xf32> to vector<128xf32>
    %broadcast_in_dim3A_309 = vector.shape_cast %reduce_max3A_308 : vector<128xf32> to vector<128x1xf32>
    %eq3A_310 = vector.broadcast %broadcast_in_dim3A_309 : vector<128x1xf32> to vector<128x1024xf32>
    %eq3A_311 = arith.cmpf oeq, %select_n3A_306, %eq3A_310 : vector<128x1024xf32>
    %jit3A_312 = arith.constant 1024 : i32
    %broadcast_in_dim3A_313 = vector.broadcast %jit3A_312 : i32 to vector<128x1024xi32>
    %select_n3A_314 = arith.select %eq3A_311, %iota3A, %broadcast_in_dim3A_313 : vector<128x1024xi1>, vector<128x1024xi32>
    %reduce_min3A_315 = arith.constant dense<2147483647> : vector<128xi32>
    %reduce_min3A_316 = vector.multi_reduction <minsi>, %select_n3A_314, %reduce_min3A_315 [1] : vector<128x1024xi32> to vector<128xi32>
    %broadcast_in_dim3A_317 = vector.shape_cast %reduce_min3A_316 : vector<128xi32> to vector<128x1xi32>
    %eq3A_318 = vector.broadcast %broadcast_in_dim3A_317 : vector<128x1xi32> to vector<128x1024xi32>
    %eq3A_319 = arith.cmpi eq, %iota3A, %eq3A_318 : vector<128x1024xi32>
    %jit3A_320 = arith.constant 0xFF800000 : f32
    %broadcast_in_dim3A_321 = vector.broadcast %jit3A_320 : f32 to vector<128x1024xf32>
    %select_n3A_322 = arith.select %eq3A_319, %broadcast_in_dim3A_321, %select_n3A_306 : vector<128x1024xi1>, vector<128x1024xf32>
    %reduce_max3A_323 = arith.constant dense<0xFF800000> : vector<128xf32>
    %reduce_max3A_324 = vector.multi_reduction <maximumf>, %select_n3A_322, %reduce_max3A_323 [1] : vector<128x1024xf32> to vector<128xf32>
    %broadcast_in_dim3A_325 = vector.shape_cast %reduce_max3A_324 : vector<128xf32> to vector<128x1xf32>
    %eq3A_326 = vector.broadcast %broadcast_in_dim3A_325 : vector<128x1xf32> to vector<128x1024xf32>
    %eq3A_327 = arith.cmpf oeq, %select_n3A_322, %eq3A_326 : vector<128x1024xf32>
    %jit3A_328 = arith.constant 1024 : i32
    %broadcast_in_dim3A_329 = vector.broadcast %jit3A_328 : i32 to vector<128x1024xi32>
    %select_n3A_330 = arith.select %eq3A_327, %iota3A, %broadcast_in_dim3A_329 : vector<128x1024xi1>, vector<128x1024xi32>
    %reduce_min3A_331 = arith.constant dense<2147483647> : vector<128xi32>
    %reduce_min3A_332 = vector.multi_reduction <minsi>, %select_n3A_330, %reduce_min3A_331 [1] : vector<128x1024xi32> to vector<128xi32>
    %broadcast_in_dim3A_333 = vector.shape_cast %reduce_min3A_332 : vector<128xi32> to vector<128x1xi32>
    %concatenate3A = tpu.concatenate %broadcast_in_dim3A_29, %broadcast_in_dim3A_45, %broadcast_in_dim3A_61, %broadcast_in_dim3A_77, %broadcast_in_dim3A_93, %broadcast_in_dim3A_109, %broadcast_in_dim3A_125, %broadcast_in_dim3A_141, %broadcast_in_dim3A_157, %broadcast_in_dim3A_173, %broadcast_in_dim3A_189, %broadcast_in_dim3A_205, %broadcast_in_dim3A_221, %broadcast_in_dim3A_237, %broadcast_in_dim3A_253, %broadcast_in_dim3A_269, %broadcast_in_dim3A_285, %broadcast_in_dim3A_301, %broadcast_in_dim3A_317, %broadcast_in_dim3A_333 in 1 : vector<128x1xi32>, vector<128x1xi32>, vector<128x1xi32>, vector<128x1xi32>, vector<128x1xi32>, vector<128x1xi32>, vector<128x1xi32>, vector<128x1xi32>, vector<128x1xi32>, vector<128x1xi32>, vector<128x1xi32>, vector<128x1xi32>, vector<128x1xi32>, vector<128x1xi32>, vector<128x1xi32>, vector<128x1xi32>, vector<128x1xi32>, vector<128x1xi32>, vector<128x1xi32>, vector<128x1xi32> -> vector<128x20xi32>
    %mul3A_334 = arith.constant 1024 : i32
    %mul3A_335 = arith.muli %arg0, %mul3A_334 : i32
    %add3A = vector.broadcast %mul3A_335 : i32 to vector<128x20xi32>
    %add3A_336 = arith.addi %concatenate3A, %add3A : vector<128x20xi32>
    %swap3A = arith.constant 0 : index
    %swap3A_337 = arith.constant 0 : index
    %swap3A_338 = arith.constant 0 : index
    %swap3A_339 = vector.load %arg3[%swap3A, %swap3A_337, %swap3A_338] : memref<1x128x20xi32, #tpu.memory_space<vmem>>, vector<1x128x20xi32>
    %swap3A_340 = vector.shape_cast %swap3A_339 : vector<1x128x20xi32> to vector<128x20xi32>
    %swap3A_341 = vector.shape_cast %add3A_336 : vector<128x20xi32> to vector<1x128x20xi32>
    tpu.vector_store %arg3[%swap3A, %swap3A_337, %swap3A_338], %swap3A_341 {strides = array<i32>} : memref<1x128x20xi32, #tpu.memory_space<vmem>>, vector<1x128x20xi32>,
    return
  }
  func.func @transform_0(%arg0: i32, %arg1: i32) -> (i32, i32, i32) {
    %c0_i32 = arith.constant 0 : i32
    %c0_i32_0 = arith.constant 0 : i32
    %c0_i32_1 = arith.constant 0 : i32
    return %arg0, %c0_i32, %c0_i32_0 : i32, i32, i32
  }
  func.func @transform_1(%arg0: i32, %arg1: i32) -> (i32, i32, i32) {
    %c0_i32 = arith.constant 0 : i32
    %c0_i32_0 = arith.constant 0 : i32
    return %arg0, %arg1, %c0_i32 : i32, i32, i32
  }
}

module attributes {stable_mosaic.version = 14 : i64} {
  func.func @_passA_body(%arg0: i32, %arg1: memref<640x128xf32, #tpu.memory_space<vmem>>, %arg2: memref<32x3xf32, #tpu.memory_space<vmem>>, %arg3: memref<2x128xbf16, #tpu.memory_space<vmem>>, %arg4: memref<640x384xf32, #tpu.memory_space<vmem>>, %arg5: memref<2x64xf32, #tpu.memory_space<vmem>>) attributes {dimension_semantics = [#tpu.dimension_semantics<arbitrary>], iteration_bounds = array<i64: 128>, scalar_prefetch = 0 : i64, scratch_operands = 0 : i64, tpu.core_type = #tpu.core_type<tc>, window_params = [{transform_indices = @transform_0, window_bounds = array<i64: 640, 128>}, {transform_indices = @transform_1, window_bounds = array<i64: 32, 3>}, {pipeline_mode = #tpu.pipeline_mode<synchronous>, transform_indices = @transform_2, window_bounds = array<i64: 2, 128>}, {transform_indices = @transform_3, window_bounds = array<i64: 640, 384>}, {pipeline_mode = #tpu.pipeline_mode<synchronous>, transform_indices = @transform_4, window_bounds = array<i64: 2, 64>}]} {
    %get3A = arith.constant 0 : index
    %get3A_0 = arith.constant 0 : index
    %get3A_1 = vector.load %arg1[%get3A, %get3A_0] : memref<640x128xf32, #tpu.memory_space<vmem>>, vector<640x128xf32>
    %get3A_2 = arith.constant 0 : index
    %get3A_3 = arith.constant 0 : index
    %get3A_4 = vector.load %arg2[%get3A_2, %get3A_3] : memref<32x3xf32, #tpu.memory_space<vmem>>, vector<32x3xf32>
    %broadcast_in_dim3A = vector.shape_cast %get3A_4 : vector<32x3xf32> to vector<32x1x3xf32>
    %broadcast_in_dim3A_5 = vector.broadcast %broadcast_in_dim3A : vector<32x1x3xf32> to vector<32x20x3xf32>
    %reshape3A = vector.shape_cast %broadcast_in_dim3A_5 : vector<32x20x3xf32> to vector<640x3xf32>
    %slice3A = vector.extract_strided_slice %get3A_1 {offsets = [0, 0], sizes = [640, 3], strides = [1, 1]} : vector<640x128xf32> to vector<640x3xf32>
    %sub3A = arith.subf %slice3A, %reshape3A : vector<640x3xf32>
    %get3A_6 = arith.constant 0 : index
    %get3A_7 = arith.constant 0 : index
    %get3A_8 = vector.load %arg3[%get3A_6, %get3A_7] : memref<2x128xbf16, #tpu.memory_space<vmem>>, vector<2x128xbf16>
    %slice3A_9 = vector.extract_strided_slice %sub3A {offsets = [0, 0], sizes = [640, 1], strides = [1, 1]} : vector<640x3xf32> to vector<640x1xf32>
    %slice3A_10 = vector.extract_strided_slice %reshape3A {offsets = [0, 0], sizes = [640, 1], strides = [1, 1]} : vector<640x3xf32> to vector<640x1xf32>
    %concatenate3A = tpu.concatenate %slice3A_9, %slice3A_10 in 1 : vector<640x1xf32>, vector<640x1xf32> -> vector<640x2xf32>
    %slice3A_11 = vector.extract_strided_slice %sub3A {offsets = [0, 1], sizes = [640, 1], strides = [1, 1]} : vector<640x3xf32> to vector<640x1xf32>
    %slice3A_12 = vector.extract_strided_slice %reshape3A {offsets = [0, 1], sizes = [640, 1], strides = [1, 1]} : vector<640x3xf32> to vector<640x1xf32>
    %concatenate3A_13 = tpu.concatenate %slice3A_11, %slice3A_12 in 1 : vector<640x1xf32>, vector<640x1xf32> -> vector<640x2xf32>
    %slice3A_14 = vector.extract_strided_slice %sub3A {offsets = [0, 2], sizes = [640, 1], strides = [1, 1]} : vector<640x3xf32> to vector<640x1xf32>
    %slice3A_15 = vector.extract_strided_slice %reshape3A {offsets = [0, 2], sizes = [640, 1], strides = [1, 1]} : vector<640x3xf32> to vector<640x1xf32>
    %concatenate3A_16 = tpu.concatenate %slice3A_14, %slice3A_15 in 1 : vector<640x1xf32>, vector<640x1xf32> -> vector<640x2xf32>
    %concatenate3A_17 = tpu.concatenate %concatenate3A, %concatenate3A_13, %concatenate3A_16 in 0 : vector<640x2xf32>, vector<640x2xf32>, vector<640x2xf32> -> vector<1920x2xf32>
    %convert_element_type3A = arith.truncf %concatenate3A_17 : vector<1920x2xf32> to vector<1920x2xbf16>
    %dot_general3A = arith.constant dense<0.000000e+00> : vector<1920x128xf32>
    %dot_general3A_18 = tpu.matmul %convert_element_type3A, %get3A_8, %dot_general3A {dimension_numbers = #tpu.dot_dimension_numbers<[1], [0], [0], [1], [0, 0, 1, 1], [], []>, transpose_lhs_hint = false} : vector<1920x2xbf16>, vector<2x128xbf16>, vector<1920x128xf32> -> vector<1920x128xf32>
    %slice3A_19 = vector.extract_strided_slice %dot_general3A_18 {offsets = [0, 0], sizes = [640, 64], strides = [1, 1]} : vector<1920x128xf32> to vector<640x64xf32>
    %slice3A_20 = vector.extract_strided_slice %dot_general3A_18 {offsets = [640, 0], sizes = [640, 64], strides = [1, 1]} : vector<1920x128xf32> to vector<640x64xf32>
    %slice3A_21 = vector.extract_strided_slice %dot_general3A_18 {offsets = [1280, 0], sizes = [640, 64], strides = [1, 1]} : vector<1920x128xf32> to vector<640x64xf32>
    %slice3A_22 = vector.extract_strided_slice %dot_general3A_18 {offsets = [0, 64], sizes = [640, 64], strides = [1, 1]} : vector<1920x128xf32> to vector<640x64xf32>
    %slice3A_23 = vector.extract_strided_slice %dot_general3A_18 {offsets = [640, 64], sizes = [640, 64], strides = [1, 1]} : vector<1920x128xf32> to vector<640x64xf32>
    %slice3A_24 = vector.extract_strided_slice %dot_general3A_18 {offsets = [1280, 64], sizes = [640, 64], strides = [1, 1]} : vector<1920x128xf32> to vector<640x64xf32>
    %mul3A = arith.mulf %slice3A_19, %slice3A_19 : vector<640x64xf32>
    %mul3A_25 = arith.mulf %slice3A_20, %slice3A_20 : vector<640x64xf32>
    %add3A = arith.addf %mul3A, %mul3A_25 : vector<640x64xf32>
    %mul3A_26 = arith.mulf %slice3A_21, %slice3A_21 : vector<640x64xf32>
    %add3A_27 = arith.addf %add3A, %mul3A_26 : vector<640x64xf32>
    %sqrt3A = math.sqrt %add3A_27 : vector<640x64xf32>
    %add3A_28 = arith.constant 9.99999997E-7 : f32
    %add3A_29 = vector.broadcast %add3A_28 : f32 to vector<640x64xf32>
    %add3A_30 = arith.addf %sqrt3A, %add3A_29 : vector<640x64xf32>
    %reduce_sum3A = arith.constant dense<0.000000e+00> : vector<64xf32>
    %reduce_sum3A_31 = vector.multi_reduction <add>, %add3A_30, %reduce_sum3A [0] : vector<640x64xf32> to vector<64xf32>
    %mul3A_32 = arith.mulf %add3A_30, %add3A_30 : vector<640x64xf32>
    %reduce_sum3A_33 = arith.constant dense<0.000000e+00> : vector<64xf32>
    %reduce_sum3A_34 = vector.multi_reduction <add>, %mul3A_32, %reduce_sum3A_33 [0] : vector<640x64xf32> to vector<64xf32>
    %stack3A = vector.shape_cast %reduce_sum3A_31 : vector<64xf32> to vector<1x64xf32>
    %stack3A_35 = vector.shape_cast %reduce_sum3A_34 : vector<64xf32> to vector<1x64xf32>
    %stack3A_36 = tpu.concatenate %stack3A, %stack3A_35 in 0 : vector<1x64xf32>, vector<1x64xf32> -> vector<2x64xf32>
    %eq3A = arith.constant 0 : i32
    %eq3A_37 = arith.cmpi eq, %arg0, %eq3A : i32
    %convert_element_type3A_38 = arith.extui %eq3A_37 : i1 to i32
    %cond3A = arith.constant 0 : i32
    %cond3A_39 = arith.cmpi ne, %convert_element_type3A_38, %cond3A : i32
    scf.if %cond3A_39 {
      %broadcast_in_dim3A_50 = arith.constant 0.000000e+00 : f32
      %broadcast_in_dim3A_51 = vector.broadcast %broadcast_in_dim3A_50 : f32 to vector<2x64xf32>
      %swap3A_52 = arith.constant 0 : index
      %swap3A_53 = arith.constant 0 : index
      %swap3A_54 = vector.load %arg5[%swap3A_52, %swap3A_53] : memref<2x64xf32, #tpu.memory_space<vmem>>, vector<2x64xf32>
      tpu.vector_store %arg5[%swap3A_52, %swap3A_53], %broadcast_in_dim3A_51 {strides = array<i32>} : memref<2x64xf32, #tpu.memory_space<vmem>>, vector<2x64xf32>,
    } else {
    }
    %get3A_40 = arith.constant 0 : index
    %get3A_41 = arith.constant 0 : index
    %get3A_42 = vector.load %arg5[%get3A_40, %get3A_41] : memref<2x64xf32, #tpu.memory_space<vmem>>, vector<2x64xf32>
    %add3A_43 = arith.addf %get3A_42, %stack3A_36 : vector<2x64xf32>
    %swap3A = arith.constant 0 : index
    %swap3A_44 = arith.constant 0 : index
    %swap3A_45 = vector.load %arg5[%swap3A, %swap3A_44] : memref<2x64xf32, #tpu.memory_space<vmem>>, vector<2x64xf32>
    tpu.vector_store %arg5[%swap3A, %swap3A_44], %add3A_43 {strides = array<i32>} : memref<2x64xf32, #tpu.memory_space<vmem>>, vector<2x64xf32>,
    %concatenate3A_46 = tpu.concatenate %slice3A_19, %slice3A_20, %slice3A_21, %slice3A_22, %slice3A_23, %slice3A_24 in 1 : vector<640x64xf32>, vector<640x64xf32>, vector<640x64xf32>, vector<640x64xf32>, vector<640x64xf32>, vector<640x64xf32> -> vector<640x384xf32>
    %swap3A_47 = arith.constant 0 : index
    %swap3A_48 = arith.constant 0 : index
    %swap3A_49 = vector.load %arg4[%swap3A_47, %swap3A_48] : memref<640x384xf32, #tpu.memory_space<vmem>>, vector<640x384xf32>
    tpu.vector_store %arg4[%swap3A_47, %swap3A_48], %concatenate3A_46 {strides = array<i32>} : memref<640x384xf32, #tpu.memory_space<vmem>>, vector<640x384xf32>,
    return
  }
  func.func @transform_0(%arg0: i32) -> (i32, i32) {
    %c0_i32 = arith.constant 0 : i32
    %c0_i32_0 = arith.constant 0 : i32
    return %arg0, %c0_i32 : i32, i32
  }
  func.func @transform_1(%arg0: i32) -> (i32, i32) {
    %c0_i32 = arith.constant 0 : i32
    %c0_i32_0 = arith.constant 0 : i32
    return %arg0, %c0_i32 : i32, i32
  }
  func.func @transform_2(%arg0: i32) -> (i32, i32) {
    %c0_i32 = arith.constant 0 : i32
    %c0_i32_0 = arith.constant 0 : i32
    %c0_i32_1 = arith.constant 0 : i32
    return %c0_i32, %c0_i32_0 : i32, i32
  }
  func.func @transform_3(%arg0: i32) -> (i32, i32) {
    %c0_i32 = arith.constant 0 : i32
    %c0_i32_0 = arith.constant 0 : i32
    return %arg0, %c0_i32 : i32, i32
  }
  func.func @transform_4(%arg0: i32) -> (i32, i32) {
    %c0_i32 = arith.constant 0 : i32
    %c0_i32_0 = arith.constant 0 : i32
    %c0_i32_1 = arith.constant 0 : i32
    return %c0_i32, %c0_i32_0 : i32, i32
  }
}

module attributes {stable_mosaic.version = 14 : i64} {
  func.func @_passB_body(%arg0: i32, %arg1: memref<640x384xf32, #tpu.memory_space<vmem>>, %arg2: memref<2x64xf32, #tpu.memory_space<vmem>>, %arg3: memref<1x64xf32, #tpu.memory_space<vmem>>, %arg4: memref<1x64xf32, #tpu.memory_space<vmem>>, %arg5: memref<32x192xf32, #tpu.memory_space<vmem>>) attributes {dimension_semantics = [#tpu.dimension_semantics<arbitrary>], iteration_bounds = array<i64: 128>, scalar_prefetch = 0 : i64, scratch_operands = 0 : i64, tpu.core_type = #tpu.core_type<tc>, window_params = [{transform_indices = @transform_0, window_bounds = array<i64: 640, 384>}, {pipeline_mode = #tpu.pipeline_mode<synchronous>, transform_indices = @transform_1, window_bounds = array<i64: 2, 64>}, {pipeline_mode = #tpu.pipeline_mode<synchronous>, transform_indices = @transform_2, window_bounds = array<i64: 1, 64>}, {pipeline_mode = #tpu.pipeline_mode<synchronous>, transform_indices = @transform_3, window_bounds = array<i64: 1, 64>}, {transform_indices = @transform_4, window_bounds = array<i64: 32, 192>}]} {
    %get3A = arith.constant 0 : index
    %get3A_0 = arith.constant 0 : index
    %get3A_1 = vector.load %arg1[%get3A, %get3A_0] : memref<640x384xf32, #tpu.memory_space<vmem>>, vector<640x384xf32>
    %get3A_2 = arith.constant 0 : index
    %get3A_3 = arith.constant 0 : index
    %get3A_4 = vector.load %arg2[%get3A_2, %get3A_3] : memref<2x64xf32, #tpu.memory_space<vmem>>, vector<2x64xf32>
    %get3A_5 = arith.constant 0 : index
    %get3A_6 = arith.constant 0 : index
    %get3A_7 = vector.load %arg3[%get3A_5, %get3A_6] : memref<1x64xf32, #tpu.memory_space<vmem>>, vector<1x64xf32>
    %get3A_8 = arith.constant 0 : index
    %get3A_9 = arith.constant 0 : index
    %get3A_10 = vector.load %arg4[%get3A_8, %get3A_9] : memref<1x64xf32, #tpu.memory_space<vmem>>, vector<1x64xf32>
    %slice3A = vector.extract_strided_slice %get3A_4 {offsets = [0, 0], sizes = [1, 64], strides = [1, 1]} : vector<2x64xf32> to vector<1x64xf32>
    %div3A = arith.constant 8.192000e+04 : f32
    %div3A_11 = vector.broadcast %div3A : f32 to vector<1x64xf32>
    %div3A_12 = arith.divf %slice3A, %div3A_11 : vector<1x64xf32>
    %slice3A_13 = vector.extract_strided_slice %get3A_4 {offsets = [1, 0], sizes = [1, 64], strides = [1, 1]} : vector<2x64xf32> to vector<1x64xf32>
    %div3A_14 = arith.constant 8.192000e+04 : f32
    %div3A_15 = vector.broadcast %div3A_14 : f32 to vector<1x64xf32>
    %div3A_16 = arith.divf %slice3A_13, %div3A_15 : vector<1x64xf32>
    %mul3A = arith.mulf %div3A_12, %div3A_12 : vector<1x64xf32>
    %sub3A = arith.subf %div3A_16, %mul3A : vector<1x64xf32>
    %slice3A_17 = vector.extract_strided_slice %get3A_1 {offsets = [0, 0], sizes = [640, 64], strides = [1, 1]} : vector<640x384xf32> to vector<640x64xf32>
    %slice3A_18 = vector.extract_strided_slice %get3A_1 {offsets = [0, 64], sizes = [640, 64], strides = [1, 1]} : vector<640x384xf32> to vector<640x64xf32>
    %slice3A_19 = vector.extract_strided_slice %get3A_1 {offsets = [0, 128], sizes = [640, 64], strides = [1, 1]} : vector<640x384xf32> to vector<640x64xf32>
    %slice3A_20 = vector.extract_strided_slice %get3A_1 {offsets = [0, 192], sizes = [640, 64], strides = [1, 1]} : vector<640x384xf32> to vector<640x64xf32>
    %slice3A_21 = vector.extract_strided_slice %get3A_1 {offsets = [0, 256], sizes = [640, 64], strides = [1, 1]} : vector<640x384xf32> to vector<640x64xf32>
    %slice3A_22 = vector.extract_strided_slice %get3A_1 {offsets = [0, 320], sizes = [640, 64], strides = [1, 1]} : vector<640x384xf32> to vector<640x64xf32>
    %mul3A_23 = arith.mulf %slice3A_17, %slice3A_17 : vector<640x64xf32>
    %mul3A_24 = arith.mulf %slice3A_18, %slice3A_18 : vector<640x64xf32>
    %add3A = arith.addf %mul3A_23, %mul3A_24 : vector<640x64xf32>
    %mul3A_25 = arith.mulf %slice3A_19, %slice3A_19 : vector<640x64xf32>
    %add3A_26 = arith.addf %add3A, %mul3A_25 : vector<640x64xf32>
    %sqrt3A = math.sqrt %add3A_26 : vector<640x64xf32>
    %add3A_27 = arith.constant 9.99999997E-7 : f32
    %add3A_28 = vector.broadcast %add3A_27 : f32 to vector<640x64xf32>
    %add3A_29 = arith.addf %sqrt3A, %add3A_28 : vector<640x64xf32>
    %sub3A_30 = vector.broadcast %div3A_12 : vector<1x64xf32> to vector<640x64xf32>
    %sub3A_31 = arith.subf %add3A_29, %sub3A_30 : vector<640x64xf32>
    %add3A_32 = arith.constant 9.99999974E-6 : f32
    %add3A_33 = vector.broadcast %add3A_32 : f32 to vector<1x64xf32>
    %add3A_34 = arith.addf %sub3A, %add3A_33 : vector<1x64xf32>
    %sqrt3A_35 = math.sqrt %add3A_34 : vector<1x64xf32>
    %div3A_36 = vector.broadcast %sqrt3A_35 : vector<1x64xf32> to vector<640x64xf32>
    %div3A_37 = arith.divf %sub3A_31, %div3A_36 : vector<640x64xf32>
    %mul3A_38 = vector.broadcast %get3A_7 : vector<1x64xf32> to vector<640x64xf32>
    %mul3A_39 = arith.mulf %div3A_37, %mul3A_38 : vector<640x64xf32>
    %add3A_40 = vector.broadcast %get3A_10 : vector<1x64xf32> to vector<640x64xf32>
    %add3A_41 = arith.addf %mul3A_39, %add3A_40 : vector<640x64xf32>
    %div3A_42 = arith.divf %slice3A_17, %add3A_29 : vector<640x64xf32>
    %mul3A_43 = arith.mulf %div3A_42, %add3A_41 : vector<640x64xf32>
    %div3A_44 = arith.divf %slice3A_18, %add3A_29 : vector<640x64xf32>
    %mul3A_45 = arith.mulf %div3A_44, %add3A_41 : vector<640x64xf32>
    %div3A_46 = arith.divf %slice3A_19, %add3A_29 : vector<640x64xf32>
    %mul3A_47 = arith.mulf %div3A_46, %add3A_41 : vector<640x64xf32>
    %mul3A_48 = arith.mulf %mul3A_43, %slice3A_20 : vector<640x64xf32>
    %mul3A_49 = arith.mulf %mul3A_45, %slice3A_21 : vector<640x64xf32>
    %add3A_50 = arith.addf %mul3A_48, %mul3A_49 : vector<640x64xf32>
    %mul3A_51 = arith.mulf %mul3A_47, %slice3A_22 : vector<640x64xf32>
    %add3A_52 = arith.addf %add3A_50, %mul3A_51 : vector<640x64xf32>
    %mul3A_53 = arith.mulf %slice3A_20, %slice3A_20 : vector<640x64xf32>
    %mul3A_54 = arith.mulf %slice3A_21, %slice3A_21 : vector<640x64xf32>
    %add3A_55 = arith.addf %mul3A_53, %mul3A_54 : vector<640x64xf32>
    %mul3A_56 = arith.mulf %slice3A_22, %slice3A_22 : vector<640x64xf32>
    %add3A_57 = arith.addf %add3A_55, %mul3A_56 : vector<640x64xf32>
    %ge3A = arith.constant 0.000000e+00 : f32
    %ge3A_58 = vector.broadcast %ge3A : f32 to vector<640x64xf32>
    %ge3A_59 = arith.cmpf oge, %add3A_52, %ge3A_58 : vector<640x64xf32>
    %convert_element_type3A = arith.extui %ge3A_59 : vector<640x64xi1> to vector<640x64xi32>
    %convert_element_type3A_60 = arith.sitofp %convert_element_type3A : vector<640x64xi32> to vector<640x64xf32>
    %add3A_61 = arith.constant 9.99999997E-7 : f32
    %add3A_62 = vector.broadcast %add3A_61 : f32 to vector<640x64xf32>
    %add3A_63 = arith.addf %add3A_57, %add3A_62 : vector<640x64xf32>
    %div3A_64 = arith.divf %add3A_52, %add3A_63 : vector<640x64xf32>
    %mul3A_65 = arith.constant 2.000000e-01 : f32
    %mul3A_66 = vector.broadcast %mul3A_65 : f32 to vector<640x64xf32>
    %mul3A_67 = arith.mulf %mul3A_66, %mul3A_43 : vector<640x64xf32>
    %mul3A_68 = arith.mulf %convert_element_type3A_60, %mul3A_43 : vector<640x64xf32>
    %sub3A_69 = arith.constant 1.000000e+00 : f32
    %sub3A_70 = vector.broadcast %sub3A_69 : f32 to vector<640x64xf32>
    %sub3A_71 = arith.subf %sub3A_70, %convert_element_type3A_60 : vector<640x64xf32>
    %mul3A_72 = arith.mulf %div3A_64, %slice3A_20 : vector<640x64xf32>
    %sub3A_73 = arith.subf %mul3A_43, %mul3A_72 : vector<640x64xf32>
    %mul3A_74 = arith.mulf %sub3A_71, %sub3A_73 : vector<640x64xf32>
    %add3A_75 = arith.addf %mul3A_68, %mul3A_74 : vector<640x64xf32>
    %mul3A_76 = arith.constant 8.000000e-01 : f32
    %mul3A_77 = vector.broadcast %mul3A_76 : f32 to vector<640x64xf32>
    %mul3A_78 = arith.mulf %mul3A_77, %add3A_75 : vector<640x64xf32>
    %add3A_79 = arith.addf %mul3A_67, %mul3A_78 : vector<640x64xf32>
    %reshape3A = vector.shape_cast %add3A_79 : vector<640x64xf32> to vector<32x20x64xf32>
    %reduce_sum3A = arith.constant dense<0.000000e+00> : vector<32x64xf32>
    %reduce_sum3A_80 = vector.multi_reduction <add>, %reshape3A, %reduce_sum3A [1] : vector<32x20x64xf32> to vector<32x64xf32>
    %div3A_81 = arith.constant 2.000000e+01 : f32
    %div3A_82 = vector.broadcast %div3A_81 : f32 to vector<32x64xf32>
    %div3A_83 = arith.divf %reduce_sum3A_80, %div3A_82 : vector<32x64xf32>
    %mul3A_84 = arith.constant 2.000000e-01 : f32
    %mul3A_85 = vector.broadcast %mul3A_84 : f32 to vector<640x64xf32>
    %mul3A_86 = arith.mulf %mul3A_85, %mul3A_45 : vector<640x64xf32>
    %mul3A_87 = arith.mulf %convert_element_type3A_60, %mul3A_45 : vector<640x64xf32>
    %sub3A_88 = arith.constant 1.000000e+00 : f32
    %sub3A_89 = vector.broadcast %sub3A_88 : f32 to vector<640x64xf32>
    %sub3A_90 = arith.subf %sub3A_89, %convert_element_type3A_60 : vector<640x64xf32>
    %mul3A_91 = arith.mulf %div3A_64, %slice3A_21 : vector<640x64xf32>
    %sub3A_92 = arith.subf %mul3A_45, %mul3A_91 : vector<640x64xf32>
    %mul3A_93 = arith.mulf %sub3A_90, %sub3A_92 : vector<640x64xf32>
    %add3A_94 = arith.addf %mul3A_87, %mul3A_93 : vector<640x64xf32>
    %mul3A_95 = arith.constant 8.000000e-01 : f32
    %mul3A_96 = vector.broadcast %mul3A_95 : f32 to vector<640x64xf32>
    %mul3A_97 = arith.mulf %mul3A_96, %add3A_94 : vector<640x64xf32>
    %add3A_98 = arith.addf %mul3A_86, %mul3A_97 : vector<640x64xf32>
    %reshape3A_99 = vector.shape_cast %add3A_98 : vector<640x64xf32> to vector<32x20x64xf32>
    %reduce_sum3A_100 = arith.constant dense<0.000000e+00> : vector<32x64xf32>
    %reduce_sum3A_101 = vector.multi_reduction <add>, %reshape3A_99, %reduce_sum3A_100 [1] : vector<32x20x64xf32> to vector<32x64xf32>
    %div3A_102 = arith.constant 2.000000e+01 : f32
    %div3A_103 = vector.broadcast %div3A_102 : f32 to vector<32x64xf32>
    %div3A_104 = arith.divf %reduce_sum3A_101, %div3A_103 : vector<32x64xf32>
    %mul3A_105 = arith.constant 2.000000e-01 : f32
    %mul3A_106 = vector.broadcast %mul3A_105 : f32 to vector<640x64xf32>
    %mul3A_107 = arith.mulf %mul3A_106, %mul3A_47 : vector<640x64xf32>
    %mul3A_108 = arith.mulf %convert_element_type3A_60, %mul3A_47 : vector<640x64xf32>
    %sub3A_109 = arith.constant 1.000000e+00 : f32
    %sub3A_110 = vector.broadcast %sub3A_109 : f32 to vector<640x64xf32>
    %sub3A_111 = arith.subf %sub3A_110, %convert_element_type3A_60 : vector<640x64xf32>
    %mul3A_112 = arith.mulf %div3A_64, %slice3A_22 : vector<640x64xf32>
    %sub3A_113 = arith.subf %mul3A_47, %mul3A_112 : vector<640x64xf32>
    %mul3A_114 = arith.mulf %sub3A_111, %sub3A_113 : vector<640x64xf32>
    %add3A_115 = arith.addf %mul3A_108, %mul3A_114 : vector<640x64xf32>
    %mul3A_116 = arith.constant 8.000000e-01 : f32
    %mul3A_117 = vector.broadcast %mul3A_116 : f32 to vector<640x64xf32>
    %mul3A_118 = arith.mulf %mul3A_117, %add3A_115 : vector<640x64xf32>
    %add3A_119 = arith.addf %mul3A_107, %mul3A_118 : vector<640x64xf32>
    %reshape3A_120 = vector.shape_cast %add3A_119 : vector<640x64xf32> to vector<32x20x64xf32>
    %reduce_sum3A_121 = arith.constant dense<0.000000e+00> : vector<32x64xf32>
    %reduce_sum3A_122 = vector.multi_reduction <add>, %reshape3A_120, %reduce_sum3A_121 [1] : vector<32x20x64xf32> to vector<32x64xf32>
    %div3A_123 = arith.constant 2.000000e+01 : f32
    %div3A_124 = vector.broadcast %div3A_123 : f32 to vector<32x64xf32>
    %div3A_125 = arith.divf %reduce_sum3A_122, %div3A_124 : vector<32x64xf32>
    %concatenate3A = tpu.concatenate %div3A_83, %div3A_104, %div3A_125 in 1 : vector<32x64xf32>, vector<32x64xf32>, vector<32x64xf32> -> vector<32x192xf32>
    %swap3A = arith.constant 0 : index
    %swap3A_126 = arith.constant 0 : index
    %swap3A_127 = vector.load %arg5[%swap3A, %swap3A_126] : memref<32x192xf32, #tpu.memory_space<vmem>>, vector<32x192xf32>
    tpu.vector_store %arg5[%swap3A, %swap3A_126], %concatenate3A {strides = array<i32>} : memref<32x192xf32, #tpu.memory_space<vmem>>, vector<32x192xf32>,
    return
  }
  func.func @transform_0(%arg0: i32) -> (i32, i32) {
    %c0_i32 = arith.constant 0 : i32
    %c0_i32_0 = arith.constant 0 : i32
    return %arg0, %c0_i32 : i32, i32
  }
  func.func @transform_1(%arg0: i32) -> (i32, i32) {
    %c0_i32 = arith.constant 0 : i32
    %c0_i32_0 = arith.constant 0 : i32
    %c0_i32_1 = arith.constant 0 : i32
    return %c0_i32, %c0_i32_0 : i32, i32
  }
  func.func @transform_2(%arg0: i32) -> (i32, i32) {
    %c0_i32 = arith.constant 0 : i32
    %c0_i32_0 = arith.constant 0 : i32
    %c0_i32_1 = arith.constant 0 : i32
    return %c0_i32, %c0_i32_0 : i32, i32
  }
  func.func @transform_3(%arg0: i32) -> (i32, i32) {
    %c0_i32 = arith.constant 0 : i32
    %c0_i32_0 = arith.constant 0 : i32
    %c0_i32_1 = arith.constant 0 : i32
    return %c0_i32, %c0_i32_0 : i32, i32
  }
  func.func @transform_4(%arg0: i32) -> (i32, i32) {
    %c0_i32 = arith.constant 0 : i32
    %c0_i32_0 = arith.constant 0 : i32
    return %arg0, %c0_i32 : i32, i32
  }
}

module attributes {stable_mosaic.version = 14 : i64} {
  func.func @_knn_body(%arg0: i32, %arg1: i32, %arg2: memref<1x1024x192xf32, #tpu.memory_space<vmem>>, %arg3: memref<1x128x20xi32, #tpu.memory_space<vmem>>) attributes {dimension_semantics = [#tpu.dimension_semantics<arbitrary>, #tpu.dimension_semantics<arbitrary>], iteration_bounds = array<i64: 4, 8>, scalar_prefetch = 0 : i64, scratch_operands = 0 : i64, tpu.core_type = #tpu.core_type<tc>, window_params = [{transform_indices = @transform_0, window_bounds = array<i64: 1, 1024, 192>}, {transform_indices = @transform_1, window_bounds = array<i64: 1, 128, 20>}]} {
    %get3A = arith.constant 0 : index
    %get3A_0 = arith.constant 0 : index
    %get3A_1 = arith.constant 0 : index
    %get3A_2 = vector.load %arg2[%get3A, %get3A_0, %get3A_1] : memref<1x1024x192xf32, #tpu.memory_space<vmem>>, vector<1x1024x192xf32>
    %get3A_3 = vector.shape_cast %get3A_2 : vector<1x1024x192xf32> to vector<1024x192xf32>
    %mul3A = arith.constant 128 : i32
    %mul3A_4 = arith.muli %arg1, %mul3A : i32
    %get3A_5 = arith.constant 0 : index
    %get3A_6 = arith.index_cast %mul3A_4 : i32 to index
    %get3A_7 = arith.constant 0 : index
    %get3A_8 = vector.load %arg2[%get3A_5, %get3A_6, %get3A_7] : memref<1x1024x192xf32, #tpu.memory_space<vmem>>, vector<1x128x192xf32>
    %get3A_9 = vector.shape_cast %get3A_8 : vector<1x128x192xf32> to vector<128x192xf32>
    %convert_element_type3A = arith.truncf %get3A_9 : vector<128x192xf32> to vector<128x192xbf16>
    %convert_element_type3A_10 = arith.truncf %get3A_3 : vector<1024x192xf32> to vector<1024x192xbf16>
    %dot_general3A = arith.constant dense<0.000000e+00> : vector<128x1024xf32>
    %dot_general3A_11 = tpu.matmul %convert_element_type3A, %convert_element_type3A_10, %dot_general3A {dimension_numbers = #tpu.dot_dimension_numbers<[1], [1], [0], [0], [0, 0, 1, 0], [], []>, transpose_lhs_hint = false} : vector<128x192xbf16>, vector<1024x192xbf16>, vector<128x1024xf32> -> vector<128x1024xf32>
    %mul3A_12 = arith.mulf %get3A_3, %get3A_3 : vector<1024x192xf32>
    %reduce_sum3A = arith.constant dense<0.000000e+00> : vector<1024xf32>
    %reduce_sum3A_13 = vector.multi_reduction <add>, %mul3A_12, %reduce_sum3A [1] : vector<1024x192xf32> to vector<1024xf32>
    %mul3A_14 = arith.mulf %get3A_9, %get3A_9 : vector<128x192xf32>
    %reduce_sum3A_15 = arith.constant dense<0.000000e+00> : vector<128xf32>
    %reduce_sum3A_16 = vector.multi_reduction <add>, %mul3A_14, %reduce_sum3A_15 [1] : vector<128x192xf32> to vector<128xf32>
    %mul3A_17 = arith.constant 2.000000e+00 : f32
    %mul3A_18 = vector.broadcast %mul3A_17 : f32 to vector<128x1024xf32>
    %mul3A_19 = arith.mulf %mul3A_18, %dot_general3A_11 : vector<128x1024xf32>
    %broadcast_in_dim3A = vector.shape_cast %reduce_sum3A_16 : vector<128xf32> to vector<128x1xf32>
    %sub3A = vector.broadcast %broadcast_in_dim3A : vector<128x1xf32> to vector<128x1024xf32>
    %sub3A_20 = arith.subf %mul3A_19, %sub3A : vector<128x1024xf32>
    %broadcast_in_dim3A_21 = vector.shape_cast %reduce_sum3A_13 : vector<1024xf32> to vector<1x1024xf32>
    %sub3A_22 = vector.broadcast %broadcast_in_dim3A_21 : vector<1x1024xf32> to vector<128x1024xf32>
    %sub3A_23 = arith.subf %sub3A_20, %sub3A_22 : vector<128x1024xf32>
    %iota3A = tpu.iota {dimensions = array<i32: 1>} : vector<128x1024xi32>
    %reduce_max3A = arith.constant dense<0xFF800000> : vector<128xf32>
    %reduce_max3A_24 = vector.multi_reduction <maximumf>, %sub3A_23, %reduce_max3A [1] : vector<128x1024xf32> to vector<128xf32>
    %broadcast_in_dim3A_25 = vector.shape_cast %reduce_max3A_24 : vector<128xf32> to vector<128x1xf32>
    %eq3A = vector.broadcast %broadcast_in_dim3A_25 : vector<128x1xf32> to vector<128x1024xf32>
    %eq3A_26 = arith.cmpf oeq, %sub3A_23, %eq3A : vector<128x1024xf32>
    %jit3A = arith.constant 1024 : i32
    %broadcast_in_dim3A_27 = vector.broadcast %jit3A : i32 to vector<128x1024xi32>
    %select_n3A = arith.select %eq3A_26, %iota3A, %broadcast_in_dim3A_27 : vector<128x1024xi1>, vector<128x1024xi32>
    %reduce_min3A = arith.constant dense<2147483647> : vector<128xi32>
    %reduce_min3A_28 = vector.multi_reduction <minsi>, %select_n3A, %reduce_min3A [1] : vector<128x1024xi32> to vector<128xi32>
    %broadcast_in_dim3A_29 = vector.shape_cast %reduce_min3A_28 : vector<128xi32> to vector<128x1xi32>
    %eq3A_30 = vector.broadcast %broadcast_in_dim3A_29 : vector<128x1xi32> to vector<128x1024xi32>
    %eq3A_31 = arith.cmpi eq, %iota3A, %eq3A_30 : vector<128x1024xi32>
    %jit3A_32 = arith.constant 0xFF800000 : f32
    %broadcast_in_dim3A_33 = vector.broadcast %jit3A_32 : f32 to vector<128x1024xf32>
    %select_n3A_34 = arith.select %eq3A_31, %broadcast_in_dim3A_33, %sub3A_23 : vector<128x1024xi1>, vector<128x1024xf32>
    %reduce_max3A_35 = arith.constant dense<0xFF800000> : vector<128xf32>
    %reduce_max3A_36 = vector.multi_reduction <maximumf>, %select_n3A_34, %reduce_max3A_35 [1] : vector<128x1024xf32> to vector<128xf32>
    %broadcast_in_dim3A_37 = vector.shape_cast %reduce_max3A_36 : vector<128xf32> to vector<128x1xf32>
    %eq3A_38 = vector.broadcast %broadcast_in_dim3A_37 : vector<128x1xf32> to vector<128x1024xf32>
    %eq3A_39 = arith.cmpf oeq, %select_n3A_34, %eq3A_38 : vector<128x1024xf32>
    %jit3A_40 = arith.constant 1024 : i32
    %broadcast_in_dim3A_41 = vector.broadcast %jit3A_40 : i32 to vector<128x1024xi32>
    %select_n3A_42 = arith.select %eq3A_39, %iota3A, %broadcast_in_dim3A_41 : vector<128x1024xi1>, vector<128x1024xi32>
    %reduce_min3A_43 = arith.constant dense<2147483647> : vector<128xi32>
    %reduce_min3A_44 = vector.multi_reduction <minsi>, %select_n3A_42, %reduce_min3A_43 [1] : vector<128x1024xi32> to vector<128xi32>
    %broadcast_in_dim3A_45 = vector.shape_cast %reduce_min3A_44 : vector<128xi32> to vector<128x1xi32>
    %eq3A_46 = vector.broadcast %broadcast_in_dim3A_45 : vector<128x1xi32> to vector<128x1024xi32>
    %eq3A_47 = arith.cmpi eq, %iota3A, %eq3A_46 : vector<128x1024xi32>
    %jit3A_48 = arith.constant 0xFF800000 : f32
    %broadcast_in_dim3A_49 = vector.broadcast %jit3A_48 : f32 to vector<128x1024xf32>
    %select_n3A_50 = arith.select %eq3A_47, %broadcast_in_dim3A_49, %select_n3A_34 : vector<128x1024xi1>, vector<128x1024xf32>
    %reduce_max3A_51 = arith.constant dense<0xFF800000> : vector<128xf32>
    %reduce_max3A_52 = vector.multi_reduction <maximumf>, %select_n3A_50, %reduce_max3A_51 [1] : vector<128x1024xf32> to vector<128xf32>
    %broadcast_in_dim3A_53 = vector.shape_cast %reduce_max3A_52 : vector<128xf32> to vector<128x1xf32>
    %eq3A_54 = vector.broadcast %broadcast_in_dim3A_53 : vector<128x1xf32> to vector<128x1024xf32>
    %eq3A_55 = arith.cmpf oeq, %select_n3A_50, %eq3A_54 : vector<128x1024xf32>
    %jit3A_56 = arith.constant 1024 : i32
    %broadcast_in_dim3A_57 = vector.broadcast %jit3A_56 : i32 to vector<128x1024xi32>
    %select_n3A_58 = arith.select %eq3A_55, %iota3A, %broadcast_in_dim3A_57 : vector<128x1024xi1>, vector<128x1024xi32>
    %reduce_min3A_59 = arith.constant dense<2147483647> : vector<128xi32>
    %reduce_min3A_60 = vector.multi_reduction <minsi>, %select_n3A_58, %reduce_min3A_59 [1] : vector<128x1024xi32> to vector<128xi32>
    %broadcast_in_dim3A_61 = vector.shape_cast %reduce_min3A_60 : vector<128xi32> to vector<128x1xi32>
    %eq3A_62 = vector.broadcast %broadcast_in_dim3A_61 : vector<128x1xi32> to vector<128x1024xi32>
    %eq3A_63 = arith.cmpi eq, %iota3A, %eq3A_62 : vector<128x1024xi32>
    %jit3A_64 = arith.constant 0xFF800000 : f32
    %broadcast_in_dim3A_65 = vector.broadcast %jit3A_64 : f32 to vector<128x1024xf32>
    %select_n3A_66 = arith.select %eq3A_63, %broadcast_in_dim3A_65, %select_n3A_50 : vector<128x1024xi1>, vector<128x1024xf32>
    %reduce_max3A_67 = arith.constant dense<0xFF800000> : vector<128xf32>
    %reduce_max3A_68 = vector.multi_reduction <maximumf>, %select_n3A_66, %reduce_max3A_67 [1] : vector<128x1024xf32> to vector<128xf32>
    %broadcast_in_dim3A_69 = vector.shape_cast %reduce_max3A_68 : vector<128xf32> to vector<128x1xf32>
    %eq3A_70 = vector.broadcast %broadcast_in_dim3A_69 : vector<128x1xf32> to vector<128x1024xf32>
    %eq3A_71 = arith.cmpf oeq, %select_n3A_66, %eq3A_70 : vector<128x1024xf32>
    %jit3A_72 = arith.constant 1024 : i32
    %broadcast_in_dim3A_73 = vector.broadcast %jit3A_72 : i32 to vector<128x1024xi32>
    %select_n3A_74 = arith.select %eq3A_71, %iota3A, %broadcast_in_dim3A_73 : vector<128x1024xi1>, vector<128x1024xi32>
    %reduce_min3A_75 = arith.constant dense<2147483647> : vector<128xi32>
    %reduce_min3A_76 = vector.multi_reduction <minsi>, %select_n3A_74, %reduce_min3A_75 [1] : vector<128x1024xi32> to vector<128xi32>
    %broadcast_in_dim3A_77 = vector.shape_cast %reduce_min3A_76 : vector<128xi32> to vector<128x1xi32>
    %eq3A_78 = vector.broadcast %broadcast_in_dim3A_77 : vector<128x1xi32> to vector<128x1024xi32>
    %eq3A_79 = arith.cmpi eq, %iota3A, %eq3A_78 : vector<128x1024xi32>
    %jit3A_80 = arith.constant 0xFF800000 : f32
    %broadcast_in_dim3A_81 = vector.broadcast %jit3A_80 : f32 to vector<128x1024xf32>
    %select_n3A_82 = arith.select %eq3A_79, %broadcast_in_dim3A_81, %select_n3A_66 : vector<128x1024xi1>, vector<128x1024xf32>
    %reduce_max3A_83 = arith.constant dense<0xFF800000> : vector<128xf32>
    %reduce_max3A_84 = vector.multi_reduction <maximumf>, %select_n3A_82, %reduce_max3A_83 [1] : vector<128x1024xf32> to vector<128xf32>
    %broadcast_in_dim3A_85 = vector.shape_cast %reduce_max3A_84 : vector<128xf32> to vector<128x1xf32>
    %eq3A_86 = vector.broadcast %broadcast_in_dim3A_85 : vector<128x1xf32> to vector<128x1024xf32>
    %eq3A_87 = arith.cmpf oeq, %select_n3A_82, %eq3A_86 : vector<128x1024xf32>
    %jit3A_88 = arith.constant 1024 : i32
    %broadcast_in_dim3A_89 = vector.broadcast %jit3A_88 : i32 to vector<128x1024xi32>
    %select_n3A_90 = arith.select %eq3A_87, %iota3A, %broadcast_in_dim3A_89 : vector<128x1024xi1>, vector<128x1024xi32>
    %reduce_min3A_91 = arith.constant dense<2147483647> : vector<128xi32>
    %reduce_min3A_92 = vector.multi_reduction <minsi>, %select_n3A_90, %reduce_min3A_91 [1] : vector<128x1024xi32> to vector<128xi32>
    %broadcast_in_dim3A_93 = vector.shape_cast %reduce_min3A_92 : vector<128xi32> to vector<128x1xi32>
    %eq3A_94 = vector.broadcast %broadcast_in_dim3A_93 : vector<128x1xi32> to vector<128x1024xi32>
    %eq3A_95 = arith.cmpi eq, %iota3A, %eq3A_94 : vector<128x1024xi32>
    %jit3A_96 = arith.constant 0xFF800000 : f32
    %broadcast_in_dim3A_97 = vector.broadcast %jit3A_96 : f32 to vector<128x1024xf32>
    %select_n3A_98 = arith.select %eq3A_95, %broadcast_in_dim3A_97, %select_n3A_82 : vector<128x1024xi1>, vector<128x1024xf32>
    %reduce_max3A_99 = arith.constant dense<0xFF800000> : vector<128xf32>
    %reduce_max3A_100 = vector.multi_reduction <maximumf>, %select_n3A_98, %reduce_max3A_99 [1] : vector<128x1024xf32> to vector<128xf32>
    %broadcast_in_dim3A_101 = vector.shape_cast %reduce_max3A_100 : vector<128xf32> to vector<128x1xf32>
    %eq3A_102 = vector.broadcast %broadcast_in_dim3A_101 : vector<128x1xf32> to vector<128x1024xf32>
    %eq3A_103 = arith.cmpf oeq, %select_n3A_98, %eq3A_102 : vector<128x1024xf32>
    %jit3A_104 = arith.constant 1024 : i32
    %broadcast_in_dim3A_105 = vector.broadcast %jit3A_104 : i32 to vector<128x1024xi32>
    %select_n3A_106 = arith.select %eq3A_103, %iota3A, %broadcast_in_dim3A_105 : vector<128x1024xi1>, vector<128x1024xi32>
    %reduce_min3A_107 = arith.constant dense<2147483647> : vector<128xi32>
    %reduce_min3A_108 = vector.multi_reduction <minsi>, %select_n3A_106, %reduce_min3A_107 [1] : vector<128x1024xi32> to vector<128xi32>
    %broadcast_in_dim3A_109 = vector.shape_cast %reduce_min3A_108 : vector<128xi32> to vector<128x1xi32>
    %eq3A_110 = vector.broadcast %broadcast_in_dim3A_109 : vector<128x1xi32> to vector<128x1024xi32>
    %eq3A_111 = arith.cmpi eq, %iota3A, %eq3A_110 : vector<128x1024xi32>
    %jit3A_112 = arith.constant 0xFF800000 : f32
    %broadcast_in_dim3A_113 = vector.broadcast %jit3A_112 : f32 to vector<128x1024xf32>
    %select_n3A_114 = arith.select %eq3A_111, %broadcast_in_dim3A_113, %select_n3A_98 : vector<128x1024xi1>, vector<128x1024xf32>
    %reduce_max3A_115 = arith.constant dense<0xFF800000> : vector<128xf32>
    %reduce_max3A_116 = vector.multi_reduction <maximumf>, %select_n3A_114, %reduce_max3A_115 [1] : vector<128x1024xf32> to vector<128xf32>
    %broadcast_in_dim3A_117 = vector.shape_cast %reduce_max3A_116 : vector<128xf32> to vector<128x1xf32>
    %eq3A_118 = vector.broadcast %broadcast_in_dim3A_117 : vector<128x1xf32> to vector<128x1024xf32>
    %eq3A_119 = arith.cmpf oeq, %select_n3A_114, %eq3A_118 : vector<128x1024xf32>
    %jit3A_120 = arith.constant 1024 : i32
    %broadcast_in_dim3A_121 = vector.broadcast %jit3A_120 : i32 to vector<128x1024xi32>
    %select_n3A_122 = arith.select %eq3A_119, %iota3A, %broadcast_in_dim3A_121 : vector<128x1024xi1>, vector<128x1024xi32>
    %reduce_min3A_123 = arith.constant dense<2147483647> : vector<128xi32>
    %reduce_min3A_124 = vector.multi_reduction <minsi>, %select_n3A_122, %reduce_min3A_123 [1] : vector<128x1024xi32> to vector<128xi32>
    %broadcast_in_dim3A_125 = vector.shape_cast %reduce_min3A_124 : vector<128xi32> to vector<128x1xi32>
    %eq3A_126 = vector.broadcast %broadcast_in_dim3A_125 : vector<128x1xi32> to vector<128x1024xi32>
    %eq3A_127 = arith.cmpi eq, %iota3A, %eq3A_126 : vector<128x1024xi32>
    %jit3A_128 = arith.constant 0xFF800000 : f32
    %broadcast_in_dim3A_129 = vector.broadcast %jit3A_128 : f32 to vector<128x1024xf32>
    %select_n3A_130 = arith.select %eq3A_127, %broadcast_in_dim3A_129, %select_n3A_114 : vector<128x1024xi1>, vector<128x1024xf32>
    %reduce_max3A_131 = arith.constant dense<0xFF800000> : vector<128xf32>
    %reduce_max3A_132 = vector.multi_reduction <maximumf>, %select_n3A_130, %reduce_max3A_131 [1] : vector<128x1024xf32> to vector<128xf32>
    %broadcast_in_dim3A_133 = vector.shape_cast %reduce_max3A_132 : vector<128xf32> to vector<128x1xf32>
    %eq3A_134 = vector.broadcast %broadcast_in_dim3A_133 : vector<128x1xf32> to vector<128x1024xf32>
    %eq3A_135 = arith.cmpf oeq, %select_n3A_130, %eq3A_134 : vector<128x1024xf32>
    %jit3A_136 = arith.constant 1024 : i32
    %broadcast_in_dim3A_137 = vector.broadcast %jit3A_136 : i32 to vector<128x1024xi32>
    %select_n3A_138 = arith.select %eq3A_135, %iota3A, %broadcast_in_dim3A_137 : vector<128x1024xi1>, vector<128x1024xi32>
    %reduce_min3A_139 = arith.constant dense<2147483647> : vector<128xi32>
    %reduce_min3A_140 = vector.multi_reduction <minsi>, %select_n3A_138, %reduce_min3A_139 [1] : vector<128x1024xi32> to vector<128xi32>
    %broadcast_in_dim3A_141 = vector.shape_cast %reduce_min3A_140 : vector<128xi32> to vector<128x1xi32>
    %eq3A_142 = vector.broadcast %broadcast_in_dim3A_141 : vector<128x1xi32> to vector<128x1024xi32>
    %eq3A_143 = arith.cmpi eq, %iota3A, %eq3A_142 : vector<128x1024xi32>
    %jit3A_144 = arith.constant 0xFF800000 : f32
    %broadcast_in_dim3A_145 = vector.broadcast %jit3A_144 : f32 to vector<128x1024xf32>
    %select_n3A_146 = arith.select %eq3A_143, %broadcast_in_dim3A_145, %select_n3A_130 : vector<128x1024xi1>, vector<128x1024xf32>
    %reduce_max3A_147 = arith.constant dense<0xFF800000> : vector<128xf32>
    %reduce_max3A_148 = vector.multi_reduction <maximumf>, %select_n3A_146, %reduce_max3A_147 [1] : vector<128x1024xf32> to vector<128xf32>
    %broadcast_in_dim3A_149 = vector.shape_cast %reduce_max3A_148 : vector<128xf32> to vector<128x1xf32>
    %eq3A_150 = vector.broadcast %broadcast_in_dim3A_149 : vector<128x1xf32> to vector<128x1024xf32>
    %eq3A_151 = arith.cmpf oeq, %select_n3A_146, %eq3A_150 : vector<128x1024xf32>
    %jit3A_152 = arith.constant 1024 : i32
    %broadcast_in_dim3A_153 = vector.broadcast %jit3A_152 : i32 to vector<128x1024xi32>
    %select_n3A_154 = arith.select %eq3A_151, %iota3A, %broadcast_in_dim3A_153 : vector<128x1024xi1>, vector<128x1024xi32>
    %reduce_min3A_155 = arith.constant dense<2147483647> : vector<128xi32>
    %reduce_min3A_156 = vector.multi_reduction <minsi>, %select_n3A_154, %reduce_min3A_155 [1] : vector<128x1024xi32> to vector<128xi32>
    %broadcast_in_dim3A_157 = vector.shape_cast %reduce_min3A_156 : vector<128xi32> to vector<128x1xi32>
    %eq3A_158 = vector.broadcast %broadcast_in_dim3A_157 : vector<128x1xi32> to vector<128x1024xi32>
    %eq3A_159 = arith.cmpi eq, %iota3A, %eq3A_158 : vector<128x1024xi32>
    %jit3A_160 = arith.constant 0xFF800000 : f32
    %broadcast_in_dim3A_161 = vector.broadcast %jit3A_160 : f32 to vector<128x1024xf32>
    %select_n3A_162 = arith.select %eq3A_159, %broadcast_in_dim3A_161, %select_n3A_146 : vector<128x1024xi1>, vector<128x1024xf32>
    %reduce_max3A_163 = arith.constant dense<0xFF800000> : vector<128xf32>
    %reduce_max3A_164 = vector.multi_reduction <maximumf>, %select_n3A_162, %reduce_max3A_163 [1] : vector<128x1024xf32> to vector<128xf32>
    %broadcast_in_dim3A_165 = vector.shape_cast %reduce_max3A_164 : vector<128xf32> to vector<128x1xf32>
    %eq3A_166 = vector.broadcast %broadcast_in_dim3A_165 : vector<128x1xf32> to vector<128x1024xf32>
    %eq3A_167 = arith.cmpf oeq, %select_n3A_162, %eq3A_166 : vector<128x1024xf32>
    %jit3A_168 = arith.constant 1024 : i32
    %broadcast_in_dim3A_169 = vector.broadcast %jit3A_168 : i32 to vector<128x1024xi32>
    %select_n3A_170 = arith.select %eq3A_167, %iota3A, %broadcast_in_dim3A_169 : vector<128x1024xi1>, vector<128x1024xi32>
    %reduce_min3A_171 = arith.constant dense<2147483647> : vector<128xi32>
    %reduce_min3A_172 = vector.multi_reduction <minsi>, %select_n3A_170, %reduce_min3A_171 [1] : vector<128x1024xi32> to vector<128xi32>
    %broadcast_in_dim3A_173 = vector.shape_cast %reduce_min3A_172 : vector<128xi32> to vector<128x1xi32>
    %eq3A_174 = vector.broadcast %broadcast_in_dim3A_173 : vector<128x1xi32> to vector<128x1024xi32>
    %eq3A_175 = arith.cmpi eq, %iota3A, %eq3A_174 : vector<128x1024xi32>
    %jit3A_176 = arith.constant 0xFF800000 : f32
    %broadcast_in_dim3A_177 = vector.broadcast %jit3A_176 : f32 to vector<128x1024xf32>
    %select_n3A_178 = arith.select %eq3A_175, %broadcast_in_dim3A_177, %select_n3A_162 : vector<128x1024xi1>, vector<128x1024xf32>
    %reduce_max3A_179 = arith.constant dense<0xFF800000> : vector<128xf32>
    %reduce_max3A_180 = vector.multi_reduction <maximumf>, %select_n3A_178, %reduce_max3A_179 [1] : vector<128x1024xf32> to vector<128xf32>
    %broadcast_in_dim3A_181 = vector.shape_cast %reduce_max3A_180 : vector<128xf32> to vector<128x1xf32>
    %eq3A_182 = vector.broadcast %broadcast_in_dim3A_181 : vector<128x1xf32> to vector<128x1024xf32>
    %eq3A_183 = arith.cmpf oeq, %select_n3A_178, %eq3A_182 : vector<128x1024xf32>
    %jit3A_184 = arith.constant 1024 : i32
    %broadcast_in_dim3A_185 = vector.broadcast %jit3A_184 : i32 to vector<128x1024xi32>
    %select_n3A_186 = arith.select %eq3A_183, %iota3A, %broadcast_in_dim3A_185 : vector<128x1024xi1>, vector<128x1024xi32>
    %reduce_min3A_187 = arith.constant dense<2147483647> : vector<128xi32>
    %reduce_min3A_188 = vector.multi_reduction <minsi>, %select_n3A_186, %reduce_min3A_187 [1] : vector<128x1024xi32> to vector<128xi32>
    %broadcast_in_dim3A_189 = vector.shape_cast %reduce_min3A_188 : vector<128xi32> to vector<128x1xi32>
    %eq3A_190 = vector.broadcast %broadcast_in_dim3A_189 : vector<128x1xi32> to vector<128x1024xi32>
    %eq3A_191 = arith.cmpi eq, %iota3A, %eq3A_190 : vector<128x1024xi32>
    %jit3A_192 = arith.constant 0xFF800000 : f32
    %broadcast_in_dim3A_193 = vector.broadcast %jit3A_192 : f32 to vector<128x1024xf32>
    %select_n3A_194 = arith.select %eq3A_191, %broadcast_in_dim3A_193, %select_n3A_178 : vector<128x1024xi1>, vector<128x1024xf32>
    %reduce_max3A_195 = arith.constant dense<0xFF800000> : vector<128xf32>
    %reduce_max3A_196 = vector.multi_reduction <maximumf>, %select_n3A_194, %reduce_max3A_195 [1] : vector<128x1024xf32> to vector<128xf32>
    %broadcast_in_dim3A_197 = vector.shape_cast %reduce_max3A_196 : vector<128xf32> to vector<128x1xf32>
    %eq3A_198 = vector.broadcast %broadcast_in_dim3A_197 : vector<128x1xf32> to vector<128x1024xf32>
    %eq3A_199 = arith.cmpf oeq, %select_n3A_194, %eq3A_198 : vector<128x1024xf32>
    %jit3A_200 = arith.constant 1024 : i32
    %broadcast_in_dim3A_201 = vector.broadcast %jit3A_200 : i32 to vector<128x1024xi32>
    %select_n3A_202 = arith.select %eq3A_199, %iota3A, %broadcast_in_dim3A_201 : vector<128x1024xi1>, vector<128x1024xi32>
    %reduce_min3A_203 = arith.constant dense<2147483647> : vector<128xi32>
    %reduce_min3A_204 = vector.multi_reduction <minsi>, %select_n3A_202, %reduce_min3A_203 [1] : vector<128x1024xi32> to vector<128xi32>
    %broadcast_in_dim3A_205 = vector.shape_cast %reduce_min3A_204 : vector<128xi32> to vector<128x1xi32>
    %eq3A_206 = vector.broadcast %broadcast_in_dim3A_205 : vector<128x1xi32> to vector<128x1024xi32>
    %eq3A_207 = arith.cmpi eq, %iota3A, %eq3A_206 : vector<128x1024xi32>
    %jit3A_208 = arith.constant 0xFF800000 : f32
    %broadcast_in_dim3A_209 = vector.broadcast %jit3A_208 : f32 to vector<128x1024xf32>
    %select_n3A_210 = arith.select %eq3A_207, %broadcast_in_dim3A_209, %select_n3A_194 : vector<128x1024xi1>, vector<128x1024xf32>
    %reduce_max3A_211 = arith.constant dense<0xFF800000> : vector<128xf32>
    %reduce_max3A_212 = vector.multi_reduction <maximumf>, %select_n3A_210, %reduce_max3A_211 [1] : vector<128x1024xf32> to vector<128xf32>
    %broadcast_in_dim3A_213 = vector.shape_cast %reduce_max3A_212 : vector<128xf32> to vector<128x1xf32>
    %eq3A_214 = vector.broadcast %broadcast_in_dim3A_213 : vector<128x1xf32> to vector<128x1024xf32>
    %eq3A_215 = arith.cmpf oeq, %select_n3A_210, %eq3A_214 : vector<128x1024xf32>
    %jit3A_216 = arith.constant 1024 : i32
    %broadcast_in_dim3A_217 = vector.broadcast %jit3A_216 : i32 to vector<128x1024xi32>
    %select_n3A_218 = arith.select %eq3A_215, %iota3A, %broadcast_in_dim3A_217 : vector<128x1024xi1>, vector<128x1024xi32>
    %reduce_min3A_219 = arith.constant dense<2147483647> : vector<128xi32>
    %reduce_min3A_220 = vector.multi_reduction <minsi>, %select_n3A_218, %reduce_min3A_219 [1] : vector<128x1024xi32> to vector<128xi32>
    %broadcast_in_dim3A_221 = vector.shape_cast %reduce_min3A_220 : vector<128xi32> to vector<128x1xi32>
    %eq3A_222 = vector.broadcast %broadcast_in_dim3A_221 : vector<128x1xi32> to vector<128x1024xi32>
    %eq3A_223 = arith.cmpi eq, %iota3A, %eq3A_222 : vector<128x1024xi32>
    %jit3A_224 = arith.constant 0xFF800000 : f32
    %broadcast_in_dim3A_225 = vector.broadcast %jit3A_224 : f32 to vector<128x1024xf32>
    %select_n3A_226 = arith.select %eq3A_223, %broadcast_in_dim3A_225, %select_n3A_210 : vector<128x1024xi1>, vector<128x1024xf32>
    %reduce_max3A_227 = arith.constant dense<0xFF800000> : vector<128xf32>
    %reduce_max3A_228 = vector.multi_reduction <maximumf>, %select_n3A_226, %reduce_max3A_227 [1] : vector<128x1024xf32> to vector<128xf32>
    %broadcast_in_dim3A_229 = vector.shape_cast %reduce_max3A_228 : vector<128xf32> to vector<128x1xf32>
    %eq3A_230 = vector.broadcast %broadcast_in_dim3A_229 : vector<128x1xf32> to vector<128x1024xf32>
    %eq3A_231 = arith.cmpf oeq, %select_n3A_226, %eq3A_230 : vector<128x1024xf32>
    %jit3A_232 = arith.constant 1024 : i32
    %broadcast_in_dim3A_233 = vector.broadcast %jit3A_232 : i32 to vector<128x1024xi32>
    %select_n3A_234 = arith.select %eq3A_231, %iota3A, %broadcast_in_dim3A_233 : vector<128x1024xi1>, vector<128x1024xi32>
    %reduce_min3A_235 = arith.constant dense<2147483647> : vector<128xi32>
    %reduce_min3A_236 = vector.multi_reduction <minsi>, %select_n3A_234, %reduce_min3A_235 [1] : vector<128x1024xi32> to vector<128xi32>
    %broadcast_in_dim3A_237 = vector.shape_cast %reduce_min3A_236 : vector<128xi32> to vector<128x1xi32>
    %eq3A_238 = vector.broadcast %broadcast_in_dim3A_237 : vector<128x1xi32> to vector<128x1024xi32>
    %eq3A_239 = arith.cmpi eq, %iota3A, %eq3A_238 : vector<128x1024xi32>
    %jit3A_240 = arith.constant 0xFF800000 : f32
    %broadcast_in_dim3A_241 = vector.broadcast %jit3A_240 : f32 to vector<128x1024xf32>
    %select_n3A_242 = arith.select %eq3A_239, %broadcast_in_dim3A_241, %select_n3A_226 : vector<128x1024xi1>, vector<128x1024xf32>
    %reduce_max3A_243 = arith.constant dense<0xFF800000> : vector<128xf32>
    %reduce_max3A_244 = vector.multi_reduction <maximumf>, %select_n3A_242, %reduce_max3A_243 [1] : vector<128x1024xf32> to vector<128xf32>
    %broadcast_in_dim3A_245 = vector.shape_cast %reduce_max3A_244 : vector<128xf32> to vector<128x1xf32>
    %eq3A_246 = vector.broadcast %broadcast_in_dim3A_245 : vector<128x1xf32> to vector<128x1024xf32>
    %eq3A_247 = arith.cmpf oeq, %select_n3A_242, %eq3A_246 : vector<128x1024xf32>
    %jit3A_248 = arith.constant 1024 : i32
    %broadcast_in_dim3A_249 = vector.broadcast %jit3A_248 : i32 to vector<128x1024xi32>
    %select_n3A_250 = arith.select %eq3A_247, %iota3A, %broadcast_in_dim3A_249 : vector<128x1024xi1>, vector<128x1024xi32>
    %reduce_min3A_251 = arith.constant dense<2147483647> : vector<128xi32>
    %reduce_min3A_252 = vector.multi_reduction <minsi>, %select_n3A_250, %reduce_min3A_251 [1] : vector<128x1024xi32> to vector<128xi32>
    %broadcast_in_dim3A_253 = vector.shape_cast %reduce_min3A_252 : vector<128xi32> to vector<128x1xi32>
    %eq3A_254 = vector.broadcast %broadcast_in_dim3A_253 : vector<128x1xi32> to vector<128x1024xi32>
    %eq3A_255 = arith.cmpi eq, %iota3A, %eq3A_254 : vector<128x1024xi32>
    %jit3A_256 = arith.constant 0xFF800000 : f32
    %broadcast_in_dim3A_257 = vector.broadcast %jit3A_256 : f32 to vector<128x1024xf32>
    %select_n3A_258 = arith.select %eq3A_255, %broadcast_in_dim3A_257, %select_n3A_242 : vector<128x1024xi1>, vector<128x1024xf32>
    %reduce_max3A_259 = arith.constant dense<0xFF800000> : vector<128xf32>
    %reduce_max3A_260 = vector.multi_reduction <maximumf>, %select_n3A_258, %reduce_max3A_259 [1] : vector<128x1024xf32> to vector<128xf32>
    %broadcast_in_dim3A_261 = vector.shape_cast %reduce_max3A_260 : vector<128xf32> to vector<128x1xf32>
    %eq3A_262 = vector.broadcast %broadcast_in_dim3A_261 : vector<128x1xf32> to vector<128x1024xf32>
    %eq3A_263 = arith.cmpf oeq, %select_n3A_258, %eq3A_262 : vector<128x1024xf32>
    %jit3A_264 = arith.constant 1024 : i32
    %broadcast_in_dim3A_265 = vector.broadcast %jit3A_264 : i32 to vector<128x1024xi32>
    %select_n3A_266 = arith.select %eq3A_263, %iota3A, %broadcast_in_dim3A_265 : vector<128x1024xi1>, vector<128x1024xi32>
    %reduce_min3A_267 = arith.constant dense<2147483647> : vector<128xi32>
    %reduce_min3A_268 = vector.multi_reduction <minsi>, %select_n3A_266, %reduce_min3A_267 [1] : vector<128x1024xi32> to vector<128xi32>
    %broadcast_in_dim3A_269 = vector.shape_cast %reduce_min3A_268 : vector<128xi32> to vector<128x1xi32>
    %eq3A_270 = vector.broadcast %broadcast_in_dim3A_269 : vector<128x1xi32> to vector<128x1024xi32>
    %eq3A_271 = arith.cmpi eq, %iota3A, %eq3A_270 : vector<128x1024xi32>
    %jit3A_272 = arith.constant 0xFF800000 : f32
    %broadcast_in_dim3A_273 = vector.broadcast %jit3A_272 : f32 to vector<128x1024xf32>
    %select_n3A_274 = arith.select %eq3A_271, %broadcast_in_dim3A_273, %select_n3A_258 : vector<128x1024xi1>, vector<128x1024xf32>
    %reduce_max3A_275 = arith.constant dense<0xFF800000> : vector<128xf32>
    %reduce_max3A_276 = vector.multi_reduction <maximumf>, %select_n3A_274, %reduce_max3A_275 [1] : vector<128x1024xf32> to vector<128xf32>
    %broadcast_in_dim3A_277 = vector.shape_cast %reduce_max3A_276 : vector<128xf32> to vector<128x1xf32>
    %eq3A_278 = vector.broadcast %broadcast_in_dim3A_277 : vector<128x1xf32> to vector<128x1024xf32>
    %eq3A_279 = arith.cmpf oeq, %select_n3A_274, %eq3A_278 : vector<128x1024xf32>
    %jit3A_280 = arith.constant 1024 : i32
    %broadcast_in_dim3A_281 = vector.broadcast %jit3A_280 : i32 to vector<128x1024xi32>
    %select_n3A_282 = arith.select %eq3A_279, %iota3A, %broadcast_in_dim3A_281 : vector<128x1024xi1>, vector<128x1024xi32>
    %reduce_min3A_283 = arith.constant dense<2147483647> : vector<128xi32>
    %reduce_min3A_284 = vector.multi_reduction <minsi>, %select_n3A_282, %reduce_min3A_283 [1] : vector<128x1024xi32> to vector<128xi32>
    %broadcast_in_dim3A_285 = vector.shape_cast %reduce_min3A_284 : vector<128xi32> to vector<128x1xi32>
    %eq3A_286 = vector.broadcast %broadcast_in_dim3A_285 : vector<128x1xi32> to vector<128x1024xi32>
    %eq3A_287 = arith.cmpi eq, %iota3A, %eq3A_286 : vector<128x1024xi32>
    %jit3A_288 = arith.constant 0xFF800000 : f32
    %broadcast_in_dim3A_289 = vector.broadcast %jit3A_288 : f32 to vector<128x1024xf32>
    %select_n3A_290 = arith.select %eq3A_287, %broadcast_in_dim3A_289, %select_n3A_274 : vector<128x1024xi1>, vector<128x1024xf32>
    %reduce_max3A_291 = arith.constant dense<0xFF800000> : vector<128xf32>
    %reduce_max3A_292 = vector.multi_reduction <maximumf>, %select_n3A_290, %reduce_max3A_291 [1] : vector<128x1024xf32> to vector<128xf32>
    %broadcast_in_dim3A_293 = vector.shape_cast %reduce_max3A_292 : vector<128xf32> to vector<128x1xf32>
    %eq3A_294 = vector.broadcast %broadcast_in_dim3A_293 : vector<128x1xf32> to vector<128x1024xf32>
    %eq3A_295 = arith.cmpf oeq, %select_n3A_290, %eq3A_294 : vector<128x1024xf32>
    %jit3A_296 = arith.constant 1024 : i32
    %broadcast_in_dim3A_297 = vector.broadcast %jit3A_296 : i32 to vector<128x1024xi32>
    %select_n3A_298 = arith.select %eq3A_295, %iota3A, %broadcast_in_dim3A_297 : vector<128x1024xi1>, vector<128x1024xi32>
    %reduce_min3A_299 = arith.constant dense<2147483647> : vector<128xi32>
    %reduce_min3A_300 = vector.multi_reduction <minsi>, %select_n3A_298, %reduce_min3A_299 [1] : vector<128x1024xi32> to vector<128xi32>
    %broadcast_in_dim3A_301 = vector.shape_cast %reduce_min3A_300 : vector<128xi32> to vector<128x1xi32>
    %eq3A_302 = vector.broadcast %broadcast_in_dim3A_301 : vector<128x1xi32> to vector<128x1024xi32>
    %eq3A_303 = arith.cmpi eq, %iota3A, %eq3A_302 : vector<128x1024xi32>
    %jit3A_304 = arith.constant 0xFF800000 : f32
    %broadcast_in_dim3A_305 = vector.broadcast %jit3A_304 : f32 to vector<128x1024xf32>
    %select_n3A_306 = arith.select %eq3A_303, %broadcast_in_dim3A_305, %select_n3A_290 : vector<128x1024xi1>, vector<128x1024xf32>
    %reduce_max3A_307 = arith.constant dense<0xFF800000> : vector<128xf32>
    %reduce_max3A_308 = vector.multi_reduction <maximumf>, %select_n3A_306, %reduce_max3A_307 [1] : vector<128x1024xf32> to vector<128xf32>
    %broadcast_in_dim3A_309 = vector.shape_cast %reduce_max3A_308 : vector<128xf32> to vector<128x1xf32>
    %eq3A_310 = vector.broadcast %broadcast_in_dim3A_309 : vector<128x1xf32> to vector<128x1024xf32>
    %eq3A_311 = arith.cmpf oeq, %select_n3A_306, %eq3A_310 : vector<128x1024xf32>
    %jit3A_312 = arith.constant 1024 : i32
    %broadcast_in_dim3A_313 = vector.broadcast %jit3A_312 : i32 to vector<128x1024xi32>
    %select_n3A_314 = arith.select %eq3A_311, %iota3A, %broadcast_in_dim3A_313 : vector<128x1024xi1>, vector<128x1024xi32>
    %reduce_min3A_315 = arith.constant dense<2147483647> : vector<128xi32>
    %reduce_min3A_316 = vector.multi_reduction <minsi>, %select_n3A_314, %reduce_min3A_315 [1] : vector<128x1024xi32> to vector<128xi32>
    %broadcast_in_dim3A_317 = vector.shape_cast %reduce_min3A_316 : vector<128xi32> to vector<128x1xi32>
    %eq3A_318 = vector.broadcast %broadcast_in_dim3A_317 : vector<128x1xi32> to vector<128x1024xi32>
    %eq3A_319 = arith.cmpi eq, %iota3A, %eq3A_318 : vector<128x1024xi32>
    %jit3A_320 = arith.constant 0xFF800000 : f32
    %broadcast_in_dim3A_321 = vector.broadcast %jit3A_320 : f32 to vector<128x1024xf32>
    %select_n3A_322 = arith.select %eq3A_319, %broadcast_in_dim3A_321, %select_n3A_306 : vector<128x1024xi1>, vector<128x1024xf32>
    %reduce_max3A_323 = arith.constant dense<0xFF800000> : vector<128xf32>
    %reduce_max3A_324 = vector.multi_reduction <maximumf>, %select_n3A_322, %reduce_max3A_323 [1] : vector<128x1024xf32> to vector<128xf32>
    %broadcast_in_dim3A_325 = vector.shape_cast %reduce_max3A_324 : vector<128xf32> to vector<128x1xf32>
    %eq3A_326 = vector.broadcast %broadcast_in_dim3A_325 : vector<128x1xf32> to vector<128x1024xf32>
    %eq3A_327 = arith.cmpf oeq, %select_n3A_322, %eq3A_326 : vector<128x1024xf32>
    %jit3A_328 = arith.constant 1024 : i32
    %broadcast_in_dim3A_329 = vector.broadcast %jit3A_328 : i32 to vector<128x1024xi32>
    %select_n3A_330 = arith.select %eq3A_327, %iota3A, %broadcast_in_dim3A_329 : vector<128x1024xi1>, vector<128x1024xi32>
    %reduce_min3A_331 = arith.constant dense<2147483647> : vector<128xi32>
    %reduce_min3A_332 = vector.multi_reduction <minsi>, %select_n3A_330, %reduce_min3A_331 [1] : vector<128x1024xi32> to vector<128xi32>
    %broadcast_in_dim3A_333 = vector.shape_cast %reduce_min3A_332 : vector<128xi32> to vector<128x1xi32>
    %concatenate3A = tpu.concatenate %broadcast_in_dim3A_29, %broadcast_in_dim3A_45, %broadcast_in_dim3A_61, %broadcast_in_dim3A_77, %broadcast_in_dim3A_93, %broadcast_in_dim3A_109, %broadcast_in_dim3A_125, %broadcast_in_dim3A_141, %broadcast_in_dim3A_157, %broadcast_in_dim3A_173, %broadcast_in_dim3A_189, %broadcast_in_dim3A_205, %broadcast_in_dim3A_221, %broadcast_in_dim3A_237, %broadcast_in_dim3A_253, %broadcast_in_dim3A_269, %broadcast_in_dim3A_285, %broadcast_in_dim3A_301, %broadcast_in_dim3A_317, %broadcast_in_dim3A_333 in 1 : vector<128x1xi32>, vector<128x1xi32>, vector<128x1xi32>, vector<128x1xi32>, vector<128x1xi32>, vector<128x1xi32>, vector<128x1xi32>, vector<128x1xi32>, vector<128x1xi32>, vector<128x1xi32>, vector<128x1xi32>, vector<128x1xi32>, vector<128x1xi32>, vector<128x1xi32>, vector<128x1xi32>, vector<128x1xi32>, vector<128x1xi32>, vector<128x1xi32>, vector<128x1xi32>, vector<128x1xi32> -> vector<128x20xi32>
    %mul3A_334 = arith.constant 1024 : i32
    %mul3A_335 = arith.muli %arg0, %mul3A_334 : i32
    %add3A = vector.broadcast %mul3A_335 : i32 to vector<128x20xi32>
    %add3A_336 = arith.addi %concatenate3A, %add3A : vector<128x20xi32>
    %swap3A = arith.constant 0 : index
    %swap3A_337 = arith.constant 0 : index
    %swap3A_338 = arith.constant 0 : index
    %swap3A_339 = vector.load %arg3[%swap3A, %swap3A_337, %swap3A_338] : memref<1x128x20xi32, #tpu.memory_space<vmem>>, vector<1x128x20xi32>
    %swap3A_340 = vector.shape_cast %swap3A_339 : vector<1x128x20xi32> to vector<128x20xi32>
    %swap3A_341 = vector.shape_cast %add3A_336 : vector<128x20xi32> to vector<1x128x20xi32>
    tpu.vector_store %arg3[%swap3A, %swap3A_337, %swap3A_338], %swap3A_341 {strides = array<i32>} : memref<1x128x20xi32, #tpu.memory_space<vmem>>, vector<1x128x20xi32>,
    return
  }
  func.func @transform_0(%arg0: i32, %arg1: i32) -> (i32, i32, i32) {
    %c0_i32 = arith.constant 0 : i32
    %c0_i32_0 = arith.constant 0 : i32
    %c0_i32_1 = arith.constant 0 : i32
    return %arg0, %c0_i32, %c0_i32_0 : i32, i32, i32
  }
  func.func @transform_1(%arg0: i32, %arg1: i32) -> (i32, i32, i32) {
    %c0_i32 = arith.constant 0 : i32
    %c0_i32_0 = arith.constant 0 : i32
    return %arg0, %arg1, %c0_i32 : i32, i32, i32
  }
}

module attributes {stable_mosaic.version = 14 : i64} {
  func.func @_passA_body(%arg0: i32, %arg1: memref<640x256xf32, #tpu.memory_space<vmem>>, %arg2: memref<32x192xf32, #tpu.memory_space<vmem>>, %arg3: memref<128x128xbf16, #tpu.memory_space<vmem>>, %arg4: memref<640x384xf32, #tpu.memory_space<vmem>>, %arg5: memref<2x64xf32, #tpu.memory_space<vmem>>) attributes {dimension_semantics = [#tpu.dimension_semantics<arbitrary>], iteration_bounds = array<i64: 128>, scalar_prefetch = 0 : i64, scratch_operands = 0 : i64, tpu.core_type = #tpu.core_type<tc>, window_params = [{transform_indices = @transform_0, window_bounds = array<i64: 640, 256>}, {transform_indices = @transform_1, window_bounds = array<i64: 32, 192>}, {pipeline_mode = #tpu.pipeline_mode<synchronous>, transform_indices = @transform_2, window_bounds = array<i64: 128, 128>}, {transform_indices = @transform_3, window_bounds = array<i64: 640, 384>}, {pipeline_mode = #tpu.pipeline_mode<synchronous>, transform_indices = @transform_4, window_bounds = array<i64: 2, 64>}]} {
    %get3A = arith.constant 0 : index
    %get3A_0 = arith.constant 0 : index
    %get3A_1 = vector.load %arg1[%get3A, %get3A_0] : memref<640x256xf32, #tpu.memory_space<vmem>>, vector<640x256xf32>
    %get3A_2 = arith.constant 0 : index
    %get3A_3 = arith.constant 0 : index
    %get3A_4 = vector.load %arg2[%get3A_2, %get3A_3] : memref<32x192xf32, #tpu.memory_space<vmem>>, vector<32x192xf32>
    %broadcast_in_dim3A = vector.shape_cast %get3A_4 : vector<32x192xf32> to vector<32x1x192xf32>
    %broadcast_in_dim3A_5 = vector.broadcast %broadcast_in_dim3A : vector<32x1x192xf32> to vector<32x20x192xf32>
    %reshape3A = vector.shape_cast %broadcast_in_dim3A_5 : vector<32x20x192xf32> to vector<640x192xf32>
    %slice3A = vector.extract_strided_slice %get3A_1 {offsets = [0, 0], sizes = [640, 192], strides = [1, 1]} : vector<640x256xf32> to vector<640x192xf32>
    %sub3A = arith.subf %slice3A, %reshape3A : vector<640x192xf32>
    %get3A_6 = arith.constant 0 : index
    %get3A_7 = arith.constant 0 : index
    %get3A_8 = vector.load %arg3[%get3A_6, %get3A_7] : memref<128x128xbf16, #tpu.memory_space<vmem>>, vector<128x128xbf16>
    %slice3A_9 = vector.extract_strided_slice %sub3A {offsets = [0, 0], sizes = [640, 64], strides = [1, 1]} : vector<640x192xf32> to vector<640x64xf32>
    %slice3A_10 = vector.extract_strided_slice %reshape3A {offsets = [0, 0], sizes = [640, 64], strides = [1, 1]} : vector<640x192xf32> to vector<640x64xf32>
    %concatenate3A = tpu.concatenate %slice3A_9, %slice3A_10 in 1 : vector<640x64xf32>, vector<640x64xf32> -> vector<640x128xf32>
    %slice3A_11 = vector.extract_strided_slice %sub3A {offsets = [0, 64], sizes = [640, 64], strides = [1, 1]} : vector<640x192xf32> to vector<640x64xf32>
    %slice3A_12 = vector.extract_strided_slice %reshape3A {offsets = [0, 64], sizes = [640, 64], strides = [1, 1]} : vector<640x192xf32> to vector<640x64xf32>
    %concatenate3A_13 = tpu.concatenate %slice3A_11, %slice3A_12 in 1 : vector<640x64xf32>, vector<640x64xf32> -> vector<640x128xf32>
    %slice3A_14 = vector.extract_strided_slice %sub3A {offsets = [0, 128], sizes = [640, 64], strides = [1, 1]} : vector<640x192xf32> to vector<640x64xf32>
    %slice3A_15 = vector.extract_strided_slice %reshape3A {offsets = [0, 128], sizes = [640, 64], strides = [1, 1]} : vector<640x192xf32> to vector<640x64xf32>
    %concatenate3A_16 = tpu.concatenate %slice3A_14, %slice3A_15 in 1 : vector<640x64xf32>, vector<640x64xf32> -> vector<640x128xf32>
    %concatenate3A_17 = tpu.concatenate %concatenate3A, %concatenate3A_13, %concatenate3A_16 in 0 : vector<640x128xf32>, vector<640x128xf32>, vector<640x128xf32> -> vector<1920x128xf32>
    %convert_element_type3A = arith.truncf %concatenate3A_17 : vector<1920x128xf32> to vector<1920x128xbf16>
    %dot_general3A = arith.constant dense<0.000000e+00> : vector<1920x128xf32>
    %dot_general3A_18 = tpu.matmul %convert_element_type3A, %get3A_8, %dot_general3A {dimension_numbers = #tpu.dot_dimension_numbers<[1], [0], [0], [1], [0, 0, 1, 1], [], []>, transpose_lhs_hint = false} : vector<1920x128xbf16>, vector<128x128xbf16>, vector<1920x128xf32> -> vector<1920x128xf32>
    %slice3A_19 = vector.extract_strided_slice %dot_general3A_18 {offsets = [0, 0], sizes = [640, 64], strides = [1, 1]} : vector<1920x128xf32> to vector<640x64xf32>
    %slice3A_20 = vector.extract_strided_slice %dot_general3A_18 {offsets = [640, 0], sizes = [640, 64], strides = [1, 1]} : vector<1920x128xf32> to vector<640x64xf32>
    %slice3A_21 = vector.extract_strided_slice %dot_general3A_18 {offsets = [1280, 0], sizes = [640, 64], strides = [1, 1]} : vector<1920x128xf32> to vector<640x64xf32>
    %slice3A_22 = vector.extract_strided_slice %dot_general3A_18 {offsets = [0, 64], sizes = [640, 64], strides = [1, 1]} : vector<1920x128xf32> to vector<640x64xf32>
    %slice3A_23 = vector.extract_strided_slice %dot_general3A_18 {offsets = [640, 64], sizes = [640, 64], strides = [1, 1]} : vector<1920x128xf32> to vector<640x64xf32>
    %slice3A_24 = vector.extract_strided_slice %dot_general3A_18 {offsets = [1280, 64], sizes = [640, 64], strides = [1, 1]} : vector<1920x128xf32> to vector<640x64xf32>
    %mul3A = arith.mulf %slice3A_19, %slice3A_19 : vector<640x64xf32>
    %mul3A_25 = arith.mulf %slice3A_20, %slice3A_20 : vector<640x64xf32>
    %add3A = arith.addf %mul3A, %mul3A_25 : vector<640x64xf32>
    %mul3A_26 = arith.mulf %slice3A_21, %slice3A_21 : vector<640x64xf32>
    %add3A_27 = arith.addf %add3A, %mul3A_26 : vector<640x64xf32>
    %sqrt3A = math.sqrt %add3A_27 : vector<640x64xf32>
    %add3A_28 = arith.constant 9.99999997E-7 : f32
    %add3A_29 = vector.broadcast %add3A_28 : f32 to vector<640x64xf32>
    %add3A_30 = arith.addf %sqrt3A, %add3A_29 : vector<640x64xf32>
    %reduce_sum3A = arith.constant dense<0.000000e+00> : vector<64xf32>
    %reduce_sum3A_31 = vector.multi_reduction <add>, %add3A_30, %reduce_sum3A [0] : vector<640x64xf32> to vector<64xf32>
    %mul3A_32 = arith.mulf %add3A_30, %add3A_30 : vector<640x64xf32>
    %reduce_sum3A_33 = arith.constant dense<0.000000e+00> : vector<64xf32>
    %reduce_sum3A_34 = vector.multi_reduction <add>, %mul3A_32, %reduce_sum3A_33 [0] : vector<640x64xf32> to vector<64xf32>
    %stack3A = vector.shape_cast %reduce_sum3A_31 : vector<64xf32> to vector<1x64xf32>
    %stack3A_35 = vector.shape_cast %reduce_sum3A_34 : vector<64xf32> to vector<1x64xf32>
    %stack3A_36 = tpu.concatenate %stack3A, %stack3A_35 in 0 : vector<1x64xf32>, vector<1x64xf32> -> vector<2x64xf32>
    %eq3A = arith.constant 0 : i32
    %eq3A_37 = arith.cmpi eq, %arg0, %eq3A : i32
    %convert_element_type3A_38 = arith.extui %eq3A_37 : i1 to i32
    %cond3A = arith.constant 0 : i32
    %cond3A_39 = arith.cmpi ne, %convert_element_type3A_38, %cond3A : i32
    scf.if %cond3A_39 {
      %broadcast_in_dim3A_50 = arith.constant 0.000000e+00 : f32
      %broadcast_in_dim3A_51 = vector.broadcast %broadcast_in_dim3A_50 : f32 to vector<2x64xf32>
      %swap3A_52 = arith.constant 0 : index
      %swap3A_53 = arith.constant 0 : index
      %swap3A_54 = vector.load %arg5[%swap3A_52, %swap3A_53] : memref<2x64xf32, #tpu.memory_space<vmem>>, vector<2x64xf32>
      tpu.vector_store %arg5[%swap3A_52, %swap3A_53], %broadcast_in_dim3A_51 {strides = array<i32>} : memref<2x64xf32, #tpu.memory_space<vmem>>, vector<2x64xf32>,
    } else {
    }
    %get3A_40 = arith.constant 0 : index
    %get3A_41 = arith.constant 0 : index
    %get3A_42 = vector.load %arg5[%get3A_40, %get3A_41] : memref<2x64xf32, #tpu.memory_space<vmem>>, vector<2x64xf32>
    %add3A_43 = arith.addf %get3A_42, %stack3A_36 : vector<2x64xf32>
    %swap3A = arith.constant 0 : index
    %swap3A_44 = arith.constant 0 : index
    %swap3A_45 = vector.load %arg5[%swap3A, %swap3A_44] : memref<2x64xf32, #tpu.memory_space<vmem>>, vector<2x64xf32>
    tpu.vector_store %arg5[%swap3A, %swap3A_44], %add3A_43 {strides = array<i32>} : memref<2x64xf32, #tpu.memory_space<vmem>>, vector<2x64xf32>,
    %concatenate3A_46 = tpu.concatenate %slice3A_19, %slice3A_20, %slice3A_21, %slice3A_22, %slice3A_23, %slice3A_24 in 1 : vector<640x64xf32>, vector<640x64xf32>, vector<640x64xf32>, vector<640x64xf32>, vector<640x64xf32>, vector<640x64xf32> -> vector<640x384xf32>
    %swap3A_47 = arith.constant 0 : index
    %swap3A_48 = arith.constant 0 : index
    %swap3A_49 = vector.load %arg4[%swap3A_47, %swap3A_48] : memref<640x384xf32, #tpu.memory_space<vmem>>, vector<640x384xf32>
    tpu.vector_store %arg4[%swap3A_47, %swap3A_48], %concatenate3A_46 {strides = array<i32>} : memref<640x384xf32, #tpu.memory_space<vmem>>, vector<640x384xf32>,
    return
  }
  func.func @transform_0(%arg0: i32) -> (i32, i32) {
    %c0_i32 = arith.constant 0 : i32
    %c0_i32_0 = arith.constant 0 : i32
    return %arg0, %c0_i32 : i32, i32
  }
  func.func @transform_1(%arg0: i32) -> (i32, i32) {
    %c0_i32 = arith.constant 0 : i32
    %c0_i32_0 = arith.constant 0 : i32
    return %arg0, %c0_i32 : i32, i32
  }
  func.func @transform_2(%arg0: i32) -> (i32, i32) {
    %c0_i32 = arith.constant 0 : i32
    %c0_i32_0 = arith.constant 0 : i32
    %c0_i32_1 = arith.constant 0 : i32
    return %c0_i32, %c0_i32_0 : i32, i32
  }
  func.func @transform_3(%arg0: i32) -> (i32, i32) {
    %c0_i32 = arith.constant 0 : i32
    %c0_i32_0 = arith.constant 0 : i32
    return %arg0, %c0_i32 : i32, i32
  }
  func.func @transform_4(%arg0: i32) -> (i32, i32) {
    %c0_i32 = arith.constant 0 : i32
    %c0_i32_0 = arith.constant 0 : i32
    %c0_i32_1 = arith.constant 0 : i32
    return %c0_i32, %c0_i32_0 : i32, i32
  }
}

module attributes {stable_mosaic.version = 14 : i64} {
  func.func @_finalA_body(%arg0: i32, %arg1: memref<512x192xf32, #tpu.memory_space<vmem>>, %arg2: memref<512x192xf32, #tpu.memory_space<vmem>>, %arg3: memref<512x192xf32, #tpu.memory_space<vmem>>, %arg4: memref<512x192xf32, #tpu.memory_space<vmem>>, %arg5: memref<256x128xbf16, #tpu.memory_space<vmem>>, %arg6: memref<256x8xbf16, #tpu.memory_space<vmem>>, %arg7: memref<512x384xf32, #tpu.memory_space<vmem>>, %arg8: memref<512x24xf32, #tpu.memory_space<vmem>>, %arg9: memref<2x128xf32, #tpu.memory_space<vmem>>) attributes {dimension_semantics = [#tpu.dimension_semantics<arbitrary>], iteration_bounds = array<i64: 8>, scalar_prefetch = 0 : i64, scratch_operands = 0 : i64, tpu.core_type = #tpu.core_type<tc>, window_params = [{transform_indices = @transform_0, window_bounds = array<i64: 512, 192>}, {transform_indices = @transform_1, window_bounds = array<i64: 512, 192>}, {transform_indices = @transform_2, window_bounds = array<i64: 512, 192>}, {transform_indices = @transform_3, window_bounds = array<i64: 512, 192>}, {pipeline_mode = #tpu.pipeline_mode<synchronous>, transform_indices = @transform_4, window_bounds = array<i64: 256, 128>}, {pipeline_mode = #tpu.pipeline_mode<synchronous>, transform_indices = @transform_5, window_bounds = array<i64: 256, 8>}, {transform_indices = @transform_6, window_bounds = array<i64: 512, 384>}, {transform_indices = @transform_7, window_bounds = array<i64: 512, 24>}, {pipeline_mode = #tpu.pipeline_mode<synchronous>, transform_indices = @transform_8, window_bounds = array<i64: 2, 128>}]} {
    %get3A = arith.constant 0 : index
    %get3A_0 = arith.constant 0 : index
    %get3A_1 = vector.load %arg1[%get3A, %get3A_0] : memref<512x192xf32, #tpu.memory_space<vmem>>, vector<512x192xf32>
    %get3A_2 = arith.constant 0 : index
    %get3A_3 = arith.constant 0 : index
    %get3A_4 = vector.load %arg2[%get3A_2, %get3A_3] : memref<512x192xf32, #tpu.memory_space<vmem>>, vector<512x192xf32>
    %get3A_5 = arith.constant 0 : index
    %get3A_6 = arith.constant 0 : index
    %get3A_7 = vector.load %arg3[%get3A_5, %get3A_6] : memref<512x192xf32, #tpu.memory_space<vmem>>, vector<512x192xf32>
    %get3A_8 = arith.constant 0 : index
    %get3A_9 = arith.constant 0 : index
    %get3A_10 = vector.load %arg4[%get3A_8, %get3A_9] : memref<512x192xf32, #tpu.memory_space<vmem>>, vector<512x192xf32>
    %get3A_11 = arith.constant 0 : index
    %get3A_12 = arith.constant 0 : index
    %get3A_13 = vector.load %arg5[%get3A_11, %get3A_12] : memref<256x128xbf16, #tpu.memory_space<vmem>>, vector<256x128xbf16>
    %get3A_14 = arith.constant 0 : index
    %get3A_15 = arith.constant 0 : index
    %get3A_16 = vector.load %arg6[%get3A_14, %get3A_15] : memref<256x8xbf16, #tpu.memory_space<vmem>>, vector<256x8xbf16>
    %slice3A = vector.extract_strided_slice %get3A_1 {offsets = [0, 0], sizes = [512, 64], strides = [1, 1]} : vector<512x192xf32> to vector<512x64xf32>
    %slice3A_17 = vector.extract_strided_slice %get3A_4 {offsets = [0, 0], sizes = [512, 64], strides = [1, 1]} : vector<512x192xf32> to vector<512x64xf32>
    %slice3A_18 = vector.extract_strided_slice %get3A_7 {offsets = [0, 0], sizes = [512, 64], strides = [1, 1]} : vector<512x192xf32> to vector<512x64xf32>
    %slice3A_19 = vector.extract_strided_slice %get3A_10 {offsets = [0, 0], sizes = [512, 64], strides = [1, 1]} : vector<512x192xf32> to vector<512x64xf32>
    %concatenate3A = tpu.concatenate %slice3A, %slice3A_17, %slice3A_18, %slice3A_19 in 1 : vector<512x64xf32>, vector<512x64xf32>, vector<512x64xf32>, vector<512x64xf32> -> vector<512x256xf32>
    %convert_element_type3A = arith.truncf %concatenate3A : vector<512x256xf32> to vector<512x256xbf16>
    %dot_general3A = arith.constant dense<0.000000e+00> : vector<512x128xf32>
    %dot_general3A_20 = tpu.matmul %convert_element_type3A, %get3A_13, %dot_general3A {dimension_numbers = #tpu.dot_dimension_numbers<[1], [0], [0], [1], [0, 0, 1, 1], [], []>, transpose_lhs_hint = false} : vector<512x256xbf16>, vector<256x128xbf16>, vector<512x128xf32> -> vector<512x128xf32>
    %dot_general3A_21 = arith.constant dense<0.000000e+00> : vector<512x8xf32>
    %dot_general3A_22 = tpu.matmul %convert_element_type3A, %get3A_16, %dot_general3A_21 {dimension_numbers = #tpu.dot_dimension_numbers<[1], [0], [0], [1], [0, 0, 1, 1], [], []>, transpose_lhs_hint = false} : vector<512x256xbf16>, vector<256x8xbf16>, vector<512x8xf32> -> vector<512x8xf32>
    %slice3A_23 = vector.extract_strided_slice %get3A_1 {offsets = [0, 64], sizes = [512, 64], strides = [1, 1]} : vector<512x192xf32> to vector<512x64xf32>
    %slice3A_24 = vector.extract_strided_slice %get3A_4 {offsets = [0, 64], sizes = [512, 64], strides = [1, 1]} : vector<512x192xf32> to vector<512x64xf32>
    %slice3A_25 = vector.extract_strided_slice %get3A_7 {offsets = [0, 64], sizes = [512, 64], strides = [1, 1]} : vector<512x192xf32> to vector<512x64xf32>
    %slice3A_26 = vector.extract_strided_slice %get3A_10 {offsets = [0, 64], sizes = [512, 64], strides = [1, 1]} : vector<512x192xf32> to vector<512x64xf32>
    %concatenate3A_27 = tpu.concatenate %slice3A_23, %slice3A_24, %slice3A_25, %slice3A_26 in 1 : vector<512x64xf32>, vector<512x64xf32>, vector<512x64xf32>, vector<512x64xf32> -> vector<512x256xf32>
    %convert_element_type3A_28 = arith.truncf %concatenate3A_27 : vector<512x256xf32> to vector<512x256xbf16>
    %dot_general3A_29 = arith.constant dense<0.000000e+00> : vector<512x128xf32>
    %dot_general3A_30 = tpu.matmul %convert_element_type3A_28, %get3A_13, %dot_general3A_29 {dimension_numbers = #tpu.dot_dimension_numbers<[1], [0], [0], [1], [0, 0, 1, 1], [], []>, transpose_lhs_hint = false} : vector<512x256xbf16>, vector<256x128xbf16>, vector<512x128xf32> -> vector<512x128xf32>
    %dot_general3A_31 = arith.constant dense<0.000000e+00> : vector<512x8xf32>
    %dot_general3A_32 = tpu.matmul %convert_element_type3A_28, %get3A_16, %dot_general3A_31 {dimension_numbers = #tpu.dot_dimension_numbers<[1], [0], [0], [1], [0, 0, 1, 1], [], []>, transpose_lhs_hint = false} : vector<512x256xbf16>, vector<256x8xbf16>, vector<512x8xf32> -> vector<512x8xf32>
    %slice3A_33 = vector.extract_strided_slice %get3A_1 {offsets = [0, 128], sizes = [512, 64], strides = [1, 1]} : vector<512x192xf32> to vector<512x64xf32>
    %slice3A_34 = vector.extract_strided_slice %get3A_4 {offsets = [0, 128], sizes = [512, 64], strides = [1, 1]} : vector<512x192xf32> to vector<512x64xf32>
    %slice3A_35 = vector.extract_strided_slice %get3A_7 {offsets = [0, 128], sizes = [512, 64], strides = [1, 1]} : vector<512x192xf32> to vector<512x64xf32>
    %slice3A_36 = vector.extract_strided_slice %get3A_10 {offsets = [0, 128], sizes = [512, 64], strides = [1, 1]} : vector<512x192xf32> to vector<512x64xf32>
    %concatenate3A_37 = tpu.concatenate %slice3A_33, %slice3A_34, %slice3A_35, %slice3A_36 in 1 : vector<512x64xf32>, vector<512x64xf32>, vector<512x64xf32>, vector<512x64xf32> -> vector<512x256xf32>
    %convert_element_type3A_38 = arith.truncf %concatenate3A_37 : vector<512x256xf32> to vector<512x256xbf16>
    %dot_general3A_39 = arith.constant dense<0.000000e+00> : vector<512x128xf32>
    %dot_general3A_40 = tpu.matmul %convert_element_type3A_38, %get3A_13, %dot_general3A_39 {dimension_numbers = #tpu.dot_dimension_numbers<[1], [0], [0], [1], [0, 0, 1, 1], [], []>, transpose_lhs_hint = false} : vector<512x256xbf16>, vector<256x128xbf16>, vector<512x128xf32> -> vector<512x128xf32>
    %dot_general3A_41 = arith.constant dense<0.000000e+00> : vector<512x8xf32>
    %dot_general3A_42 = tpu.matmul %convert_element_type3A_38, %get3A_16, %dot_general3A_41 {dimension_numbers = #tpu.dot_dimension_numbers<[1], [0], [0], [1], [0, 0, 1, 1], [], []>, transpose_lhs_hint = false} : vector<512x256xbf16>, vector<256x8xbf16>, vector<512x8xf32> -> vector<512x8xf32>
    %mul3A = arith.mulf %dot_general3A_20, %dot_general3A_20 : vector<512x128xf32>
    %mul3A_43 = arith.mulf %dot_general3A_30, %dot_general3A_30 : vector<512x128xf32>
    %add3A = arith.addf %mul3A, %mul3A_43 : vector<512x128xf32>
    %mul3A_44 = arith.mulf %dot_general3A_40, %dot_general3A_40 : vector<512x128xf32>
    %add3A_45 = arith.addf %add3A, %mul3A_44 : vector<512x128xf32>
    %sqrt3A = math.sqrt %add3A_45 : vector<512x128xf32>
    %add3A_46 = arith.constant 9.99999997E-7 : f32
    %add3A_47 = vector.broadcast %add3A_46 : f32 to vector<512x128xf32>
    %add3A_48 = arith.addf %sqrt3A, %add3A_47 : vector<512x128xf32>
    %reduce_sum3A = arith.constant dense<0.000000e+00> : vector<128xf32>
    %reduce_sum3A_49 = vector.multi_reduction <add>, %add3A_48, %reduce_sum3A [0] : vector<512x128xf32> to vector<128xf32>
    %mul3A_50 = arith.mulf %add3A_48, %add3A_48 : vector<512x128xf32>
    %reduce_sum3A_51 = arith.constant dense<0.000000e+00> : vector<128xf32>
    %reduce_sum3A_52 = vector.multi_reduction <add>, %mul3A_50, %reduce_sum3A_51 [0] : vector<512x128xf32> to vector<128xf32>
    %stack3A = vector.shape_cast %reduce_sum3A_49 : vector<128xf32> to vector<1x128xf32>
    %stack3A_53 = vector.shape_cast %reduce_sum3A_52 : vector<128xf32> to vector<1x128xf32>
    %stack3A_54 = tpu.concatenate %stack3A, %stack3A_53 in 0 : vector<1x128xf32>, vector<1x128xf32> -> vector<2x128xf32>
    %eq3A = arith.constant 0 : i32
    %eq3A_55 = arith.cmpi eq, %arg0, %eq3A : i32
    %convert_element_type3A_56 = arith.extui %eq3A_55 : i1 to i32
    %cond3A = arith.constant 0 : i32
    %cond3A_57 = arith.cmpi ne, %convert_element_type3A_56, %cond3A : i32
    scf.if %cond3A_57 {
      %broadcast_in_dim3A = arith.constant 0.000000e+00 : f32
      %broadcast_in_dim3A_72 = vector.broadcast %broadcast_in_dim3A : f32 to vector<2x128xf32>
      %swap3A_73 = arith.constant 0 : index
      %swap3A_74 = arith.constant 0 : index
      %swap3A_75 = vector.load %arg9[%swap3A_73, %swap3A_74] : memref<2x128xf32, #tpu.memory_space<vmem>>, vector<2x128xf32>
      tpu.vector_store %arg9[%swap3A_73, %swap3A_74], %broadcast_in_dim3A_72 {strides = array<i32>} : memref<2x128xf32, #tpu.memory_space<vmem>>, vector<2x128xf32>,
    } else {
    }
    %get3A_58 = arith.constant 0 : index
    %get3A_59 = arith.constant 0 : index
    %get3A_60 = vector.load %arg9[%get3A_58, %get3A_59] : memref<2x128xf32, #tpu.memory_space<vmem>>, vector<2x128xf32>
    %add3A_61 = arith.addf %get3A_60, %stack3A_54 : vector<2x128xf32>
    %swap3A = arith.constant 0 : index
    %swap3A_62 = arith.constant 0 : index
    %swap3A_63 = vector.load %arg9[%swap3A, %swap3A_62] : memref<2x128xf32, #tpu.memory_space<vmem>>, vector<2x128xf32>
    tpu.vector_store %arg9[%swap3A, %swap3A_62], %add3A_61 {strides = array<i32>} : memref<2x128xf32, #tpu.memory_space<vmem>>, vector<2x128xf32>,
    %concatenate3A_64 = tpu.concatenate %dot_general3A_20, %dot_general3A_30, %dot_general3A_40 in 1 : vector<512x128xf32>, vector<512x128xf32>, vector<512x128xf32> -> vector<512x384xf32>
    %swap3A_65 = arith.constant 0 : index
    %swap3A_66 = arith.constant 0 : index
    %swap3A_67 = vector.load %arg7[%swap3A_65, %swap3A_66] : memref<512x384xf32, #tpu.memory_space<vmem>>, vector<512x384xf32>
    tpu.vector_store %arg7[%swap3A_65, %swap3A_66], %concatenate3A_64 {strides = array<i32>} : memref<512x384xf32, #tpu.memory_space<vmem>>, vector<512x384xf32>,
    %concatenate3A_68 = tpu.concatenate %dot_general3A_22, %dot_general3A_32, %dot_general3A_42 in 1 : vector<512x8xf32>, vector<512x8xf32>, vector<512x8xf32> -> vector<512x24xf32>
    %swap3A_69 = arith.constant 0 : index
    %swap3A_70 = arith.constant 0 : index
    %swap3A_71 = vector.load %arg8[%swap3A_69, %swap3A_70] : memref<512x24xf32, #tpu.memory_space<vmem>>, vector<512x24xf32>
    tpu.vector_store %arg8[%swap3A_69, %swap3A_70], %concatenate3A_68 {strides = array<i32>} : memref<512x24xf32, #tpu.memory_space<vmem>>, vector<512x24xf32>,
    return
  }
  func.func @transform_0(%arg0: i32) -> (i32, i32) {
    %c0_i32 = arith.constant 0 : i32
    %c0_i32_0 = arith.constant 0 : i32
    return %arg0, %c0_i32 : i32, i32
  }
  func.func @transform_1(%arg0: i32) -> (i32, i32) {
    %c0_i32 = arith.constant 0 : i32
    %c0_i32_0 = arith.constant 0 : i32
    return %arg0, %c0_i32 : i32, i32
  }
  func.func @transform_2(%arg0: i32) -> (i32, i32) {
    %c0_i32 = arith.constant 0 : i32
    %c0_i32_0 = arith.constant 0 : i32
    return %arg0, %c0_i32 : i32, i32
  }
  func.func @transform_3(%arg0: i32) -> (i32, i32) {
    %c0_i32 = arith.constant 0 : i32
    %c0_i32_0 = arith.constant 0 : i32
    return %arg0, %c0_i32 : i32, i32
  }
  func.func @transform_4(%arg0: i32) -> (i32, i32) {
    %c0_i32 = arith.constant 0 : i32
    %c0_i32_0 = arith.constant 0 : i32
    %c0_i32_1 = arith.constant 0 : i32
    return %c0_i32, %c0_i32_0 : i32, i32
  }
  func.func @transform_5(%arg0: i32) -> (i32, i32) {
    %c0_i32 = arith.constant 0 : i32
    %c0_i32_0 = arith.constant 0 : i32
    %c0_i32_1 = arith.constant 0 : i32
    return %c0_i32, %c0_i32_0 : i32, i32
  }
  func.func @transform_6(%arg0: i32) -> (i32, i32) {
    %c0_i32 = arith.constant 0 : i32
    %c0_i32_0 = arith.constant 0 : i32
    return %arg0, %c0_i32 : i32, i32
  }
  func.func @transform_7(%arg0: i32) -> (i32, i32) {
    %c0_i32 = arith.constant 0 : i32
    %c0_i32_0 = arith.constant 0 : i32
    return %arg0, %c0_i32 : i32, i32
  }
  func.func @transform_8(%arg0: i32) -> (i32, i32) {
    %c0_i32 = arith.constant 0 : i32
    %c0_i32_0 = arith.constant 0 : i32
    %c0_i32_1 = arith.constant 0 : i32
    return %c0_i32, %c0_i32_0 : i32, i32
  }
}

module attributes {stable_mosaic.version = 14 : i64} {
  func.func @_finalB_body(%arg0: i32, %arg1: memref<512x384xf32, #tpu.memory_space<vmem>>, %arg2: memref<512x24xf32, #tpu.memory_space<vmem>>, %arg3: memref<2x128xf32, #tpu.memory_space<vmem>>, %arg4: memref<1x128xf32, #tpu.memory_space<vmem>>, %arg5: memref<1x128xf32, #tpu.memory_space<vmem>>, %arg6: memref<1x3x128xf32, #tpu.memory_space<vmem>>) attributes {dimension_semantics = [#tpu.dimension_semantics<arbitrary>], iteration_bounds = array<i64: 8>, scalar_prefetch = 0 : i64, scratch_operands = 0 : i64, tpu.core_type = #tpu.core_type<tc>, window_params = [{transform_indices = @transform_0, window_bounds = array<i64: 512, 384>}, {transform_indices = @transform_1, window_bounds = array<i64: 512, 24>}, {pipeline_mode = #tpu.pipeline_mode<synchronous>, transform_indices = @transform_2, window_bounds = array<i64: 2, 128>}, {pipeline_mode = #tpu.pipeline_mode<synchronous>, transform_indices = @transform_3, window_bounds = array<i64: 1, 128>}, {pipeline_mode = #tpu.pipeline_mode<synchronous>, transform_indices = @transform_4, window_bounds = array<i64: 1, 128>}, {transform_indices = @transform_5, window_bounds = array<i64: 1, 3, 128>}]} {
    %get3A = arith.constant 0 : index
    %get3A_0 = arith.constant 0 : index
    %get3A_1 = vector.load %arg1[%get3A, %get3A_0] : memref<512x384xf32, #tpu.memory_space<vmem>>, vector<512x384xf32>
    %get3A_2 = arith.constant 0 : index
    %get3A_3 = arith.constant 0 : index
    %get3A_4 = vector.load %arg2[%get3A_2, %get3A_3] : memref<512x24xf32, #tpu.memory_space<vmem>>, vector<512x24xf32>
    %get3A_5 = arith.constant 0 : index
    %get3A_6 = arith.constant 0 : index
    %get3A_7 = vector.load %arg3[%get3A_5, %get3A_6] : memref<2x128xf32, #tpu.memory_space<vmem>>, vector<2x128xf32>
    %get3A_8 = arith.constant 0 : index
    %get3A_9 = arith.constant 0 : index
    %get3A_10 = vector.load %arg4[%get3A_8, %get3A_9] : memref<1x128xf32, #tpu.memory_space<vmem>>, vector<1x128xf32>
    %get3A_11 = arith.constant 0 : index
    %get3A_12 = arith.constant 0 : index
    %get3A_13 = vector.load %arg5[%get3A_11, %get3A_12] : memref<1x128xf32, #tpu.memory_space<vmem>>, vector<1x128xf32>
    %slice3A = vector.extract_strided_slice %get3A_7 {offsets = [0, 0], sizes = [1, 128], strides = [1, 1]} : vector<2x128xf32> to vector<1x128xf32>
    %div3A = arith.constant 4.096000e+03 : f32
    %div3A_14 = vector.broadcast %div3A : f32 to vector<1x128xf32>
    %div3A_15 = arith.divf %slice3A, %div3A_14 : vector<1x128xf32>
    %slice3A_16 = vector.extract_strided_slice %get3A_7 {offsets = [1, 0], sizes = [1, 128], strides = [1, 1]} : vector<2x128xf32> to vector<1x128xf32>
    %div3A_17 = arith.constant 4.096000e+03 : f32
    %div3A_18 = vector.broadcast %div3A_17 : f32 to vector<1x128xf32>
    %div3A_19 = arith.divf %slice3A_16, %div3A_18 : vector<1x128xf32>
    %mul3A = arith.mulf %div3A_15, %div3A_15 : vector<1x128xf32>
    %sub3A = arith.subf %div3A_19, %mul3A : vector<1x128xf32>
    %slice3A_20 = vector.extract_strided_slice %get3A_1 {offsets = [0, 0], sizes = [512, 128], strides = [1, 1]} : vector<512x384xf32> to vector<512x128xf32>
    %slice3A_21 = vector.extract_strided_slice %get3A_1 {offsets = [0, 128], sizes = [512, 128], strides = [1, 1]} : vector<512x384xf32> to vector<512x128xf32>
    %slice3A_22 = vector.extract_strided_slice %get3A_1 {offsets = [0, 256], sizes = [512, 128], strides = [1, 1]} : vector<512x384xf32> to vector<512x128xf32>
    %slice3A_23 = vector.extract_strided_slice %get3A_4 {offsets = [0, 0], sizes = [512, 1], strides = [1, 1]} : vector<512x24xf32> to vector<512x1xf32>
    %slice3A_24 = vector.extract_strided_slice %get3A_4 {offsets = [0, 8], sizes = [512, 1], strides = [1, 1]} : vector<512x24xf32> to vector<512x1xf32>
    %slice3A_25 = vector.extract_strided_slice %get3A_4 {offsets = [0, 16], sizes = [512, 1], strides = [1, 1]} : vector<512x24xf32> to vector<512x1xf32>
    %mul3A_26 = arith.mulf %slice3A_20, %slice3A_20 : vector<512x128xf32>
    %mul3A_27 = arith.mulf %slice3A_21, %slice3A_21 : vector<512x128xf32>
    %add3A = arith.addf %mul3A_26, %mul3A_27 : vector<512x128xf32>
    %mul3A_28 = arith.mulf %slice3A_22, %slice3A_22 : vector<512x128xf32>
    %add3A_29 = arith.addf %add3A, %mul3A_28 : vector<512x128xf32>
    %sqrt3A = math.sqrt %add3A_29 : vector<512x128xf32>
    %add3A_30 = arith.constant 9.99999997E-7 : f32
    %add3A_31 = vector.broadcast %add3A_30 : f32 to vector<512x128xf32>
    %add3A_32 = arith.addf %sqrt3A, %add3A_31 : vector<512x128xf32>
    %sub3A_33 = vector.broadcast %div3A_15 : vector<1x128xf32> to vector<512x128xf32>
    %sub3A_34 = arith.subf %add3A_32, %sub3A_33 : vector<512x128xf32>
    %add3A_35 = arith.constant 9.99999974E-6 : f32
    %add3A_36 = vector.broadcast %add3A_35 : f32 to vector<1x128xf32>
    %add3A_37 = arith.addf %sub3A, %add3A_36 : vector<1x128xf32>
    %sqrt3A_38 = math.sqrt %add3A_37 : vector<1x128xf32>
    %div3A_39 = vector.broadcast %sqrt3A_38 : vector<1x128xf32> to vector<512x128xf32>
    %div3A_40 = arith.divf %sub3A_34, %div3A_39 : vector<512x128xf32>
    %mul3A_41 = vector.broadcast %get3A_10 : vector<1x128xf32> to vector<512x128xf32>
    %mul3A_42 = arith.mulf %div3A_40, %mul3A_41 : vector<512x128xf32>
    %add3A_43 = vector.broadcast %get3A_13 : vector<1x128xf32> to vector<512x128xf32>
    %add3A_44 = arith.addf %mul3A_42, %add3A_43 : vector<512x128xf32>
    %div3A_45 = arith.divf %slice3A_20, %add3A_32 : vector<512x128xf32>
    %mul3A_46 = arith.mulf %div3A_45, %add3A_44 : vector<512x128xf32>
    %div3A_47 = arith.divf %slice3A_21, %add3A_32 : vector<512x128xf32>
    %mul3A_48 = arith.mulf %div3A_47, %add3A_44 : vector<512x128xf32>
    %div3A_49 = arith.divf %slice3A_22, %add3A_32 : vector<512x128xf32>
    %mul3A_50 = arith.mulf %div3A_49, %add3A_44 : vector<512x128xf32>
    %mul3A_51 = vector.broadcast %slice3A_23 : vector<512x1xf32> to vector<512x128xf32>
    %mul3A_52 = arith.mulf %mul3A_46, %mul3A_51 : vector<512x128xf32>
    %mul3A_53 = vector.broadcast %slice3A_24 : vector<512x1xf32> to vector<512x128xf32>
    %mul3A_54 = arith.mulf %mul3A_48, %mul3A_53 : vector<512x128xf32>
    %add3A_55 = arith.addf %mul3A_52, %mul3A_54 : vector<512x128xf32>
    %mul3A_56 = vector.broadcast %slice3A_25 : vector<512x1xf32> to vector<512x128xf32>
    %mul3A_57 = arith.mulf %mul3A_50, %mul3A_56 : vector<512x128xf32>
    %add3A_58 = arith.addf %add3A_55, %mul3A_57 : vector<512x128xf32>
    %mul3A_59 = arith.mulf %slice3A_23, %slice3A_23 : vector<512x1xf32>
    %mul3A_60 = arith.mulf %slice3A_24, %slice3A_24 : vector<512x1xf32>
    %add3A_61 = arith.addf %mul3A_59, %mul3A_60 : vector<512x1xf32>
    %mul3A_62 = arith.mulf %slice3A_25, %slice3A_25 : vector<512x1xf32>
    %add3A_63 = arith.addf %add3A_61, %mul3A_62 : vector<512x1xf32>
    %ge3A = arith.constant 0.000000e+00 : f32
    %ge3A_64 = vector.broadcast %ge3A : f32 to vector<512x128xf32>
    %ge3A_65 = arith.cmpf oge, %add3A_58, %ge3A_64 : vector<512x128xf32>
    %convert_element_type3A = arith.extui %ge3A_65 : vector<512x128xi1> to vector<512x128xi32>
    %convert_element_type3A_66 = arith.sitofp %convert_element_type3A : vector<512x128xi32> to vector<512x128xf32>
    %add3A_67 = arith.constant 9.99999997E-7 : f32
    %add3A_68 = vector.broadcast %add3A_67 : f32 to vector<512x1xf32>
    %add3A_69 = arith.addf %add3A_63, %add3A_68 : vector<512x1xf32>
    %div3A_70 = vector.broadcast %add3A_69 : vector<512x1xf32> to vector<512x128xf32>
    %div3A_71 = arith.divf %add3A_58, %div3A_70 : vector<512x128xf32>
    %mul3A_72 = arith.constant 2.000000e-01 : f32
    %mul3A_73 = vector.broadcast %mul3A_72 : f32 to vector<512x128xf32>
    %mul3A_74 = arith.mulf %mul3A_73, %mul3A_46 : vector<512x128xf32>
    %mul3A_75 = arith.mulf %convert_element_type3A_66, %mul3A_46 : vector<512x128xf32>
    %sub3A_76 = arith.constant 1.000000e+00 : f32
    %sub3A_77 = vector.broadcast %sub3A_76 : f32 to vector<512x128xf32>
    %sub3A_78 = arith.subf %sub3A_77, %convert_element_type3A_66 : vector<512x128xf32>
    %mul3A_79 = vector.broadcast %slice3A_23 : vector<512x1xf32> to vector<512x128xf32>
    %mul3A_80 = arith.mulf %div3A_71, %mul3A_79 : vector<512x128xf32>
    %sub3A_81 = arith.subf %mul3A_46, %mul3A_80 : vector<512x128xf32>
    %mul3A_82 = arith.mulf %sub3A_78, %sub3A_81 : vector<512x128xf32>
    %add3A_83 = arith.addf %mul3A_75, %mul3A_82 : vector<512x128xf32>
    %mul3A_84 = arith.constant 8.000000e-01 : f32
    %mul3A_85 = vector.broadcast %mul3A_84 : f32 to vector<512x128xf32>
    %mul3A_86 = arith.mulf %mul3A_85, %add3A_83 : vector<512x128xf32>
    %add3A_87 = arith.addf %mul3A_74, %mul3A_86 : vector<512x128xf32>
    %reduce_sum3A = arith.constant dense<0.000000e+00> : vector<128xf32>
    %reduce_sum3A_88 = vector.multi_reduction <add>, %add3A_87, %reduce_sum3A [0] : vector<512x128xf32> to vector<128xf32>
    %broadcast_in_dim3A = vector.shape_cast %reduce_sum3A_88 : vector<128xf32> to vector<1x128xf32>
    %mul3A_89 = arith.constant 9.765625E-4 : f32
    %mul3A_90 = vector.broadcast %mul3A_89 : f32 to vector<1x128xf32>
    %mul3A_91 = arith.mulf %broadcast_in_dim3A, %mul3A_90 : vector<1x128xf32>
    %mul3A_92 = arith.constant 2.000000e-01 : f32
    %mul3A_93 = vector.broadcast %mul3A_92 : f32 to vector<512x128xf32>
    %mul3A_94 = arith.mulf %mul3A_93, %mul3A_48 : vector<512x128xf32>
    %mul3A_95 = arith.mulf %convert_element_type3A_66, %mul3A_48 : vector<512x128xf32>
    %sub3A_96 = arith.constant 1.000000e+00 : f32
    %sub3A_97 = vector.broadcast %sub3A_96 : f32 to vector<512x128xf32>
    %sub3A_98 = arith.subf %sub3A_97, %convert_element_type3A_66 : vector<512x128xf32>
    %mul3A_99 = vector.broadcast %slice3A_24 : vector<512x1xf32> to vector<512x128xf32>
    %mul3A_100 = arith.mulf %div3A_71, %mul3A_99 : vector<512x128xf32>
    %sub3A_101 = arith.subf %mul3A_48, %mul3A_100 : vector<512x128xf32>
    %mul3A_102 = arith.mulf %sub3A_98, %sub3A_101 : vector<512x128xf32>
    %add3A_103 = arith.addf %mul3A_95, %mul3A_102 : vector<512x128xf32>
    %mul3A_104 = arith.constant 8.000000e-01 : f32
    %mul3A_105 = vector.broadcast %mul3A_104 : f32 to vector<512x128xf32>
    %mul3A_106 = arith.mulf %mul3A_105, %add3A_103 : vector<512x128xf32>
    %add3A_107 = arith.addf %mul3A_94, %mul3A_106 : vector<512x128xf32>
    %reduce_sum3A_108 = arith.constant dense<0.000000e+00> : vector<128xf32>
    %reduce_sum3A_109 = vector.multi_reduction <add>, %add3A_107, %reduce_sum3A_108 [0] : vector<512x128xf32> to vector<128xf32>
    %broadcast_in_dim3A_110 = vector.shape_cast %reduce_sum3A_109 : vector<128xf32> to vector<1x128xf32>
    %mul3A_111 = arith.constant 9.765625E-4 : f32
    %mul3A_112 = vector.broadcast %mul3A_111 : f32 to vector<1x128xf32>
    %mul3A_113 = arith.mulf %broadcast_in_dim3A_110, %mul3A_112 : vector<1x128xf32>
    %mul3A_114 = arith.constant 2.000000e-01 : f32
    %mul3A_115 = vector.broadcast %mul3A_114 : f32 to vector<512x128xf32>
    %mul3A_116 = arith.mulf %mul3A_115, %mul3A_50 : vector<512x128xf32>
    %mul3A_117 = arith.mulf %convert_element_type3A_66, %mul3A_50 : vector<512x128xf32>
    %sub3A_118 = arith.constant 1.000000e+00 : f32
    %sub3A_119 = vector.broadcast %sub3A_118 : f32 to vector<512x128xf32>
    %sub3A_120 = arith.subf %sub3A_119, %convert_element_type3A_66 : vector<512x128xf32>
    %mul3A_121 = vector.broadcast %slice3A_25 : vector<512x1xf32> to vector<512x128xf32>
    %mul3A_122 = arith.mulf %div3A_71, %mul3A_121 : vector<512x128xf32>
    %sub3A_123 = arith.subf %mul3A_50, %mul3A_122 : vector<512x128xf32>
    %mul3A_124 = arith.mulf %sub3A_120, %sub3A_123 : vector<512x128xf32>
    %add3A_125 = arith.addf %mul3A_117, %mul3A_124 : vector<512x128xf32>
    %mul3A_126 = arith.constant 8.000000e-01 : f32
    %mul3A_127 = vector.broadcast %mul3A_126 : f32 to vector<512x128xf32>
    %mul3A_128 = arith.mulf %mul3A_127, %add3A_125 : vector<512x128xf32>
    %add3A_129 = arith.addf %mul3A_116, %mul3A_128 : vector<512x128xf32>
    %reduce_sum3A_130 = arith.constant dense<0.000000e+00> : vector<128xf32>
    %reduce_sum3A_131 = vector.multi_reduction <add>, %add3A_129, %reduce_sum3A_130 [0] : vector<512x128xf32> to vector<128xf32>
    %broadcast_in_dim3A_132 = vector.shape_cast %reduce_sum3A_131 : vector<128xf32> to vector<1x128xf32>
    %mul3A_133 = arith.constant 9.765625E-4 : f32
    %mul3A_134 = vector.broadcast %mul3A_133 : f32 to vector<1x128xf32>
    %mul3A_135 = arith.mulf %broadcast_in_dim3A_132, %mul3A_134 : vector<1x128xf32>
    %concatenate3A = tpu.concatenate %mul3A_91, %mul3A_113, %mul3A_135 in 0 : vector<1x128xf32>, vector<1x128xf32>, vector<1x128xf32> -> vector<3x128xf32>
    %jit3A = arith.constant 2 : i32
    %eq3A = arith.constant 0 : i32
    %eq3A_136 = arith.cmpi eq, %jit3A, %eq3A : i32
    %jit3A_137 = arith.constant 1 : i32
    %select_n3A = arith.select %eq3A_136, %jit3A_137, %jit3A : i32
    %rem3A = arith.remsi %arg0, %select_n3A : i32
    %ne3A = arith.constant 0 : i32
    %ne3A_138 = arith.cmpi ne, %rem3A, %ne3A : i32
    %lt3A = arith.constant 0 : i32
    %lt3A_139 = arith.cmpi slt, %rem3A, %lt3A : i32
    %lt3A_140 = arith.constant 0 : i32
    %lt3A_141 = arith.cmpi slt, %select_n3A, %lt3A_140 : i32
    %ne3A_142 = arith.xori %lt3A_139, %lt3A_141 : i1
    %and3A = arith.andi %ne3A_142, %ne3A_138 : i1
    %add3A_143 = arith.addi %rem3A, %select_n3A : i32
    %select_n3A_144 = arith.select %and3A, %add3A_143, %rem3A : i32
    %eq3A_145 = arith.constant 0 : i32
    %eq3A_146 = arith.cmpi eq, %select_n3A_144, %eq3A_145 : i32
    %convert_element_type3A_147 = arith.extui %eq3A_146 : i1 to i32
    %cond3A = arith.constant 0 : i32
    %cond3A_148 = arith.cmpi ne, %convert_element_type3A_147, %cond3A : i32
    scf.if %cond3A_148 {
      %broadcast_in_dim3A_160 = arith.constant 0.000000e+00 : f32
      %broadcast_in_dim3A_161 = vector.broadcast %broadcast_in_dim3A_160 : f32 to vector<3x128xf32>
      %swap3A_162 = arith.constant 0 : index
      %swap3A_163 = arith.constant 0 : index
      %swap3A_164 = arith.constant 0 : index
      %swap3A_165 = vector.load %arg6[%swap3A_162, %swap3A_163, %swap3A_164] : memref<1x3x128xf32, #tpu.memory_space<vmem>>, vector<1x3x128xf32>
      %swap3A_166 = vector.shape_cast %swap3A_165 : vector<1x3x128xf32> to vector<3x128xf32>
      %swap3A_167 = vector.shape_cast %broadcast_in_dim3A_161 : vector<3x128xf32> to vector<1x3x128xf32>
      tpu.vector_store %arg6[%swap3A_162, %swap3A_163, %swap3A_164], %swap3A_167 {strides = array<i32>} : memref<1x3x128xf32, #tpu.memory_space<vmem>>, vector<1x3x128xf32>,
    } else {
    }
    %get3A_149 = arith.constant 0 : index
    %get3A_150 = arith.constant 0 : index
    %get3A_151 = arith.constant 0 : index
    %get3A_152 = vector.load %arg6[%get3A_149, %get3A_150, %get3A_151] : memref<1x3x128xf32, #tpu.memory_space<vmem>>, vector<1x3x128xf32>
    %get3A_153 = vector.shape_cast %get3A_152 : vector<1x3x128xf32> to vector<3x128xf32>
    %add3A_154 = arith.addf %get3A_153, %concatenate3A : vector<3x128xf32>
    %swap3A = arith.constant 0 : index
    %swap3A_155 = arith.constant 0 : index
    %swap3A_156 = arith.constant 0 : index
    %swap3A_157 = vector.load %arg6[%swap3A, %swap3A_155, %swap3A_156] : memref<1x3x128xf32, #tpu.memory_space<vmem>>, vector<1x3x128xf32>
    %swap3A_158 = vector.shape_cast %swap3A_157 : vector<1x3x128xf32> to vector<3x128xf32>
    %swap3A_159 = vector.shape_cast %add3A_154 : vector<3x128xf32> to vector<1x3x128xf32>
    tpu.vector_store %arg6[%swap3A, %swap3A_155, %swap3A_156], %swap3A_159 {strides = array<i32>} : memref<1x3x128xf32, #tpu.memory_space<vmem>>, vector<1x3x128xf32>,
    return
  }
  func.func @transform_0(%arg0: i32) -> (i32, i32) {
    %c0_i32 = arith.constant 0 : i32
    %c0_i32_0 = arith.constant 0 : i32
    return %arg0, %c0_i32 : i32, i32
  }
  func.func @transform_1(%arg0: i32) -> (i32, i32) {
    %c0_i32 = arith.constant 0 : i32
    %c0_i32_0 = arith.constant 0 : i32
    return %arg0, %c0_i32 : i32, i32
  }
  func.func @transform_2(%arg0: i32) -> (i32, i32) {
    %c0_i32 = arith.constant 0 : i32
    %c0_i32_0 = arith.constant 0 : i32
    %c0_i32_1 = arith.constant 0 : i32
    return %c0_i32, %c0_i32_0 : i32, i32
  }
  func.func @transform_3(%arg0: i32) -> (i32, i32) {
    %c0_i32 = arith.constant 0 : i32
    %c0_i32_0 = arith.constant 0 : i32
    %c0_i32_1 = arith.constant 0 : i32
    return %c0_i32, %c0_i32_0 : i32, i32
  }
  func.func @transform_4(%arg0: i32) -> (i32, i32) {
    %c0_i32 = arith.constant 0 : i32
    %c0_i32_0 = arith.constant 0 : i32
    %c0_i32_1 = arith.constant 0 : i32
    return %c0_i32, %c0_i32_0 : i32, i32
  }
  func.func @transform_5(%arg0: i32) -> (i32, i32, i32) {
    %jit3A = arith.constant 2 : i32
    %div3A = arith.divsi %arg0, %jit3A : i32
    %sign3A = arith.constant 0 : i32
    %sign3A_0 = arith.cmpi sgt, %arg0, %sign3A : i32
    %sign3A_1 = arith.extui %sign3A_0 : i1 to i32
    %sign3A_2 = arith.constant 0 : i32
    %sign3A_3 = arith.cmpi slt, %arg0, %sign3A_2 : i32
    %sign3A_4 = arith.extui %sign3A_3 : i1 to i32
    %sign3A_5 = arith.subi %sign3A_1, %sign3A_4 : i32
    %sign3A_6 = arith.constant 0 : i32
    %sign3A_7 = arith.cmpi sgt, %jit3A, %sign3A_6 : i32
    %sign3A_8 = arith.extui %sign3A_7 : i1 to i32
    %sign3A_9 = arith.constant 0 : i32
    %sign3A_10 = arith.cmpi slt, %jit3A, %sign3A_9 : i32
    %sign3A_11 = arith.extui %sign3A_10 : i1 to i32
    %sign3A_12 = arith.subi %sign3A_8, %sign3A_11 : i32
    %ne3A = arith.cmpi ne, %sign3A_5, %sign3A_12 : i32
    %rem3A = arith.remsi %arg0, %jit3A : i32
    %ne3A_13 = arith.constant 0 : i32
    %ne3A_14 = arith.cmpi ne, %rem3A, %ne3A_13 : i32
    %and3A = arith.andi %ne3A, %ne3A_14 : i1
    %sub3A = arith.constant 1 : i32
    %sub3A_15 = arith.subi %div3A, %sub3A : i32
    %select_n3A = arith.select %and3A, %sub3A_15, %div3A : i32
    %c0_i32 = arith.constant 0 : i32
    %c0_i32_16 = arith.constant 0 : i32
    %c0_i32_17 = arith.constant 0 : i32
    return %select_n3A, %c0_i32, %c0_i32_16 : i32, i32, i32
  }
}

</mosaic_0001>

<sc_bundles>
// kernel: kernel.20.cloned.1.call-start
scs
__scs_entry_jumppad:
0x0: {  	(pc) =	sbr.rel $0x88, $3  }
0x1: {  	(tag) =	ssettag $0x0;
	lr =	simm.s32 $0x1  }
0x2: {  	[smem:$0x3F8C] =	sst lr;
	_ =	strace $0xD0000000  }
0x3: {  	_ = 	snop  }
0x4: {  	_ = 	snop  }
0x5: {  	_ = 	snop  }
0x6: {  	_ = 	snop  }
0x7: {  	_ = 	snop  }
__scs_overlays_trampoline_lowered:
0x8: {  	[smem:$0x3F9B] =	sst s0  }
0x9: {  	[smem:$0x3F9C] =	sst s1  }
0xa: {  	[smem:$0x3F9D] =	sst s2  }
0xb: {  	[smem:$0x3F9E] =	sst s3  }
0xc: {  	[smem:$0x3F9F] =	sst s4  }
0xd: {  	[smem:$0x3FA0] =	sst s5  }
0xe: {  	[smem:$0x3FA1] =	sst s6  }
0xf: {  	[smem:$0x3FA2] =	sst s7  }
0x10: {  	[smem:$0x3FA3] =	sst s8  }
0x11: {  	[smem:$0x3FA4] =	sst s9;
	s0 =	simm.s32 @!p0 $0x0  }
0x12: {  	s1 =	sld [smem:$0x3F8A];
	s0 =	simm.s32 @p0 $0x1  }
0x13: {  	[smem:$0x3FA5] =	sst s0;
	s0 =	simm.s32 @!p1 $0x0  }
0x14: {  	s2 =	sld [smem:$0x3F89];
	s0 =	simm.s32 @p1 $0x1  }
0x15: {  	[smem:$0x3FA6] =	sst s0;
	s0 =	simm.s32 @!p2 $0x0  }
0x16: {  	s3 =	sld [smem:$0x3FDB];
	s0 =	simm.s32 @p2 $0x1  }
0x17: {  	s4 =	simm.s32 $0x1BF5;
	[smem:$0x3FA8] =	sst s0  }
0x18: {  	s0 =	sld [smem:$0x3F8B];
	_ =	swait.ge [sflag:s4], $0x0  }
0x19: {  	s7 =	sld [smem:$0x3F8C]  }
0x1a: {  	s8 =	sadd.s32 $0xFFFFE003, lr  }
0x1b: {  	s9 =	sadd.s32 $0xFFFFFEF7, lr;
	s5 =	simm.s32 $0xFFFFFFFF;
	p2 =	slt.u32 s8, $0xFFFFF086  }
0x1c: {  	p1 =	slt.u32 s9, $0xF7A;
	s5 =	simm.s32 @!p2 $0x0  }
0x1d: {  	s5 =	simm.s32 @p1 $0x1;
	p0 =	seq.s32 s7, s2  }
0x1e: {  	s7 =	smul.u32 @!p0 $0xF7A, s2;
	p2 =	seq.s32 @!p0 s5, $0x0  }
0x1f: {  	s9 =	smul.u32 $0xF7A, s1;
	s8 =	simm.s32 @!p0 $0x1BF5;
	p2 =	por !p2, p0  }
0x20: {  	[sflag:s8] =	ssyncset.s32 @!p0 $0xFFFFF086;
	s6 =	sadd.s32 @!p0 s3, s7;
	s7 =	simm.s32 @!p0 $0x108  }
0x21: {  	s3 =	sadd.s32 s3, s9;
	s6 =	sadd.s32 @!p0 $0x88, s6;
	s7 =	simm.s32 @p2 $0x1082  }
0x22: {  	[simem:s7], [sflag:s8] =	dma.local @!p0 [hbm:s6], $0xF7A  }
0x23: {  	s9 =	sor.u32 $0xD0000000, s2;
	s6 =	simm.s32 $0x108;
	_ =	swait.ge @!p0 [sflag:s8], $0x0  }
0x24: {  	s3 =	sadd.s32 $0x88, s3;
	s6 =	simm.s32 @!p1 $0x1082;
	[sflag:s4] =	ssyncset.s32 $0xFFFFF086  }
0x25: {  	[simem:s6], [sflag:s4] =	dma.local [hbm:s3], $0xF7A  }
0x26: {  	[smem:$0x3F8C] =	sst s1;
	(tag) =	ssettag s2;
	_ =	strace s9  }
0x27: {  	s1 =	sld [smem:$0x3F9C]  }
0x28: {  	s2 =	sld [smem:$0x3F9D]  }
0x29: {  	s4 =	sld [smem:$0x3F9F]  }
0x2a: {  	p0 =	seq.s32 s5, $0x0;
	s5 =	sld [smem:$0x3FA0]  }
0x2b: {  	s6 =	sld [smem:$0x3FA1]  }
0x2c: {  	s7 =	sld [smem:$0x3FA2]  }
0x2d: {  	s3 =	simm.s32 $0x108;
	s8 =	sld [smem:$0x3FA3]  }
0x2e: {  	s3 =	simm.s32 @!p0 $0x1082;
	s9 =	sld [smem:$0x3FA4]  }
0x2f: {  	lr =	sadd.s32 s0, s3;
	s0 =	sld [smem:$0x3F9B]  }
0x30: {  	s3 =	sld [smem:$0x3F9E]  }
0x31: {  	[smem:$0x3FA7] =	sst s10  }
0x32: {  	s10 =	sld [smem:$0x3FA5];
	_ =	sdelay $0x3  }
0x33: {  	p0 =	seq.s32 s10, $0x1;
	s10 =	sld [smem:$0x3FA7];
	_ =	sdelay $0x3  }
0x34: {  	[smem:$0x3FA7] =	sst s10  }
0x35: {  	s10 =	sld [smem:$0x3FA6];
	_ =	sdelay $0x3  }
0x36: {  	p1 =	seq.s32 s10, $0x1;
	s10 =	sld [smem:$0x3FA7];
	_ =	sdelay $0x3  }
0x37: {  	[smem:$0x3FA7] =	sst s10  }
0x38: {  	s10 =	sld [smem:$0x3FA8]  }
0x39: {  	_ = 	snop;
	(pc) =	sbr.ind lr, $3  }
0x3a: {  	_ = 	snop  }
0x3b: {  	_ = 	snop  }
0x3c: {  	p2 =	seq.s32 s10, $0x1;
	s10 =	sld [smem:$0x3FA7]  }
0x3d: {  	_ =	shalt  }
0x3e: {  	_ =	shalt  }
0x3f: {  	_ =	shalt  }
0x40: {  	_ =	shalt  }
0x41: {  	_ =	shalt  }
0x42: {  	_ =	shalt  }
0x43: {  	_ =	shalt  }
0x44: {  	_ =	shalt  }
0x45: {  	_ =	shalt  }
0x46: {  	_ =	shalt  }
0x47: {  	_ =	shalt  }
0x48: {  	_ =	shalt  }
0x49: {  	_ =	shalt  }
0x4a: {  	_ =	shalt  }
0x4b: {  	_ =	shalt  }
0x4c: {  	_ =	shalt  }
0x4d: {  	_ =	shalt  }
0x4e: {  	_ =	shalt  }
0x4f: {  	_ =	shalt  }
0x50: {  	_ =	shalt  }
0x51: {  	_ =	shalt  }
0x52: {  	_ =	shalt  }
0x53: {  	_ =	shalt  }
0x54: {  	_ =	shalt  }
0x55: {  	_ =	shalt  }
0x56: {  	_ =	shalt  }
0x57: {  	_ =	shalt  }
0x58: {  	_ =	shalt  }
0x59: {  	_ =	shalt  }
0x5a: {  	_ =	shalt  }
0x5b: {  	_ =	shalt  }
0x5c: {  	_ =	shalt  }
0x5d: {  	_ =	shalt  }
0x5e: {  	_ =	shalt  }
0x5f: {  	_ =	shalt  }
0x60: {  	_ =	shalt  }
0x61: {  	_ =	shalt  }
0x62: {  	_ =	shalt  }
0x63: {  	_ =	shalt  }
0x64: {  	_ =	shalt  }
0x65: {  	_ =	shalt  }
0x66: {  	_ =	shalt  }
0x67: {  	_ =	shalt  }
0x68: {  	_ =	shalt  }
0x69: {  	_ =	shalt  }
0x6a: {  	_ =	shalt  }
0x6b: {  	_ =	shalt  }
0x6c: {  	_ =	shalt  }
0x6d: {  	_ =	shalt  }
0x6e: {  	_ =	shalt  }
0x6f: {  	_ =	shalt  }
0x70: {  	_ =	shalt  }
0x71: {  	_ =	shalt  }
0x72: {  	_ =	shalt  }
0x73: {  	_ =	shalt  }
0x74: {  	_ =	shalt  }
0x75: {  	_ =	shalt  }
0x76: {  	_ =	shalt  }
0x77: {  	_ =	shalt  }
0x78: {  	_ =	shalt  }
0x79: {  	_ =	shalt  }
0x7a: {  	_ =	shalt  }
0x7b: {  	_ =	shalt  }
0x7c: {  	_ =	shalt  }
0x7d: {  	_ =	shalt  }
0x7e: {  	_ =	shalt  }
0x7f: {  	_ =	shalt  }
0x80: {  	_ =	shalt  }
0x81: {  	_ =	shalt  }
0x82: {  	_ =	shalt  }
0x83: {  	_ =	shalt  }
0x84: {  	_ =	shalt  }
0x85: {  	_ =	shalt  }
0x86: {  	_ =	shalt  }
0x87: {  	_ =	shalt  }
.Lfunc_end0:
.L_simem_size_0:
called_computation_lowered:
.L_overlay_start_0:
0x88: {  	s2 =	sld [smem:$0x3FD9]  }
0x89: {  	s3 =	sld [smem:$0x3FFE];
	_ =	sdelay $0x1  }
0x8a: {  	s1 =	srdreg.scid  }
0x8b: {  	s0 =	sand.u32 $0x1, s1  }
0x8c: {  	s16 =	sshll.u32 s0, $0xA;
	s2 =	sadd.s32 s3, s2  }
0x8d: {  	s2 =	sadd.s32 s2, s16  }
0x8e: {  	[smem:$0x3FB3] =	sst s2  }
0x8f: {  	_ = 	snop  }
0x90: {  	(tm) =	ssettm $0x1  }
0x91: {  	s17 =	sld [smem:$0x3FFB];
	_ =	sdelay $0x3  }
0x92: {  	_ =	strace s17  }
0x93: {  	s2 =	sld [smem:$0x3FFC];
	_ =	sdelay $0x3  }
0x94: {  	_ =	strace s2  }
0x95: {  	s2 =	sld [smem:$0x3FFD];
	_ =	sdelay $0x3  }
0x96: {  	_ =	strace s2  }
0x97: {  	_ =	strace $0x8FFFFFFF  }
0x98: {  	s18 =	sld [smem:$0x3FDB];
	_ =	sdelay $0x1  }
0x99: {  	s19 =	simm.s32 $_scs_section_size  }
0x9a: {  	s4 =	simm.s32 $_size__tile_overlayer_lowered;
	s5 =	simm.s32 $_tile_overlayer_lowered  }
0x9b: {  	s22 =	simm.s32 $0x1BFF;
	s21 =	sshll.u32 s5, $0x1;
	s2 =	sadd.s32 s19, s18  }
0x9c: {  	s6 =	simm.s32 $0x0;
	s20 =	sshll.u32 s4, $0x1;
	s4 =	sadd.s32 s21, s2  }
0x9d: {  	[timem:s6], [sflag:s22] =	dma.local [hbm:s4], s20  }
0x9e: {  	_ =	swait.ge [sflag:s22], s20  }
0x9f: {  	s3 =	ssub.s32 $0x0, s20;
	[sflag:s22] =	ssyncset.done $0x0  }
0xa0: {  	[sflag:s22] =	ssyncadd.s32 s3;
	_ =	sdelay $0x1  }
0xa1: {  	s23 =	simm.s32 $0x1B8B  }
0xa2: {  	_ =	swait.ge [sflag:s23], $0x1  }
0xa3: {  	[sflag:s23] =	ssyncset.done $0x0  }
0xa4: {  	s25 =	simm.s32 $0x1B8E;
	s24 =	sld [smem:$0x3FFE];
	[sflag:s23] =	ssyncadd.s32 $0xFFFFFFFF  }
0xa5: {  	s26 =	simm.s32 $execute0_lowered;
	[smem:$0x3FD2] =	sst s25  }
0xa6: {  	s4 =	sshll.u32 s26, $0x1;
	_ =	strace $0x80000046;
	[dreg:$0x1] =	wrdreg $0xFFFFFFFF  }
0xa7: {  	s28 =	simm.s32 $_size_execute0_lowered;
	s2 =	sadd.s32 s2, s4;
	[dreg:$0x0] =	wrdreg $0x0  }
0xa8: {  	s4 =	sshll.u32 s28, $0x1;
	[dreg:$0x2] =	wrdreg s2  }
0xa9: {  	[dreg:$0x3] =	wrdreg s4  }
0xaa: {  	[dreg:$0x4] =	wrdreg $0xC0  }
0xab: {  	_ =	task [dreg:s6], $0x5FFFF  }
0xac: {  	[dreg:$0x1] =	wrdreg $0xFFFFFFFF  }
0xad: {  	[dreg:$0x0] =	wrdreg $0x60  }
0xae: {  	[dreg:$0x2] =	wrdreg s24  }
0xaf: {  	[dreg:$0x3] =	wrdreg $0x9  }
0xb0: {  	_ =	task.clear_ibuf [dreg:s6], $0x4FFFF;
	_ =	strace $0x90000046  }
0xb1: {  	s29 =	simm.s32 $0x9;
	_ =	strace $0x80000048  }
0xb2: {  	_ =	swait.ge [sflag:s29], $0x1  }
0xb3: {  	[sflag:s29] =	ssyncadd.s32 $0xFFFFFFFF  }
0xb4: {  	_ =	strace $0x90000048  }
0xb5: {  	_ =	sfence  }
0xb6: {  	s30 =	sld [smem:$0x0];
	_ =	sdelay $0x2  }
0xb7: {  	s31 =	sshll.u32 s1, $0xD;
	s1 =	sshrl.u32 s1, $0x2  }
0xb8: {  	s3 =	sand.u32 $0x4000, s31;
	s1 =	sadd.s32 s1, s30  }
0xb9: {  	s0 =	sor.u32 s3, s0;
	s1 =	sshll.u32 s1, $0x11  }
0xba: {  	s0 =	sor.u32 s1, s0  }
0xbb: {  	s0 =	sadd.s32 $0x8F2B, s0  }
0xbc: {  	[sflag:s0] =	ssyncadd.remote.s32 $0x1  }
0xbd: {  	_ =	sfence.sel $0xFFFF  }
0xbe: {  	[dreg:$0x0] =	wrdreg $0xFFFFFFFF;
	(pc) =	sbr.abs _section_cstart, $3  }
0xbf: {  	[dreg:$0x1] =	wrdreg $0xFFFFFFFF  }
0xc0: {  	_ =	task.clear_ibuf [dreg:s6], $0x2FFFF;
	_ =	strace $0x9FFFFFFF  }
0xc1: {  	(tm) =	ssettm $0x7FFFFFFF  }
tec
execute0_lowered:
.L_overlay_start_1:
0x0: {  	(tag) =	ssettag $0x1  }
0x1: {  	s1 =	srdreg.scid;
	s0 =	stileid.u32  }
0x2: {  	s4 =	rddreg [dreg:$0x0];
	s2 =	simm.s32 $0x0;
	s11 =	simm.s32 $0x5A00  }
0x3: {  	s12 =	simm.s32 $0x0;
	s5 =	sand.u32 $0x1, s1;
	s1 =	rddreg [dreg:$0x1]  }
0x4: {  	s3 =	sshll.u32 s0, $0x1;
	[smem:$0x7FF] =	sst s2;
	s29 =	smul.u32 $0x14000, s0  }
0x5: {  	s10 =	sadd.s32 $0x17600, s4;
	s6 =	sor.u32 s5, s3;
	s30 =	smul.u32 $0xA000, s5  }
0x6: {  	_ =	strace $0x80000047;
	s8 =	ssub.s32 $0x2, s5;
	s7 =	smul.u32 $0xA00, s6  }
0x7: {  	s3 =	sadd.s32 $0x7600, s4;
	s9 =	sshrl.u32 s8, $0x1;
	s6 =	smul.u32 $0xA000, s6  }
0x8: {  	s31 =	sadd.s32 s29, s10;
	s8 =	ssub.s32 s8, s9;
	s9 =	simm.s32 $0xA00  }
0x9: {  	s7 =	sshrl.u32 s7, $0x3;
	s6 =	sadd.s32 s10, s6;
	s5 =	smax.u32 s8, $0x1  }
0xa: {  	s8 =	simm.s32 $0x3;
	s10 =	simm.s32 $0x2;
	s7 =	sadd.s32 s7, s4  }
0xb: {  	s6 =	sadd.s32 $0x9600, s6;
	s4 =	sadd.s32 $0x4E00, s7;
	s7 =	sadd.s32 s30, s31  }
.LBB2_1:
0xc: {  	[tilespmem:s2], [sflag:$0x3] =	stream.linear.gather [hbm4b:s4+s2], $0xA00, $0x38;
	[tilespmem:$0xAA00] =	vst v63  }
0xd: {  	_ =	swait.ge [sflag:s8], $0xA00  }
0xe: {  	s14 =	sand.u32 $0x1, s2;
	[sflag:s8] =	ssyncset.done $0x0  }
0xf: {  	s13 =	simm.s32 $0xA0;
	p0 =	seq.s32 s14, $0x1;
	[sflag:s8] =	ssyncadd.s32 $0xFFFFF600  }
0x10: {  	[tilespmem:s9], [sflag:$0x1] =	stream.indirect.gather [hbm4b:s3+s13], $0x80, s2, s13, $0xb8;
	[tilespmem:$0xAA00] =	vst v63  }
0x11: {  	s14 =	simm.s32 @p0 $0xA0;
	s15 =	simm.s32 @p0 $0xA00;
	s16 =	simm.s32 @p0 $0x2  }
0x12: {  	[tilespmem:s15], [sflag:$0x1] =	stream.indirect.gather @p0 [hbm4b:s3+s14], $0x80, s13, s14, $0xb8;
	[tilespmem:$0xAA00] =	vst v63  }
0x13: {  	_ =	swait.ge @p0 [sflag:s16], $0x5000  }
0x14: {  	[sflag:s16] =	ssyncset.done @p0 $0x0  }
0x15: {  	s14 =	simm.s32 @p0 $0x0;
	s15 =	simm.s32 @p0 $0x5A00;
	[sflag:s16] =	ssyncadd.s32 @p0 $0xFFFFB000  }
0x16: {  	[hbm4b:s7+s14] =	stream.linear.scatter @p0 [tilespmem:s15], [sflag:$0x3], $0x5000, $0x38;
	[tilespmem:$0xAA00] =	vst v63  }
0x17: {  	s17 =	simm.s32 @!p0 $0x1;
	s14 =	simm.s32 @!p0 $0xA0;
	s15 =	simm.s32 @!p0 $0x5A00  }
0x18: {  	[tilespmem:s15], [sflag:$0x2] =	stream.indirect.gather @!p0 [hbm4b:s3+s14], $0x80, s13, s14, $0xb8;
	[tilespmem:$0xAA00] =	vst v63  }
0x19: {  	s16 =	simm.s32 @!p0 $0x4;
	_ =	swait.ge @!p0 [sflag:s17], $0x5000  }
0x1a: {  	s31 =	simm.s32 $0x1;
	s16 =	simm.s32 @p0 $0x3;
	[sflag:s17] =	ssyncset.done @!p0 $0x0  }
0x1b: {  	s14 =	simm.s32 @!p0 $0xA00;
	[sflag:s17] =	ssyncadd.s32 @!p0 $0xFFFFB000;
	s17 =	simm.s32 @!p0 $0x0  }
0x1c: {  	[hbm4b:s7+s17] =	stream.linear.scatter @!p0 [tilespmem:s14], [sflag:$0x4], $0x5000, $0x38;
	[tilespmem:$0xAA00] =	vst v63  }
0x1d: {  	s15 =	simm.s32 $0x2;
	s13 =	sand.u32 $0x1, s31;
	s14 =	simm.s32 $0x140  }
0x1e: {  	p0 =	seq.s32 s13, $0x1;
	s13 =	sadd.s32 $0xA00, s7;
	_ =	swait.ge [sflag:s16], $0x5000  }
.LBB2_2:
0x1f: {  	s17 =	simm.s32 @p0 $0xA0;
	s18 =	simm.s32 @p0 $0xA00  }
0x20: {  	[sflag:s16] =	ssyncset.done $0x0;
	s19 =	smov.u32 s15;
	s20 =	smov.u32 s14  }
0x21: {  	s15 =	sadd.s32 $0x1, s15;
	s21 =	simm.s32 @p0 $0x2;
	[sflag:s16] =	ssyncadd.s32 $0xFFFFB000  }
0x22: {  	[tilespmem:s18], [sflag:$0x1] =	stream.indirect.gather @p0 [hbm4b:s3+s17], $0x80, s14, s17, $0xb8;
	[tilespmem:$0xAA00] =	vst v63  }
0x23: {  	p1 =	sne.s32 s15, $0xF;
	_ =	swait.ge @p0 [sflag:s21], $0x5000  }
0x24: {  	s14 =	sadd.s32 $0xA0, s14;
	[sflag:s21] =	ssyncset.done @p0 $0x0  }
0x25: {  	s16 =	simm.s32 @p0 $0x0;
	s17 =	simm.s32 @p0 $0x5A00;
	[sflag:s21] =	ssyncadd.s32 @p0 $0xFFFFB000  }
0x26: {  	[hbm4b:s13+s16] =	stream.linear.scatter @p0 [tilespmem:s17], [sflag:$0x3], $0x5000, $0x38;
	[tilespmem:$0xAA00] =	vst v63  }
0x27: {  	s18 =	simm.s32 @!p0 $0x1;
	s16 =	simm.s32 @!p0 $0xA0;
	s17 =	simm.s32 @!p0 $0x5A00  }
0x28: {  	[tilespmem:s17], [sflag:$0x2] =	stream.indirect.gather @!p0 [hbm4b:s3+s16], $0x80, s20, s16, $0xb8;
	[tilespmem:$0xAA00] =	vst v63  }
.Ltmp0:
0x29: {  	s17 =	sand.u32 $0x1, s19;
	_ =	swait.ge @!p0 [sflag:s18], $0x5000;
	(pc) =	sbr.rel @p1 .LBB2_2-.Ltmp0, $4  }
0x2a: {  	s19 =	simm.s32 @!p0 $0xA00;
	s16 =	simm.s32 @!p0 $0x4;
	[sflag:s18] =	ssyncset.done @!p0 $0x0  }
0x2b: {  	s16 =	simm.s32 @p0 $0x3;
	[sflag:s18] =	ssyncadd.s32 @!p0 $0xFFFFB000;
	s18 =	simm.s32 @!p0 $0x0  }
0x2c: {  	[hbm4b:s13+s18] =	stream.linear.scatter @!p0 [tilespmem:s19], [sflag:$0x4], $0x5000, $0x38;
	[tilespmem:$0xAA00] =	vst v63  }
0x2d: {  	p0 =	seq.s32 s17, $0x1;
	s13 =	sadd.s32 $0xA00, s13;
	_ =	swait.ge [sflag:s16], $0x5000  }
0x2e: {  	s15 =	simm.s32 @p0 $0xA0;
	[sflag:s16] =	ssyncset.done $0x0  }
0x2f: {  	s17 =	simm.s32 @p0 $0xA00;
	s18 =	simm.s32 @p0 $0x2;
	[sflag:s16] =	ssyncadd.s32 $0xFFFFB000  }
0x30: {  	[tilespmem:s17], [sflag:$0x1] =	stream.indirect.gather @p0 [hbm4b:s3+s15], $0x80, s14, s15, $0xb8;
	[tilespmem:$0xAA00] =	vst v63  }
0x31: {  	_ =	swait.ge @p0 [sflag:s18], $0x5000  }
0x32: {  	[sflag:s18] =	ssyncset.done @p0 $0x0  }
0x33: {  	s16 =	simm.s32 @p0 $0x5A00;
	s15 =	simm.s32 @p0 $0x0;
	[sflag:s18] =	ssyncadd.s32 @p0 $0xFFFFB000  }
0x34: {  	[hbm4b:s13+s15] =	stream.linear.scatter @p0 [tilespmem:s16], [sflag:$0x3], $0x5000, $0x38;
	[tilespmem:$0xAA00] =	vst v63  }
0x35: {  	s17 =	simm.s32 @!p0 $0x1;
	s15 =	simm.s32 @!p0 $0xA0;
	s16 =	simm.s32 @!p0 $0x5A00  }
0x36: {  	[tilespmem:s16], [sflag:$0x2] =	stream.indirect.gather @!p0 [hbm4b:s3+s15], $0x80, s14, s15, $0xb8;
	[tilespmem:$0xAA00] =	vst v63  }
0x37: {  	_ =	swait.ge @!p0 [sflag:s17], $0x5000  }
0x38: {  	s14 =	simm.s32 @!p0 $0xA00;
	s15 =	simm.s32 @!p0 $0x4;
	[sflag:s17] =	ssyncset.done @!p0 $0x0  }
0x39: {  	s16 =	simm.s32 @!p0 $0x0;
	s15 =	simm.s32 @p0 $0x3;
	[sflag:s17] =	ssyncadd.s32 @!p0 $0xFFFFB000  }
0x3a: {  	[hbm4b:s13+s16] =	stream.linear.scatter @!p0 [tilespmem:s14], [sflag:$0x4], $0x5000, $0x38;
	[tilespmem:$0xAA00] =	vst v63  }
0x3b: {  	_ =	swait.ge [sflag:s15], $0x5000  }
0x3c: {  	[sflag:s15] =	ssyncset.done $0x0  }
0x3d: {  	[sflag:s15] =	ssyncadd.s32 $0xFFFFB000  }
0x3e: {  	s12 =	sadd.s32 $0x1, s12;
	_ =	swait.ge [sflag:s10], $0x5000  }
0x3f: {  	p0 =	sne.s32 s12, s5;
	[sflag:s10] =	ssyncset.done $0x0  }
.Ltmp1:
0x40: {  	[sflag:s10] =	ssyncadd.s32 $0xFFFFB000;
	(pc) =	sbr.rel @p0 .LBB2_1-.Ltmp1, $4  }
0x41: {  	[hbm4b:s6+s2] =	stream.linear.scatter [tilespmem:s11], [sflag:$0x3], $0x5000, $0x38;
	[tilespmem:$0xAA00] =	vst v63  }
0x42: {  	_ =	swait.ge [sflag:s8], $0x5000  }
0x43: {  	[sflag:s8] =	ssyncset.done $0x0  }
0x44: {  	[sflag:s8] =	ssyncadd.s32 $0xFFFFB000  }
0x45: {  	_ =	sfence.sel $0x180000  }
0x46: {  	[bflag:$0x0] =	sbarrier.arrive $0xFFFF  }
0x47: {  	p0 =	sne.s32 s0, $0x0;
	_ =	strace $0x90000047  }
0x48: {  	s0 =	sadd.s32 @!p0 $0x100000, s1;
	[bflag:$0x2] =	sbarrier.arrive $0xFFFF  }
0x49: {  	[sflag:s0] =	ssyncadd.tile.s32 @!p0 $0x1;
	_ =	shalt  }
.Lfunc_end2:
_tile_overlayer_lowered:
.L_overlay_start_2:
0x4a: {  	(tag) =	ssettag $0x2  }
0x4b: {  	s0 =	rddreg [dreg:$0x0];
	s2 =	stileid.u32  }
0x4c: {  	s1 =	rddreg [dreg:$0x1];
	p0 =	sne.s32 s2, $0x0  }
0x4d: {  	s3 =	rddreg [dreg:$0x2];
	[bflag:$0x3] =	sbarrier.arrive $0xFFFF;
	s2 =	simm.s32 @!p0 $0x1C03  }
0x4e: {  	[timem:s3], [sflag:s2] =	dma.local @!p0 [hbm:s0], s1  }
0x4f: {  	s0 =	simm.s32 @!p0 $0x3  }
0x50: {  	_ =	swait.ge @!p0 [sflag:s0], s1  }
0x51: {  	s1 =	ssub.s32 @!p0 $0x0, s1;
	[sflag:s0] =	ssyncset.done @!p0 $0x0  }
0x52: {  	[sflag:s0] =	ssyncadd.s32 @!p0 s1  }
0x53: {  	[bflag:$0x3] =	sbarrier.arrive $0xFFFF  }
0x54: {  	_ =	shalt  }

// kernel: kernel.23.cloned.1.call-start
scs
__scs_entry_jumppad:
0x0: {  	(pc) =	sbr.rel $0x88, $3  }
0x1: {  	(tag) =	ssettag $0x0;
	lr =	simm.s32 $0x1  }
0x2: {  	[smem:$0x3F8C] =	sst lr;
	_ =	strace $0xD0000000  }
0x3: {  	_ = 	snop  }
0x4: {  	_ = 	snop  }
0x5: {  	_ = 	snop  }
0x6: {  	_ = 	snop  }
0x7: {  	_ = 	snop  }
__scs_overlays_trampoline_lowered:
0x8: {  	[smem:$0x3F9B] =	sst s0  }
0x9: {  	[smem:$0x3F9C] =	sst s1  }
0xa: {  	[smem:$0x3F9D] =	sst s2  }
0xb: {  	[smem:$0x3F9E] =	sst s3  }
0xc: {  	[smem:$0x3F9F] =	sst s4  }
0xd: {  	[smem:$0x3FA0] =	sst s5  }
0xe: {  	[smem:$0x3FA1] =	sst s6  }
0xf: {  	[smem:$0x3FA2] =	sst s7  }
0x10: {  	[smem:$0x3FA3] =	sst s8  }
0x11: {  	[smem:$0x3FA4] =	sst s9;
	s0 =	simm.s32 @!p0 $0x0  }
0x12: {  	s1 =	sld [smem:$0x3F8A];
	s0 =	simm.s32 @p0 $0x1  }
0x13: {  	[smem:$0x3FA5] =	sst s0;
	s0 =	simm.s32 @!p1 $0x0  }
0x14: {  	s2 =	sld [smem:$0x3F89];
	s0 =	simm.s32 @p1 $0x1  }
0x15: {  	[smem:$0x3FA6] =	sst s0;
	s0 =	simm.s32 @!p2 $0x0  }
0x16: {  	s3 =	sld [smem:$0x3FDB];
	s0 =	simm.s32 @p2 $0x1  }
0x17: {  	s4 =	simm.s32 $0x1BF5;
	[smem:$0x3FA8] =	sst s0  }
0x18: {  	s0 =	sld [smem:$0x3F8B];
	_ =	swait.ge [sflag:s4], $0x0  }
0x19: {  	s7 =	sld [smem:$0x3F8C]  }
0x1a: {  	s8 =	sadd.s32 $0xFFFFE003, lr  }
0x1b: {  	s9 =	sadd.s32 $0xFFFFFEF7, lr;
	s5 =	simm.s32 $0xFFFFFFFF;
	p2 =	slt.u32 s8, $0xFFFFF086  }
0x1c: {  	p1 =	slt.u32 s9, $0xF7A;
	s5 =	simm.s32 @!p2 $0x0  }
0x1d: {  	s5 =	simm.s32 @p1 $0x1;
	p0 =	seq.s32 s7, s2  }
0x1e: {  	s7 =	smul.u32 @!p0 $0xF7A, s2;
	p2 =	seq.s32 @!p0 s5, $0x0  }
0x1f: {  	s9 =	smul.u32 $0xF7A, s1;
	s8 =	simm.s32 @!p0 $0x1BF5;
	p2 =	por !p2, p0  }
0x20: {  	[sflag:s8] =	ssyncset.s32 @!p0 $0xFFFFF086;
	s6 =	sadd.s32 @!p0 s3, s7;
	s7 =	simm.s32 @!p0 $0x108  }
0x21: {  	s3 =	sadd.s32 s3, s9;
	s6 =	sadd.s32 @!p0 $0x88, s6;
	s7 =	simm.s32 @p2 $0x1082  }
0x22: {  	[simem:s7], [sflag:s8] =	dma.local @!p0 [hbm:s6], $0xF7A  }
0x23: {  	s9 =	sor.u32 $0xD0000000, s2;
	s6 =	simm.s32 $0x108;
	_ =	swait.ge @!p0 [sflag:s8], $0x0  }
0x24: {  	s3 =	sadd.s32 $0x88, s3;
	s6 =	simm.s32 @!p1 $0x1082;
	[sflag:s4] =	ssyncset.s32 $0xFFFFF086  }
0x25: {  	[simem:s6], [sflag:s4] =	dma.local [hbm:s3], $0xF7A  }
0x26: {  	[smem:$0x3F8C] =	sst s1;
	(tag) =	ssettag s2;
	_ =	strace s9  }
0x27: {  	s1 =	sld [smem:$0x3F9C]  }
0x28: {  	s2 =	sld [smem:$0x3F9D]  }
0x29: {  	s4 =	sld [smem:$0x3F9F]  }
0x2a: {  	p0 =	seq.s32 s5, $0x0;
	s5 =	sld [smem:$0x3FA0]  }
0x2b: {  	s6 =	sld [smem:$0x3FA1]  }
0x2c: {  	s7 =	sld [smem:$0x3FA2]  }
0x2d: {  	s3 =	simm.s32 $0x108;
	s8 =	sld [smem:$0x3FA3]  }
0x2e: {  	s3 =	simm.s32 @!p0 $0x1082;
	s9 =	sld [smem:$0x3FA4]  }
0x2f: {  	lr =	sadd.s32 s0, s3;
	s0 =	sld [smem:$0x3F9B]  }
0x30: {  	s3 =	sld [smem:$0x3F9E]  }
0x31: {  	[smem:$0x3FA7] =	sst s10  }
0x32: {  	s10 =	sld [smem:$0x3FA5];
	_ =	sdelay $0x3  }
0x33: {  	p0 =	seq.s32 s10, $0x1;
	s10 =	sld [smem:$0x3FA7];
	_ =	sdelay $0x3  }
0x34: {  	[smem:$0x3FA7] =	sst s10  }
0x35: {  	s10 =	sld [smem:$0x3FA6];
	_ =	sdelay $0x3  }
0x36: {  	p1 =	seq.s32 s10, $0x1;
	s10 =	sld [smem:$0x3FA7];
	_ =	sdelay $0x3  }
0x37: {  	[smem:$0x3FA7] =	sst s10  }
0x38: {  	s10 =	sld [smem:$0x3FA8]  }
0x39: {  	_ = 	snop;
	(pc) =	sbr.ind lr, $3  }
0x3a: {  	_ = 	snop  }
0x3b: {  	_ = 	snop  }
0x3c: {  	p2 =	seq.s32 s10, $0x1;
	s10 =	sld [smem:$0x3FA7]  }
0x3d: {  	_ =	shalt  }
0x3e: {  	_ =	shalt  }
0x3f: {  	_ =	shalt  }
0x40: {  	_ =	shalt  }
0x41: {  	_ =	shalt  }
0x42: {  	_ =	shalt  }
0x43: {  	_ =	shalt  }
0x44: {  	_ =	shalt  }
0x45: {  	_ =	shalt  }
0x46: {  	_ =	shalt  }
0x47: {  	_ =	shalt  }
0x48: {  	_ =	shalt  }
0x49: {  	_ =	shalt  }
0x4a: {  	_ =	shalt  }
0x4b: {  	_ =	shalt  }
0x4c: {  	_ =	shalt  }
0x4d: {  	_ =	shalt  }
0x4e: {  	_ =	shalt  }
0x4f: {  	_ =	shalt  }
0x50: {  	_ =	shalt  }
0x51: {  	_ =	shalt  }
0x52: {  	_ =	shalt  }
0x53: {  	_ =	shalt  }
0x54: {  	_ =	shalt  }
0x55: {  	_ =	shalt  }
0x56: {  	_ =	shalt  }
0x57: {  	_ =	shalt  }
0x58: {  	_ =	shalt  }
0x59: {  	_ =	shalt  }
0x5a: {  	_ =	shalt  }
0x5b: {  	_ =	shalt  }
0x5c: {  	_ =	shalt  }
0x5d: {  	_ =	shalt  }
0x5e: {  	_ =	shalt  }
0x5f: {  	_ =	shalt  }
0x60: {  	_ =	shalt  }
0x61: {  	_ =	shalt  }
0x62: {  	_ =	shalt  }
0x63: {  	_ =	shalt  }
0x64: {  	_ =	shalt  }
0x65: {  	_ =	shalt  }
0x66: {  	_ =	shalt  }
0x67: {  	_ =	shalt  }
0x68: {  	_ =	shalt  }
0x69: {  	_ =	shalt  }
0x6a: {  	_ =	shalt  }
0x6b: {  	_ =	shalt  }
0x6c: {  	_ =	shalt  }
0x6d: {  	_ =	shalt  }
0x6e: {  	_ =	shalt  }
0x6f: {  	_ =	shalt  }
0x70: {  	_ =	shalt  }
0x71: {  	_ =	shalt  }
0x72: {  	_ =	shalt  }
0x73: {  	_ =	shalt  }
0x74: {  	_ =	shalt  }
0x75: {  	_ =	shalt  }
0x76: {  	_ =	shalt  }
0x77: {  	_ =	shalt  }
0x78: {  	_ =	shalt  }
0x79: {  	_ =	shalt  }
0x7a: {  	_ =	shalt  }
0x7b: {  	_ =	shalt  }
0x7c: {  	_ =	shalt  }
0x7d: {  	_ =	shalt  }
0x7e: {  	_ =	shalt  }
0x7f: {  	_ =	shalt  }
0x80: {  	_ =	shalt  }
0x81: {  	_ =	shalt  }
0x82: {  	_ =	shalt  }
0x83: {  	_ =	shalt  }
0x84: {  	_ =	shalt  }
0x85: {  	_ =	shalt  }
0x86: {  	_ =	shalt  }
0x87: {  	_ =	shalt  }
.Lfunc_end0:
.L_simem_size_0:
called_computation.1_lowered:
.L_overlay_start_0:
0x88: {  	s2 =	sld [smem:$0x3FD9]  }
0x89: {  	s3 =	sld [smem:$0x3FFE];
	_ =	sdelay $0x1  }
0x8a: {  	s1 =	srdreg.scid  }
0x8b: {  	s0 =	sand.u32 $0x1, s1  }
0x8c: {  	s16 =	sshll.u32 s0, $0xA;
	s2 =	sadd.s32 s3, s2  }
0x8d: {  	s2 =	sadd.s32 s2, s16  }
0x8e: {  	[smem:$0x3FB3] =	sst s2  }
0x8f: {  	_ = 	snop  }
0x90: {  	(tm) =	ssettm $0x1  }
0x91: {  	s17 =	sld [smem:$0x3FFB];
	_ =	sdelay $0x3  }
0x92: {  	_ =	strace s17  }
0x93: {  	s2 =	sld [smem:$0x3FFC];
	_ =	sdelay $0x3  }
0x94: {  	_ =	strace s2  }
0x95: {  	s2 =	sld [smem:$0x3FFD];
	_ =	sdelay $0x3  }
0x96: {  	_ =	strace s2  }
0x97: {  	_ =	strace $0x8FFFFFFF  }
0x98: {  	s18 =	sld [smem:$0x3FDB];
	_ =	sdelay $0x1  }
0x99: {  	s19 =	simm.s32 $_scs_section_size  }
0x9a: {  	s4 =	simm.s32 $_size__tile_overlayer_lowered;
	s5 =	simm.s32 $_tile_overlayer_lowered  }
0x9b: {  	s22 =	simm.s32 $0x1BFF;
	s21 =	sshll.u32 s5, $0x1;
	s2 =	sadd.s32 s19, s18  }
0x9c: {  	s6 =	simm.s32 $0x0;
	s20 =	sshll.u32 s4, $0x1;
	s4 =	sadd.s32 s21, s2  }
0x9d: {  	[timem:s6], [sflag:s22] =	dma.local [hbm:s4], s20  }
0x9e: {  	_ =	swait.ge [sflag:s22], s20  }
0x9f: {  	s3 =	ssub.s32 $0x0, s20;
	[sflag:s22] =	ssyncset.done $0x0  }
0xa0: {  	[sflag:s22] =	ssyncadd.s32 s3;
	_ =	sdelay $0x1  }
0xa1: {  	s23 =	simm.s32 $0x1B8B  }
0xa2: {  	_ =	swait.ge [sflag:s23], $0x1  }
0xa3: {  	[sflag:s23] =	ssyncset.done $0x0  }
0xa4: {  	s25 =	simm.s32 $0x1B8E;
	s24 =	sld [smem:$0x3FFE];
	[sflag:s23] =	ssyncadd.s32 $0xFFFFFFFF  }
0xa5: {  	s26 =	simm.s32 $execute0_lowered;
	[smem:$0x3FD2] =	sst s25  }
0xa6: {  	s4 =	sshll.u32 s26, $0x1;
	_ =	strace $0x80000049;
	[dreg:$0x1] =	wrdreg $0xFFFFFFFF  }
0xa7: {  	s28 =	simm.s32 $_size_execute0_lowered;
	s2 =	sadd.s32 s2, s4;
	[dreg:$0x0] =	wrdreg $0x0  }
0xa8: {  	s4 =	sshll.u32 s28, $0x1;
	[dreg:$0x2] =	wrdreg s2  }
0xa9: {  	[dreg:$0x3] =	wrdreg s4  }
0xaa: {  	[dreg:$0x4] =	wrdreg $0xC0  }
0xab: {  	_ =	task [dreg:s6], $0x5FFFF  }
0xac: {  	[dreg:$0x1] =	wrdreg $0xFFFFFFFF  }
0xad: {  	[dreg:$0x0] =	wrdreg $0x60  }
0xae: {  	[dreg:$0x2] =	wrdreg s24  }
0xaf: {  	[dreg:$0x3] =	wrdreg $0x9  }
0xb0: {  	_ =	task.clear_ibuf [dreg:s6], $0x4FFFF;
	_ =	strace $0x90000049  }
0xb1: {  	s29 =	simm.s32 $0x9;
	_ =	strace $0x8000004B  }
0xb2: {  	_ =	swait.ge [sflag:s29], $0x1  }
0xb3: {  	[sflag:s29] =	ssyncadd.s32 $0xFFFFFFFF  }
0xb4: {  	_ =	strace $0x9000004B  }
0xb5: {  	_ =	sfence  }
0xb6: {  	s30 =	sld [smem:$0x0];
	_ =	sdelay $0x2  }
0xb7: {  	s31 =	sshll.u32 s1, $0xD;
	s1 =	sshrl.u32 s1, $0x2  }
0xb8: {  	s3 =	sand.u32 $0x4000, s31;
	s1 =	sadd.s32 s1, s30  }
0xb9: {  	s0 =	sor.u32 s3, s0;
	s1 =	sshll.u32 s1, $0x11  }
0xba: {  	s0 =	sor.u32 s1, s0  }
0xbb: {  	s0 =	sadd.s32 $0x8F2B, s0  }
0xbc: {  	[sflag:s0] =	ssyncadd.remote.s32 $0x1  }
0xbd: {  	_ =	sfence.sel $0xFFFF  }
0xbe: {  	[dreg:$0x0] =	wrdreg $0xFFFFFFFF;
	(pc) =	sbr.abs _section_cstart, $3  }
0xbf: {  	[dreg:$0x1] =	wrdreg $0xFFFFFFFF  }
0xc0: {  	_ =	task.clear_ibuf [dreg:s6], $0x2FFFF;
	_ =	strace $0x9FFFFFFF  }
0xc1: {  	(tm) =	ssettm $0x7FFFFFFF  }
tec
execute0_lowered:
.L_overlay_start_1:
0x0: {  	(tag) =	ssettag $0x1  }
0x1: {  	s0 =	rddreg [dreg:$0x0]  }
0x2: {  	s1 =	srdreg.scid;
	s5 =	stileid.u32;
	s2 =	simm.s32 $0x0  }
0x3: {  	s8 =	simm.s32 $0xA00;
	s28 =	simm.s32 $0xA200;
	s29 =	simm.s32 $0xAA00  }
0x4: {  	s30 =	simm.s32 $0xB200;
	s31 =	simm.s32 $0xBA00;
	s9 =	simm.s32 $0xF200  }
0x5: {  	s10 =	simm.s32 $0xFA00;
	s11 =	simm.s32 $0x10200;
	s12 =	simm.s32 $0x10A00  }
0x6: {  	s13 =	simm.s32 $0x11200;
	s14 =	simm.s32 $0x11A00;
	s15 =	simm.s32 $0x12200  }
0x7: {  	s16 =	simm.s32 $0x12A00;
	s17 =	simm.s32 $0x13200;
	s18 =	simm.s32 $0x13A00  }
0x8: {  	s19 =	simm.s32 $0x14200;
	s20 =	simm.s32 $0x1;
	s21 =	simm.s32 $0x2  }
0x9: {  	s22 =	simm.s32 $0x0;
	s1 =	sand.u32 $0x1, s1;
	s3 =	sshll.u32 s5, $0x1  }
0xa: {  	[smem:$0x7FF] =	sst s2;
	s5 =	smul.u32 $0x28000, s5;
	s3 =	sor.u32 s1, s3  }
0xb: {  	_ =	strace $0x8000004A;
	s6 =	ssub.s32 $0x2, s1;
	s1 =	smul.u32 $0x14000, s1  }
0xc: {  	s4 =	smul.u32 $0xA00, s3;
	s3 =	sadd.s32 $0x24E00, s0;
	s7 =	sshrl.u32 s6, $0x1  }
0xd: {  	s25 =	ssub.s32 s6, s7;
	s6 =	simm.s32 $0xE200;
	s7 =	simm.s32 $0xEA00  }
.Ltmp0:
0xe: {  	s4 =	sshrl.u32 s4, $0x3;
	s26 =	smax.u32 s25, $0x1;
	(pc) =	sbr.rel .LBB2_1-.Ltmp0, $4  }
0xf: {  	s4 =	sadd.s32 s4, s0;
	s0 =	sadd.s32 s5, s0;
	[dreg:$0x3] =	wrdreg s26  }
0x10: {  	v2 =	vlaneseq.u32;
	s5 =	simm.s32 $0xDA00;
	s4 =	sadd.s32 $0x44E00, s4;
	s0 =	sadd.s32 s1, s0  }
0x11: {  	vm0 =	vmmov $0xffff;
	v1 =	vshrl.u32 v2, $0x3;
	s1 =	simm.s32 $0xCA00;
	[dreg:$0x2] =	wrdreg s4;
	s0 =	sadd.s32 $0x47600, s0  }
0x12: {  	v0 =	vand.u32 $0x7, v2;
	v2 =	vor.u32 $0x8, v2;
	v1 =	vmul.u32 $0x8, v1;
	s4 =	simm.s32 $0xD200;
	[dreg:$0x4] =	wrdreg s0;
	s0 =	simm.s32 $0xC200  }
.LBB2_8:
0x13: {  	s22 =	sadd.s32 $0x1, s22;
	s23 =	rddreg [dreg:$0x3]  }
0x14: {  	p0 =	sne.s32 s22, s23  }
.Ltmp1:
0x15: {  	_ = 	snop;
	(pc) =	sbr.rel @!p0 .LBB2_9-.Ltmp1, $1  }
0x16: {  	_ =	sdelay $0x3  }
.LBB2_1:
0x17: {  	s23 =	rddreg [dreg:$0x2];
	s26 =	simm.s32 $0x3  }
0x18: {  	[tilespmem:s2], [sflag:$0x3] =	stream.linear.gather [hbm4b:s23+s2], $0xA00, $0x38;
	[tilespmem:$0x14A00] =	vst v63  }
0x19: {  	_ =	swait.ge [sflag:s26], $0xA00  }
0x1a: {  	[sflag:s26] =	ssyncset.done $0x0  }
0x1b: {  	[sflag:s26] =	ssyncadd.s32 $0xFFFFF600  }
0x1c: {  	v3 =	vld [tilespmem:$0x0];
	_ =	sdelay $0x4  }
0x1d: {  	v4 =	vshll.u32 v3, $0x1  }
0x1e: {  	v3 =	vand.u32 $0x7, v3;
	v4 =	vand.u32 $0xFFFFFFF0, v4  }
0x1f: {  	v3 =	vor.u32 v3, v4  }
0x20: {  	v4 =	vperm.xlane v3, v0;
	_ =	sdelay $0x1  }
0x21: {  	v3 =	vperm.xlane v3, v2;
	v4 =	vadd.s32 v1, v4;
	_ =	sdelay $0x1  }
0x22: {  	v3 =	vadd.s32 v1, v3;
	_ =	sdelay $0x2  }
0x23: {  	[tilespmem:s8], [sflag:$0x1] =	stream.indirect_vreg.gather [hbm4b:s3+s2], $0x80, v4, vm0, $0xb8;
	[tilespmem:$0x14A00] =	vst v63  }
0x24: {  	s24 =	simm.s32 $0x1200  }
0x25: {  	[tilespmem:s24], [sflag:$0x1] =	stream.indirect_vreg.gather [hbm4b:s3+s2], $0x80, v3, vm0, $0xb8;
	[tilespmem:$0x14A00] =	vst v63  }
0x26: {  	v3 =	vld [tilespmem:$0x10];
	_ =	sdelay $0x4  }
0x27: {  	v55 =	vshll.u32 v3, $0x1  }
0x28: {  	v3 =	vand.u32 $0x7, v3;
	v4 =	vand.u32 $0xFFFFFFF0, v55  }
0x29: {  	v3 =	vor.u32 v3, v4  }
0x2a: {  	v4 =	vperm.xlane v3, v0;
	_ =	sdelay $0x1  }
0x2b: {  	v3 =	vperm.xlane v3, v2;
	v4 =	vadd.s32 v1, v4;
	_ =	sdelay $0x1  }
0x2c: {  	v3 =	vadd.s32 v1, v3;
	_ =	sdelay $0x1  }
0x2d: {  	s25 =	simm.s32 $0x1A00  }
0x2e: {  	[tilespmem:s25], [sflag:$0x1] =	stream.indirect_vreg.gather [hbm4b:s3+s2], $0x80, v4, vm0, $0xb8;
	[tilespmem:$0x14A00] =	vst v63  }
0x2f: {  	s26 =	simm.s32 $0x2200  }
0x30: {  	[tilespmem:s26], [sflag:$0x1] =	stream.indirect_vreg.gather [hbm4b:s3+s2], $0x80, v3, vm0, $0xb8;
	[tilespmem:$0x14A00] =	vst v63  }
0x31: {  	v3 =	vld [tilespmem:$0x20];
	_ =	sdelay $0x4  }
0x32: {  	v56 =	vshll.u32 v3, $0x1  }
0x33: {  	v3 =	vand.u32 $0x7, v3;
	v4 =	vand.u32 $0xFFFFFFF0, v56  }
0x34: {  	v3 =	vor.u32 v3, v4  }
0x35: {  	v4 =	vperm.xlane v3, v0;
	_ =	sdelay $0x1  }
0x36: {  	v3 =	vperm.xlane v3, v2;
	v4 =	vadd.s32 v1, v4;
	_ =	sdelay $0x1  }
0x37: {  	v3 =	vadd.s32 v1, v3;
	_ =	sdelay $0x1  }
0x38: {  	s24 =	simm.s32 $0x2A00  }
0x39: {  	[tilespmem:s24], [sflag:$0x1] =	stream.indirect_vreg.gather [hbm4b:s3+s2], $0x80, v4, vm0, $0xb8;
	[tilespmem:$0x14A00] =	vst v63  }
0x3a: {  	s25 =	simm.s32 $0x3200  }
0x3b: {  	[tilespmem:s25], [sflag:$0x1] =	stream.indirect_vreg.gather [hbm4b:s3+s2], $0x80, v3, vm0, $0xb8;
	[tilespmem:$0x14A00] =	vst v63  }
0x3c: {  	v3 =	vld [tilespmem:$0x30];
	_ =	sdelay $0x4  }
0x3d: {  	v57 =	vshll.u32 v3, $0x1  }
0x3e: {  	v3 =	vand.u32 $0x7, v3;
	v4 =	vand.u32 $0xFFFFFFF0, v57  }
0x3f: {  	v3 =	vor.u32 v3, v4  }
0x40: {  	v4 =	vperm.xlane v3, v0;
	_ =	sdelay $0x1  }
0x41: {  	v3 =	vperm.xlane v3, v2;
	v4 =	vadd.s32 v1, v4;
	_ =	sdelay $0x1  }
0x42: {  	v3 =	vadd.s32 v1, v3;
	_ =	sdelay $0x1  }
0x43: {  	s26 =	simm.s32 $0x3A00  }
0x44: {  	[tilespmem:s26], [sflag:$0x1] =	stream.indirect_vreg.gather [hbm4b:s3+s2], $0x80, v4, vm0, $0xb8;
	[tilespmem:$0x14A00] =	vst v63  }
0x45: {  	s24 =	simm.s32 $0x4200  }
0x46: {  	[tilespmem:s24], [sflag:$0x1] =	stream.indirect_vreg.gather [hbm4b:s3+s2], $0x80, v3, vm0, $0xb8;
	[tilespmem:$0x14A00] =	vst v63  }
0x47: {  	v3 =	vld [tilespmem:$0x40];
	_ =	sdelay $0x4  }
0x48: {  	v58 =	vshll.u32 v3, $0x1  }
0x49: {  	v3 =	vand.u32 $0x7, v3;
	v4 =	vand.u32 $0xFFFFFFF0, v58  }
0x4a: {  	v3 =	vor.u32 v3, v4  }
0x4b: {  	v4 =	vperm.xlane v3, v0;
	_ =	sdelay $0x1  }
0x4c: {  	v3 =	vperm.xlane v3, v2;
	v4 =	vadd.s32 v1, v4;
	_ =	sdelay $0x1  }
0x4d: {  	v3 =	vadd.s32 v1, v3;
	_ =	sdelay $0x1  }
0x4e: {  	s25 =	simm.s32 $0x4A00  }
0x4f: {  	[tilespmem:s25], [sflag:$0x1] =	stream.indirect_vreg.gather [hbm4b:s3+s2], $0x80, v4, vm0, $0xb8;
	[tilespmem:$0x14A00] =	vst v63  }
0x50: {  	s26 =	simm.s32 $0x5200  }
0x51: {  	[tilespmem:s26], [sflag:$0x1] =	stream.indirect_vreg.gather [hbm4b:s3+s2], $0x80, v3, vm0, $0xb8;
	[tilespmem:$0x14A00] =	vst v63  }
0x52: {  	v3 =	vld [tilespmem:$0x50];
	_ =	sdelay $0x4  }
0x53: {  	v59 =	vshll.u32 v3, $0x1  }
0x54: {  	v3 =	vand.u32 $0x7, v3;
	v4 =	vand.u32 $0xFFFFFFF0, v59  }
0x55: {  	v3 =	vor.u32 v3, v4  }
0x56: {  	v4 =	vperm.xlane v3, v0;
	_ =	sdelay $0x1  }
0x57: {  	v3 =	vperm.xlane v3, v2;
	v4 =	vadd.s32 v1, v4;
	_ =	sdelay $0x1  }
0x58: {  	v3 =	vadd.s32 v1, v3;
	_ =	sdelay $0x1  }
0x59: {  	s24 =	simm.s32 $0x5A00  }
0x5a: {  	[tilespmem:s24], [sflag:$0x1] =	stream.indirect_vreg.gather [hbm4b:s3+s2], $0x80, v4, vm0, $0xb8;
	[tilespmem:$0x14A00] =	vst v63  }
0x5b: {  	s25 =	simm.s32 $0x6200  }
0x5c: {  	[tilespmem:s25], [sflag:$0x1] =	stream.indirect_vreg.gather [hbm4b:s3+s2], $0x80, v3, vm0, $0xb8;
	[tilespmem:$0x14A00] =	vst v63  }
0x5d: {  	v3 =	vld [tilespmem:$0x60];
	_ =	sdelay $0x4  }
0x5e: {  	v60 =	vshll.u32 v3, $0x1  }
0x5f: {  	v3 =	vand.u32 $0x7, v3;
	v4 =	vand.u32 $0xFFFFFFF0, v60  }
0x60: {  	v3 =	vor.u32 v3, v4  }
0x61: {  	v4 =	vperm.xlane v3, v0;
	_ =	sdelay $0x1  }
0x62: {  	v3 =	vperm.xlane v3, v2;
	v4 =	vadd.s32 v1, v4;
	_ =	sdelay $0x1  }
0x63: {  	v3 =	vadd.s32 v1, v3;
	_ =	sdelay $0x1  }
0x64: {  	s26 =	simm.s32 $0x6A00  }
0x65: {  	[tilespmem:s26], [sflag:$0x1] =	stream.indirect_vreg.gather [hbm4b:s3+s2], $0x80, v4, vm0, $0xb8;
	[tilespmem:$0x14A00] =	vst v63  }
0x66: {  	s24 =	simm.s32 $0x7200  }
0x67: {  	[tilespmem:s24], [sflag:$0x1] =	stream.indirect_vreg.gather [hbm4b:s3+s2], $0x80, v3, vm0, $0xb8;
	[tilespmem:$0x14A00] =	vst v63  }
0x68: {  	v3 =	vld [tilespmem:$0x70];
	_ =	sdelay $0x4  }
0x69: {  	v61 =	vshll.u32 v3, $0x1  }
0x6a: {  	v3 =	vand.u32 $0x7, v3;
	v4 =	vand.u32 $0xFFFFFFF0, v61  }
0x6b: {  	v3 =	vor.u32 v3, v4  }
0x6c: {  	v4 =	vperm.xlane v3, v0;
	_ =	sdelay $0x1  }
0x6d: {  	v3 =	vperm.xlane v3, v2;
	v4 =	vadd.s32 v1, v4;
	_ =	sdelay $0x1  }
0x6e: {  	v3 =	vadd.s32 v1, v3;
	_ =	sdelay $0x1  }
0x6f: {  	s25 =	simm.s32 $0x7A00  }
0x70: {  	[tilespmem:s25], [sflag:$0x1] =	stream.indirect_vreg.gather [hbm4b:s3+s2], $0x80, v4, vm0, $0xb8;
	[tilespmem:$0x14A00] =	vst v63  }
0x71: {  	s26 =	simm.s32 $0x8200  }
0x72: {  	[tilespmem:s26], [sflag:$0x1] =	stream.indirect_vreg.gather [hbm4b:s3+s2], $0x80, v3, vm0, $0xb8;
	[tilespmem:$0x14A00] =	vst v63  }
0x73: {  	v3 =	vld [tilespmem:$0x80];
	_ =	sdelay $0x4  }
0x74: {  	v62 =	vshll.u32 v3, $0x1  }
0x75: {  	v3 =	vand.u32 $0x7, v3;
	v4 =	vand.u32 $0xFFFFFFF0, v62  }
0x76: {  	v3 =	vor.u32 v3, v4  }
0x77: {  	v4 =	vperm.xlane v3, v0;
	_ =	sdelay $0x1  }
0x78: {  	v3 =	vperm.xlane v3, v2;
	v4 =	vadd.s32 v1, v4;
	_ =	sdelay $0x1  }
0x79: {  	v3 =	vadd.s32 v1, v3;
	_ =	sdelay $0x1  }
0x7a: {  	s24 =	simm.s32 $0x8A00  }
0x7b: {  	[tilespmem:s24], [sflag:$0x1] =	stream.indirect_vreg.gather [hbm4b:s3+s2], $0x80, v4, vm0, $0xb8;
	[tilespmem:$0x14A00] =	vst v63  }
0x7c: {  	s25 =	simm.s32 $0x9200  }
0x7d: {  	[tilespmem:s25], [sflag:$0x1] =	stream.indirect_vreg.gather [hbm4b:s3+s2], $0x80, v3, vm0, $0xb8;
	[tilespmem:$0x14A00] =	vst v63  }
0x7e: {  	v3 =	vld [tilespmem:$0x90];
	_ =	sdelay $0x4  }
0x7f: {  	v63 =	vshll.u32 v3, $0x1  }
0x80: {  	v3 =	vand.u32 $0x7, v3;
	v4 =	vand.u32 $0xFFFFFFF0, v63  }
0x81: {  	v3 =	vor.u32 v3, v4  }
0x82: {  	v4 =	vperm.xlane v3, v0;
	_ =	sdelay $0x1  }
0x83: {  	v3 =	vperm.xlane v3, v2;
	v4 =	vadd.s32 v1, v4;
	_ =	sdelay $0x1  }
0x84: {  	v3 =	vadd.s32 v1, v3  }
.Ltmp2:
0x85: {  	_ = 	snop;
	(pc) =	sbr.rel .LBB2_2-.Ltmp2, $4  }
0x86: {  	s26 =	simm.s32 $0x9A00  }
0x87: {  	[tilespmem:s26], [sflag:$0x1] =	stream.indirect_vreg.gather [hbm4b:s3+s2], $0x80, v4, vm0, $0xb8;
	[tilespmem:$0x14A00] =	vst v63  }
0x88: {  	s23 =	simm.s32 $0x130;
	s24 =	rddreg [dreg:$0x4];
	s25 =	simm.s32 $0x0  }
0x89: {  	[tilespmem:s28], [sflag:$0x1] =	stream.indirect_vreg.gather [hbm4b:s3+s2], $0x80, v3, vm0, $0xb8;
	[tilespmem:$0x14A00] =	vst v63  }
.LBB2_6:
0x8a: {  	_ =	swait.ge [sflag:s21], $0xA000  }
0x8b: {  	[sflag:s21] =	ssyncset.done $0x0  }
0x8c: {  	s26 =	simm.s32 $0x3;
	[sflag:s21] =	ssyncadd.s32 $0xFFFF6000  }
0x8d: {  	[hbm4b:s24+s2] =	stream.linear.scatter [tilespmem:s29], [sflag:$0x3], $0xA000, $0x38;
	[tilespmem:$0x14A00] =	vst v63  }
.LBB2_7:
0x8e: {  	s25 =	sadd.s32 $0x1, s25  }
0x8f: {  	p0 =	sne.s32 s25, $0x10  }
.Ltmp3:
0x90: {  	_ = 	snop;
	(pc) =	sbr.rel @!p0 .LBB2_8-.Ltmp3, $4  }
0x91: {  	_ = 	snop  }
0x92: {  	_ =	swait.ge [sflag:s26], $0xA000  }
0x93: {  	[sflag:s26] =	ssyncset.done $0x0  }
0x94: {  	s24 =	sadd.s32 $0x1400, s24;
	s23 =	sadd.s32 $0xA0, s23;
	[sflag:s26] =	ssyncadd.s32 $0xFFFF6000  }
.LBB2_2:
0x95: {  	s26 =	sand.u32 $0x1, s25  }
0x96: {  	p0 =	seq.s32 s26, $0x1  }
.Ltmp4:
0x97: {  	_ = 	snop;
	(pc) =	sbr.rel @p0 .LBB2_4-.Ltmp4, $1  }
0x98: {  	_ =	sdelay $0x3  }
0x99: {  	v3 =	vld [tilespmem:s23+$0xFFFFFF70];
	_ =	sdelay $0x4  }
0x9a: {  	v4 =	vshll.u32 v3, $0x1  }
0x9b: {  	v3 =	vand.u32 $0x7, v3;
	v4 =	vand.u32 $0xFFFFFFF0, v4  }
0x9c: {  	v3 =	vor.u32 v3, v4  }
0x9d: {  	v4 =	vperm.xlane v3, v0;
	_ =	sdelay $0x1  }
0x9e: {  	v3 =	vperm.xlane v3, v2;
	v4 =	vadd.s32 v1, v4;
	_ =	sdelay $0x1  }
0x9f: {  	v3 =	vadd.s32 v1, v3;
	_ =	sdelay $0x2  }
0xa0: {  	[tilespmem:s29], [sflag:$0x2] =	stream.indirect_vreg.gather [hbm4b:s3+s2], $0x80, v4, vm0, $0xb8;
	[tilespmem:$0x14A00] =	vst v63  }
0xa1: {  	_ = 	snop  }
0xa2: {  	[tilespmem:s30], [sflag:$0x2] =	stream.indirect_vreg.gather [hbm4b:s3+s2], $0x80, v3, vm0, $0xb8;
	[tilespmem:$0x14A00] =	vst v63  }
0xa3: {  	v3 =	vld [tilespmem:s23+$0xFFFFFF80];
	_ =	sdelay $0x4  }
0xa4: {  	v55 =	vshll.u32 v3, $0x1  }
0xa5: {  	v3 =	vand.u32 $0x7, v3;
	v4 =	vand.u32 $0xFFFFFFF0, v55  }
0xa6: {  	v3 =	vor.u32 v3, v4  }
0xa7: {  	v4 =	vperm.xlane v3, v0;
	_ =	sdelay $0x1  }
0xa8: {  	v3 =	vperm.xlane v3, v2;
	v4 =	vadd.s32 v1, v4;
	_ =	sdelay $0x1  }
0xa9: {  	v3 =	vadd.s32 v1, v3;
	_ =	sdelay $0x2  }
0xaa: {  	[tilespmem:s31], [sflag:$0x2] =	stream.indirect_vreg.gather [hbm4b:s3+s2], $0x80, v4, vm0, $0xb8;
	[tilespmem:$0x14A00] =	vst v63  }
0xab: {  	_ = 	snop  }
0xac: {  	[tilespmem:s0], [sflag:$0x2] =	stream.indirect_vreg.gather [hbm4b:s3+s2], $0x80, v3, vm0, $0xb8;
	[tilespmem:$0x14A00] =	vst v63  }
0xad: {  	v3 =	vld [tilespmem:s23+$0xFFFFFF90];
	_ =	sdelay $0x4  }
0xae: {  	v56 =	vshll.u32 v3, $0x1  }
0xaf: {  	v3 =	vand.u32 $0x7, v3;
	v4 =	vand.u32 $0xFFFFFFF0, v56  }
0xb0: {  	v3 =	vor.u32 v3, v4  }
0xb1: {  	v4 =	vperm.xlane v3, v0;
	_ =	sdelay $0x1  }
0xb2: {  	v3 =	vperm.xlane v3, v2;
	v4 =	vadd.s32 v1, v4;
	_ =	sdelay $0x1  }
0xb3: {  	v3 =	vadd.s32 v1, v3;
	_ =	sdelay $0x2  }
0xb4: {  	[tilespmem:s1], [sflag:$0x2] =	stream.indirect_vreg.gather [hbm4b:s3+s2], $0x80, v4, vm0, $0xb8;
	[tilespmem:$0x14A00] =	vst v63  }
0xb5: {  	_ = 	snop  }
0xb6: {  	[tilespmem:s4], [sflag:$0x2] =	stream.indirect_vreg.gather [hbm4b:s3+s2], $0x80, v3, vm0, $0xb8;
	[tilespmem:$0x14A00] =	vst v63  }
0xb7: {  	v3 =	vld [tilespmem:s23+$0xFFFFFFA0];
	_ =	sdelay $0x4  }
0xb8: {  	v57 =	vshll.u32 v3, $0x1  }
0xb9: {  	v3 =	vand.u32 $0x7, v3;
	v4 =	vand.u32 $0xFFFFFFF0, v57  }
0xba: {  	v3 =	vor.u32 v3, v4  }
0xbb: {  	v4 =	vperm.xlane v3, v0;
	_ =	sdelay $0x1  }
0xbc: {  	v3 =	vperm.xlane v3, v2;
	v4 =	vadd.s32 v1, v4;
	_ =	sdelay $0x1  }
0xbd: {  	v3 =	vadd.s32 v1, v3;
	_ =	sdelay $0x2  }
0xbe: {  	[tilespmem:s5], [sflag:$0x2] =	stream.indirect_vreg.gather [hbm4b:s3+s2], $0x80, v4, vm0, $0xb8;
	[tilespmem:$0x14A00] =	vst v63  }
0xbf: {  	_ = 	snop  }
0xc0: {  	[tilespmem:s6], [sflag:$0x2] =	stream.indirect_vreg.gather [hbm4b:s3+s2], $0x80, v3, vm0, $0xb8;
	[tilespmem:$0x14A00] =	vst v63  }
0xc1: {  	v3 =	vld [tilespmem:s23+$0xFFFFFFB0];
	_ =	sdelay $0x4  }
0xc2: {  	v58 =	vshll.u32 v3, $0x1  }
0xc3: {  	v3 =	vand.u32 $0x7, v3;
	v4 =	vand.u32 $0xFFFFFFF0, v58  }
0xc4: {  	v3 =	vor.u32 v3, v4  }
0xc5: {  	v4 =	vperm.xlane v3, v0;
	_ =	sdelay $0x1  }
0xc6: {  	v3 =	vperm.xlane v3, v2;
	v4 =	vadd.s32 v1, v4;
	_ =	sdelay $0x1  }
0xc7: {  	v3 =	vadd.s32 v1, v3;
	_ =	sdelay $0x2  }
0xc8: {  	[tilespmem:s7], [sflag:$0x2] =	stream.indirect_vreg.gather [hbm4b:s3+s2], $0x80, v4, vm0, $0xb8;
	[tilespmem:$0x14A00] =	vst v63  }
0xc9: {  	_ = 	snop  }
0xca: {  	[tilespmem:s9], [sflag:$0x2] =	stream.indirect_vreg.gather [hbm4b:s3+s2], $0x80, v3, vm0, $0xb8;
	[tilespmem:$0x14A00] =	vst v63  }
0xcb: {  	v3 =	vld [tilespmem:s23+$0xFFFFFFC0];
	_ =	sdelay $0x4  }
0xcc: {  	v59 =	vshll.u32 v3, $0x1  }
0xcd: {  	v3 =	vand.u32 $0x7, v3;
	v4 =	vand.u32 $0xFFFFFFF0, v59  }
0xce: {  	v3 =	vor.u32 v3, v4  }
0xcf: {  	v4 =	vperm.xlane v3, v0;
	_ =	sdelay $0x1  }
0xd0: {  	v3 =	vperm.xlane v3, v2;
	v4 =	vadd.s32 v1, v4;
	_ =	sdelay $0x1  }
0xd1: {  	v3 =	vadd.s32 v1, v3;
	_ =	sdelay $0x2  }
0xd2: {  	[tilespmem:s10], [sflag:$0x2] =	stream.indirect_vreg.gather [hbm4b:s3+s2], $0x80, v4, vm0, $0xb8;
	[tilespmem:$0x14A00] =	vst v63  }
0xd3: {  	_ = 	snop  }
0xd4: {  	[tilespmem:s11], [sflag:$0x2] =	stream.indirect_vreg.gather [hbm4b:s3+s2], $0x80, v3, vm0, $0xb8;
	[tilespmem:$0x14A00] =	vst v63  }
0xd5: {  	v3 =	vld [tilespmem:s23+$0xFFFFFFD0];
	_ =	sdelay $0x4  }
0xd6: {  	v60 =	vshll.u32 v3, $0x1  }
0xd7: {  	v3 =	vand.u32 $0x7, v3;
	v4 =	vand.u32 $0xFFFFFFF0, v60  }
0xd8: {  	v3 =	vor.u32 v3, v4  }
0xd9: {  	v4 =	vperm.xlane v3, v0;
	_ =	sdelay $0x1  }
0xda: {  	v3 =	vperm.xlane v3, v2;
	v4 =	vadd.s32 v1, v4;
	_ =	sdelay $0x1  }
0xdb: {  	v3 =	vadd.s32 v1, v3;
	_ =	sdelay $0x2  }
0xdc: {  	[tilespmem:s12], [sflag:$0x2] =	stream.indirect_vreg.gather [hbm4b:s3+s2], $0x80, v4, vm0, $0xb8;
	[tilespmem:$0x14A00] =	vst v63  }
0xdd: {  	_ = 	snop  }
0xde: {  	[tilespmem:s13], [sflag:$0x2] =	stream.indirect_vreg.gather [hbm4b:s3+s2], $0x80, v3, vm0, $0xb8;
	[tilespmem:$0x14A00] =	vst v63  }
0xdf: {  	v3 =	vld [tilespmem:s23+$0xFFFFFFE0];
	_ =	sdelay $0x4  }
0xe0: {  	v61 =	vshll.u32 v3, $0x1  }
0xe1: {  	v3 =	vand.u32 $0x7, v3;
	v4 =	vand.u32 $0xFFFFFFF0, v61  }
0xe2: {  	v3 =	vor.u32 v3, v4  }
0xe3: {  	v4 =	vperm.xlane v3, v0;
	_ =	sdelay $0x1  }
0xe4: {  	v3 =	vperm.xlane v3, v2;
	v4 =	vadd.s32 v1, v4;
	_ =	sdelay $0x1  }
0xe5: {  	v3 =	vadd.s32 v1, v3;
	_ =	sdelay $0x2  }
0xe6: {  	[tilespmem:s14], [sflag:$0x2] =	stream.indirect_vreg.gather [hbm4b:s3+s2], $0x80, v4, vm0, $0xb8;
	[tilespmem:$0x14A00] =	vst v63  }
0xe7: {  	_ = 	snop  }
0xe8: {  	[tilespmem:s15], [sflag:$0x2] =	stream.indirect_vreg.gather [hbm4b:s3+s2], $0x80, v3, vm0, $0xb8;
	[tilespmem:$0x14A00] =	vst v63  }
0xe9: {  	v3 =	vld [tilespmem:s23+$0xFFFFFFF0];
	_ =	sdelay $0x4  }
0xea: {  	v62 =	vshll.u32 v3, $0x1  }
0xeb: {  	v3 =	vand.u32 $0x7, v3;
	v4 =	vand.u32 $0xFFFFFFF0, v62  }
0xec: {  	v3 =	vor.u32 v3, v4  }
0xed: {  	v4 =	vperm.xlane v3, v0;
	_ =	sdelay $0x1  }
0xee: {  	v3 =	vperm.xlane v3, v2;
	v4 =	vadd.s32 v1, v4;
	_ =	sdelay $0x1  }
0xef: {  	v3 =	vadd.s32 v1, v3;
	_ =	sdelay $0x2  }
0xf0: {  	[tilespmem:s16], [sflag:$0x2] =	stream.indirect_vreg.gather [hbm4b:s3+s2], $0x80, v4, vm0, $0xb8;
	[tilespmem:$0x14A00] =	vst v63  }
0xf1: {  	_ = 	snop  }
0xf2: {  	[tilespmem:s17], [sflag:$0x2] =	stream.indirect_vreg.gather [hbm4b:s3+s2], $0x80, v3, vm0, $0xb8;
	[tilespmem:$0x14A00] =	vst v63  }
0xf3: {  	v3 =	vld [tilespmem:s23+$0x0];
	_ =	sdelay $0x4  }
0xf4: {  	v63 =	vshll.u32 v3, $0x1  }
0xf5: {  	v3 =	vand.u32 $0x7, v3;
	v4 =	vand.u32 $0xFFFFFFF0, v63  }
0xf6: {  	v3 =	vor.u32 v3, v4  }
0xf7: {  	v4 =	vperm.xlane v3, v0;
	_ =	sdelay $0x1  }
0xf8: {  	v3 =	vperm.xlane v3, v2;
	v4 =	vadd.s32 v1, v4;
	_ =	sdelay $0x1  }
0xf9: {  	v3 =	vadd.s32 v1, v3;
	_ =	sdelay $0x2  }
0xfa: {  	[tilespmem:s18], [sflag:$0x2] =	stream.indirect_vreg.gather [hbm4b:s3+s2], $0x80, v4, vm0, $0xb8;
	[tilespmem:$0x14A00] =	vst v63  }
0xfb: {  	_ = 	snop  }
0xfc: {  	[tilespmem:s19], [sflag:$0x2] =	stream.indirect_vreg.gather [hbm4b:s3+s2], $0x80, v3, vm0, $0xb8;
	[tilespmem:$0x14A00] =	vst v63  }
.Ltmp5:
0xfd: {  	_ = 	snop;
	(pc) =	sbr.rel .LBB2_7-.Ltmp5, $4  }
0xfe: {  	_ =	swait.ge [sflag:s20], $0xA000  }
0xff: {  	[sflag:s20] =	ssyncset.done $0x0  }
0x100: {  	s26 =	simm.s32 $0x4;
	[sflag:s20] =	ssyncadd.s32 $0xFFFF6000  }
0x101: {  	[hbm4b:s24+s2] =	stream.linear.scatter [tilespmem:s8], [sflag:$0x4], $0xA000, $0x38;
	[tilespmem:$0x14A00] =	vst v63  }
.LBB2_4:
0x102: {  	p0 =	seq.s32 s25, $0xF  }
.Ltmp6:
0x103: {  	_ = 	snop;
	(pc) =	sbr.rel @p0 .LBB2_6-.Ltmp6, $1  }
0x104: {  	_ =	sdelay $0x3  }
0x105: {  	v3 =	vld [tilespmem:s23+$0xFFFFFF70];
	_ =	sdelay $0x4  }
0x106: {  	v4 =	vshll.u32 v3, $0x1  }
0x107: {  	v3 =	vand.u32 $0x7, v3;
	v4 =	vand.u32 $0xFFFFFFF0, v4  }
0x108: {  	v3 =	vor.u32 v3, v4  }
0x109: {  	v4 =	vperm.xlane v3, v0;
	_ =	sdelay $0x1  }
0x10a: {  	v3 =	vperm.xlane v3, v2;
	v4 =	vadd.s32 v1, v4;
	_ =	sdelay $0x1  }
0x10b: {  	v3 =	vadd.s32 v1, v3;
	_ =	sdelay $0x2  }
0x10c: {  	[tilespmem:s8], [sflag:$0x1] =	stream.indirect_vreg.gather [hbm4b:s3+s2], $0x80, v4, vm0, $0xb8;
	[tilespmem:$0x14A00] =	vst v63  }
0x10d: {  	s26 =	simm.s32 $0x1200  }
0x10e: {  	[tilespmem:s26], [sflag:$0x1] =	stream.indirect_vreg.gather [hbm4b:s3+s2], $0x80, v3, vm0, $0xb8;
	[tilespmem:$0x14A00] =	vst v63  }
0x10f: {  	v3 =	vld [tilespmem:s23+$0xFFFFFF80];
	_ =	sdelay $0x4  }
0x110: {  	v55 =	vshll.u32 v3, $0x1  }
0x111: {  	v3 =	vand.u32 $0x7, v3;
	v4 =	vand.u32 $0xFFFFFFF0, v55  }
0x112: {  	v3 =	vor.u32 v3, v4  }
0x113: {  	v4 =	vperm.xlane v3, v0;
	_ =	sdelay $0x1  }
0x114: {  	v3 =	vperm.xlane v3, v2;
	v4 =	vadd.s32 v1, v4;
	_ =	sdelay $0x1  }
0x115: {  	v3 =	vadd.s32 v1, v3;
	_ =	sdelay $0x1  }
0x116: {  	s26 =	simm.s32 $0x1A00  }
0x117: {  	[tilespmem:s26], [sflag:$0x1] =	stream.indirect_vreg.gather [hbm4b:s3+s2], $0x80, v4, vm0, $0xb8;
	[tilespmem:$0x14A00] =	vst v63  }
0x118: {  	s26 =	simm.s32 $0x2200  }
0x119: {  	[tilespmem:s26], [sflag:$0x1] =	stream.indirect_vreg.gather [hbm4b:s3+s2], $0x80, v3, vm0, $0xb8;
	[tilespmem:$0x14A00] =	vst v63  }
0x11a: {  	v3 =	vld [tilespmem:s23+$0xFFFFFF90];
	_ =	sdelay $0x4  }
0x11b: {  	v56 =	vshll.u32 v3, $0x1  }
0x11c: {  	v3 =	vand.u32 $0x7, v3;
	v4 =	vand.u32 $0xFFFFFFF0, v56  }
0x11d: {  	v3 =	vor.u32 v3, v4  }
0x11e: {  	v4 =	vperm.xlane v3, v0;
	_ =	sdelay $0x1  }
0x11f: {  	v3 =	vperm.xlane v3, v2;
	v4 =	vadd.s32 v1, v4;
	_ =	sdelay $0x1  }
0x120: {  	v3 =	vadd.s32 v1, v3;
	_ =	sdelay $0x1  }
0x121: {  	s26 =	simm.s32 $0x2A00  }
0x122: {  	[tilespmem:s26], [sflag:$0x1] =	stream.indirect_vreg.gather [hbm4b:s3+s2], $0x80, v4, vm0, $0xb8;
	[tilespmem:$0x14A00] =	vst v63  }
0x123: {  	s26 =	simm.s32 $0x3200  }
0x124: {  	[tilespmem:s26], [sflag:$0x1] =	stream.indirect_vreg.gather [hbm4b:s3+s2], $0x80, v3, vm0, $0xb8;
	[tilespmem:$0x14A00] =	vst v63  }
0x125: {  	v3 =	vld [tilespmem:s23+$0xFFFFFFA0];
	_ =	sdelay $0x4  }
0x126: {  	v57 =	vshll.u32 v3, $0x1  }
0x127: {  	v3 =	vand.u32 $0x7, v3;
	v4 =	vand.u32 $0xFFFFFFF0, v57  }
0x128: {  	v3 =	vor.u32 v3, v4  }
0x129: {  	v4 =	vperm.xlane v3, v0;
	_ =	sdelay $0x1  }
0x12a: {  	v3 =	vperm.xlane v3, v2;
	v4 =	vadd.s32 v1, v4;
	_ =	sdelay $0x1  }
0x12b: {  	v3 =	vadd.s32 v1, v3;
	_ =	sdelay $0x1  }
0x12c: {  	s26 =	simm.s32 $0x3A00  }
0x12d: {  	[tilespmem:s26], [sflag:$0x1] =	stream.indirect_vreg.gather [hbm4b:s3+s2], $0x80, v4, vm0, $0xb8;
	[tilespmem:$0x14A00] =	vst v63  }
0x12e: {  	s26 =	simm.s32 $0x4200  }
0x12f: {  	[tilespmem:s26], [sflag:$0x1] =	stream.indirect_vreg.gather [hbm4b:s3+s2], $0x80, v3, vm0, $0xb8;
	[tilespmem:$0x14A00] =	vst v63  }
0x130: {  	v3 =	vld [tilespmem:s23+$0xFFFFFFB0];
	_ =	sdelay $0x4  }
0x131: {  	v58 =	vshll.u32 v3, $0x1  }
0x132: {  	v3 =	vand.u32 $0x7, v3;
	v4 =	vand.u32 $0xFFFFFFF0, v58  }
0x133: {  	v3 =	vor.u32 v3, v4  }
0x134: {  	v4 =	vperm.xlane v3, v0;
	_ =	sdelay $0x1  }
0x135: {  	v3 =	vperm.xlane v3, v2;
	v4 =	vadd.s32 v1, v4;
	_ =	sdelay $0x1  }
0x136: {  	v3 =	vadd.s32 v1, v3;
	_ =	sdelay $0x1  }
0x137: {  	s26 =	simm.s32 $0x4A00  }
0x138: {  	[tilespmem:s26], [sflag:$0x1] =	stream.indirect_vreg.gather [hbm4b:s3+s2], $0x80, v4, vm0, $0xb8;
	[tilespmem:$0x14A00] =	vst v63  }
0x139: {  	s26 =	simm.s32 $0x5200  }
0x13a: {  	[tilespmem:s26], [sflag:$0x1] =	stream.indirect_vreg.gather [hbm4b:s3+s2], $0x80, v3, vm0, $0xb8;
	[tilespmem:$0x14A00] =	vst v63  }
0x13b: {  	v3 =	vld [tilespmem:s23+$0xFFFFFFC0];
	_ =	sdelay $0x4  }
0x13c: {  	v59 =	vshll.u32 v3, $0x1  }
0x13d: {  	v3 =	vand.u32 $0x7, v3;
	v4 =	vand.u32 $0xFFFFFFF0, v59  }
0x13e: {  	v3 =	vor.u32 v3, v4  }
0x13f: {  	v4 =	vperm.xlane v3, v0;
	_ =	sdelay $0x1  }
0x140: {  	v3 =	vperm.xlane v3, v2;
	v4 =	vadd.s32 v1, v4;
	_ =	sdelay $0x1  }
0x141: {  	v3 =	vadd.s32 v1, v3;
	_ =	sdelay $0x1  }
0x142: {  	s26 =	simm.s32 $0x5A00  }
0x143: {  	[tilespmem:s26], [sflag:$0x1] =	stream.indirect_vreg.gather [hbm4b:s3+s2], $0x80, v4, vm0, $0xb8;
	[tilespmem:$0x14A00] =	vst v63  }
0x144: {  	s26 =	simm.s32 $0x6200  }
0x145: {  	[tilespmem:s26], [sflag:$0x1] =	stream.indirect_vreg.gather [hbm4b:s3+s2], $0x80, v3, vm0, $0xb8;
	[tilespmem:$0x14A00] =	vst v63  }
0x146: {  	v3 =	vld [tilespmem:s23+$0xFFFFFFD0];
	_ =	sdelay $0x4  }
0x147: {  	v60 =	vshll.u32 v3, $0x1  }
0x148: {  	v3 =	vand.u32 $0x7, v3;
	v4 =	vand.u32 $0xFFFFFFF0, v60  }
0x149: {  	v3 =	vor.u32 v3, v4  }
0x14a: {  	v4 =	vperm.xlane v3, v0;
	_ =	sdelay $0x1  }
0x14b: {  	v3 =	vperm.xlane v3, v2;
	v4 =	vadd.s32 v1, v4;
	_ =	sdelay $0x1  }
0x14c: {  	v3 =	vadd.s32 v1, v3;
	_ =	sdelay $0x1  }
0x14d: {  	s26 =	simm.s32 $0x6A00  }
0x14e: {  	[tilespmem:s26], [sflag:$0x1] =	stream.indirect_vreg.gather [hbm4b:s3+s2], $0x80, v4, vm0, $0xb8;
	[tilespmem:$0x14A00] =	vst v63  }
0x14f: {  	s26 =	simm.s32 $0x7200  }
0x150: {  	[tilespmem:s26], [sflag:$0x1] =	stream.indirect_vreg.gather [hbm4b:s3+s2], $0x80, v3, vm0, $0xb8;
	[tilespmem:$0x14A00] =	vst v63  }
0x151: {  	v3 =	vld [tilespmem:s23+$0xFFFFFFE0];
	_ =	sdelay $0x4  }
0x152: {  	v61 =	vshll.u32 v3, $0x1  }
0x153: {  	v3 =	vand.u32 $0x7, v3;
	v4 =	vand.u32 $0xFFFFFFF0, v61  }
0x154: {  	v3 =	vor.u32 v3, v4  }
0x155: {  	v4 =	vperm.xlane v3, v0;
	_ =	sdelay $0x1  }
0x156: {  	v3 =	vperm.xlane v3, v2;
	v4 =	vadd.s32 v1, v4;
	_ =	sdelay $0x1  }
0x157: {  	v3 =	vadd.s32 v1, v3;
	_ =	sdelay $0x1  }
0x158: {  	s26 =	simm.s32 $0x7A00  }
0x159: {  	[tilespmem:s26], [sflag:$0x1] =	stream.indirect_vreg.gather [hbm4b:s3+s2], $0x80, v4, vm0, $0xb8;
	[tilespmem:$0x14A00] =	vst v63  }
0x15a: {  	s26 =	simm.s32 $0x8200  }
0x15b: {  	[tilespmem:s26], [sflag:$0x1] =	stream.indirect_vreg.gather [hbm4b:s3+s2], $0x80, v3, vm0, $0xb8;
	[tilespmem:$0x14A00] =	vst v63  }
0x15c: {  	v3 =	vld [tilespmem:s23+$0xFFFFFFF0];
	_ =	sdelay $0x4  }
0x15d: {  	v62 =	vshll.u32 v3, $0x1  }
0x15e: {  	v3 =	vand.u32 $0x7, v3;
	v4 =	vand.u32 $0xFFFFFFF0, v62  }
0x15f: {  	v3 =	vor.u32 v3, v4  }
0x160: {  	v4 =	vperm.xlane v3, v0;
	_ =	sdelay $0x1  }
0x161: {  	v3 =	vperm.xlane v3, v2;
	v4 =	vadd.s32 v1, v4;
	_ =	sdelay $0x1  }
0x162: {  	v3 =	vadd.s32 v1, v3;
	_ =	sdelay $0x1  }
0x163: {  	s26 =	simm.s32 $0x8A00  }
0x164: {  	[tilespmem:s26], [sflag:$0x1] =	stream.indirect_vreg.gather [hbm4b:s3+s2], $0x80, v4, vm0, $0xb8;
	[tilespmem:$0x14A00] =	vst v63  }
0x165: {  	s26 =	simm.s32 $0x9200  }
0x166: {  	[tilespmem:s26], [sflag:$0x1] =	stream.indirect_vreg.gather [hbm4b:s3+s2], $0x80, v3, vm0, $0xb8;
	[tilespmem:$0x14A00] =	vst v63  }
0x167: {  	v3 =	vld [tilespmem:s23+$0x0];
	_ =	sdelay $0x4  }
0x168: {  	v63 =	vshll.u32 v3, $0x1  }
0x169: {  	v3 =	vand.u32 $0x7, v3;
	v4 =	vand.u32 $0xFFFFFFF0, v63  }
0x16a: {  	v3 =	vor.u32 v3, v4  }
0x16b: {  	v4 =	vperm.xlane v3, v0;
	_ =	sdelay $0x1  }
0x16c: {  	v3 =	vperm.xlane v3, v2;
	v4 =	vadd.s32 v1, v4;
	_ =	sdelay $0x1  }
0x16d: {  	v3 =	vadd.s32 v1, v3  }
.Ltmp7:
0x16e: {  	_ = 	snop;
	(pc) =	sbr.rel .LBB2_6-.Ltmp7, $4  }
0x16f: {  	s26 =	simm.s32 $0x9A00  }
0x170: {  	[tilespmem:s26], [sflag:$0x1] =	stream.indirect_vreg.gather [hbm4b:s3+s2], $0x80, v4, vm0, $0xb8;
	[tilespmem:$0x14A00] =	vst v63  }
0x171: {  	_ = 	snop  }
0x172: {  	[tilespmem:s28], [sflag:$0x1] =	stream.indirect_vreg.gather [hbm4b:s3+s2], $0x80, v3, vm0, $0xb8;
	[tilespmem:$0x14A00] =	vst v63  }
.LBB2_9:
0x173: {  	_ =	sfence.sel $0x180000  }
0x174: {  	[bflag:$0x0] =	sbarrier.arrive $0xFFFF  }
0x175: {  	_ =	strace $0x9000004A  }
0x176: {  	s0 =	stileid.u32;
	[bflag:$0x2] =	sbarrier.arrive $0xFFFF  }
0x177: {  	p0 =	sne.s32 s0, $0x0;
	s0 =	rddreg [dreg:$0x1]  }
0x178: {  	s0 =	sadd.s32 @!p0 $0x100000, s0  }
0x179: {  	[sflag:s0] =	ssyncadd.tile.s32 @!p0 $0x1;
	_ =	shalt  }
.Lfunc_end2:
_tile_overlayer_lowered:
.L_overlay_start_2:
0x17a: {  	(tag) =	ssettag $0x2  }
0x17b: {  	s0 =	rddreg [dreg:$0x0];
	s2 =	stileid.u32  }
0x17c: {  	s1 =	rddreg [dreg:$0x1];
	p0 =	sne.s32 s2, $0x0  }
0x17d: {  	s3 =	rddreg [dreg:$0x2];
	[bflag:$0x3] =	sbarrier.arrive $0xFFFF;
	s2 =	simm.s32 @!p0 $0x1C03  }
0x17e: {  	[timem:s3], [sflag:s2] =	dma.local @!p0 [hbm:s0], s1  }
0x17f: {  	s0 =	simm.s32 @!p0 $0x3  }
0x180: {  	_ =	swait.ge @!p0 [sflag:s0], s1  }
0x181: {  	s1 =	ssub.s32 @!p0 $0x0, s1;
	[sflag:s0] =	ssyncset.done @!p0 $0x0  }
0x182: {  	[sflag:s0] =	ssyncadd.s32 @!p0 s1  }
0x183: {  	[bflag:$0x3] =	sbarrier.arrive $0xFFFF  }
0x184: {  	_ =	shalt  }

// kernel: kernel.26.cloned.1.call-start
scs
__scs_entry_jumppad:
0x0: {  	(pc) =	sbr.rel $0x88, $3  }
0x1: {  	(tag) =	ssettag $0x0;
	lr =	simm.s32 $0x1  }
0x2: {  	[smem:$0x3F8C] =	sst lr;
	_ =	strace $0xD0000000  }
0x3: {  	_ = 	snop  }
0x4: {  	_ = 	snop  }
0x5: {  	_ = 	snop  }
0x6: {  	_ = 	snop  }
0x7: {  	_ = 	snop  }
__scs_overlays_trampoline_lowered:
0x8: {  	[smem:$0x3F9B] =	sst s0  }
0x9: {  	[smem:$0x3F9C] =	sst s1  }
0xa: {  	[smem:$0x3F9D] =	sst s2  }
0xb: {  	[smem:$0x3F9E] =	sst s3  }
0xc: {  	[smem:$0x3F9F] =	sst s4  }
0xd: {  	[smem:$0x3FA0] =	sst s5  }
0xe: {  	[smem:$0x3FA1] =	sst s6  }
0xf: {  	[smem:$0x3FA2] =	sst s7  }
0x10: {  	[smem:$0x3FA3] =	sst s8  }
0x11: {  	[smem:$0x3FA4] =	sst s9;
	s0 =	simm.s32 @!p0 $0x0  }
0x12: {  	s1 =	sld [smem:$0x3F8A];
	s0 =	simm.s32 @p0 $0x1  }
0x13: {  	[smem:$0x3FA5] =	sst s0;
	s0 =	simm.s32 @!p1 $0x0  }
0x14: {  	s2 =	sld [smem:$0x3F89];
	s0 =	simm.s32 @p1 $0x1  }
0x15: {  	[smem:$0x3FA6] =	sst s0;
	s0 =	simm.s32 @!p2 $0x0  }
0x16: {  	s3 =	sld [smem:$0x3FDB];
	s0 =	simm.s32 @p2 $0x1  }
0x17: {  	s4 =	simm.s32 $0x1BF5;
	[smem:$0x3FA8] =	sst s0  }
0x18: {  	s0 =	sld [smem:$0x3F8B];
	_ =	swait.ge [sflag:s4], $0x0  }
0x19: {  	s7 =	sld [smem:$0x3F8C]  }
0x1a: {  	s8 =	sadd.s32 $0xFFFFE003, lr  }
0x1b: {  	s9 =	sadd.s32 $0xFFFFFEF7, lr;
	s5 =	simm.s32 $0xFFFFFFFF;
	p2 =	slt.u32 s8, $0xFFFFF086  }
0x1c: {  	p1 =	slt.u32 s9, $0xF7A;
	s5 =	simm.s32 @!p2 $0x0  }
0x1d: {  	s5 =	simm.s32 @p1 $0x1;
	p0 =	seq.s32 s7, s2  }
0x1e: {  	s7 =	smul.u32 @!p0 $0xF7A, s2;
	p2 =	seq.s32 @!p0 s5, $0x0  }
0x1f: {  	s9 =	smul.u32 $0xF7A, s1;
	s8 =	simm.s32 @!p0 $0x1BF5;
	p2 =	por !p2, p0  }
0x20: {  	[sflag:s8] =	ssyncset.s32 @!p0 $0xFFFFF086;
	s6 =	sadd.s32 @!p0 s3, s7;
	s7 =	simm.s32 @!p0 $0x108  }
0x21: {  	s3 =	sadd.s32 s3, s9;
	s6 =	sadd.s32 @!p0 $0x88, s6;
	s7 =	simm.s32 @p2 $0x1082  }
0x22: {  	[simem:s7], [sflag:s8] =	dma.local @!p0 [hbm:s6], $0xF7A  }
0x23: {  	s9 =	sor.u32 $0xD0000000, s2;
	s6 =	simm.s32 $0x108;
	_ =	swait.ge @!p0 [sflag:s8], $0x0  }
0x24: {  	s3 =	sadd.s32 $0x88, s3;
	s6 =	simm.s32 @!p1 $0x1082;
	[sflag:s4] =	ssyncset.s32 $0xFFFFF086  }
0x25: {  	[simem:s6], [sflag:s4] =	dma.local [hbm:s3], $0xF7A  }
0x26: {  	[smem:$0x3F8C] =	sst s1;
	(tag) =	ssettag s2;
	_ =	strace s9  }
0x27: {  	s1 =	sld [smem:$0x3F9C]  }
0x28: {  	s2 =	sld [smem:$0x3F9D]  }
0x29: {  	s4 =	sld [smem:$0x3F9F]  }
0x2a: {  	p0 =	seq.s32 s5, $0x0;
	s5 =	sld [smem:$0x3FA0]  }
0x2b: {  	s6 =	sld [smem:$0x3FA1]  }
0x2c: {  	s7 =	sld [smem:$0x3FA2]  }
0x2d: {  	s3 =	simm.s32 $0x108;
	s8 =	sld [smem:$0x3FA3]  }
0x2e: {  	s3 =	simm.s32 @!p0 $0x1082;
	s9 =	sld [smem:$0x3FA4]  }
0x2f: {  	lr =	sadd.s32 s0, s3;
	s0 =	sld [smem:$0x3F9B]  }
0x30: {  	s3 =	sld [smem:$0x3F9E]  }
0x31: {  	[smem:$0x3FA7] =	sst s10  }
0x32: {  	s10 =	sld [smem:$0x3FA5];
	_ =	sdelay $0x3  }
0x33: {  	p0 =	seq.s32 s10, $0x1;
	s10 =	sld [smem:$0x3FA7];
	_ =	sdelay $0x3  }
0x34: {  	[smem:$0x3FA7] =	sst s10  }
0x35: {  	s10 =	sld [smem:$0x3FA6];
	_ =	sdelay $0x3  }
0x36: {  	p1 =	seq.s32 s10, $0x1;
	s10 =	sld [smem:$0x3FA7];
	_ =	sdelay $0x3  }
0x37: {  	[smem:$0x3FA7] =	sst s10  }
0x38: {  	s10 =	sld [smem:$0x3FA8]  }
0x39: {  	_ = 	snop;
	(pc) =	sbr.ind lr, $3  }
0x3a: {  	_ = 	snop  }
0x3b: {  	_ = 	snop  }
0x3c: {  	p2 =	seq.s32 s10, $0x1;
	s10 =	sld [smem:$0x3FA7]  }
0x3d: {  	_ =	shalt  }
0x3e: {  	_ =	shalt  }
0x3f: {  	_ =	shalt  }
0x40: {  	_ =	shalt  }
0x41: {  	_ =	shalt  }
0x42: {  	_ =	shalt  }
0x43: {  	_ =	shalt  }
0x44: {  	_ =	shalt  }
0x45: {  	_ =	shalt  }
0x46: {  	_ =	shalt  }
0x47: {  	_ =	shalt  }
0x48: {  	_ =	shalt  }
0x49: {  	_ =	shalt  }
0x4a: {  	_ =	shalt  }
0x4b: {  	_ =	shalt  }
0x4c: {  	_ =	shalt  }
0x4d: {  	_ =	shalt  }
0x4e: {  	_ =	shalt  }
0x4f: {  	_ =	shalt  }
0x50: {  	_ =	shalt  }
0x51: {  	_ =	shalt  }
0x52: {  	_ =	shalt  }
0x53: {  	_ =	shalt  }
0x54: {  	_ =	shalt  }
0x55: {  	_ =	shalt  }
0x56: {  	_ =	shalt  }
0x57: {  	_ =	shalt  }
0x58: {  	_ =	shalt  }
0x59: {  	_ =	shalt  }
0x5a: {  	_ =	shalt  }
0x5b: {  	_ =	shalt  }
0x5c: {  	_ =	shalt  }
0x5d: {  	_ =	shalt  }
0x5e: {  	_ =	shalt  }
0x5f: {  	_ =	shalt  }
0x60: {  	_ =	shalt  }
0x61: {  	_ =	shalt  }
0x62: {  	_ =	shalt  }
0x63: {  	_ =	shalt  }
0x64: {  	_ =	shalt  }
0x65: {  	_ =	shalt  }
0x66: {  	_ =	shalt  }
0x67: {  	_ =	shalt  }
0x68: {  	_ =	shalt  }
0x69: {  	_ =	shalt  }
0x6a: {  	_ =	shalt  }
0x6b: {  	_ =	shalt  }
0x6c: {  	_ =	shalt  }
0x6d: {  	_ =	shalt  }
0x6e: {  	_ =	shalt  }
0x6f: {  	_ =	shalt  }
0x70: {  	_ =	shalt  }
0x71: {  	_ =	shalt  }
0x72: {  	_ =	shalt  }
0x73: {  	_ =	shalt  }
0x74: {  	_ =	shalt  }
0x75: {  	_ =	shalt  }
0x76: {  	_ =	shalt  }
0x77: {  	_ =	shalt  }
0x78: {  	_ =	shalt  }
0x79: {  	_ =	shalt  }
0x7a: {  	_ =	shalt  }
0x7b: {  	_ =	shalt  }
0x7c: {  	_ =	shalt  }
0x7d: {  	_ =	shalt  }
0x7e: {  	_ =	shalt  }
0x7f: {  	_ =	shalt  }
0x80: {  	_ =	shalt  }
0x81: {  	_ =	shalt  }
0x82: {  	_ =	shalt  }
0x83: {  	_ =	shalt  }
0x84: {  	_ =	shalt  }
0x85: {  	_ =	shalt  }
0x86: {  	_ =	shalt  }
0x87: {  	_ =	shalt  }
.Lfunc_end0:
.L_simem_size_0:
called_computation.2_lowered:
.L_overlay_start_0:
0x88: {  	s2 =	sld [smem:$0x3FD9]  }
0x89: {  	s3 =	sld [smem:$0x3FFE];
	_ =	sdelay $0x1  }
0x8a: {  	s1 =	srdreg.scid  }
0x8b: {  	s0 =	sand.u32 $0x1, s1  }
0x8c: {  	s16 =	sshll.u32 s0, $0xA;
	s2 =	sadd.s32 s3, s2  }
0x8d: {  	s2 =	sadd.s32 s2, s16  }
0x8e: {  	[smem:$0x3FB3] =	sst s2  }
0x8f: {  	_ = 	snop  }
0x90: {  	(tm) =	ssettm $0x1  }
0x91: {  	s17 =	sld [smem:$0x3FFB];
	_ =	sdelay $0x3  }
0x92: {  	_ =	strace s17  }
0x93: {  	s2 =	sld [smem:$0x3FFC];
	_ =	sdelay $0x3  }
0x94: {  	_ =	strace s2  }
0x95: {  	s2 =	sld [smem:$0x3FFD];
	_ =	sdelay $0x3  }
0x96: {  	_ =	strace s2  }
0x97: {  	_ =	strace $0x8FFFFFFF  }
0x98: {  	s18 =	sld [smem:$0x3FDB];
	_ =	sdelay $0x1  }
0x99: {  	s19 =	simm.s32 $_scs_section_size  }
0x9a: {  	s4 =	simm.s32 $_size__tile_overlayer_lowered;
	s5 =	simm.s32 $_tile_overlayer_lowered  }
0x9b: {  	s22 =	simm.s32 $0x1BFF;
	s21 =	sshll.u32 s5, $0x1;
	s2 =	sadd.s32 s19, s18  }
0x9c: {  	s6 =	simm.s32 $0x0;
	s20 =	sshll.u32 s4, $0x1;
	s4 =	sadd.s32 s21, s2  }
0x9d: {  	[timem:s6], [sflag:s22] =	dma.local [hbm:s4], s20  }
0x9e: {  	_ =	swait.ge [sflag:s22], s20  }
0x9f: {  	s3 =	ssub.s32 $0x0, s20;
	[sflag:s22] =	ssyncset.done $0x0  }
0xa0: {  	[sflag:s22] =	ssyncadd.s32 s3;
	_ =	sdelay $0x1  }
0xa1: {  	s23 =	simm.s32 $0x1B8B  }
0xa2: {  	_ =	swait.ge [sflag:s23], $0x1  }
0xa3: {  	[sflag:s23] =	ssyncset.done $0x0  }
0xa4: {  	s25 =	simm.s32 $0x1B8E;
	s24 =	sld [smem:$0x3FFE];
	[sflag:s23] =	ssyncadd.s32 $0xFFFFFFFF  }
0xa5: {  	s26 =	simm.s32 $execute0_lowered;
	[smem:$0x3FD2] =	sst s25  }
0xa6: {  	s4 =	sshll.u32 s26, $0x1;
	_ =	strace $0x8000004C;
	[dreg:$0x1] =	wrdreg $0xFFFFFFFF  }
0xa7: {  	s28 =	simm.s32 $_size_execute0_lowered;
	s2 =	sadd.s32 s2, s4;
	[dreg:$0x0] =	wrdreg $0x0  }
0xa8: {  	s4 =	sshll.u32 s28, $0x1;
	[dreg:$0x2] =	wrdreg s2  }
0xa9: {  	[dreg:$0x3] =	wrdreg s4  }
0xaa: {  	[dreg:$0x4] =	wrdreg $0xC0  }
0xab: {  	_ =	task [dreg:s6], $0x5FFFF  }
0xac: {  	[dreg:$0x1] =	wrdreg $0xFFFFFFFF  }
0xad: {  	[dreg:$0x0] =	wrdreg $0x60  }
0xae: {  	[dreg:$0x2] =	wrdreg s24  }
0xaf: {  	[dreg:$0x3] =	wrdreg $0x9  }
0xb0: {  	_ =	task.clear_ibuf [dreg:s6], $0x4FFFF;
	_ =	strace $0x9000004C  }
0xb1: {  	s29 =	simm.s32 $0x9;
	_ =	strace $0x8000004E  }
0xb2: {  	_ =	swait.ge [sflag:s29], $0x1  }
0xb3: {  	[sflag:s29] =	ssyncadd.s32 $0xFFFFFFFF  }
0xb4: {  	_ =	strace $0x9000004E  }
0xb5: {  	_ =	sfence  }
0xb6: {  	s30 =	sld [smem:$0x0];
	_ =	sdelay $0x2  }
0xb7: {  	s31 =	sshll.u32 s1, $0xD;
	s1 =	sshrl.u32 s1, $0x2  }
0xb8: {  	s3 =	sand.u32 $0x4000, s31;
	s1 =	sadd.s32 s1, s30  }
0xb9: {  	s0 =	sor.u32 s3, s0;
	s1 =	sshll.u32 s1, $0x11  }
0xba: {  	s0 =	sor.u32 s1, s0  }
0xbb: {  	s0 =	sadd.s32 $0x8F2B, s0  }
0xbc: {  	[sflag:s0] =	ssyncadd.remote.s32 $0x1  }
0xbd: {  	_ =	sfence.sel $0xFFFF  }
0xbe: {  	[dreg:$0x0] =	wrdreg $0xFFFFFFFF;
	(pc) =	sbr.abs _section_cstart, $3  }
0xbf: {  	[dreg:$0x1] =	wrdreg $0xFFFFFFFF  }
0xc0: {  	_ =	task.clear_ibuf [dreg:s6], $0x2FFFF;
	_ =	strace $0x9FFFFFFF  }
0xc1: {  	(tm) =	ssettm $0x7FFFFFFF  }
tec
execute0_lowered:
.L_overlay_start_1:
0x0: {  	(tag) =	ssettag $0x1  }
0x1: {  	s0 =	rddreg [dreg:$0x0]  }
0x2: {  	s1 =	srdreg.scid;
	s5 =	stileid.u32;
	s2 =	simm.s32 $0x0  }
0x3: {  	s8 =	simm.s32 $0xA00;
	s28 =	simm.s32 $0xA200;
	s29 =	simm.s32 $0xAA00  }
0x4: {  	s30 =	simm.s32 $0xB200;
	s31 =	simm.s32 $0xBA00;
	s9 =	simm.s32 $0xF200  }
0x5: {  	s10 =	simm.s32 $0xFA00;
	s11 =	simm.s32 $0x10200;
	s12 =	simm.s32 $0x10A00  }
0x6: {  	s13 =	simm.s32 $0x11200;
	s14 =	simm.s32 $0x11A00;
	s15 =	simm.s32 $0x12200  }
0x7: {  	s16 =	simm.s32 $0x12A00;
	s17 =	simm.s32 $0x13200;
	s18 =	simm.s32 $0x13A00  }
0x8: {  	s19 =	simm.s32 $0x14200;
	s20 =	simm.s32 $0x1;
	s21 =	simm.s32 $0x2  }
0x9: {  	s22 =	simm.s32 $0x0;
	s1 =	sand.u32 $0x1, s1;
	s3 =	sshll.u32 s5, $0x1  }
0xa: {  	[smem:$0x7FF] =	sst s2;
	s5 =	smul.u32 $0x28000, s5;
	s3 =	sor.u32 s1, s3  }
0xb: {  	_ =	strace $0x8000004D;
	s6 =	ssub.s32 $0x2, s1;
	s1 =	smul.u32 $0x14000, s1  }
0xc: {  	s4 =	smul.u32 $0xA00, s3;
	s3 =	sadd.s32 $0x44E00, s0;
	s7 =	sshrl.u32 s6, $0x1  }
0xd: {  	s25 =	ssub.s32 s6, s7;
	s6 =	simm.s32 $0xE200;
	s7 =	simm.s32 $0xEA00  }
.Ltmp0:
0xe: {  	s4 =	sshrl.u32 s4, $0x3;
	s26 =	smax.u32 s25, $0x1;
	(pc) =	sbr.rel .LBB2_1-.Ltmp0, $4  }
0xf: {  	s4 =	sadd.s32 s4, s0;
	s0 =	sadd.s32 s5, s0;
	[dreg:$0x3] =	wrdreg s26  }
0x10: {  	v2 =	vlaneseq.u32;
	s5 =	simm.s32 $0xDA00;
	s4 =	sadd.s32 $0x64E00, s4;
	s0 =	sadd.s32 s1, s0  }
0x11: {  	vm0 =	vmmov $0xffff;
	v1 =	vshrl.u32 v2, $0x3;
	s1 =	simm.s32 $0xCA00;
	[dreg:$0x2] =	wrdreg s4;
	s0 =	sadd.s32 $0x67600, s0  }
0x12: {  	v0 =	vand.u32 $0x7, v2;
	v2 =	vor.u32 $0x8, v2;
	v1 =	vmul.u32 $0x8, v1;
	s4 =	simm.s32 $0xD200;
	[dreg:$0x4] =	wrdreg s0;
	s0 =	simm.s32 $0xC200  }
.LBB2_8:
0x13: {  	s22 =	sadd.s32 $0x1, s22;
	s23 =	rddreg [dreg:$0x3]  }
0x14: {  	p0 =	sne.s32 s22, s23  }
.Ltmp1:
0x15: {  	_ = 	snop;
	(pc) =	sbr.rel @!p0 .LBB2_9-.Ltmp1, $1  }
0x16: {  	_ =	sdelay $0x3  }
.LBB2_1:
0x17: {  	s23 =	rddreg [dreg:$0x2];
	s26 =	simm.s32 $0x3  }
0x18: {  	[tilespmem:s2], [sflag:$0x3] =	stream.linear.gather [hbm4b:s23+s2], $0xA00, $0x38;
	[tilespmem:$0x14A00] =	vst v63  }
0x19: {  	_ =	swait.ge [sflag:s26], $0xA00  }
0x1a: {  	[sflag:s26] =	ssyncset.done $0x0  }
0x1b: {  	[sflag:s26] =	ssyncadd.s32 $0xFFFFF600  }
0x1c: {  	v3 =	vld [tilespmem:$0x0];
	_ =	sdelay $0x4  }
0x1d: {  	v4 =	vshll.u32 v3, $0x1  }
0x1e: {  	v3 =	vand.u32 $0x7, v3;
	v4 =	vand.u32 $0xFFFFFFF0, v4  }
0x1f: {  	v3 =	vor.u32 v3, v4  }
0x20: {  	v4 =	vperm.xlane v3, v0;
	_ =	sdelay $0x1  }
0x21: {  	v3 =	vperm.xlane v3, v2;
	v4 =	vadd.s32 v1, v4;
	_ =	sdelay $0x1  }
0x22: {  	v3 =	vadd.s32 v1, v3;
	_ =	sdelay $0x2  }
0x23: {  	[tilespmem:s8], [sflag:$0x1] =	stream.indirect_vreg.gather [hbm4b:s3+s2], $0x80, v4, vm0, $0xb8;
	[tilespmem:$0x14A00] =	vst v63  }
0x24: {  	s24 =	simm.s32 $0x1200  }
0x25: {  	[tilespmem:s24], [sflag:$0x1] =	stream.indirect_vreg.gather [hbm4b:s3+s2], $0x80, v3, vm0, $0xb8;
	[tilespmem:$0x14A00] =	vst v63  }
0x26: {  	v3 =	vld [tilespmem:$0x10];
	_ =	sdelay $0x4  }
0x27: {  	v55 =	vshll.u32 v3, $0x1  }
0x28: {  	v3 =	vand.u32 $0x7, v3;
	v4 =	vand.u32 $0xFFFFFFF0, v55  }
0x29: {  	v3 =	vor.u32 v3, v4  }
0x2a: {  	v4 =	vperm.xlane v3, v0;
	_ =	sdelay $0x1  }
0x2b: {  	v3 =	vperm.xlane v3, v2;
	v4 =	vadd.s32 v1, v4;
	_ =	sdelay $0x1  }
0x2c: {  	v3 =	vadd.s32 v1, v3;
	_ =	sdelay $0x1  }
0x2d: {  	s25 =	simm.s32 $0x1A00  }
0x2e: {  	[tilespmem:s25], [sflag:$0x1] =	stream.indirect_vreg.gather [hbm4b:s3+s2], $0x80, v4, vm0, $0xb8;
	[tilespmem:$0x14A00] =	vst v63  }
0x2f: {  	s26 =	simm.s32 $0x2200  }
0x30: {  	[tilespmem:s26], [sflag:$0x1] =	stream.indirect_vreg.gather [hbm4b:s3+s2], $0x80, v3, vm0, $0xb8;
	[tilespmem:$0x14A00] =	vst v63  }
0x31: {  	v3 =	vld [tilespmem:$0x20];
	_ =	sdelay $0x4  }
0x32: {  	v56 =	vshll.u32 v3, $0x1  }
0x33: {  	v3 =	vand.u32 $0x7, v3;
	v4 =	vand.u32 $0xFFFFFFF0, v56  }
0x34: {  	v3 =	vor.u32 v3, v4  }
0x35: {  	v4 =	vperm.xlane v3, v0;
	_ =	sdelay $0x1  }
0x36: {  	v3 =	vperm.xlane v3, v2;
	v4 =	vadd.s32 v1, v4;
	_ =	sdelay $0x1  }
0x37: {  	v3 =	vadd.s32 v1, v3;
	_ =	sdelay $0x1  }
0x38: {  	s24 =	simm.s32 $0x2A00  }
0x39: {  	[tilespmem:s24], [sflag:$0x1] =	stream.indirect_vreg.gather [hbm4b:s3+s2], $0x80, v4, vm0, $0xb8;
	[tilespmem:$0x14A00] =	vst v63  }
0x3a: {  	s25 =	simm.s32 $0x3200  }
0x3b: {  	[tilespmem:s25], [sflag:$0x1] =	stream.indirect_vreg.gather [hbm4b:s3+s2], $0x80, v3, vm0, $0xb8;
	[tilespmem:$0x14A00] =	vst v63  }
0x3c: {  	v3 =	vld [tilespmem:$0x30];
	_ =	sdelay $0x4  }
0x3d: {  	v57 =	vshll.u32 v3, $0x1  }
0x3e: {  	v3 =	vand.u32 $0x7, v3;
	v4 =	vand.u32 $0xFFFFFFF0, v57  }
0x3f: {  	v3 =	vor.u32 v3, v4  }
0x40: {  	v4 =	vperm.xlane v3, v0;
	_ =	sdelay $0x1  }
0x41: {  	v3 =	vperm.xlane v3, v2;
	v4 =	vadd.s32 v1, v4;
	_ =	sdelay $0x1  }
0x42: {  	v3 =	vadd.s32 v1, v3;
	_ =	sdelay $0x1  }
0x43: {  	s26 =	simm.s32 $0x3A00  }
0x44: {  	[tilespmem:s26], [sflag:$0x1] =	stream.indirect_vreg.gather [hbm4b:s3+s2], $0x80, v4, vm0, $0xb8;
	[tilespmem:$0x14A00] =	vst v63  }
0x45: {  	s24 =	simm.s32 $0x4200  }
0x46: {  	[tilespmem:s24], [sflag:$0x1] =	stream.indirect_vreg.gather [hbm4b:s3+s2], $0x80, v3, vm0, $0xb8;
	[tilespmem:$0x14A00] =	vst v63  }
0x47: {  	v3 =	vld [tilespmem:$0x40];
	_ =	sdelay $0x4  }
0x48: {  	v58 =	vshll.u32 v3, $0x1  }
0x49: {  	v3 =	vand.u32 $0x7, v3;
	v4 =	vand.u32 $0xFFFFFFF0, v58  }
0x4a: {  	v3 =	vor.u32 v3, v4  }
0x4b: {  	v4 =	vperm.xlane v3, v0;
	_ =	sdelay $0x1  }
0x4c: {  	v3 =	vperm.xlane v3, v2;
	v4 =	vadd.s32 v1, v4;
	_ =	sdelay $0x1  }
0x4d: {  	v3 =	vadd.s32 v1, v3;
	_ =	sdelay $0x1  }
0x4e: {  	s25 =	simm.s32 $0x4A00  }
0x4f: {  	[tilespmem:s25], [sflag:$0x1] =	stream.indirect_vreg.gather [hbm4b:s3+s2], $0x80, v4, vm0, $0xb8;
	[tilespmem:$0x14A00] =	vst v63  }
0x50: {  	s26 =	simm.s32 $0x5200  }
0x51: {  	[tilespmem:s26], [sflag:$0x1] =	stream.indirect_vreg.gather [hbm4b:s3+s2], $0x80, v3, vm0, $0xb8;
	[tilespmem:$0x14A00] =	vst v63  }
0x52: {  	v3 =	vld [tilespmem:$0x50];
	_ =	sdelay $0x4  }
0x53: {  	v59 =	vshll.u32 v3, $0x1  }
0x54: {  	v3 =	vand.u32 $0x7, v3;
	v4 =	vand.u32 $0xFFFFFFF0, v59  }
0x55: {  	v3 =	vor.u32 v3, v4  }
0x56: {  	v4 =	vperm.xlane v3, v0;
	_ =	sdelay $0x1  }
0x57: {  	v3 =	vperm.xlane v3, v2;
	v4 =	vadd.s32 v1, v4;
	_ =	sdelay $0x1  }
0x58: {  	v3 =	vadd.s32 v1, v3;
	_ =	sdelay $0x1  }
0x59: {  	s24 =	simm.s32 $0x5A00  }
0x5a: {  	[tilespmem:s24], [sflag:$0x1] =	stream.indirect_vreg.gather [hbm4b:s3+s2], $0x80, v4, vm0, $0xb8;
	[tilespmem:$0x14A00] =	vst v63  }
0x5b: {  	s25 =	simm.s32 $0x6200  }
0x5c: {  	[tilespmem:s25], [sflag:$0x1] =	stream.indirect_vreg.gather [hbm4b:s3+s2], $0x80, v3, vm0, $0xb8;
	[tilespmem:$0x14A00] =	vst v63  }
0x5d: {  	v3 =	vld [tilespmem:$0x60];
	_ =	sdelay $0x4  }
0x5e: {  	v60 =	vshll.u32 v3, $0x1  }
0x5f: {  	v3 =	vand.u32 $0x7, v3;
	v4 =	vand.u32 $0xFFFFFFF0, v60  }
0x60: {  	v3 =	vor.u32 v3, v4  }
0x61: {  	v4 =	vperm.xlane v3, v0;
	_ =	sdelay $0x1  }
0x62: {  	v3 =	vperm.xlane v3, v2;
	v4 =	vadd.s32 v1, v4;
	_ =	sdelay $0x1  }
0x63: {  	v3 =	vadd.s32 v1, v3;
	_ =	sdelay $0x1  }
0x64: {  	s26 =	simm.s32 $0x6A00  }
0x65: {  	[tilespmem:s26], [sflag:$0x1] =	stream.indirect_vreg.gather [hbm4b:s3+s2], $0x80, v4, vm0, $0xb8;
	[tilespmem:$0x14A00] =	vst v63  }
0x66: {  	s24 =	simm.s32 $0x7200  }
0x67: {  	[tilespmem:s24], [sflag:$0x1] =	stream.indirect_vreg.gather [hbm4b:s3+s2], $0x80, v3, vm0, $0xb8;
	[tilespmem:$0x14A00] =	vst v63  }
0x68: {  	v3 =	vld [tilespmem:$0x70];
	_ =	sdelay $0x4  }
0x69: {  	v61 =	vshll.u32 v3, $0x1  }
0x6a: {  	v3 =	vand.u32 $0x7, v3;
	v4 =	vand.u32 $0xFFFFFFF0, v61  }
0x6b: {  	v3 =	vor.u32 v3, v4  }
0x6c: {  	v4 =	vperm.xlane v3, v0;
	_ =	sdelay $0x1  }
0x6d: {  	v3 =	vperm.xlane v3, v2;
	v4 =	vadd.s32 v1, v4;
	_ =	sdelay $0x1  }
0x6e: {  	v3 =	vadd.s32 v1, v3;
	_ =	sdelay $0x1  }
0x6f: {  	s25 =	simm.s32 $0x7A00  }
0x70: {  	[tilespmem:s25], [sflag:$0x1] =	stream.indirect_vreg.gather [hbm4b:s3+s2], $0x80, v4, vm0, $0xb8;
	[tilespmem:$0x14A00] =	vst v63  }
0x71: {  	s26 =	simm.s32 $0x8200  }
0x72: {  	[tilespmem:s26], [sflag:$0x1] =	stream.indirect_vreg.gather [hbm4b:s3+s2], $0x80, v3, vm0, $0xb8;
	[tilespmem:$0x14A00] =	vst v63  }
0x73: {  	v3 =	vld [tilespmem:$0x80];
	_ =	sdelay $0x4  }
0x74: {  	v62 =	vshll.u32 v3, $0x1  }
0x75: {  	v3 =	vand.u32 $0x7, v3;
	v4 =	vand.u32 $0xFFFFFFF0, v62  }
0x76: {  	v3 =	vor.u32 v3, v4  }
0x77: {  	v4 =	vperm.xlane v3, v0;
	_ =	sdelay $0x1  }
0x78: {  	v3 =	vperm.xlane v3, v2;
	v4 =	vadd.s32 v1, v4;
	_ =	sdelay $0x1  }
0x79: {  	v3 =	vadd.s32 v1, v3;
	_ =	sdelay $0x1  }
0x7a: {  	s24 =	simm.s32 $0x8A00  }
0x7b: {  	[tilespmem:s24], [sflag:$0x1] =	stream.indirect_vreg.gather [hbm4b:s3+s2], $0x80, v4, vm0, $0xb8;
	[tilespmem:$0x14A00] =	vst v63  }
0x7c: {  	s25 =	simm.s32 $0x9200  }
0x7d: {  	[tilespmem:s25], [sflag:$0x1] =	stream.indirect_vreg.gather [hbm4b:s3+s2], $0x80, v3, vm0, $0xb8;
	[tilespmem:$0x14A00] =	vst v63  }
0x7e: {  	v3 =	vld [tilespmem:$0x90];
	_ =	sdelay $0x4  }
0x7f: {  	v63 =	vshll.u32 v3, $0x1  }
0x80: {  	v3 =	vand.u32 $0x7, v3;
	v4 =	vand.u32 $0xFFFFFFF0, v63  }
0x81: {  	v3 =	vor.u32 v3, v4  }
0x82: {  	v4 =	vperm.xlane v3, v0;
	_ =	sdelay $0x1  }
0x83: {  	v3 =	vperm.xlane v3, v2;
	v4 =	vadd.s32 v1, v4;
	_ =	sdelay $0x1  }
0x84: {  	v3 =	vadd.s32 v1, v3  }
.Ltmp2:
0x85: {  	_ = 	snop;
	(pc) =	sbr.rel .LBB2_2-.Ltmp2, $4  }
0x86: {  	s26 =	simm.s32 $0x9A00  }
0x87: {  	[tilespmem:s26], [sflag:$0x1] =	stream.indirect_vreg.gather [hbm4b:s3+s2], $0x80, v4, vm0, $0xb8;
	[tilespmem:$0x14A00] =	vst v63  }
0x88: {  	s23 =	simm.s32 $0x130;
	s24 =	rddreg [dreg:$0x4];
	s25 =	simm.s32 $0x0  }
0x89: {  	[tilespmem:s28], [sflag:$0x1] =	stream.indirect_vreg.gather [hbm4b:s3+s2], $0x80, v3, vm0, $0xb8;
	[tilespmem:$0x14A00] =	vst v63  }
.LBB2_6:
0x8a: {  	_ =	swait.ge [sflag:s21], $0xA000  }
0x8b: {  	[sflag:s21] =	ssyncset.done $0x0  }
0x8c: {  	s26 =	simm.s32 $0x3;
	[sflag:s21] =	ssyncadd.s32 $0xFFFF6000  }
0x8d: {  	[hbm4b:s24+s2] =	stream.linear.scatter [tilespmem:s29], [sflag:$0x3], $0xA000, $0x38;
	[tilespmem:$0x14A00] =	vst v63  }
.LBB2_7:
0x8e: {  	s25 =	sadd.s32 $0x1, s25  }
0x8f: {  	p0 =	sne.s32 s25, $0x10  }
.Ltmp3:
0x90: {  	_ = 	snop;
	(pc) =	sbr.rel @!p0 .LBB2_8-.Ltmp3, $4  }
0x91: {  	_ = 	snop  }
0x92: {  	_ =	swait.ge [sflag:s26], $0xA000  }
0x93: {  	[sflag:s26] =	ssyncset.done $0x0  }
0x94: {  	s24 =	sadd.s32 $0x1400, s24;
	s23 =	sadd.s32 $0xA0, s23;
	[sflag:s26] =	ssyncadd.s32 $0xFFFF6000  }
.LBB2_2:
0x95: {  	s26 =	sand.u32 $0x1, s25  }
0x96: {  	p0 =	seq.s32 s26, $0x1  }
.Ltmp4:
0x97: {  	_ = 	snop;
	(pc) =	sbr.rel @p0 .LBB2_4-.Ltmp4, $1  }
0x98: {  	_ =	sdelay $0x3  }
0x99: {  	v3 =	vld [tilespmem:s23+$0xFFFFFF70];
	_ =	sdelay $0x4  }
0x9a: {  	v4 =	vshll.u32 v3, $0x1  }
0x9b: {  	v3 =	vand.u32 $0x7, v3;
	v4 =	vand.u32 $0xFFFFFFF0, v4  }
0x9c: {  	v3 =	vor.u32 v3, v4  }
0x9d: {  	v4 =	vperm.xlane v3, v0;
	_ =	sdelay $0x1  }
0x9e: {  	v3 =	vperm.xlane v3, v2;
	v4 =	vadd.s32 v1, v4;
	_ =	sdelay $0x1  }
0x9f: {  	v3 =	vadd.s32 v1, v3;
	_ =	sdelay $0x2  }
0xa0: {  	[tilespmem:s29], [sflag:$0x2] =	stream.indirect_vreg.gather [hbm4b:s3+s2], $0x80, v4, vm0, $0xb8;
	[tilespmem:$0x14A00] =	vst v63  }
0xa1: {  	_ = 	snop  }
0xa2: {  	[tilespmem:s30], [sflag:$0x2] =	stream.indirect_vreg.gather [hbm4b:s3+s2], $0x80, v3, vm0, $0xb8;
	[tilespmem:$0x14A00] =	vst v63  }
0xa3: {  	v3 =	vld [tilespmem:s23+$0xFFFFFF80];
	_ =	sdelay $0x4  }
0xa4: {  	v55 =	vshll.u32 v3, $0x1  }
0xa5: {  	v3 =	vand.u32 $0x7, v3;
	v4 =	vand.u32 $0xFFFFFFF0, v55  }
0xa6: {  	v3 =	vor.u32 v3, v4  }
0xa7: {  	v4 =	vperm.xlane v3, v0;
	_ =	sdelay $0x1  }
0xa8: {  	v3 =	vperm.xlane v3, v2;
	v4 =	vadd.s32 v1, v4;
	_ =	sdelay $0x1  }
0xa9: {  	v3 =	vadd.s32 v1, v3;
	_ =	sdelay $0x2  }
0xaa: {  	[tilespmem:s31], [sflag:$0x2] =	stream.indirect_vreg.gather [hbm4b:s3+s2], $0x80, v4, vm0, $0xb8;
	[tilespmem:$0x14A00] =	vst v63  }
0xab: {  	_ = 	snop  }
0xac: {  	[tilespmem:s0], [sflag:$0x2] =	stream.indirect_vreg.gather [hbm4b:s3+s2], $0x80, v3, vm0, $0xb8;
	[tilespmem:$0x14A00] =	vst v63  }
0xad: {  	v3 =	vld [tilespmem:s23+$0xFFFFFF90];
	_ =	sdelay $0x4  }
0xae: {  	v56 =	vshll.u32 v3, $0x1  }
0xaf: {  	v3 =	vand.u32 $0x7, v3;
	v4 =	vand.u32 $0xFFFFFFF0, v56  }
0xb0: {  	v3 =	vor.u32 v3, v4  }
0xb1: {  	v4 =	vperm.xlane v3, v0;
	_ =	sdelay $0x1  }
0xb2: {  	v3 =	vperm.xlane v3, v2;
	v4 =	vadd.s32 v1, v4;
	_ =	sdelay $0x1  }
0xb3: {  	v3 =	vadd.s32 v1, v3;
	_ =	sdelay $0x2  }
0xb4: {  	[tilespmem:s1], [sflag:$0x2] =	stream.indirect_vreg.gather [hbm4b:s3+s2], $0x80, v4, vm0, $0xb8;
	[tilespmem:$0x14A00] =	vst v63  }
0xb5: {  	_ = 	snop  }
0xb6: {  	[tilespmem:s4], [sflag:$0x2] =	stream.indirect_vreg.gather [hbm4b:s3+s2], $0x80, v3, vm0, $0xb8;
	[tilespmem:$0x14A00] =	vst v63  }
0xb7: {  	v3 =	vld [tilespmem:s23+$0xFFFFFFA0];
	_ =	sdelay $0x4  }
0xb8: {  	v57 =	vshll.u32 v3, $0x1  }
0xb9: {  	v3 =	vand.u32 $0x7, v3;
	v4 =	vand.u32 $0xFFFFFFF0, v57  }
0xba: {  	v3 =	vor.u32 v3, v4  }
0xbb: {  	v4 =	vperm.xlane v3, v0;
	_ =	sdelay $0x1  }
0xbc: {  	v3 =	vperm.xlane v3, v2;
	v4 =	vadd.s32 v1, v4;
	_ =	sdelay $0x1  }
0xbd: {  	v3 =	vadd.s32 v1, v3;
	_ =	sdelay $0x2  }
0xbe: {  	[tilespmem:s5], [sflag:$0x2] =	stream.indirect_vreg.gather [hbm4b:s3+s2], $0x80, v4, vm0, $0xb8;
	[tilespmem:$0x14A00] =	vst v63  }
0xbf: {  	_ = 	snop  }
0xc0: {  	[tilespmem:s6], [sflag:$0x2] =	stream.indirect_vreg.gather [hbm4b:s3+s2], $0x80, v3, vm0, $0xb8;
	[tilespmem:$0x14A00] =	vst v63  }
0xc1: {  	v3 =	vld [tilespmem:s23+$0xFFFFFFB0];
	_ =	sdelay $0x4  }
0xc2: {  	v58 =	vshll.u32 v3, $0x1  }
0xc3: {  	v3 =	vand.u32 $0x7, v3;
	v4 =	vand.u32 $0xFFFFFFF0, v58  }
0xc4: {  	v3 =	vor.u32 v3, v4  }
0xc5: {  	v4 =	vperm.xlane v3, v0;
	_ =	sdelay $0x1  }
0xc6: {  	v3 =	vperm.xlane v3, v2;
	v4 =	vadd.s32 v1, v4;
	_ =	sdelay $0x1  }
0xc7: {  	v3 =	vadd.s32 v1, v3;
	_ =	sdelay $0x2  }
0xc8: {  	[tilespmem:s7], [sflag:$0x2] =	stream.indirect_vreg.gather [hbm4b:s3+s2], $0x80, v4, vm0, $0xb8;
	[tilespmem:$0x14A00] =	vst v63  }
0xc9: {  	_ = 	snop  }
0xca: {  	[tilespmem:s9], [sflag:$0x2] =	stream.indirect_vreg.gather [hbm4b:s3+s2], $0x80, v3, vm0, $0xb8;
	[tilespmem:$0x14A00] =	vst v63  }
0xcb: {  	v3 =	vld [tilespmem:s23+$0xFFFFFFC0];
	_ =	sdelay $0x4  }
0xcc: {  	v59 =	vshll.u32 v3, $0x1  }
0xcd: {  	v3 =	vand.u32 $0x7, v3;
	v4 =	vand.u32 $0xFFFFFFF0, v59  }
0xce: {  	v3 =	vor.u32 v3, v4  }
0xcf: {  	v4 =	vperm.xlane v3, v0;
	_ =	sdelay $0x1  }
0xd0: {  	v3 =	vperm.xlane v3, v2;
	v4 =	vadd.s32 v1, v4;
	_ =	sdelay $0x1  }
0xd1: {  	v3 =	vadd.s32 v1, v3;
	_ =	sdelay $0x2  }
0xd2: {  	[tilespmem:s10], [sflag:$0x2] =	stream.indirect_vreg.gather [hbm4b:s3+s2], $0x80, v4, vm0, $0xb8;
	[tilespmem:$0x14A00] =	vst v63  }
0xd3: {  	_ = 	snop  }
0xd4: {  	[tilespmem:s11], [sflag:$0x2] =	stream.indirect_vreg.gather [hbm4b:s3+s2], $0x80, v3, vm0, $0xb8;
	[tilespmem:$0x14A00] =	vst v63  }
0xd5: {  	v3 =	vld [tilespmem:s23+$0xFFFFFFD0];
	_ =	sdelay $0x4  }
0xd6: {  	v60 =	vshll.u32 v3, $0x1  }
0xd7: {  	v3 =	vand.u32 $0x7, v3;
	v4 =	vand.u32 $0xFFFFFFF0, v60  }
0xd8: {  	v3 =	vor.u32 v3, v4  }
0xd9: {  	v4 =	vperm.xlane v3, v0;
	_ =	sdelay $0x1  }
0xda: {  	v3 =	vperm.xlane v3, v2;
	v4 =	vadd.s32 v1, v4;
	_ =	sdelay $0x1  }
0xdb: {  	v3 =	vadd.s32 v1, v3;
	_ =	sdelay $0x2  }
0xdc: {  	[tilespmem:s12], [sflag:$0x2] =	stream.indirect_vreg.gather [hbm4b:s3+s2], $0x80, v4, vm0, $0xb8;
	[tilespmem:$0x14A00] =	vst v63  }
0xdd: {  	_ = 	snop  }
0xde: {  	[tilespmem:s13], [sflag:$0x2] =	stream.indirect_vreg.gather [hbm4b:s3+s2], $0x80, v3, vm0, $0xb8;
	[tilespmem:$0x14A00] =	vst v63  }
0xdf: {  	v3 =	vld [tilespmem:s23+$0xFFFFFFE0];
	_ =	sdelay $0x4  }
0xe0: {  	v61 =	vshll.u32 v3, $0x1  }
0xe1: {  	v3 =	vand.u32 $0x7, v3;
	v4 =	vand.u32 $0xFFFFFFF0, v61  }
0xe2: {  	v3 =	vor.u32 v3, v4  }
0xe3: {  	v4 =	vperm.xlane v3, v0;
	_ =	sdelay $0x1  }
0xe4: {  	v3 =	vperm.xlane v3, v2;
	v4 =	vadd.s32 v1, v4;
	_ =	sdelay $0x1  }
0xe5: {  	v3 =	vadd.s32 v1, v3;
	_ =	sdelay $0x2  }
0xe6: {  	[tilespmem:s14], [sflag:$0x2] =	stream.indirect_vreg.gather [hbm4b:s3+s2], $0x80, v4, vm0, $0xb8;
	[tilespmem:$0x14A00] =	vst v63  }
0xe7: {  	_ = 	snop  }
0xe8: {  	[tilespmem:s15], [sflag:$0x2] =	stream.indirect_vreg.gather [hbm4b:s3+s2], $0x80, v3, vm0, $0xb8;
	[tilespmem:$0x14A00] =	vst v63  }
0xe9: {  	v3 =	vld [tilespmem:s23+$0xFFFFFFF0];
	_ =	sdelay $0x4  }
0xea: {  	v62 =	vshll.u32 v3, $0x1  }
0xeb: {  	v3 =	vand.u32 $0x7, v3;
	v4 =	vand.u32 $0xFFFFFFF0, v62  }
0xec: {  	v3 =	vor.u32 v3, v4  }
0xed: {  	v4 =	vperm.xlane v3, v0;
	_ =	sdelay $0x1  }
0xee: {  	v3 =	vperm.xlane v3, v2;
	v4 =	vadd.s32 v1, v4;
	_ =	sdelay $0x1  }
0xef: {  	v3 =	vadd.s32 v1, v3;
	_ =	sdelay $0x2  }
0xf0: {  	[tilespmem:s16], [sflag:$0x2] =	stream.indirect_vreg.gather [hbm4b:s3+s2], $0x80, v4, vm0, $0xb8;
	[tilespmem:$0x14A00] =	vst v63  }
0xf1: {  	_ = 	snop  }
0xf2: {  	[tilespmem:s17], [sflag:$0x2] =	stream.indirect_vreg.gather [hbm4b:s3+s2], $0x80, v3, vm0, $0xb8;
	[tilespmem:$0x14A00] =	vst v63  }
0xf3: {  	v3 =	vld [tilespmem:s23+$0x0];
	_ =	sdelay $0x4  }
0xf4: {  	v63 =	vshll.u32 v3, $0x1  }
0xf5: {  	v3 =	vand.u32 $0x7, v3;
	v4 =	vand.u32 $0xFFFFFFF0, v63  }
0xf6: {  	v3 =	vor.u32 v3, v4  }
0xf7: {  	v4 =	vperm.xlane v3, v0;
	_ =	sdelay $0x1  }
0xf8: {  	v3 =	vperm.xlane v3, v2;
	v4 =	vadd.s32 v1, v4;
	_ =	sdelay $0x1  }
0xf9: {  	v3 =	vadd.s32 v1, v3;
	_ =	sdelay $0x2  }
0xfa: {  	[tilespmem:s18], [sflag:$0x2] =	stream.indirect_vreg.gather [hbm4b:s3+s2], $0x80, v4, vm0, $0xb8;
	[tilespmem:$0x14A00] =	vst v63  }
0xfb: {  	_ = 	snop  }
0xfc: {  	[tilespmem:s19], [sflag:$0x2] =	stream.indirect_vreg.gather [hbm4b:s3+s2], $0x80, v3, vm0, $0xb8;
	[tilespmem:$0x14A00] =	vst v63  }
.Ltmp5:
0xfd: {  	_ = 	snop;
	(pc) =	sbr.rel .LBB2_7-.Ltmp5, $4  }
0xfe: {  	_ =	swait.ge [sflag:s20], $0xA000  }
0xff: {  	[sflag:s20] =	ssyncset.done $0x0  }
0x100: {  	s26 =	simm.s32 $0x4;
	[sflag:s20] =	ssyncadd.s32 $0xFFFF6000  }
0x101: {  	[hbm4b:s24+s2] =	stream.linear.scatter [tilespmem:s8], [sflag:$0x4], $0xA000, $0x38;
	[tilespmem:$0x14A00] =	vst v63  }
.LBB2_4:
0x102: {  	p0 =	seq.s32 s25, $0xF  }
.Ltmp6:
0x103: {  	_ = 	snop;
	(pc) =	sbr.rel @p0 .LBB2_6-.Ltmp6, $1  }
0x104: {  	_ =	sdelay $0x3  }
0x105: {  	v3 =	vld [tilespmem:s23+$0xFFFFFF70];
	_ =	sdelay $0x4  }
0x106: {  	v4 =	vshll.u32 v3, $0x1  }
0x107: {  	v3 =	vand.u32 $0x7, v3;
	v4 =	vand.u32 $0xFFFFFFF0, v4  }
0x108: {  	v3 =	vor.u32 v3, v4  }
0x109: {  	v4 =	vperm.xlane v3, v0;
	_ =	sdelay $0x1  }
0x10a: {  	v3 =	vperm.xlane v3, v2;
	v4 =	vadd.s32 v1, v4;
	_ =	sdelay $0x1  }
0x10b: {  	v3 =	vadd.s32 v1, v3;
	_ =	sdelay $0x2  }
0x10c: {  	[tilespmem:s8], [sflag:$0x1] =	stream.indirect_vreg.gather [hbm4b:s3+s2], $0x80, v4, vm0, $0xb8;
	[tilespmem:$0x14A00] =	vst v63  }
0x10d: {  	s26 =	simm.s32 $0x1200  }
0x10e: {  	[tilespmem:s26], [sflag:$0x1] =	stream.indirect_vreg.gather [hbm4b:s3+s2], $0x80, v3, vm0, $0xb8;
	[tilespmem:$0x14A00] =	vst v63  }
0x10f: {  	v3 =	vld [tilespmem:s23+$0xFFFFFF80];
	_ =	sdelay $0x4  }
0x110: {  	v55 =	vshll.u32 v3, $0x1  }
0x111: {  	v3 =	vand.u32 $0x7, v3;
	v4 =	vand.u32 $0xFFFFFFF0, v55  }
0x112: {  	v3 =	vor.u32 v3, v4  }
0x113: {  	v4 =	vperm.xlane v3, v0;
	_ =	sdelay $0x1  }
0x114: {  	v3 =	vperm.xlane v3, v2;
	v4 =	vadd.s32 v1, v4;
	_ =	sdelay $0x1  }
0x115: {  	v3 =	vadd.s32 v1, v3;
	_ =	sdelay $0x1  }
0x116: {  	s26 =	simm.s32 $0x1A00  }
0x117: {  	[tilespmem:s26], [sflag:$0x1] =	stream.indirect_vreg.gather [hbm4b:s3+s2], $0x80, v4, vm0, $0xb8;
	[tilespmem:$0x14A00] =	vst v63  }
0x118: {  	s26 =	simm.s32 $0x2200  }
0x119: {  	[tilespmem:s26], [sflag:$0x1] =	stream.indirect_vreg.gather [hbm4b:s3+s2], $0x80, v3, vm0, $0xb8;
	[tilespmem:$0x14A00] =	vst v63  }
0x11a: {  	v3 =	vld [tilespmem:s23+$0xFFFFFF90];
	_ =	sdelay $0x4  }
0x11b: {  	v56 =	vshll.u32 v3, $0x1  }
0x11c: {  	v3 =	vand.u32 $0x7, v3;
	v4 =	vand.u32 $0xFFFFFFF0, v56  }
0x11d: {  	v3 =	vor.u32 v3, v4  }
0x11e: {  	v4 =	vperm.xlane v3, v0;
	_ =	sdelay $0x1  }
0x11f: {  	v3 =	vperm.xlane v3, v2;
	v4 =	vadd.s32 v1, v4;
	_ =	sdelay $0x1  }
0x120: {  	v3 =	vadd.s32 v1, v3;
	_ =	sdelay $0x1  }
0x121: {  	s26 =	simm.s32 $0x2A00  }
0x122: {  	[tilespmem:s26], [sflag:$0x1] =	stream.indirect_vreg.gather [hbm4b:s3+s2], $0x80, v4, vm0, $0xb8;
	[tilespmem:$0x14A00] =	vst v63  }
0x123: {  	s26 =	simm.s32 $0x3200  }
0x124: {  	[tilespmem:s26], [sflag:$0x1] =	stream.indirect_vreg.gather [hbm4b:s3+s2], $0x80, v3, vm0, $0xb8;
	[tilespmem:$0x14A00] =	vst v63  }
0x125: {  	v3 =	vld [tilespmem:s23+$0xFFFFFFA0];
	_ =	sdelay $0x4  }
0x126: {  	v57 =	vshll.u32 v3, $0x1  }
0x127: {  	v3 =	vand.u32 $0x7, v3;
	v4 =	vand.u32 $0xFFFFFFF0, v57  }
0x128: {  	v3 =	vor.u32 v3, v4  }
0x129: {  	v4 =	vperm.xlane v3, v0;
	_ =	sdelay $0x1  }
0x12a: {  	v3 =	vperm.xlane v3, v2;
	v4 =	vadd.s32 v1, v4;
	_ =	sdelay $0x1  }
0x12b: {  	v3 =	vadd.s32 v1, v3;
	_ =	sdelay $0x1  }
0x12c: {  	s26 =	simm.s32 $0x3A00  }
0x12d: {  	[tilespmem:s26], [sflag:$0x1] =	stream.indirect_vreg.gather [hbm4b:s3+s2], $0x80, v4, vm0, $0xb8;
	[tilespmem:$0x14A00] =	vst v63  }
0x12e: {  	s26 =	simm.s32 $0x4200  }
0x12f: {  	[tilespmem:s26], [sflag:$0x1] =	stream.indirect_vreg.gather [hbm4b:s3+s2], $0x80, v3, vm0, $0xb8;
	[tilespmem:$0x14A00] =	vst v63  }
0x130: {  	v3 =	vld [tilespmem:s23+$0xFFFFFFB0];
	_ =	sdelay $0x4  }
0x131: {  	v58 =	vshll.u32 v3, $0x1  }
0x132: {  	v3 =	vand.u32 $0x7, v3;
	v4 =	vand.u32 $0xFFFFFFF0, v58  }
0x133: {  	v3 =	vor.u32 v3, v4  }
0x134: {  	v4 =	vperm.xlane v3, v0;
	_ =	sdelay $0x1  }
0x135: {  	v3 =	vperm.xlane v3, v2;
	v4 =	vadd.s32 v1, v4;
	_ =	sdelay $0x1  }
0x136: {  	v3 =	vadd.s32 v1, v3;
	_ =	sdelay $0x1  }
0x137: {  	s26 =	simm.s32 $0x4A00  }
0x138: {  	[tilespmem:s26], [sflag:$0x1] =	stream.indirect_vreg.gather [hbm4b:s3+s2], $0x80, v4, vm0, $0xb8;
	[tilespmem:$0x14A00] =	vst v63  }
0x139: {  	s26 =	simm.s32 $0x5200  }
0x13a: {  	[tilespmem:s26], [sflag:$0x1] =	stream.indirect_vreg.gather [hbm4b:s3+s2], $0x80, v3, vm0, $0xb8;
	[tilespmem:$0x14A00] =	vst v63  }
0x13b: {  	v3 =	vld [tilespmem:s23+$0xFFFFFFC0];
	_ =	sdelay $0x4  }
0x13c: {  	v59 =	vshll.u32 v3, $0x1  }
0x13d: {  	v3 =	vand.u32 $0x7, v3;
	v4 =	vand.u32 $0xFFFFFFF0, v59  }
0x13e: {  	v3 =	vor.u32 v3, v4  }
0x13f: {  	v4 =	vperm.xlane v3, v0;
	_ =	sdelay $0x1  }
0x140: {  	v3 =	vperm.xlane v3, v2;
	v4 =	vadd.s32 v1, v4;
	_ =	sdelay $0x1  }
0x141: {  	v3 =	vadd.s32 v1, v3;
	_ =	sdelay $0x1  }
0x142: {  	s26 =	simm.s32 $0x5A00  }
0x143: {  	[tilespmem:s26], [sflag:$0x1] =	stream.indirect_vreg.gather [hbm4b:s3+s2], $0x80, v4, vm0, $0xb8;
	[tilespmem:$0x14A00] =	vst v63  }
0x144: {  	s26 =	simm.s32 $0x6200  }
0x145: {  	[tilespmem:s26], [sflag:$0x1] =	stream.indirect_vreg.gather [hbm4b:s3+s2], $0x80, v3, vm0, $0xb8;
	[tilespmem:$0x14A00] =	vst v63  }
0x146: {  	v3 =	vld [tilespmem:s23+$0xFFFFFFD0];
	_ =	sdelay $0x4  }
0x147: {  	v60 =	vshll.u32 v3, $0x1  }
0x148: {  	v3 =	vand.u32 $0x7, v3;
	v4 =	vand.u32 $0xFFFFFFF0, v60  }
0x149: {  	v3 =	vor.u32 v3, v4  }
0x14a: {  	v4 =	vperm.xlane v3, v0;
	_ =	sdelay $0x1  }
0x14b: {  	v3 =	vperm.xlane v3, v2;
	v4 =	vadd.s32 v1, v4;
	_ =	sdelay $0x1  }
0x14c: {  	v3 =	vadd.s32 v1, v3;
	_ =	sdelay $0x1  }
0x14d: {  	s26 =	simm.s32 $0x6A00  }
0x14e: {  	[tilespmem:s26], [sflag:$0x1] =	stream.indirect_vreg.gather [hbm4b:s3+s2], $0x80, v4, vm0, $0xb8;
	[tilespmem:$0x14A00] =	vst v63  }
0x14f: {  	s26 =	simm.s32 $0x7200  }
0x150: {  	[tilespmem:s26], [sflag:$0x1] =	stream.indirect_vreg.gather [hbm4b:s3+s2], $0x80, v3, vm0, $0xb8;
	[tilespmem:$0x14A00] =	vst v63  }
0x151: {  	v3 =	vld [tilespmem:s23+$0xFFFFFFE0];
	_ =	sdelay $0x4  }
0x152: {  	v61 =	vshll.u32 v3, $0x1  }
0x153: {  	v3 =	vand.u32 $0x7, v3;
	v4 =	vand.u32 $0xFFFFFFF0, v61  }
0x154: {  	v3 =	vor.u32 v3, v4  }
0x155: {  	v4 =	vperm.xlane v3, v0;
	_ =	sdelay $0x1  }
0x156: {  	v3 =	vperm.xlane v3, v2;
	v4 =	vadd.s32 v1, v4;
	_ =	sdelay $0x1  }
0x157: {  	v3 =	vadd.s32 v1, v3;
	_ =	sdelay $0x1  }
0x158: {  	s26 =	simm.s32 $0x7A00  }
0x159: {  	[tilespmem:s26], [sflag:$0x1] =	stream.indirect_vreg.gather [hbm4b:s3+s2], $0x80, v4, vm0, $0xb8;
	[tilespmem:$0x14A00] =	vst v63  }
0x15a: {  	s26 =	simm.s32 $0x8200  }
0x15b: {  	[tilespmem:s26], [sflag:$0x1] =	stream.indirect_vreg.gather [hbm4b:s3+s2], $0x80, v3, vm0, $0xb8;
	[tilespmem:$0x14A00] =	vst v63  }
0x15c: {  	v3 =	vld [tilespmem:s23+$0xFFFFFFF0];
	_ =	sdelay $0x4  }
0x15d: {  	v62 =	vshll.u32 v3, $0x1  }
0x15e: {  	v3 =	vand.u32 $0x7, v3;
	v4 =	vand.u32 $0xFFFFFFF0, v62  }
0x15f: {  	v3 =	vor.u32 v3, v4  }
0x160: {  	v4 =	vperm.xlane v3, v0;
	_ =	sdelay $0x1  }
0x161: {  	v3 =	vperm.xlane v3, v2;
	v4 =	vadd.s32 v1, v4;
	_ =	sdelay $0x1  }
0x162: {  	v3 =	vadd.s32 v1, v3;
	_ =	sdelay $0x1  }
0x163: {  	s26 =	simm.s32 $0x8A00  }
0x164: {  	[tilespmem:s26], [sflag:$0x1] =	stream.indirect_vreg.gather [hbm4b:s3+s2], $0x80, v4, vm0, $0xb8;
	[tilespmem:$0x14A00] =	vst v63  }
0x165: {  	s26 =	simm.s32 $0x9200  }
0x166: {  	[tilespmem:s26], [sflag:$0x1] =	stream.indirect_vreg.gather [hbm4b:s3+s2], $0x80, v3, vm0, $0xb8;
	[tilespmem:$0x14A00] =	vst v63  }
0x167: {  	v3 =	vld [tilespmem:s23+$0x0];
	_ =	sdelay $0x4  }
0x168: {  	v63 =	vshll.u32 v3, $0x1  }
0x169: {  	v3 =	vand.u32 $0x7, v3;
	v4 =	vand.u32 $0xFFFFFFF0, v63  }
0x16a: {  	v3 =	vor.u32 v3, v4  }
0x16b: {  	v4 =	vperm.xlane v3, v0;
	_ =	sdelay $0x1  }
0x16c: {  	v3 =	vperm.xlane v3, v2;
	v4 =	vadd.s32 v1, v4;
	_ =	sdelay $0x1  }
0x16d: {  	v3 =	vadd.s32 v1, v3  }
.Ltmp7:
0x16e: {  	_ = 	snop;
	(pc) =	sbr.rel .LBB2_6-.Ltmp7, $4  }
0x16f: {  	s26 =	simm.s32 $0x9A00  }
0x170: {  	[tilespmem:s26], [sflag:$0x1] =	stream.indirect_vreg.gather [hbm4b:s3+s2], $0x80, v4, vm0, $0xb8;
	[tilespmem:$0x14A00] =	vst v63  }
0x171: {  	_ = 	snop  }
0x172: {  	[tilespmem:s28], [sflag:$0x1] =	stream.indirect_vreg.gather [hbm4b:s3+s2], $0x80, v3, vm0, $0xb8;
	[tilespmem:$0x14A00] =	vst v63  }
.LBB2_9:
0x173: {  	_ =	sfence.sel $0x180000  }
0x174: {  	[bflag:$0x0] =	sbarrier.arrive $0xFFFF  }
0x175: {  	_ =	strace $0x9000004D  }
0x176: {  	s0 =	stileid.u32;
	[bflag:$0x2] =	sbarrier.arrive $0xFFFF  }
0x177: {  	p0 =	sne.s32 s0, $0x0;
	s0 =	rddreg [dreg:$0x1]  }
0x178: {  	s0 =	sadd.s32 @!p0 $0x100000, s0  }
0x179: {  	[sflag:s0] =	ssyncadd.tile.s32 @!p0 $0x1;
	_ =	shalt  }
.Lfunc_end2:
_tile_overlayer_lowered:
.L_overlay_start_2:
0x17a: {  	(tag) =	ssettag $0x2  }
0x17b: {  	s0 =	rddreg [dreg:$0x0];
	s2 =	stileid.u32  }
0x17c: {  	s1 =	rddreg [dreg:$0x1];
	p0 =	sne.s32 s2, $0x0  }
0x17d: {  	s3 =	rddreg [dreg:$0x2];
	[bflag:$0x3] =	sbarrier.arrive $0xFFFF;
	s2 =	simm.s32 @!p0 $0x1C03  }
0x17e: {  	[timem:s3], [sflag:s2] =	dma.local @!p0 [hbm:s0], s1  }
0x17f: {  	s0 =	simm.s32 @!p0 $0x3  }
0x180: {  	_ =	swait.ge @!p0 [sflag:s0], s1  }
0x181: {  	s1 =	ssub.s32 @!p0 $0x0, s1;
	[sflag:s0] =	ssyncset.done @!p0 $0x0  }
0x182: {  	[sflag:s0] =	ssyncadd.s32 @!p0 s1  }
0x183: {  	[bflag:$0x3] =	sbarrier.arrive $0xFFFF  }
0x184: {  	_ =	shalt  }

// kernel: kernel.29.cloned.1.call-start
scs
__scs_entry_jumppad:
0x0: {  	(pc) =	sbr.rel $0x88, $3  }
0x1: {  	(tag) =	ssettag $0x0;
	lr =	simm.s32 $0x1  }
0x2: {  	[smem:$0x3F8C] =	sst lr;
	_ =	strace $0xD0000000  }
0x3: {  	_ = 	snop  }
0x4: {  	_ = 	snop  }
0x5: {  	_ = 	snop  }
0x6: {  	_ = 	snop  }
0x7: {  	_ = 	snop  }
__scs_overlays_trampoline_lowered:
0x8: {  	[smem:$0x3F9B] =	sst s0  }
0x9: {  	[smem:$0x3F9C] =	sst s1  }
0xa: {  	[smem:$0x3F9D] =	sst s2  }
0xb: {  	[smem:$0x3F9E] =	sst s3  }
0xc: {  	[smem:$0x3F9F] =	sst s4  }
0xd: {  	[smem:$0x3FA0] =	sst s5  }
0xe: {  	[smem:$0x3FA1] =	sst s6  }
0xf: {  	[smem:$0x3FA2] =	sst s7  }
0x10: {  	[smem:$0x3FA3] =	sst s8  }
0x11: {  	[smem:$0x3FA4] =	sst s9;
	s0 =	simm.s32 @!p0 $0x0  }
0x12: {  	s1 =	sld [smem:$0x3F8A];
	s0 =	simm.s32 @p0 $0x1  }
0x13: {  	[smem:$0x3FA5] =	sst s0;
	s0 =	simm.s32 @!p1 $0x0  }
0x14: {  	s2 =	sld [smem:$0x3F89];
	s0 =	simm.s32 @p1 $0x1  }
0x15: {  	[smem:$0x3FA6] =	sst s0;
	s0 =	simm.s32 @!p2 $0x0  }
0x16: {  	s3 =	sld [smem:$0x3FDB];
	s0 =	simm.s32 @p2 $0x1  }
0x17: {  	s4 =	simm.s32 $0x1BF5;
	[smem:$0x3FA8] =	sst s0  }
0x18: {  	s0 =	sld [smem:$0x3F8B];
	_ =	swait.ge [sflag:s4], $0x0  }
0x19: {  	s7 =	sld [smem:$0x3F8C]  }
0x1a: {  	s8 =	sadd.s32 $0xFFFFE003, lr  }
0x1b: {  	s9 =	sadd.s32 $0xFFFFFEF7, lr;
	s5 =	simm.s32 $0xFFFFFFFF;
	p2 =	slt.u32 s8, $0xFFFFF086  }
0x1c: {  	p1 =	slt.u32 s9, $0xF7A;
	s5 =	simm.s32 @!p2 $0x0  }
0x1d: {  	s5 =	simm.s32 @p1 $0x1;
	p0 =	seq.s32 s7, s2  }
0x1e: {  	s7 =	smul.u32 @!p0 $0xF7A, s2;
	p2 =	seq.s32 @!p0 s5, $0x0  }
0x1f: {  	s9 =	smul.u32 $0xF7A, s1;
	s8 =	simm.s32 @!p0 $0x1BF5;
	p2 =	por !p2, p0  }
0x20: {  	[sflag:s8] =	ssyncset.s32 @!p0 $0xFFFFF086;
	s6 =	sadd.s32 @!p0 s3, s7;
	s7 =	simm.s32 @!p0 $0x108  }
0x21: {  	s3 =	sadd.s32 s3, s9;
	s6 =	sadd.s32 @!p0 $0x88, s6;
	s7 =	simm.s32 @p2 $0x1082  }
0x22: {  	[simem:s7], [sflag:s8] =	dma.local @!p0 [hbm:s6], $0xF7A  }
0x23: {  	s9 =	sor.u32 $0xD0000000, s2;
	s6 =	simm.s32 $0x108;
	_ =	swait.ge @!p0 [sflag:s8], $0x0  }
0x24: {  	s3 =	sadd.s32 $0x88, s3;
	s6 =	simm.s32 @!p1 $0x1082;
	[sflag:s4] =	ssyncset.s32 $0xFFFFF086  }
0x25: {  	[simem:s6], [sflag:s4] =	dma.local [hbm:s3], $0xF7A  }
0x26: {  	[smem:$0x3F8C] =	sst s1;
	(tag) =	ssettag s2;
	_ =	strace s9  }
0x27: {  	s1 =	sld [smem:$0x3F9C]  }
0x28: {  	s2 =	sld [smem:$0x3F9D]  }
0x29: {  	s4 =	sld [smem:$0x3F9F]  }
0x2a: {  	p0 =	seq.s32 s5, $0x0;
	s5 =	sld [smem:$0x3FA0]  }
0x2b: {  	s6 =	sld [smem:$0x3FA1]  }
0x2c: {  	s7 =	sld [smem:$0x3FA2]  }
0x2d: {  	s3 =	simm.s32 $0x108;
	s8 =	sld [smem:$0x3FA3]  }
0x2e: {  	s3 =	simm.s32 @!p0 $0x1082;
	s9 =	sld [smem:$0x3FA4]  }
0x2f: {  	lr =	sadd.s32 s0, s3;
	s0 =	sld [smem:$0x3F9B]  }
0x30: {  	s3 =	sld [smem:$0x3F9E]  }
0x31: {  	[smem:$0x3FA7] =	sst s10  }
0x32: {  	s10 =	sld [smem:$0x3FA5];
	_ =	sdelay $0x3  }
0x33: {  	p0 =	seq.s32 s10, $0x1;
	s10 =	sld [smem:$0x3FA7];
	_ =	sdelay $0x3  }
0x34: {  	[smem:$0x3FA7] =	sst s10  }
0x35: {  	s10 =	sld [smem:$0x3FA6];
	_ =	sdelay $0x3  }
0x36: {  	p1 =	seq.s32 s10, $0x1;
	s10 =	sld [smem:$0x3FA7];
	_ =	sdelay $0x3  }
0x37: {  	[smem:$0x3FA7] =	sst s10  }
0x38: {  	s10 =	sld [smem:$0x3FA8]  }
0x39: {  	_ = 	snop;
	(pc) =	sbr.ind lr, $3  }
0x3a: {  	_ = 	snop  }
0x3b: {  	_ = 	snop  }
0x3c: {  	p2 =	seq.s32 s10, $0x1;
	s10 =	sld [smem:$0x3FA7]  }
0x3d: {  	_ =	shalt  }
0x3e: {  	_ =	shalt  }
0x3f: {  	_ =	shalt  }
0x40: {  	_ =	shalt  }
0x41: {  	_ =	shalt  }
0x42: {  	_ =	shalt  }
0x43: {  	_ =	shalt  }
0x44: {  	_ =	shalt  }
0x45: {  	_ =	shalt  }
0x46: {  	_ =	shalt  }
0x47: {  	_ =	shalt  }
0x48: {  	_ =	shalt  }
0x49: {  	_ =	shalt  }
0x4a: {  	_ =	shalt  }
0x4b: {  	_ =	shalt  }
0x4c: {  	_ =	shalt  }
0x4d: {  	_ =	shalt  }
0x4e: {  	_ =	shalt  }
0x4f: {  	_ =	shalt  }
0x50: {  	_ =	shalt  }
0x51: {  	_ =	shalt  }
0x52: {  	_ =	shalt  }
0x53: {  	_ =	shalt  }
0x54: {  	_ =	shalt  }
0x55: {  	_ =	shalt  }
0x56: {  	_ =	shalt  }
0x57: {  	_ =	shalt  }
0x58: {  	_ =	shalt  }
0x59: {  	_ =	shalt  }
0x5a: {  	_ =	shalt  }
0x5b: {  	_ =	shalt  }
0x5c: {  	_ =	shalt  }
0x5d: {  	_ =	shalt  }
0x5e: {  	_ =	shalt  }
0x5f: {  	_ =	shalt  }
0x60: {  	_ =	shalt  }
0x61: {  	_ =	shalt  }
0x62: {  	_ =	shalt  }
0x63: {  	_ =	shalt  }
0x64: {  	_ =	shalt  }
0x65: {  	_ =	shalt  }
0x66: {  	_ =	shalt  }
0x67: {  	_ =	shalt  }
0x68: {  	_ =	shalt  }
0x69: {  	_ =	shalt  }
0x6a: {  	_ =	shalt  }
0x6b: {  	_ =	shalt  }
0x6c: {  	_ =	shalt  }
0x6d: {  	_ =	shalt  }
0x6e: {  	_ =	shalt  }
0x6f: {  	_ =	shalt  }
0x70: {  	_ =	shalt  }
0x71: {  	_ =	shalt  }
0x72: {  	_ =	shalt  }
0x73: {  	_ =	shalt  }
0x74: {  	_ =	shalt  }
0x75: {  	_ =	shalt  }
0x76: {  	_ =	shalt  }
0x77: {  	_ =	shalt  }
0x78: {  	_ =	shalt  }
0x79: {  	_ =	shalt  }
0x7a: {  	_ =	shalt  }
0x7b: {  	_ =	shalt  }
0x7c: {  	_ =	shalt  }
0x7d: {  	_ =	shalt  }
0x7e: {  	_ =	shalt  }
0x7f: {  	_ =	shalt  }
0x80: {  	_ =	shalt  }
0x81: {  	_ =	shalt  }
0x82: {  	_ =	shalt  }
0x83: {  	_ =	shalt  }
0x84: {  	_ =	shalt  }
0x85: {  	_ =	shalt  }
0x86: {  	_ =	shalt  }
0x87: {  	_ =	shalt  }
.Lfunc_end0:
.L_simem_size_0:
called_computation.3_lowered:
.L_overlay_start_0:
0x88: {  	s2 =	sld [smem:$0x3FD9]  }
0x89: {  	s3 =	sld [smem:$0x3FFE];
	_ =	sdelay $0x1  }
0x8a: {  	s1 =	srdreg.scid  }
0x8b: {  	s0 =	sand.u32 $0x1, s1  }
0x8c: {  	s16 =	sshll.u32 s0, $0xA;
	s2 =	sadd.s32 s3, s2  }
0x8d: {  	s2 =	sadd.s32 s2, s16  }
0x8e: {  	[smem:$0x3FB3] =	sst s2  }
0x8f: {  	_ = 	snop  }
0x90: {  	(tm) =	ssettm $0x1  }
0x91: {  	s17 =	sld [smem:$0x3FFB];
	_ =	sdelay $0x3  }
0x92: {  	_ =	strace s17  }
0x93: {  	s2 =	sld [smem:$0x3FFC];
	_ =	sdelay $0x3  }
0x94: {  	_ =	strace s2  }
0x95: {  	s2 =	sld [smem:$0x3FFD];
	_ =	sdelay $0x3  }
0x96: {  	_ =	strace s2  }
0x97: {  	_ =	strace $0x8FFFFFFF  }
0x98: {  	s18 =	sld [smem:$0x3FDB];
	_ =	sdelay $0x1  }
0x99: {  	s19 =	simm.s32 $_scs_section_size  }
0x9a: {  	s4 =	simm.s32 $_size__tile_overlayer_lowered;
	s5 =	simm.s32 $_tile_overlayer_lowered  }
0x9b: {  	s22 =	simm.s32 $0x1BFF;
	s21 =	sshll.u32 s5, $0x1;
	s2 =	sadd.s32 s19, s18  }
0x9c: {  	s6 =	simm.s32 $0x0;
	s20 =	sshll.u32 s4, $0x1;
	s4 =	sadd.s32 s21, s2  }
0x9d: {  	[timem:s6], [sflag:s22] =	dma.local [hbm:s4], s20  }
0x9e: {  	_ =	swait.ge [sflag:s22], s20  }
0x9f: {  	s3 =	ssub.s32 $0x0, s20;
	[sflag:s22] =	ssyncset.done $0x0  }
0xa0: {  	[sflag:s22] =	ssyncadd.s32 s3;
	_ =	sdelay $0x1  }
0xa1: {  	s23 =	simm.s32 $0x1B8B  }
0xa2: {  	_ =	swait.ge [sflag:s23], $0x1  }
0xa3: {  	[sflag:s23] =	ssyncset.done $0x0  }
0xa4: {  	s25 =	simm.s32 $0x1B8E;
	s24 =	sld [smem:$0x3FFE];
	[sflag:s23] =	ssyncadd.s32 $0xFFFFFFFF  }
0xa5: {  	s26 =	simm.s32 $execute0_lowered;
	[smem:$0x3FD2] =	sst s25  }
0xa6: {  	s4 =	sshll.u32 s26, $0x1;
	_ =	strace $0x8000004F;
	[dreg:$0x1] =	wrdreg $0xFFFFFFFF  }
0xa7: {  	s28 =	simm.s32 $_size_execute0_lowered;
	s2 =	sadd.s32 s2, s4;
	[dreg:$0x0] =	wrdreg $0x0  }
0xa8: {  	s4 =	sshll.u32 s28, $0x1;
	[dreg:$0x2] =	wrdreg s2  }
0xa9: {  	[dreg:$0x3] =	wrdreg s4  }
0xaa: {  	[dreg:$0x4] =	wrdreg $0xC0  }
0xab: {  	_ =	task [dreg:s6], $0x5FFFF  }
0xac: {  	[dreg:$0x1] =	wrdreg $0xFFFFFFFF  }
0xad: {  	[dreg:$0x0] =	wrdreg $0x60  }
0xae: {  	[dreg:$0x2] =	wrdreg s24  }
0xaf: {  	[dreg:$0x3] =	wrdreg $0x9  }
0xb0: {  	_ =	task.clear_ibuf [dreg:s6], $0x4FFFF;
	_ =	strace $0x9000004F  }
0xb1: {  	s29 =	simm.s32 $0x9;
	_ =	strace $0x80000051  }
0xb2: {  	_ =	swait.ge [sflag:s29], $0x1  }
0xb3: {  	[sflag:s29] =	ssyncadd.s32 $0xFFFFFFFF  }
0xb4: {  	_ =	strace $0x90000051  }
0xb5: {  	_ =	sfence  }
0xb6: {  	s30 =	sld [smem:$0x0];
	_ =	sdelay $0x2  }
0xb7: {  	s31 =	sshll.u32 s1, $0xD;
	s1 =	sshrl.u32 s1, $0x2  }
0xb8: {  	s3 =	sand.u32 $0x4000, s31;
	s1 =	sadd.s32 s1, s30  }
0xb9: {  	s0 =	sor.u32 s3, s0;
	s1 =	sshll.u32 s1, $0x11  }
0xba: {  	s0 =	sor.u32 s1, s0  }
0xbb: {  	s0 =	sadd.s32 $0x8F2B, s0  }
0xbc: {  	[sflag:s0] =	ssyncadd.remote.s32 $0x1  }
0xbd: {  	_ =	sfence.sel $0xFFFF  }
0xbe: {  	[dreg:$0x0] =	wrdreg $0xFFFFFFFF;
	(pc) =	sbr.abs _section_cstart, $3  }
0xbf: {  	[dreg:$0x1] =	wrdreg $0xFFFFFFFF  }
0xc0: {  	_ =	task.clear_ibuf [dreg:s6], $0x2FFFF;
	_ =	strace $0x9FFFFFFF  }
0xc1: {  	(tm) =	ssettm $0x7FFFFFFF  }
tec
execute0_lowered:
.L_overlay_start_1:
0x0: {  	(tag) =	ssettag $0x1  }
0x1: {  	s0 =	rddreg [dreg:$0x0]  }
0x2: {  	s1 =	srdreg.scid;
	s5 =	stileid.u32;
	s2 =	simm.s32 $0x0  }
0x3: {  	s8 =	simm.s32 $0xA00;
	s28 =	simm.s32 $0xA200;
	s29 =	simm.s32 $0xAA00  }
0x4: {  	s30 =	simm.s32 $0xB200;
	s31 =	simm.s32 $0xBA00;
	s9 =	simm.s32 $0xF200  }
0x5: {  	s10 =	simm.s32 $0xFA00;
	s11 =	simm.s32 $0x10200;
	s12 =	simm.s32 $0x10A00  }
0x6: {  	s13 =	simm.s32 $0x11200;
	s14 =	simm.s32 $0x11A00;
	s15 =	simm.s32 $0x12200  }
0x7: {  	s16 =	simm.s32 $0x12A00;
	s17 =	simm.s32 $0x13200;
	s18 =	simm.s32 $0x13A00  }
0x8: {  	s19 =	simm.s32 $0x14200;
	s20 =	simm.s32 $0x1;
	s21 =	simm.s32 $0x2  }
0x9: {  	s22 =	simm.s32 $0x0;
	s1 =	sand.u32 $0x1, s1;
	s3 =	sshll.u32 s5, $0x1  }
0xa: {  	[smem:$0x7FF] =	sst s2;
	s5 =	smul.u32 $0x28000, s5;
	s3 =	sor.u32 s1, s3  }
0xb: {  	_ =	strace $0x80000050;
	s6 =	ssub.s32 $0x2, s1;
	s1 =	smul.u32 $0x14000, s1  }
0xc: {  	s4 =	smul.u32 $0xA00, s3;
	s3 =	sadd.s32 $0x44E00, s0;
	s7 =	sshrl.u32 s6, $0x1  }
0xd: {  	s25 =	ssub.s32 s6, s7;
	s6 =	simm.s32 $0xE200;
	s7 =	simm.s32 $0xEA00  }
.Ltmp0:
0xe: {  	s4 =	sshrl.u32 s4, $0x3;
	s26 =	smax.u32 s25, $0x1;
	(pc) =	sbr.rel .LBB2_1-.Ltmp0, $4  }
0xf: {  	s4 =	sadd.s32 s4, s0;
	s0 =	sadd.s32 s5, s0;
	[dreg:$0x3] =	wrdreg s26  }
0x10: {  	v2 =	vlaneseq.u32;
	s5 =	simm.s32 $0xDA00;
	s4 =	sadd.s32 $0x64E00, s4;
	s0 =	sadd.s32 s1, s0  }
0x11: {  	vm0 =	vmmov $0xffff;
	v1 =	vshrl.u32 v2, $0x3;
	s1 =	simm.s32 $0xCA00;
	[dreg:$0x2] =	wrdreg s4;
	s0 =	sadd.s32 $0x67600, s0  }
0x12: {  	v0 =	vand.u32 $0x7, v2;
	v2 =	vor.u32 $0x8, v2;
	v1 =	vmul.u32 $0x8, v1;
	s4 =	simm.s32 $0xD200;
	[dreg:$0x4] =	wrdreg s0;
	s0 =	simm.s32 $0xC200  }
.LBB2_8:
0x13: {  	s22 =	sadd.s32 $0x1, s22;
	s23 =	rddreg [dreg:$0x3]  }
0x14: {  	p0 =	sne.s32 s22, s23  }
.Ltmp1:
0x15: {  	_ = 	snop;
	(pc) =	sbr.rel @!p0 .LBB2_9-.Ltmp1, $1  }
0x16: {  	_ =	sdelay $0x3  }
.LBB2_1:
0x17: {  	s23 =	rddreg [dreg:$0x2];
	s26 =	simm.s32 $0x3  }
0x18: {  	[tilespmem:s2], [sflag:$0x3] =	stream.linear.gather [hbm4b:s23+s2], $0xA00, $0x38;
	[tilespmem:$0x14A00] =	vst v63  }
0x19: {  	_ =	swait.ge [sflag:s26], $0xA00  }
0x1a: {  	[sflag:s26] =	ssyncset.done $0x0  }
0x1b: {  	[sflag:s26] =	ssyncadd.s32 $0xFFFFF600  }
0x1c: {  	v3 =	vld [tilespmem:$0x0];
	_ =	sdelay $0x4  }
0x1d: {  	v4 =	vshll.u32 v3, $0x1  }
0x1e: {  	v3 =	vand.u32 $0x7, v3;
	v4 =	vand.u32 $0xFFFFFFF0, v4  }
0x1f: {  	v3 =	vor.u32 v3, v4  }
0x20: {  	v4 =	vperm.xlane v3, v0;
	_ =	sdelay $0x1  }
0x21: {  	v3 =	vperm.xlane v3, v2;
	v4 =	vadd.s32 v1, v4;
	_ =	sdelay $0x1  }
0x22: {  	v3 =	vadd.s32 v1, v3;
	_ =	sdelay $0x2  }
0x23: {  	[tilespmem:s8], [sflag:$0x1] =	stream.indirect_vreg.gather [hbm4b:s3+s2], $0x80, v4, vm0, $0xb8;
	[tilespmem:$0x14A00] =	vst v63  }
0x24: {  	s24 =	simm.s32 $0x1200  }
0x25: {  	[tilespmem:s24], [sflag:$0x1] =	stream.indirect_vreg.gather [hbm4b:s3+s2], $0x80, v3, vm0, $0xb8;
	[tilespmem:$0x14A00] =	vst v63  }
0x26: {  	v3 =	vld [tilespmem:$0x10];
	_ =	sdelay $0x4  }
0x27: {  	v55 =	vshll.u32 v3, $0x1  }
0x28: {  	v3 =	vand.u32 $0x7, v3;
	v4 =	vand.u32 $0xFFFFFFF0, v55  }
0x29: {  	v3 =	vor.u32 v3, v4  }
0x2a: {  	v4 =	vperm.xlane v3, v0;
	_ =	sdelay $0x1  }
0x2b: {  	v3 =	vperm.xlane v3, v2;
	v4 =	vadd.s32 v1, v4;
	_ =	sdelay $0x1  }
0x2c: {  	v3 =	vadd.s32 v1, v3;
	_ =	sdelay $0x1  }
0x2d: {  	s25 =	simm.s32 $0x1A00  }
0x2e: {  	[tilespmem:s25], [sflag:$0x1] =	stream.indirect_vreg.gather [hbm4b:s3+s2], $0x80, v4, vm0, $0xb8;
	[tilespmem:$0x14A00] =	vst v63  }
0x2f: {  	s26 =	simm.s32 $0x2200  }
0x30: {  	[tilespmem:s26], [sflag:$0x1] =	stream.indirect_vreg.gather [hbm4b:s3+s2], $0x80, v3, vm0, $0xb8;
	[tilespmem:$0x14A00] =	vst v63  }
0x31: {  	v3 =	vld [tilespmem:$0x20];
	_ =	sdelay $0x4  }
0x32: {  	v56 =	vshll.u32 v3, $0x1  }
0x33: {  	v3 =	vand.u32 $0x7, v3;
	v4 =	vand.u32 $0xFFFFFFF0, v56  }
0x34: {  	v3 =	vor.u32 v3, v4  }
0x35: {  	v4 =	vperm.xlane v3, v0;
	_ =	sdelay $0x1  }
0x36: {  	v3 =	vperm.xlane v3, v2;
	v4 =	vadd.s32 v1, v4;
	_ =	sdelay $0x1  }
0x37: {  	v3 =	vadd.s32 v1, v3;
	_ =	sdelay $0x1  }
0x38: {  	s24 =	simm.s32 $0x2A00  }
0x39: {  	[tilespmem:s24], [sflag:$0x1] =	stream.indirect_vreg.gather [hbm4b:s3+s2], $0x80, v4, vm0, $0xb8;
	[tilespmem:$0x14A00] =	vst v63  }
0x3a: {  	s25 =	simm.s32 $0x3200  }
0x3b: {  	[tilespmem:s25], [sflag:$0x1] =	stream.indirect_vreg.gather [hbm4b:s3+s2], $0x80, v3, vm0, $0xb8;
	[tilespmem:$0x14A00] =	vst v63  }
0x3c: {  	v3 =	vld [tilespmem:$0x30];
	_ =	sdelay $0x4  }
0x3d: {  	v57 =	vshll.u32 v3, $0x1  }
0x3e: {  	v3 =	vand.u32 $0x7, v3;
	v4 =	vand.u32 $0xFFFFFFF0, v57  }
0x3f: {  	v3 =	vor.u32 v3, v4  }
0x40: {  	v4 =	vperm.xlane v3, v0;
	_ =	sdelay $0x1  }
0x41: {  	v3 =	vperm.xlane v3, v2;
	v4 =	vadd.s32 v1, v4;
	_ =	sdelay $0x1  }
0x42: {  	v3 =	vadd.s32 v1, v3;
	_ =	sdelay $0x1  }
0x43: {  	s26 =	simm.s32 $0x3A00  }
0x44: {  	[tilespmem:s26], [sflag:$0x1] =	stream.indirect_vreg.gather [hbm4b:s3+s2], $0x80, v4, vm0, $0xb8;
	[tilespmem:$0x14A00] =	vst v63  }
0x45: {  	s24 =	simm.s32 $0x4200  }
0x46: {  	[tilespmem:s24], [sflag:$0x1] =	stream.indirect_vreg.gather [hbm4b:s3+s2], $0x80, v3, vm0, $0xb8;
	[tilespmem:$0x14A00] =	vst v63  }
0x47: {  	v3 =	vld [tilespmem:$0x40];
	_ =	sdelay $0x4  }
0x48: {  	v58 =	vshll.u32 v3, $0x1  }
0x49: {  	v3 =	vand.u32 $0x7, v3;
	v4 =	vand.u32 $0xFFFFFFF0, v58  }
0x4a: {  	v3 =	vor.u32 v3, v4  }
0x4b: {  	v4 =	vperm.xlane v3, v0;
	_ =	sdelay $0x1  }
0x4c: {  	v3 =	vperm.xlane v3, v2;
	v4 =	vadd.s32 v1, v4;
	_ =	sdelay $0x1  }
0x4d: {  	v3 =	vadd.s32 v1, v3;
	_ =	sdelay $0x1  }
0x4e: {  	s25 =	simm.s32 $0x4A00  }
0x4f: {  	[tilespmem:s25], [sflag:$0x1] =	stream.indirect_vreg.gather [hbm4b:s3+s2], $0x80, v4, vm0, $0xb8;
	[tilespmem:$0x14A00] =	vst v63  }
0x50: {  	s26 =	simm.s32 $0x5200  }
0x51: {  	[tilespmem:s26], [sflag:$0x1] =	stream.indirect_vreg.gather [hbm4b:s3+s2], $0x80, v3, vm0, $0xb8;
	[tilespmem:$0x14A00] =	vst v63  }
0x52: {  	v3 =	vld [tilespmem:$0x50];
	_ =	sdelay $0x4  }
0x53: {  	v59 =	vshll.u32 v3, $0x1  }
0x54: {  	v3 =	vand.u32 $0x7, v3;
	v4 =	vand.u32 $0xFFFFFFF0, v59  }
0x55: {  	v3 =	vor.u32 v3, v4  }
0x56: {  	v4 =	vperm.xlane v3, v0;
	_ =	sdelay $0x1  }
0x57: {  	v3 =	vperm.xlane v3, v2;
	v4 =	vadd.s32 v1, v4;
	_ =	sdelay $0x1  }
0x58: {  	v3 =	vadd.s32 v1, v3;
	_ =	sdelay $0x1  }
0x59: {  	s24 =	simm.s32 $0x5A00  }
0x5a: {  	[tilespmem:s24], [sflag:$0x1] =	stream.indirect_vreg.gather [hbm4b:s3+s2], $0x80, v4, vm0, $0xb8;
	[tilespmem:$0x14A00] =	vst v63  }
0x5b: {  	s25 =	simm.s32 $0x6200  }
0x5c: {  	[tilespmem:s25], [sflag:$0x1] =	stream.indirect_vreg.gather [hbm4b:s3+s2], $0x80, v3, vm0, $0xb8;
	[tilespmem:$0x14A00] =	vst v63  }
0x5d: {  	v3 =	vld [tilespmem:$0x60];
	_ =	sdelay $0x4  }
0x5e: {  	v60 =	vshll.u32 v3, $0x1  }
0x5f: {  	v3 =	vand.u32 $0x7, v3;
	v4 =	vand.u32 $0xFFFFFFF0, v60  }
0x60: {  	v3 =	vor.u32 v3, v4  }
0x61: {  	v4 =	vperm.xlane v3, v0;
	_ =	sdelay $0x1  }
0x62: {  	v3 =	vperm.xlane v3, v2;
	v4 =	vadd.s32 v1, v4;
	_ =	sdelay $0x1  }
0x63: {  	v3 =	vadd.s32 v1, v3;
	_ =	sdelay $0x1  }
0x64: {  	s26 =	simm.s32 $0x6A00  }
0x65: {  	[tilespmem:s26], [sflag:$0x1] =	stream.indirect_vreg.gather [hbm4b:s3+s2], $0x80, v4, vm0, $0xb8;
	[tilespmem:$0x14A00] =	vst v63  }
0x66: {  	s24 =	simm.s32 $0x7200  }
0x67: {  	[tilespmem:s24], [sflag:$0x1] =	stream.indirect_vreg.gather [hbm4b:s3+s2], $0x80, v3, vm0, $0xb8;
	[tilespmem:$0x14A00] =	vst v63  }
0x68: {  	v3 =	vld [tilespmem:$0x70];
	_ =	sdelay $0x4  }
0x69: {  	v61 =	vshll.u32 v3, $0x1  }
0x6a: {  	v3 =	vand.u32 $0x7, v3;
	v4 =	vand.u32 $0xFFFFFFF0, v61  }
0x6b: {  	v3 =	vor.u32 v3, v4  }
0x6c: {  	v4 =	vperm.xlane v3, v0;
	_ =	sdelay $0x1  }
0x6d: {  	v3 =	vperm.xlane v3, v2;
	v4 =	vadd.s32 v1, v4;
	_ =	sdelay $0x1  }
0x6e: {  	v3 =	vadd.s32 v1, v3;
	_ =	sdelay $0x1  }
0x6f: {  	s25 =	simm.s32 $0x7A00  }
0x70: {  	[tilespmem:s25], [sflag:$0x1] =	stream.indirect_vreg.gather [hbm4b:s3+s2], $0x80, v4, vm0, $0xb8;
	[tilespmem:$0x14A00] =	vst v63  }
0x71: {  	s26 =	simm.s32 $0x8200  }
0x72: {  	[tilespmem:s26], [sflag:$0x1] =	stream.indirect_vreg.gather [hbm4b:s3+s2], $0x80, v3, vm0, $0xb8;
	[tilespmem:$0x14A00] =	vst v63  }
0x73: {  	v3 =	vld [tilespmem:$0x80];
	_ =	sdelay $0x4  }
0x74: {  	v62 =	vshll.u32 v3, $0x1  }
0x75: {  	v3 =	vand.u32 $0x7, v3;
	v4 =	vand.u32 $0xFFFFFFF0, v62  }
0x76: {  	v3 =	vor.u32 v3, v4  }
0x77: {  	v4 =	vperm.xlane v3, v0;
	_ =	sdelay $0x1  }
0x78: {  	v3 =	vperm.xlane v3, v2;
	v4 =	vadd.s32 v1, v4;
	_ =	sdelay $0x1  }
0x79: {  	v3 =	vadd.s32 v1, v3;
	_ =	sdelay $0x1  }
0x7a: {  	s24 =	simm.s32 $0x8A00  }
0x7b: {  	[tilespmem:s24], [sflag:$0x1] =	stream.indirect_vreg.gather [hbm4b:s3+s2], $0x80, v4, vm0, $0xb8;
	[tilespmem:$0x14A00] =	vst v63  }
0x7c: {  	s25 =	simm.s32 $0x9200  }
0x7d: {  	[tilespmem:s25], [sflag:$0x1] =	stream.indirect_vreg.gather [hbm4b:s3+s2], $0x80, v3, vm0, $0xb8;
	[tilespmem:$0x14A00] =	vst v63  }
0x7e: {  	v3 =	vld [tilespmem:$0x90];
	_ =	sdelay $0x4  }
0x7f: {  	v63 =	vshll.u32 v3, $0x1  }
0x80: {  	v3 =	vand.u32 $0x7, v3;
	v4 =	vand.u32 $0xFFFFFFF0, v63  }
0x81: {  	v3 =	vor.u32 v3, v4  }
0x82: {  	v4 =	vperm.xlane v3, v0;
	_ =	sdelay $0x1  }
0x83: {  	v3 =	vperm.xlane v3, v2;
	v4 =	vadd.s32 v1, v4;
	_ =	sdelay $0x1  }
0x84: {  	v3 =	vadd.s32 v1, v3  }
.Ltmp2:
0x85: {  	_ = 	snop;
	(pc) =	sbr.rel .LBB2_2-.Ltmp2, $4  }
0x86: {  	s26 =	simm.s32 $0x9A00  }
0x87: {  	[tilespmem:s26], [sflag:$0x1] =	stream.indirect_vreg.gather [hbm4b:s3+s2], $0x80, v4, vm0, $0xb8;
	[tilespmem:$0x14A00] =	vst v63  }
0x88: {  	s23 =	simm.s32 $0x130;
	s24 =	rddreg [dreg:$0x4];
	s25 =	simm.s32 $0x0  }
0x89: {  	[tilespmem:s28], [sflag:$0x1] =	stream.indirect_vreg.gather [hbm4b:s3+s2], $0x80, v3, vm0, $0xb8;
	[tilespmem:$0x14A00] =	vst v63  }
.LBB2_6:
0x8a: {  	_ =	swait.ge [sflag:s21], $0xA000  }
0x8b: {  	[sflag:s21] =	ssyncset.done $0x0  }
0x8c: {  	s26 =	simm.s32 $0x3;
	[sflag:s21] =	ssyncadd.s32 $0xFFFF6000  }
0x8d: {  	[hbm4b:s24+s2] =	stream.linear.scatter [tilespmem:s29], [sflag:$0x3], $0xA000, $0x38;
	[tilespmem:$0x14A00] =	vst v63  }
.LBB2_7:
0x8e: {  	s25 =	sadd.s32 $0x1, s25  }
0x8f: {  	p0 =	sne.s32 s25, $0x10  }
.Ltmp3:
0x90: {  	_ = 	snop;
	(pc) =	sbr.rel @!p0 .LBB2_8-.Ltmp3, $4  }
0x91: {  	_ = 	snop  }
0x92: {  	_ =	swait.ge [sflag:s26], $0xA000  }
0x93: {  	[sflag:s26] =	ssyncset.done $0x0  }
0x94: {  	s24 =	sadd.s32 $0x1400, s24;
	s23 =	sadd.s32 $0xA0, s23;
	[sflag:s26] =	ssyncadd.s32 $0xFFFF6000  }
.LBB2_2:
0x95: {  	s26 =	sand.u32 $0x1, s25  }
0x96: {  	p0 =	seq.s32 s26, $0x1  }
.Ltmp4:
0x97: {  	_ = 	snop;
	(pc) =	sbr.rel @p0 .LBB2_4-.Ltmp4, $1  }
0x98: {  	_ =	sdelay $0x3  }
0x99: {  	v3 =	vld [tilespmem:s23+$0xFFFFFF70];
	_ =	sdelay $0x4  }
0x9a: {  	v4 =	vshll.u32 v3, $0x1  }
0x9b: {  	v3 =	vand.u32 $0x7, v3;
	v4 =	vand.u32 $0xFFFFFFF0, v4  }
0x9c: {  	v3 =	vor.u32 v3, v4  }
0x9d: {  	v4 =	vperm.xlane v3, v0;
	_ =	sdelay $0x1  }
0x9e: {  	v3 =	vperm.xlane v3, v2;
	v4 =	vadd.s32 v1, v4;
	_ =	sdelay $0x1  }
0x9f: {  	v3 =	vadd.s32 v1, v3;
	_ =	sdelay $0x2  }
0xa0: {  	[tilespmem:s29], [sflag:$0x2] =	stream.indirect_vreg.gather [hbm4b:s3+s2], $0x80, v4, vm0, $0xb8;
	[tilespmem:$0x14A00] =	vst v63  }
0xa1: {  	_ = 	snop  }
0xa2: {  	[tilespmem:s30], [sflag:$0x2] =	stream.indirect_vreg.gather [hbm4b:s3+s2], $0x80, v3, vm0, $0xb8;
	[tilespmem:$0x14A00] =	vst v63  }
0xa3: {  	v3 =	vld [tilespmem:s23+$0xFFFFFF80];
	_ =	sdelay $0x4  }
0xa4: {  	v55 =	vshll.u32 v3, $0x1  }
0xa5: {  	v3 =	vand.u32 $0x7, v3;
	v4 =	vand.u32 $0xFFFFFFF0, v55  }
0xa6: {  	v3 =	vor.u32 v3, v4  }
0xa7: {  	v4 =	vperm.xlane v3, v0;
	_ =	sdelay $0x1  }
0xa8: {  	v3 =	vperm.xlane v3, v2;
	v4 =	vadd.s32 v1, v4;
	_ =	sdelay $0x1  }
0xa9: {  	v3 =	vadd.s32 v1, v3;
	_ =	sdelay $0x2  }
0xaa: {  	[tilespmem:s31], [sflag:$0x2] =	stream.indirect_vreg.gather [hbm4b:s3+s2], $0x80, v4, vm0, $0xb8;
	[tilespmem:$0x14A00] =	vst v63  }
0xab: {  	_ = 	snop  }
0xac: {  	[tilespmem:s0], [sflag:$0x2] =	stream.indirect_vreg.gather [hbm4b:s3+s2], $0x80, v3, vm0, $0xb8;
	[tilespmem:$0x14A00] =	vst v63  }
0xad: {  	v3 =	vld [tilespmem:s23+$0xFFFFFF90];
	_ =	sdelay $0x4  }
0xae: {  	v56 =	vshll.u32 v3, $0x1  }
0xaf: {  	v3 =	vand.u32 $0x7, v3;
	v4 =	vand.u32 $0xFFFFFFF0, v56  }
0xb0: {  	v3 =	vor.u32 v3, v4  }
0xb1: {  	v4 =	vperm.xlane v3, v0;
	_ =	sdelay $0x1  }
0xb2: {  	v3 =	vperm.xlane v3, v2;
	v4 =	vadd.s32 v1, v4;
	_ =	sdelay $0x1  }
0xb3: {  	v3 =	vadd.s32 v1, v3;
	_ =	sdelay $0x2  }
0xb4: {  	[tilespmem:s1], [sflag:$0x2] =	stream.indirect_vreg.gather [hbm4b:s3+s2], $0x80, v4, vm0, $0xb8;
	[tilespmem:$0x14A00] =	vst v63  }
0xb5: {  	_ = 	snop  }
0xb6: {  	[tilespmem:s4], [sflag:$0x2] =	stream.indirect_vreg.gather [hbm4b:s3+s2], $0x80, v3, vm0, $0xb8;
	[tilespmem:$0x14A00] =	vst v63  }
0xb7: {  	v3 =	vld [tilespmem:s23+$0xFFFFFFA0];
	_ =	sdelay $0x4  }
0xb8: {  	v57 =	vshll.u32 v3, $0x1  }
0xb9: {  	v3 =	vand.u32 $0x7, v3;
	v4 =	vand.u32 $0xFFFFFFF0, v57  }
0xba: {  	v3 =	vor.u32 v3, v4  }
0xbb: {  	v4 =	vperm.xlane v3, v0;
	_ =	sdelay $0x1  }
0xbc: {  	v3 =	vperm.xlane v3, v2;
	v4 =	vadd.s32 v1, v4;
	_ =	sdelay $0x1  }
0xbd: {  	v3 =	vadd.s32 v1, v3;
	_ =	sdelay $0x2  }
0xbe: {  	[tilespmem:s5], [sflag:$0x2] =	stream.indirect_vreg.gather [hbm4b:s3+s2], $0x80, v4, vm0, $0xb8;
	[tilespmem:$0x14A00] =	vst v63  }
0xbf: {  	_ = 	snop  }
0xc0: {  	[tilespmem:s6], [sflag:$0x2] =	stream.indirect_vreg.gather [hbm4b:s3+s2], $0x80, v3, vm0, $0xb8;
	[tilespmem:$0x14A00] =	vst v63  }
0xc1: {  	v3 =	vld [tilespmem:s23+$0xFFFFFFB0];
	_ =	sdelay $0x4  }
0xc2: {  	v58 =	vshll.u32 v3, $0x1  }
0xc3: {  	v3 =	vand.u32 $0x7, v3;
	v4 =	vand.u32 $0xFFFFFFF0, v58  }
0xc4: {  	v3 =	vor.u32 v3, v4  }
0xc5: {  	v4 =	vperm.xlane v3, v0;
	_ =	sdelay $0x1  }
0xc6: {  	v3 =	vperm.xlane v3, v2;
	v4 =	vadd.s32 v1, v4;
	_ =	sdelay $0x1  }
0xc7: {  	v3 =	vadd.s32 v1, v3;
	_ =	sdelay $0x2  }
0xc8: {  	[tilespmem:s7], [sflag:$0x2] =	stream.indirect_vreg.gather [hbm4b:s3+s2], $0x80, v4, vm0, $0xb8;
	[tilespmem:$0x14A00] =	vst v63  }
0xc9: {  	_ = 	snop  }
0xca: {  	[tilespmem:s9], [sflag:$0x2] =	stream.indirect_vreg.gather [hbm4b:s3+s2], $0x80, v3, vm0, $0xb8;
	[tilespmem:$0x14A00] =	vst v63  }
0xcb: {  	v3 =	vld [tilespmem:s23+$0xFFFFFFC0];
	_ =	sdelay $0x4  }
0xcc: {  	v59 =	vshll.u32 v3, $0x1  }
0xcd: {  	v3 =	vand.u32 $0x7, v3;
	v4 =	vand.u32 $0xFFFFFFF0, v59  }
0xce: {  	v3 =	vor.u32 v3, v4  }
0xcf: {  	v4 =	vperm.xlane v3, v0;
	_ =	sdelay $0x1  }
0xd0: {  	v3 =	vperm.xlane v3, v2;
	v4 =	vadd.s32 v1, v4;
	_ =	sdelay $0x1  }
0xd1: {  	v3 =	vadd.s32 v1, v3;
	_ =	sdelay $0x2  }
0xd2: {  	[tilespmem:s10], [sflag:$0x2] =	stream.indirect_vreg.gather [hbm4b:s3+s2], $0x80, v4, vm0, $0xb8;
	[tilespmem:$0x14A00] =	vst v63  }
0xd3: {  	_ = 	snop  }
0xd4: {  	[tilespmem:s11], [sflag:$0x2] =	stream.indirect_vreg.gather [hbm4b:s3+s2], $0x80, v3, vm0, $0xb8;
	[tilespmem:$0x14A00] =	vst v63  }
0xd5: {  	v3 =	vld [tilespmem:s23+$0xFFFFFFD0];
	_ =	sdelay $0x4  }
0xd6: {  	v60 =	vshll.u32 v3, $0x1  }
0xd7: {  	v3 =	vand.u32 $0x7, v3;
	v4 =	vand.u32 $0xFFFFFFF0, v60  }
0xd8: {  	v3 =	vor.u32 v3, v4  }
0xd9: {  	v4 =	vperm.xlane v3, v0;
	_ =	sdelay $0x1  }
0xda: {  	v3 =	vperm.xlane v3, v2;
	v4 =	vadd.s32 v1, v4;
	_ =	sdelay $0x1  }
0xdb: {  	v3 =	vadd.s32 v1, v3;
	_ =	sdelay $0x2  }
0xdc: {  	[tilespmem:s12], [sflag:$0x2] =	stream.indirect_vreg.gather [hbm4b:s3+s2], $0x80, v4, vm0, $0xb8;
	[tilespmem:$0x14A00] =	vst v63  }
0xdd: {  	_ = 	snop  }
0xde: {  	[tilespmem:s13], [sflag:$0x2] =	stream.indirect_vreg.gather [hbm4b:s3+s2], $0x80, v3, vm0, $0xb8;
	[tilespmem:$0x14A00] =	vst v63  }
0xdf: {  	v3 =	vld [tilespmem:s23+$0xFFFFFFE0];
	_ =	sdelay $0x4  }
0xe0: {  	v61 =	vshll.u32 v3, $0x1  }
0xe1: {  	v3 =	vand.u32 $0x7, v3;
	v4 =	vand.u32 $0xFFFFFFF0, v61  }
0xe2: {  	v3 =	vor.u32 v3, v4  }
0xe3: {  	v4 =	vperm.xlane v3, v0;
	_ =	sdelay $0x1  }
0xe4: {  	v3 =	vperm.xlane v3, v2;
	v4 =	vadd.s32 v1, v4;
	_ =	sdelay $0x1  }
0xe5: {  	v3 =	vadd.s32 v1, v3;
	_ =	sdelay $0x2  }
0xe6: {  	[tilespmem:s14], [sflag:$0x2] =	stream.indirect_vreg.gather [hbm4b:s3+s2], $0x80, v4, vm0, $0xb8;
	[tilespmem:$0x14A00] =	vst v63  }
0xe7: {  	_ = 	snop  }
0xe8: {  	[tilespmem:s15], [sflag:$0x2] =	stream.indirect_vreg.gather [hbm4b:s3+s2], $0x80, v3, vm0, $0xb8;
	[tilespmem:$0x14A00] =	vst v63  }
0xe9: {  	v3 =	vld [tilespmem:s23+$0xFFFFFFF0];
	_ =	sdelay $0x4  }
0xea: {  	v62 =	vshll.u32 v3, $0x1  }
0xeb: {  	v3 =	vand.u32 $0x7, v3;
	v4 =	vand.u32 $0xFFFFFFF0, v62  }
0xec: {  	v3 =	vor.u32 v3, v4  }
0xed: {  	v4 =	vperm.xlane v3, v0;
	_ =	sdelay $0x1  }
0xee: {  	v3 =	vperm.xlane v3, v2;
	v4 =	vadd.s32 v1, v4;
	_ =	sdelay $0x1  }
0xef: {  	v3 =	vadd.s32 v1, v3;
	_ =	sdelay $0x2  }
0xf0: {  	[tilespmem:s16], [sflag:$0x2] =	stream.indirect_vreg.gather [hbm4b:s3+s2], $0x80, v4, vm0, $0xb8;
	[tilespmem:$0x14A00] =	vst v63  }
0xf1: {  	_ = 	snop  }
0xf2: {  	[tilespmem:s17], [sflag:$0x2] =	stream.indirect_vreg.gather [hbm4b:s3+s2], $0x80, v3, vm0, $0xb8;
	[tilespmem:$0x14A00] =	vst v63  }
0xf3: {  	v3 =	vld [tilespmem:s23+$0x0];
	_ =	sdelay $0x4  }
0xf4: {  	v63 =	vshll.u32 v3, $0x1  }
0xf5: {  	v3 =	vand.u32 $0x7, v3;
	v4 =	vand.u32 $0xFFFFFFF0, v63  }
0xf6: {  	v3 =	vor.u32 v3, v4  }
0xf7: {  	v4 =	vperm.xlane v3, v0;
	_ =	sdelay $0x1  }
0xf8: {  	v3 =	vperm.xlane v3, v2;
	v4 =	vadd.s32 v1, v4;
	_ =	sdelay $0x1  }
0xf9: {  	v3 =	vadd.s32 v1, v3;
	_ =	sdelay $0x2  }
0xfa: {  	[tilespmem:s18], [sflag:$0x2] =	stream.indirect_vreg.gather [hbm4b:s3+s2], $0x80, v4, vm0, $0xb8;
	[tilespmem:$0x14A00] =	vst v63  }
0xfb: {  	_ = 	snop  }
0xfc: {  	[tilespmem:s19], [sflag:$0x2] =	stream.indirect_vreg.gather [hbm4b:s3+s2], $0x80, v3, vm0, $0xb8;
	[tilespmem:$0x14A00] =	vst v63  }
.Ltmp5:
0xfd: {  	_ = 	snop;
	(pc) =	sbr.rel .LBB2_7-.Ltmp5, $4  }
0xfe: {  	_ =	swait.ge [sflag:s20], $0xA000  }
0xff: {  	[sflag:s20] =	ssyncset.done $0x0  }
0x100: {  	s26 =	simm.s32 $0x4;
	[sflag:s20] =	ssyncadd.s32 $0xFFFF6000  }
0x101: {  	[hbm4b:s24+s2] =	stream.linear.scatter [tilespmem:s8], [sflag:$0x4], $0xA000, $0x38;
	[tilespmem:$0x14A00] =	vst v63  }
.LBB2_4:
0x102: {  	p0 =	seq.s32 s25, $0xF  }
.Ltmp6:
0x103: {  	_ = 	snop;
	(pc) =	sbr.rel @p0 .LBB2_6-.Ltmp6, $1  }
0x104: {  	_ =	sdelay $0x3  }
0x105: {  	v3 =	vld [tilespmem:s23+$0xFFFFFF70];
	_ =	sdelay $0x4  }
0x106: {  	v4 =	vshll.u32 v3, $0x1  }
0x107: {  	v3 =	vand.u32 $0x7, v3;
	v4 =	vand.u32 $0xFFFFFFF0, v4  }
0x108: {  	v3 =	vor.u32 v3, v4  }
0x109: {  	v4 =	vperm.xlane v3, v0;
	_ =	sdelay $0x1  }
0x10a: {  	v3 =	vperm.xlane v3, v2;
	v4 =	vadd.s32 v1, v4;
	_ =	sdelay $0x1  }
0x10b: {  	v3 =	vadd.s32 v1, v3;
	_ =	sdelay $0x2  }
0x10c: {  	[tilespmem:s8], [sflag:$0x1] =	stream.indirect_vreg.gather [hbm4b:s3+s2], $0x80, v4, vm0, $0xb8;
	[tilespmem:$0x14A00] =	vst v63  }
0x10d: {  	s26 =	simm.s32 $0x1200  }
0x10e: {  	[tilespmem:s26], [sflag:$0x1] =	stream.indirect_vreg.gather [hbm4b:s3+s2], $0x80, v3, vm0, $0xb8;
	[tilespmem:$0x14A00] =	vst v63  }
0x10f: {  	v3 =	vld [tilespmem:s23+$0xFFFFFF80];
	_ =	sdelay $0x4  }
0x110: {  	v55 =	vshll.u32 v3, $0x1  }
0x111: {  	v3 =	vand.u32 $0x7, v3;
	v4 =	vand.u32 $0xFFFFFFF0, v55  }
0x112: {  	v3 =	vor.u32 v3, v4  }
0x113: {  	v4 =	vperm.xlane v3, v0;
	_ =	sdelay $0x1  }
0x114: {  	v3 =	vperm.xlane v3, v2;
	v4 =	vadd.s32 v1, v4;
	_ =	sdelay $0x1  }
0x115: {  	v3 =	vadd.s32 v1, v3;
	_ =	sdelay $0x1  }
0x116: {  	s26 =	simm.s32 $0x1A00  }
0x117: {  	[tilespmem:s26], [sflag:$0x1] =	stream.indirect_vreg.gather [hbm4b:s3+s2], $0x80, v4, vm0, $0xb8;
	[tilespmem:$0x14A00] =	vst v63  }
0x118: {  	s26 =	simm.s32 $0x2200  }
0x119: {  	[tilespmem:s26], [sflag:$0x1] =	stream.indirect_vreg.gather [hbm4b:s3+s2], $0x80, v3, vm0, $0xb8;
	[tilespmem:$0x14A00] =	vst v63  }
0x11a: {  	v3 =	vld [tilespmem:s23+$0xFFFFFF90];
	_ =	sdelay $0x4  }
0x11b: {  	v56 =	vshll.u32 v3, $0x1  }
0x11c: {  	v3 =	vand.u32 $0x7, v3;
	v4 =	vand.u32 $0xFFFFFFF0, v56  }
0x11d: {  	v3 =	vor.u32 v3, v4  }
0x11e: {  	v4 =	vperm.xlane v3, v0;
	_ =	sdelay $0x1  }
0x11f: {  	v3 =	vperm.xlane v3, v2;
	v4 =	vadd.s32 v1, v4;
	_ =	sdelay $0x1  }
0x120: {  	v3 =	vadd.s32 v1, v3;
	_ =	sdelay $0x1  }
0x121: {  	s26 =	simm.s32 $0x2A00  }
0x122: {  	[tilespmem:s26], [sflag:$0x1] =	stream.indirect_vreg.gather [hbm4b:s3+s2], $0x80, v4, vm0, $0xb8;
	[tilespmem:$0x14A00] =	vst v63  }
0x123: {  	s26 =	simm.s32 $0x3200  }
0x124: {  	[tilespmem:s26], [sflag:$0x1] =	stream.indirect_vreg.gather [hbm4b:s3+s2], $0x80, v3, vm0, $0xb8;
	[tilespmem:$0x14A00] =	vst v63  }
0x125: {  	v3 =	vld [tilespmem:s23+$0xFFFFFFA0];
	_ =	sdelay $0x4  }
0x126: {  	v57 =	vshll.u32 v3, $0x1  }
0x127: {  	v3 =	vand.u32 $0x7, v3;
	v4 =	vand.u32 $0xFFFFFFF0, v57  }
0x128: {  	v3 =	vor.u32 v3, v4  }
0x129: {  	v4 =	vperm.xlane v3, v0;
	_ =	sdelay $0x1  }
0x12a: {  	v3 =	vperm.xlane v3, v2;
	v4 =	vadd.s32 v1, v4;
	_ =	sdelay $0x1  }
0x12b: {  	v3 =	vadd.s32 v1, v3;
	_ =	sdelay $0x1  }
0x12c: {  	s26 =	simm.s32 $0x3A00  }
0x12d: {  	[tilespmem:s26], [sflag:$0x1] =	stream.indirect_vreg.gather [hbm4b:s3+s2], $0x80, v4, vm0, $0xb8;
	[tilespmem:$0x14A00] =	vst v63  }
0x12e: {  	s26 =	simm.s32 $0x4200  }
0x12f: {  	[tilespmem:s26], [sflag:$0x1] =	stream.indirect_vreg.gather [hbm4b:s3+s2], $0x80, v3, vm0, $0xb8;
	[tilespmem:$0x14A00] =	vst v63  }
0x130: {  	v3 =	vld [tilespmem:s23+$0xFFFFFFB0];
	_ =	sdelay $0x4  }
0x131: {  	v58 =	vshll.u32 v3, $0x1  }
0x132: {  	v3 =	vand.u32 $0x7, v3;
	v4 =	vand.u32 $0xFFFFFFF0, v58  }
0x133: {  	v3 =	vor.u32 v3, v4  }
0x134: {  	v4 =	vperm.xlane v3, v0;
	_ =	sdelay $0x1  }
0x135: {  	v3 =	vperm.xlane v3, v2;
	v4 =	vadd.s32 v1, v4;
	_ =	sdelay $0x1  }
0x136: {  	v3 =	vadd.s32 v1, v3;
	_ =	sdelay $0x1  }
0x137: {  	s26 =	simm.s32 $0x4A00  }
0x138: {  	[tilespmem:s26], [sflag:$0x1] =	stream.indirect_vreg.gather [hbm4b:s3+s2], $0x80, v4, vm0, $0xb8;
	[tilespmem:$0x14A00] =	vst v63  }
0x139: {  	s26 =	simm.s32 $0x5200  }
0x13a: {  	[tilespmem:s26], [sflag:$0x1] =	stream.indirect_vreg.gather [hbm4b:s3+s2], $0x80, v3, vm0, $0xb8;
	[tilespmem:$0x14A00] =	vst v63  }
0x13b: {  	v3 =	vld [tilespmem:s23+$0xFFFFFFC0];
	_ =	sdelay $0x4  }
0x13c: {  	v59 =	vshll.u32 v3, $0x1  }
0x13d: {  	v3 =	vand.u32 $0x7, v3;
	v4 =	vand.u32 $0xFFFFFFF0, v59  }
0x13e: {  	v3 =	vor.u32 v3, v4  }
0x13f: {  	v4 =	vperm.xlane v3, v0;
	_ =	sdelay $0x1  }
0x140: {  	v3 =	vperm.xlane v3, v2;
	v4 =	vadd.s32 v1, v4;
	_ =	sdelay $0x1  }
0x141: {  	v3 =	vadd.s32 v1, v3;
	_ =	sdelay $0x1  }
0x142: {  	s26 =	simm.s32 $0x5A00  }
0x143: {  	[tilespmem:s26], [sflag:$0x1] =	stream.indirect_vreg.gather [hbm4b:s3+s2], $0x80, v4, vm0, $0xb8;
	[tilespmem:$0x14A00] =	vst v63  }
0x144: {  	s26 =	simm.s32 $0x6200  }
0x145: {  	[tilespmem:s26], [sflag:$0x1] =	stream.indirect_vreg.gather [hbm4b:s3+s2], $0x80, v3, vm0, $0xb8;
	[tilespmem:$0x14A00] =	vst v63  }
0x146: {  	v3 =	vld [tilespmem:s23+$0xFFFFFFD0];
	_ =	sdelay $0x4  }
0x147: {  	v60 =	vshll.u32 v3, $0x1  }
0x148: {  	v3 =	vand.u32 $0x7, v3;
	v4 =	vand.u32 $0xFFFFFFF0, v60  }
0x149: {  	v3 =	vor.u32 v3, v4  }
0x14a: {  	v4 =	vperm.xlane v3, v0;
	_ =	sdelay $0x1  }
0x14b: {  	v3 =	vperm.xlane v3, v2;
	v4 =	vadd.s32 v1, v4;
	_ =	sdelay $0x1  }
0x14c: {  	v3 =	vadd.s32 v1, v3;
	_ =	sdelay $0x1  }
0x14d: {  	s26 =	simm.s32 $0x6A00  }
0x14e: {  	[tilespmem:s26], [sflag:$0x1] =	stream.indirect_vreg.gather [hbm4b:s3+s2], $0x80, v4, vm0, $0xb8;
	[tilespmem:$0x14A00] =	vst v63  }
0x14f: {  	s26 =	simm.s32 $0x7200  }
0x150: {  	[tilespmem:s26], [sflag:$0x1] =	stream.indirect_vreg.gather [hbm4b:s3+s2], $0x80, v3, vm0, $0xb8;
	[tilespmem:$0x14A00] =	vst v63  }
0x151: {  	v3 =	vld [tilespmem:s23+$0xFFFFFFE0];
	_ =	sdelay $0x4  }
0x152: {  	v61 =	vshll.u32 v3, $0x1  }
0x153: {  	v3 =	vand.u32 $0x7, v3;
	v4 =	vand.u32 $0xFFFFFFF0, v61  }
0x154: {  	v3 =	vor.u32 v3, v4  }
0x155: {  	v4 =	vperm.xlane v3, v0;
	_ =	sdelay $0x1  }
0x156: {  	v3 =	vperm.xlane v3, v2;
	v4 =	vadd.s32 v1, v4;
	_ =	sdelay $0x1  }
0x157: {  	v3 =	vadd.s32 v1, v3;
	_ =	sdelay $0x1  }
0x158: {  	s26 =	simm.s32 $0x7A00  }
0x159: {  	[tilespmem:s26], [sflag:$0x1] =	stream.indirect_vreg.gather [hbm4b:s3+s2], $0x80, v4, vm0, $0xb8;
	[tilespmem:$0x14A00] =	vst v63  }
0x15a: {  	s26 =	simm.s32 $0x8200  }
0x15b: {  	[tilespmem:s26], [sflag:$0x1] =	stream.indirect_vreg.gather [hbm4b:s3+s2], $0x80, v3, vm0, $0xb8;
	[tilespmem:$0x14A00] =	vst v63  }
0x15c: {  	v3 =	vld [tilespmem:s23+$0xFFFFFFF0];
	_ =	sdelay $0x4  }
0x15d: {  	v62 =	vshll.u32 v3, $0x1  }
0x15e: {  	v3 =	vand.u32 $0x7, v3;
	v4 =	vand.u32 $0xFFFFFFF0, v62  }
0x15f: {  	v3 =	vor.u32 v3, v4  }
0x160: {  	v4 =	vperm.xlane v3, v0;
	_ =	sdelay $0x1  }
0x161: {  	v3 =	vperm.xlane v3, v2;
	v4 =	vadd.s32 v1, v4;
	_ =	sdelay $0x1  }
0x162: {  	v3 =	vadd.s32 v1, v3;
	_ =	sdelay $0x1  }
0x163: {  	s26 =	simm.s32 $0x8A00  }
0x164: {  	[tilespmem:s26], [sflag:$0x1] =	stream.indirect_vreg.gather [hbm4b:s3+s2], $0x80, v4, vm0, $0xb8;
	[tilespmem:$0x14A00] =	vst v63  }
0x165: {  	s26 =	simm.s32 $0x9200  }
0x166: {  	[tilespmem:s26], [sflag:$0x1] =	stream.indirect_vreg.gather [hbm4b:s3+s2], $0x80, v3, vm0, $0xb8;
	[tilespmem:$0x14A00] =	vst v63  }
0x167: {  	v3 =	vld [tilespmem:s23+$0x0];
	_ =	sdelay $0x4  }
0x168: {  	v63 =	vshll.u32 v3, $0x1  }
0x169: {  	v3 =	vand.u32 $0x7, v3;
	v4 =	vand.u32 $0xFFFFFFF0, v63  }
0x16a: {  	v3 =	vor.u32 v3, v4  }
0x16b: {  	v4 =	vperm.xlane v3, v0;
	_ =	sdelay $0x1  }
0x16c: {  	v3 =	vperm.xlane v3, v2;
	v4 =	vadd.s32 v1, v4;
	_ =	sdelay $0x1  }
0x16d: {  	v3 =	vadd.s32 v1, v3  }
.Ltmp7:
0x16e: {  	_ = 	snop;
	(pc) =	sbr.rel .LBB2_6-.Ltmp7, $4  }
0x16f: {  	s26 =	simm.s32 $0x9A00  }
0x170: {  	[tilespmem:s26], [sflag:$0x1] =	stream.indirect_vreg.gather [hbm4b:s3+s2], $0x80, v4, vm0, $0xb8;
	[tilespmem:$0x14A00] =	vst v63  }
0x171: {  	_ = 	snop  }
0x172: {  	[tilespmem:s28], [sflag:$0x1] =	stream.indirect_vreg.gather [hbm4b:s3+s2], $0x80, v3, vm0, $0xb8;
	[tilespmem:$0x14A00] =	vst v63  }
.LBB2_9:
0x173: {  	_ =	sfence.sel $0x180000  }
0x174: {  	[bflag:$0x0] =	sbarrier.arrive $0xFFFF  }
0x175: {  	_ =	strace $0x90000050  }
0x176: {  	s0 =	stileid.u32;
	[bflag:$0x2] =	sbarrier.arrive $0xFFFF  }
0x177: {  	p0 =	sne.s32 s0, $0x0;
	s0 =	rddreg [dreg:$0x1]  }
0x178: {  	s0 =	sadd.s32 @!p0 $0x100000, s0  }
0x179: {  	[sflag:s0] =	ssyncadd.tile.s32 @!p0 $0x1;
	_ =	shalt  }
.Lfunc_end2:
_tile_overlayer_lowered:
.L_overlay_start_2:
0x17a: {  	(tag) =	ssettag $0x2  }
0x17b: {  	s0 =	rddreg [dreg:$0x0];
	s2 =	stileid.u32  }
0x17c: {  	s1 =	rddreg [dreg:$0x1];
	p0 =	sne.s32 s2, $0x0  }
0x17d: {  	s3 =	rddreg [dreg:$0x2];
	[bflag:$0x3] =	sbarrier.arrive $0xFFFF;
	s2 =	simm.s32 @!p0 $0x1C03  }
0x17e: {  	[timem:s3], [sflag:s2] =	dma.local @!p0 [hbm:s0], s1  }
0x17f: {  	s0 =	simm.s32 @!p0 $0x3  }
0x180: {  	_ =	swait.ge @!p0 [sflag:s0], s1  }
0x181: {  	s1 =	ssub.s32 @!p0 $0x0, s1;
	[sflag:s0] =	ssyncset.done @!p0 $0x0  }
0x182: {  	[sflag:s0] =	ssyncadd.s32 @!p0 s1  }
0x183: {  	[bflag:$0x3] =	sbarrier.arrive $0xFFFF  }
0x184: {  	_ =	shalt  }

</sc_bundles>
